<compile_context>
chip_gen: v7x
topology: tpu7x:2x2x1
jax: 0.10.2.dev20260603
libtpu: 0.0.44.dev20260713+nightly
codegen_flags: <defaults>
</compile_context>

<pallas_src>
import functools

import jax
import jax.numpy as jnp
from jax import lax
from jax.experimental import pallas as pl
from jax.experimental.pallas import tpu as pltpu
from jax.experimental.pallas import tpu_sc as plsc

N_NODES = 10000
H = 32
NC = 2
NS = 16
NW = NC * NS
EB = 128
NPAD = 10240
ROWS_PER_TILE = NPAD // NS


def _zero_f32_vec(ref, n):
    z = jnp.zeros((16,), jnp.float32)

    def body(i, _):
        for u in range(8):
            ref[pl.ds(i * 128 + u * 16, 16)] = z
        return 0

    lax.fori_loop(0, n // 128, body, 0)


def _zero_f32_rows(ref, rows):
    z = jnp.zeros((16,), jnp.float32)

    def body(r, _):
        for u in range(4):
            ref[r * 4 + u, pl.ds(0, 16)] = z
            ref[r * 4 + u, pl.ds(16, 16)] = z
        return 0

    lax.fori_loop(0, rows // 4, body, 0)


def _make_deg_kernel(kb):
    mesh = plsc.VectorSubcoreMesh(core_axis_name="c", subcore_axis_name="s", num_cores=NC, num_subcores=NS)

    @functools.partial(
        pl.kernel,
        mesh=mesh,
        out_type=jax.ShapeDtypeStruct((NC, NPAD), jnp.float32),
        scratch_types=[
            pltpu.VMEM_SHARED((NPAD,), jnp.float32),
            pltpu.VMEM((kb, EB), jnp.int32),
            pltpu.VMEM((EB,), jnp.float32),
            pltpu.VMEM((EB,), jnp.float32),
        ],
    )
    def deg_kernel(dst_hbm, out_hbm, acc_sh, dst_v, ones_v, tmp_v):
        cid = lax.axis_index("c")
        sid = lax.axis_index("s")
        wid = cid * NS + sid
        one = jnp.ones((16,), jnp.float32)
        for g in range(EB // 16):
            ones_v[pl.ds(g * 16, 16)] = one
        _zero_f32_vec(tmp_v, EB)
        base = sid * ROWS_PER_TILE
        for r in range(ROWS_PER_TILE // EB):
            pltpu.sync_copy(tmp_v, acc_sh.at[pl.ds(base + r * EB, EB)])
        pltpu.sync_copy(dst_hbm.at[wid], dst_v)
        plsc.subcore_barrier()

        def body(j, _):
            pltpu.sync_copy(ones_v, acc_sh.at[dst_v.at[j]], add=True)
            return 0

        lax.fori_loop(0, kb, body, 0)
        plsc.subcore_barrier()
        for r in range(ROWS_PER_TILE // EB):
            off = base + r * EB
            pltpu.sync_copy(acc_sh.at[pl.ds(off, EB)], tmp_v)
            pltpu.sync_copy(tmp_v, out_hbm.at[cid].at[pl.ds(off, EB)])

    return deg_kernel


NBUF = 8


def _make_agg_kernel(kb, do_c):
    mesh = plsc.VectorSubcoreMesh(core_axis_name="c", subcore_axis_name="s", num_cores=NC, num_subcores=NS)
    out_type = [jax.ShapeDtypeStruct((NC, NPAD, H), jnp.float32)]
    scratch = [
        pltpu.VMEM_SHARED((NPAD, H), jnp.float32),
        pltpu.VMEM_SHARED((NPAD, H), jnp.float32),
        pltpu.VMEM((kb, EB), jnp.int32),
        pltpu.VMEM((kb, EB), jnp.int32),
        [pltpu.VMEM((EB, H), jnp.float32)] * NBUF,
        [pltpu.SemaphoreType.DMA] * NBUF,
        [pltpu.SemaphoreType.DMA] * NBUF,
    ]
    if do_c:
        out_type.append(jax.ShapeDtypeStruct((NW, NPAD), jnp.float32))
        scratch += [
            pltpu.VMEM((NPAD,), jnp.float32),
            pltpu.VMEM((NPAD,), jnp.float32),
        ]

    nstg = ROWS_PER_TILE // EB

    def body_fn(*refs):
        if do_c:
            (y_hbm, src_hbm, dst_hbm, dinv_hbm, p_hbm, c_hbm,
             acc_sh, y_sh, src_v, dst_v, rows, gsems, ssems,
             dinv_v, cacc_v) = refs
        else:
            (y_hbm, src_hbm, dst_hbm, p_hbm,
             acc_sh, y_sh, src_v, dst_v, rows, gsems, ssems) = refs
        cid = lax.axis_index("c")
        sid = lax.axis_index("s")
        wid = cid * NS + sid
        base = sid * ROWS_PER_TILE
        _zero_f32_rows(rows[NBUF - 1], EB)
        for r in range(nstg):
            off = base + r * EB
            pltpu.async_copy(y_hbm.at[pl.ds(off, EB)], rows[r], gsems[r])
            pltpu.async_copy(rows[NBUF - 1], acc_sh.at[pl.ds(off, EB)],
                             ssems[r])
        pltpu.sync_copy(src_hbm.at[wid], src_v)
        pltpu.sync_copy(dst_hbm.at[wid], dst_v)
        if do_c:
            pltpu.sync_copy(dinv_hbm, dinv_v)
            _zero_f32_vec(cacc_v, NPAD)
        for r in range(nstg):
            off = base + r * EB
            pltpu.make_async_copy(
                y_hbm.at[pl.ds(off, EB)], rows[r], gsems[r]).wait()
            pltpu.async_copy(rows[r], y_sh.at[pl.ds(off, EB)], gsems[r])
        for r in range(nstg):
            off = base + r * EB
            pltpu.make_async_copy(
                rows[r], y_sh.at[pl.ds(off, EB)], gsems[r]).wait()
            pltpu.make_async_copy(
                rows[NBUF - 1], acc_sh.at[pl.ds(off, EB)], ssems[r]).wait()
        plsc.subcore_barrier()

        for b in range(NBUF):
            pltpu.async_copy(y_sh.at[src_v.at[b]], rows[b], gsems[b])

        def body(g, _):
            j0 = g * NBUF
            for b in range(NBUF):
                j = j0 + b
                pltpu.make_async_copy(
                    y_sh.at[src_v.at[j]], rows[b], gsems[b]).wait()
                pltpu.async_copy(rows[b], acc_sh.at[dst_v.at[j]], ssems[b],
                                 add=True)
                if do_c:
                    for gg in range(EB // 16):
                        didx = dst_v[j, pl.ds(gg * 16, 16)]
                        sidx = src_v[j, pl.ds(gg * 16, 16)]
                        vals16 = plsc.load_gather(dinv_v, [didx])
                        plsc.addupdate_scatter(cacc_v, [sidx], vals16)
                nxt = j + NBUF

                @pl.when(nxt < kb)
                def _():
                    pltpu.make_async_copy(
                        rows[b], acc_sh.at[dst_v.at[j]], ssems[b]).wait()
                    pltpu.async_copy(y_sh.at[src_v.at[nxt]], rows[b],
                                     gsems[b])
            return 0

        lax.fori_loop(0, kb // NBUF, body, 0)
        if do_c:
            pltpu.async_copy(cacc_v, c_hbm.at[wid], gsems[NBUF - 1])
        last = kb - NBUF
        for b in range(NBUF):
            pltpu.make_async_copy(
                rows[b], acc_sh.at[dst_v.at[last + b]], ssems[b]).wait()
        plsc.subcore_barrier()
        for r in range(nstg):
            off = base + r * EB
            pltpu.async_copy(acc_sh.at[pl.ds(off, EB)], rows[r], gsems[r])
        for r in range(nstg):
            off = base + r * EB
            pltpu.make_async_copy(
                acc_sh.at[pl.ds(off, EB)], rows[r], gsems[r]).wait()
            pltpu.async_copy(rows[r], p_hbm.at[cid].at[pl.ds(off, EB)],
                             ssems[r])
        for r in range(nstg):
            off = base + r * EB
            pltpu.make_async_copy(
                rows[r], p_hbm.at[cid].at[pl.ds(off, EB)], ssems[r]).wait()
        if do_c:
            pltpu.make_async_copy(cacc_v, c_hbm.at[wid], gsems[NBUF - 1]).wait()

    return pl.kernel(
        body_fn, mesh=mesh, out_type=out_type, scratch_types=scratch,
        compiler_params=pltpu.CompilerParams(
            needs_layout_passes=False, use_tc_tiling_on_sc=False))


RB = 1280


def _tc_k0(x_ref, w1_ref, xw_ref):
    xw_ref[...] = jnp.dot(x_ref[...], w1_ref[...],
                          preferred_element_type=jnp.float32)


def _tc_k1(degp_ref, xw_ref, dinv_ref, y1_ref):
    i = pl.program_id(0)
    iota = i * RB + lax.broadcasted_iota(jnp.int32, (1, RB), 1)
    valid = iota < N_NODES
    deg = degp_ref[0:1, :] + degp_ref[1:2, :] + 1.0
    dinv_row = jnp.where(valid, lax.rsqrt(deg), 0.0)
    dinv_ref[...] = dinv_row
    y1_ref[...] = dinv_row.reshape(RB, 1) * xw_ref[...]


def _tc_k2(p_ref, y_ref, dinv_ref, b_ref, w_ref, out_ref):
    dinv = dinv_ref[...].reshape(NPAD, 1)
    h = jax.nn.relu(dinv * (p_ref[0] + p_ref[1] + y_ref[...]) + b_ref[...])
    out_ref[...] = dinv * jnp.dot(h, w_ref[...],
                                  preferred_element_type=jnp.float32)


def _tc_k3(p_ref, y_ref, dinv_ref, b2_ref, cp_ref, w3_ref, b3_ref,
           lw_ref, lb_ref, out_ref):
    dinv = dinv_ref[...].reshape(NPAD, 1)
    h2 = jax.nn.relu(dinv * (p_ref[0] + p_ref[1] + y_ref[...]) + b2_ref[...])
    c = dinv * (jnp.sum(cp_ref[...], axis=1, keepdims=True) + dinv)
    ws = jnp.sum(c * h2, axis=0, keepdims=True)
    pooled = jnp.dot(ws, w3_ref[...],
                     preferred_element_type=jnp.float32) * (1.0 / N_NODES)
    pooled = pooled + b3_ref[...]
    logits = jnp.dot(pooled, lw_ref[...],
                     preferred_element_type=jnp.float32) + lb_ref[...]
    out_ref[...] = jax.nn.softmax(logits, axis=1)


def kernel(x, edge_index, W1, b1, W2, b2, W3, b3, lin_W, lin_b):
    n_edges = edge_index.shape[1]
    chunk = NW * EB * NBUF
    epad = -(-n_edges // chunk) * chunk
    kb = epad // (NW * EB)

    src = edge_index[0].astype(jnp.int32)
    dst = edge_index[1].astype(jnp.int32)
    pad_cfg = ((0, epad - n_edges),)
    srcr = jnp.pad(src, pad_cfg, constant_values=N_NODES).reshape(NW, kb, EB)
    dstr = jnp.pad(dst, pad_cfg, constant_values=N_NODES).reshape(NW, kb, EB)

    xw1 = pl.pallas_call(
        _tc_k0,
        grid=(NPAD // RB,),
        in_specs=[
            pl.BlockSpec((RB, x.shape[1]), lambda i: (i, 0)),
            pl.BlockSpec(W1.shape, lambda i: (0, 0)),
        ],
        out_specs=pl.BlockSpec((RB, H), lambda i: (i, 0)),
        out_shape=jax.ShapeDtypeStruct((NPAD, H), jnp.float32),
    )(x, W1)
    degp = _make_deg_kernel(kb)(dstr)

    dinv_c, y1 = pl.pallas_call(
        _tc_k1,
        grid=(NPAD // RB,),
        in_specs=[
            pl.BlockSpec((NC, RB), lambda i: (0, i)),
            pl.BlockSpec((RB, H), lambda i: (i, 0)),
        ],
        out_specs=(
            pl.BlockSpec((1, RB), lambda i: (0, i)),
            pl.BlockSpec((RB, H), lambda i: (i, 0)),
        ),
        out_shape=(
            jax.ShapeDtypeStruct((1, NPAD), jnp.float32),
            jax.ShapeDtypeStruct((NPAD, H), jnp.float32),
        ),
    )(degp, xw1)
    dinv_flat = dinv_c.reshape(NPAD)

    p1, cpart = _make_agg_kernel(kb, do_c=True)(y1, srcr, dstr, dinv_flat)

    y2 = pl.pallas_call(
        _tc_k2,
        out_shape=jax.ShapeDtypeStruct((NPAD, H), jnp.float32),
    )(p1, y1, dinv_c, b1.reshape(1, H), W2)

    (p2,) = _make_agg_kernel(kb, do_c=False)(y2, srcr, dstr)

    out = pl.pallas_call(
        _tc_k3,
        out_shape=jax.ShapeDtypeStruct((1, lin_W.shape[1]), jnp.float32),
    )(p2, y2, dinv_c, b2.reshape(1, H), cpart.T, W3,
      b3.reshape(1, H), lin_W, lin_b.reshape(1, lin_W.shape[1]))
    return out

# --- scband reference (transcript-rebuilt; emitter-appended) ---
"""Pipeline reference for scband-gcn-2396591751941 (READ-ONLY COPY).

The authoritative reference and input builder live on the scoring server;
editing this copy changes nothing except your own understanding.
"""

import jax, jax.numpy as jnp
import numpy as np

N_NODES = 10000
N_EDGES = 320000
N_FEATURES = 128
H_DIM = 32
N_CLASSES = 40


def glorot(key, shape):
    fan_in, fan_out = shape[0], shape[1]
    limit = (6.0 / (fan_in + fan_out)) ** 0.5
    return jax.random.uniform(key, shape, jnp.float32, -limit, limit)


def setup_inputs(seed: int = 0) -> dict:
    key = jax.random.key(seed)
    ks = jax.random.split(key, 8)
    x = jax.random.normal(ks[0], (N_NODES, N_FEATURES), dtype=jnp.float32)
    edge_index = jax.random.randint(ks[1], (2, N_EDGES), 0, N_NODES, dtype=jnp.int64 if jax.config.jax_enable_x64 else jnp.int32)
    W1 = glorot(ks[2], (N_FEATURES, H_DIM))
    b1 = jnp.zeros((H_DIM,), jnp.float32)
    W2 = glorot(ks[3], (H_DIM, H_DIM))
    b2 = jnp.zeros((H_DIM,), jnp.float32)
    W3 = glorot(ks[4], (H_DIM, H_DIM))
    b3 = jnp.zeros((H_DIM,), jnp.float32)
    lin_W = glorot(ks[5], (H_DIM, N_CLASSES))
    lin_b = jnp.zeros((N_CLASSES,), jnp.float32)
    return {"x": x, "edge_index": edge_index, "W1": W1, "b1": b1, "W2": W2, "b2": b2, "W3": W3, "b3": b3, "lin_W": lin_W, "lin_b": lin_b}


def gcn_conv(x, edge_index, W, b):
    # GCNConv: x' = D^{-1/2} (A + I) D^{-1/2} X W + b, with added self-loops
    n_nodes = x.shape[0]
    loops = jnp.arange(n_nodes, dtype=edge_index.dtype)
    src = jnp.concatenate([edge_index[0], loops])
    dst = jnp.concatenate([edge_index[1], loops])
    xw = x @ W
    deg = jnp.zeros((n_nodes,), jnp.float32).at[dst].add(1.0)
    deg_inv_sqrt = jnp.where(deg > 0, deg ** -0.5, 0.0)
    norm = deg_inv_sqrt[src] * deg_inv_sqrt[dst]
    msg = jnp.take(xw, src, axis=0) * norm[:, None]
    out = jnp.zeros((n_nodes, W.shape[1]), jnp.float32).at[dst].add(msg)
    return out + b


def reference(x, edge_index, W1, b1, W2, b2, W3, b3, lin_W, lin_b):
    # eval-mode: dropout is identity
    h = gcn_conv(x, edge_index, W1, b1)
    h = jax.nn.relu(h)
    h = gcn_conv(h, edge_index, W2, b2)
    h = jax.nn.relu(h)
    h = gcn_conv(h, edge_index, W3, b3)
    # global_mean_pool with batch=None -> mean over all nodes, keep batch dim of 1
    pooled = jnp.mean(h, axis=0, keepdims=True)
    logits = pooled @ lin_W + lin_b
    return jax.nn.softmax(logits, axis=1)

if __name__ == "__main__":
    import jax
    _d = setup_inputs()
    print(jax.jit(kernel)(*tuple(_d.values())))

</pallas_src>

<mosaic_0001>
#map = affine_map<(d0, d1) -> (0, 0)>
#map1 = affine_map<(d0, d1) -> (0, 0, 0)>
module attributes {stable_mosaic.version = 14 : i64} {
  func.func @body_fn(%arg0: i32, %arg1: i32, %arg2: memref<10240x32xf32, #tpu.memory_space<hbm>>, %arg3: memref<32x80x128xi32, #tpu.memory_space<hbm>>, %arg4: memref<32x80x128xi32, #tpu.memory_space<hbm>>, %arg5: memref<2x10240x32xf32, #tpu.memory_space<hbm>>, %arg6: memref<10240x32xf32, #tpu.memory_space<vmem_shared>>, %arg7: memref<10240x32xf32, #tpu.memory_space<vmem_shared>>, %arg8: memref<80x128xi32, #tpu.memory_space<vmem>>, %arg9: memref<80x128xi32, #tpu.memory_space<vmem>>, %arg10: memref<128x32xf32, #tpu.memory_space<vmem>>, %arg11: memref<128x32xf32, #tpu.memory_space<vmem>>, %arg12: memref<128x32xf32, #tpu.memory_space<vmem>>, %arg13: memref<128x32xf32, #tpu.memory_space<vmem>>, %arg14: memref<128x32xf32, #tpu.memory_space<vmem>>, %arg15: memref<128x32xf32, #tpu.memory_space<vmem>>, %arg16: memref<128x32xf32, #tpu.memory_space<vmem>>, %arg17: memref<128x32xf32, #tpu.memory_space<vmem>>, %arg18: memref<!tpu.dma_semaphore, #tpu.memory_space<semaphore_mem>>, %arg19: memref<!tpu.dma_semaphore, #tpu.memory_space<semaphore_mem>>, %arg20: memref<!tpu.dma_semaphore, #tpu.memory_space<semaphore_mem>>, %arg21: memref<!tpu.dma_semaphore, #tpu.memory_space<semaphore_mem>>, %arg22: memref<!tpu.dma_semaphore, #tpu.memory_space<semaphore_mem>>, %arg23: memref<!tpu.dma_semaphore, #tpu.memory_space<semaphore_mem>>, %arg24: memref<!tpu.dma_semaphore, #tpu.memory_space<semaphore_mem>>, %arg25: memref<!tpu.dma_semaphore, #tpu.memory_space<semaphore_mem>>, %arg26: memref<!tpu.dma_semaphore, #tpu.memory_space<semaphore_mem>>, %arg27: memref<!tpu.dma_semaphore, #tpu.memory_space<semaphore_mem>>, %arg28: memref<!tpu.dma_semaphore, #tpu.memory_space<semaphore_mem>>, %arg29: memref<!tpu.dma_semaphore, #tpu.memory_space<semaphore_mem>>, %arg30: memref<!tpu.dma_semaphore, #tpu.memory_space<semaphore_mem>>, %arg31: memref<!tpu.dma_semaphore, #tpu.memory_space<semaphore_mem>>, %arg32: memref<!tpu.dma_semaphore, #tpu.memory_space<semaphore_mem>>, %arg33: memref<!tpu.dma_semaphore, #tpu.memory_space<semaphore_mem>>) attributes {dimension_semantics = [#tpu.dimension_semantics<core_parallel>, #tpu.dimension_semantics<subcore_parallel>], iteration_bounds = array<i64: 2, 16>, scalar_prefetch = 0 : i64, scratch_operands = 28 : i64, tpu.core_type = #tpu.core_type<sc_vector_subcore>, window_params = [{transform_indices = #map}, {transform_indices = #map1}, {transform_indices = #map1}, {transform_indices = #map1}]} {
    %mul3A = arith.constant 16 : i32
    %mul3A_0 = arith.muli %arg0, %mul3A : i32
    %add3A = arith.addi %mul3A_0, %arg1 : i32
    %mul3A_1 = arith.constant 640 : i32
    %mul3A_2 = arith.muli %arg1, %mul3A_1 : i32
    %broadcast_in_dim3A = arith.constant 0.000000e+00 : f32
    %broadcast_in_dim3A_3 = vector.broadcast %broadcast_in_dim3A : f32 to vector<16xf32>
    %scan3A = arith.constant 0 : i32
    %scan3A_4 = arith.constant 0 : i32
    %scan3A_5 = arith.constant 32 : i32
    %scan3A_6 = arith.addi %scan3A_4, %scan3A_5 : i32
    %scan3A_7 = arith.constant 1 : i32
    %scan3A_8 = scf.for %scan3A_468 = %scan3A_4 to %scan3A_6 step %scan3A_7 iter_args(%scan3A_469 = %scan3A) -> (i32)  : i32 {
      %mul3A_470 = arith.constant 4 : i32
      %mul3A_471 = arith.muli %scan3A_468, %mul3A_470 : i32
      %add3A_472 = arith.constant 0 : i32
      %add3A_473 = arith.addi %mul3A_471, %add3A_472 : i32
      %swap3A = arith.index_cast %add3A_473 : i32 to index
      %swap3A_474 = arith.constant 0 : index
      %swap3A_475 = tpu.vector_load %arg17[%swap3A, %swap3A_474] {strides = array<i32>} : memref<128x32xf32, #tpu.memory_space<vmem>>, vector<16xf32>,
      tpu.vector_store %arg17[%swap3A, %swap3A_474], %broadcast_in_dim3A_3 {strides = array<i32>} : memref<128x32xf32, #tpu.memory_space<vmem>>, vector<16xf32>,
      %mul3A_476 = arith.constant 4 : i32
      %mul3A_477 = arith.muli %scan3A_468, %mul3A_476 : i32
      %add3A_478 = arith.constant 0 : i32
      %add3A_479 = arith.addi %mul3A_477, %add3A_478 : i32
      %swap3A_480 = arith.index_cast %add3A_479 : i32 to index
      %swap3A_481 = arith.constant 16 : index
      %swap3A_482 = tpu.vector_load %arg17[%swap3A_480, %swap3A_481] {strides = array<i32>} : memref<128x32xf32, #tpu.memory_space<vmem>>, vector<16xf32>,
      tpu.vector_store %arg17[%swap3A_480, %swap3A_481], %broadcast_in_dim3A_3 {strides = array<i32>} : memref<128x32xf32, #tpu.memory_space<vmem>>, vector<16xf32>,
      %mul3A_483 = arith.constant 4 : i32
      %mul3A_484 = arith.muli %scan3A_468, %mul3A_483 : i32
      %add3A_485 = arith.constant 1 : i32
      %add3A_486 = arith.addi %mul3A_484, %add3A_485 : i32
      %swap3A_487 = arith.index_cast %add3A_486 : i32 to index
      %swap3A_488 = arith.constant 0 : index
      %swap3A_489 = tpu.vector_load %arg17[%swap3A_487, %swap3A_488] {strides = array<i32>} : memref<128x32xf32, #tpu.memory_space<vmem>>, vector<16xf32>,
      tpu.vector_store %arg17[%swap3A_487, %swap3A_488], %broadcast_in_dim3A_3 {strides = array<i32>} : memref<128x32xf32, #tpu.memory_space<vmem>>, vector<16xf32>,
      %mul3A_490 = arith.constant 4 : i32
      %mul3A_491 = arith.muli %scan3A_468, %mul3A_490 : i32
      %add3A_492 = arith.constant 1 : i32
      %add3A_493 = arith.addi %mul3A_491, %add3A_492 : i32
      %swap3A_494 = arith.index_cast %add3A_493 : i32 to index
      %swap3A_495 = arith.constant 16 : index
      %swap3A_496 = tpu.vector_load %arg17[%swap3A_494, %swap3A_495] {strides = array<i32>} : memref<128x32xf32, #tpu.memory_space<vmem>>, vector<16xf32>,
      tpu.vector_store %arg17[%swap3A_494, %swap3A_495], %broadcast_in_dim3A_3 {strides = array<i32>} : memref<128x32xf32, #tpu.memory_space<vmem>>, vector<16xf32>,
      %mul3A_497 = arith.constant 4 : i32
      %mul3A_498 = arith.muli %scan3A_468, %mul3A_497 : i32
      %add3A_499 = arith.constant 2 : i32
      %add3A_500 = arith.addi %mul3A_498, %add3A_499 : i32
      %swap3A_501 = arith.index_cast %add3A_500 : i32 to index
      %swap3A_502 = arith.constant 0 : index
      %swap3A_503 = tpu.vector_load %arg17[%swap3A_501, %swap3A_502] {strides = array<i32>} : memref<128x32xf32, #tpu.memory_space<vmem>>, vector<16xf32>,
      tpu.vector_store %arg17[%swap3A_501, %swap3A_502], %broadcast_in_dim3A_3 {strides = array<i32>} : memref<128x32xf32, #tpu.memory_space<vmem>>, vector<16xf32>,
      %mul3A_504 = arith.constant 4 : i32
      %mul3A_505 = arith.muli %scan3A_468, %mul3A_504 : i32
      %add3A_506 = arith.constant 2 : i32
      %add3A_507 = arith.addi %mul3A_505, %add3A_506 : i32
      %swap3A_508 = arith.index_cast %add3A_507 : i32 to index
      %swap3A_509 = arith.constant 16 : index
      %swap3A_510 = tpu.vector_load %arg17[%swap3A_508, %swap3A_509] {strides = array<i32>} : memref<128x32xf32, #tpu.memory_space<vmem>>, vector<16xf32>,
      tpu.vector_store %arg17[%swap3A_508, %swap3A_509], %broadcast_in_dim3A_3 {strides = array<i32>} : memref<128x32xf32, #tpu.memory_space<vmem>>, vector<16xf32>,
      %mul3A_511 = arith.constant 4 : i32
      %mul3A_512 = arith.muli %scan3A_468, %mul3A_511 : i32
      %add3A_513 = arith.constant 3 : i32
      %add3A_514 = arith.addi %mul3A_512, %add3A_513 : i32
      %swap3A_515 = arith.index_cast %add3A_514 : i32 to index
      %swap3A_516 = arith.constant 0 : index
      %swap3A_517 = tpu.vector_load %arg17[%swap3A_515, %swap3A_516] {strides = array<i32>} : memref<128x32xf32, #tpu.memory_space<vmem>>, vector<16xf32>,
      tpu.vector_store %arg17[%swap3A_515, %swap3A_516], %broadcast_in_dim3A_3 {strides = array<i32>} : memref<128x32xf32, #tpu.memory_space<vmem>>, vector<16xf32>,
      %mul3A_518 = arith.constant 4 : i32
      %mul3A_519 = arith.muli %scan3A_468, %mul3A_518 : i32
      %add3A_520 = arith.constant 3 : i32
      %add3A_521 = arith.addi %mul3A_519, %add3A_520 : i32
      %swap3A_522 = arith.index_cast %add3A_521 : i32 to index
      %swap3A_523 = arith.constant 16 : index
      %swap3A_524 = tpu.vector_load %arg17[%swap3A_522, %swap3A_523] {strides = array<i32>} : memref<128x32xf32, #tpu.memory_space<vmem>>, vector<16xf32>,
      tpu.vector_store %arg17[%swap3A_522, %swap3A_523], %broadcast_in_dim3A_3 {strides = array<i32>} : memref<128x32xf32, #tpu.memory_space<vmem>>, vector<16xf32>,
      %scan3A_525 = arith.constant 0 : i32
      scf.yield %scan3A_525 : i32
    }
    %scan3A_9 = arith.constant 32 : i32
    %add3A_10 = arith.constant 0 : i32
    %add3A_11 = arith.addi %mul3A_2, %add3A_10 : i32
    %dma_start3A = arith.constant 0 : i32
    %dma_start3A_12 = tpu.memref_slice %arg2[%add3A_11, %dma_start3A] : memref<10240x32xf32, #tpu.memory_space<hbm>> -> memref<128x32xf32, #tpu.memory_space<hbm>>
    %dma_start3A_13 = arith.constant 0 : i32
    %dma_start3A_14 = tpu.memref_slice %arg2[%add3A_11, %dma_start3A_13] : memref<10240x32xf32, #tpu.memory_space<hbm>> -> memref<128x32xf32, #tpu.memory_space<hbm>>
    tpu.enqueue_dma source(%dma_start3A_14 : memref<128x32xf32, #tpu.memory_space<hbm>>) target(%arg10 : memref<128x32xf32, #tpu.memory_space<vmem>>) target_semaphore(%arg18 : memref<!tpu.dma_semaphore, #tpu.memory_space<semaphore_mem>>)
    %dma_start3A_15 = arith.constant 0 : i32
    %dma_start3A_16 = tpu.memref_slice %arg6[%add3A_11, %dma_start3A_15] : memref<10240x32xf32, #tpu.memory_space<vmem_shared>> -> memref<128x32xf32, #tpu.memory_space<vmem_shared>>
    %dma_start3A_17 = arith.constant 0 : i32
    %dma_start3A_18 = tpu.memref_slice %arg6[%add3A_11, %dma_start3A_17] : memref<10240x32xf32, #tpu.memory_space<vmem_shared>> -> memref<128x32xf32, #tpu.memory_space<vmem_shared>>
    tpu.enqueue_dma source(%arg17 : memref<128x32xf32, #tpu.memory_space<vmem>>) target(%dma_start3A_18 : memref<128x32xf32, #tpu.memory_space<vmem_shared>>) target_semaphore(%arg26 : memref<!tpu.dma_semaphore, #tpu.memory_space<semaphore_mem>>)
    %add3A_19 = arith.constant 128 : i32
    %add3A_20 = arith.addi %mul3A_2, %add3A_19 : i32
    %dma_start3A_21 = arith.constant 0 : i32
    %dma_start3A_22 = tpu.memref_slice %arg2[%add3A_20, %dma_start3A_21] : memref<10240x32xf32, #tpu.memory_space<hbm>> -> memref<128x32xf32, #tpu.memory_space<hbm>>
    %dma_start3A_23 = arith.constant 0 : i32
    %dma_start3A_24 = tpu.memref_slice %arg2[%add3A_20, %dma_start3A_23] : memref<10240x32xf32, #tpu.memory_space<hbm>> -> memref<128x32xf32, #tpu.memory_space<hbm>>
    tpu.enqueue_dma source(%dma_start3A_24 : memref<128x32xf32, #tpu.memory_space<hbm>>) target(%arg11 : memref<128x32xf32, #tpu.memory_space<vmem>>) target_semaphore(%arg19 : memref<!tpu.dma_semaphore, #tpu.memory_space<semaphore_mem>>)
    %dma_start3A_25 = arith.constant 0 : i32
    %dma_start3A_26 = tpu.memref_slice %arg6[%add3A_20, %dma_start3A_25] : memref<10240x32xf32, #tpu.memory_space<vmem_shared>> -> memref<128x32xf32, #tpu.memory_space<vmem_shared>>
    %dma_start3A_27 = arith.constant 0 : i32
    %dma_start3A_28 = tpu.memref_slice %arg6[%add3A_20, %dma_start3A_27] : memref<10240x32xf32, #tpu.memory_space<vmem_shared>> -> memref<128x32xf32, #tpu.memory_space<vmem_shared>>
    tpu.enqueue_dma source(%arg17 : memref<128x32xf32, #tpu.memory_space<vmem>>) target(%dma_start3A_28 : memref<128x32xf32, #tpu.memory_space<vmem_shared>>) target_semaphore(%arg27 : memref<!tpu.dma_semaphore, #tpu.memory_space<semaphore_mem>>)
    %add3A_29 = arith.constant 256 : i32
    %add3A_30 = arith.addi %mul3A_2, %add3A_29 : i32
    %dma_start3A_31 = arith.constant 0 : i32
    %dma_start3A_32 = tpu.memref_slice %arg2[%add3A_30, %dma_start3A_31] : memref<10240x32xf32, #tpu.memory_space<hbm>> -> memref<128x32xf32, #tpu.memory_space<hbm>>
    %dma_start3A_33 = arith.constant 0 : i32
    %dma_start3A_34 = tpu.memref_slice %arg2[%add3A_30, %dma_start3A_33] : memref<10240x32xf32, #tpu.memory_space<hbm>> -> memref<128x32xf32, #tpu.memory_space<hbm>>
    tpu.enqueue_dma source(%dma_start3A_34 : memref<128x32xf32, #tpu.memory_space<hbm>>) target(%arg12 : memref<128x32xf32, #tpu.memory_space<vmem>>) target_semaphore(%arg20 : memref<!tpu.dma_semaphore, #tpu.memory_space<semaphore_mem>>)
    %dma_start3A_35 = arith.constant 0 : i32
    %dma_start3A_36 = tpu.memref_slice %arg6[%add3A_30, %dma_start3A_35] : memref<10240x32xf32, #tpu.memory_space<vmem_shared>> -> memref<128x32xf32, #tpu.memory_space<vmem_shared>>
    %dma_start3A_37 = arith.constant 0 : i32
    %dma_start3A_38 = tpu.memref_slice %arg6[%add3A_30, %dma_start3A_37] : memref<10240x32xf32, #tpu.memory_space<vmem_shared>> -> memref<128x32xf32, #tpu.memory_space<vmem_shared>>
    tpu.enqueue_dma source(%arg17 : memref<128x32xf32, #tpu.memory_space<vmem>>) target(%dma_start3A_38 : memref<128x32xf32, #tpu.memory_space<vmem_shared>>) target_semaphore(%arg28 : memref<!tpu.dma_semaphore, #tpu.memory_space<semaphore_mem>>)
    %add3A_39 = arith.constant 384 : i32
    %add3A_40 = arith.addi %mul3A_2, %add3A_39 : i32
    %dma_start3A_41 = arith.constant 0 : i32
    %dma_start3A_42 = tpu.memref_slice %arg2[%add3A_40, %dma_start3A_41] : memref<10240x32xf32, #tpu.memory_space<hbm>> -> memref<128x32xf32, #tpu.memory_space<hbm>>
    %dma_start3A_43 = arith.constant 0 : i32
    %dma_start3A_44 = tpu.memref_slice %arg2[%add3A_40, %dma_start3A_43] : memref<10240x32xf32, #tpu.memory_space<hbm>> -> memref<128x32xf32, #tpu.memory_space<hbm>>
    tpu.enqueue_dma source(%dma_start3A_44 : memref<128x32xf32, #tpu.memory_space<hbm>>) target(%arg13 : memref<128x32xf32, #tpu.memory_space<vmem>>) target_semaphore(%arg21 : memref<!tpu.dma_semaphore, #tpu.memory_space<semaphore_mem>>)
    %dma_start3A_45 = arith.constant 0 : i32
    %dma_start3A_46 = tpu.memref_slice %arg6[%add3A_40, %dma_start3A_45] : memref<10240x32xf32, #tpu.memory_space<vmem_shared>> -> memref<128x32xf32, #tpu.memory_space<vmem_shared>>
    %dma_start3A_47 = arith.constant 0 : i32
    %dma_start3A_48 = tpu.memref_slice %arg6[%add3A_40, %dma_start3A_47] : memref<10240x32xf32, #tpu.memory_space<vmem_shared>> -> memref<128x32xf32, #tpu.memory_space<vmem_shared>>
    tpu.enqueue_dma source(%arg17 : memref<128x32xf32, #tpu.memory_space<vmem>>) target(%dma_start3A_48 : memref<128x32xf32, #tpu.memory_space<vmem_shared>>) target_semaphore(%arg29 : memref<!tpu.dma_semaphore, #tpu.memory_space<semaphore_mem>>)
    %add3A_49 = arith.constant 512 : i32
    %add3A_50 = arith.addi %mul3A_2, %add3A_49 : i32
    %dma_start3A_51 = arith.constant 0 : i32
    %dma_start3A_52 = tpu.memref_slice %arg2[%add3A_50, %dma_start3A_51] : memref<10240x32xf32, #tpu.memory_space<hbm>> -> memref<128x32xf32, #tpu.memory_space<hbm>>
    %dma_start3A_53 = arith.constant 0 : i32
    %dma_start3A_54 = tpu.memref_slice %arg2[%add3A_50, %dma_start3A_53] : memref<10240x32xf32, #tpu.memory_space<hbm>> -> memref<128x32xf32, #tpu.memory_space<hbm>>
    tpu.enqueue_dma source(%dma_start3A_54 : memref<128x32xf32, #tpu.memory_space<hbm>>) target(%arg14 : memref<128x32xf32, #tpu.memory_space<vmem>>) target_semaphore(%arg22 : memref<!tpu.dma_semaphore, #tpu.memory_space<semaphore_mem>>)
    %dma_start3A_55 = arith.constant 0 : i32
    %dma_start3A_56 = tpu.memref_slice %arg6[%add3A_50, %dma_start3A_55] : memref<10240x32xf32, #tpu.memory_space<vmem_shared>> -> memref<128x32xf32, #tpu.memory_space<vmem_shared>>
    %dma_start3A_57 = arith.constant 0 : i32
    %dma_start3A_58 = tpu.memref_slice %arg6[%add3A_50, %dma_start3A_57] : memref<10240x32xf32, #tpu.memory_space<vmem_shared>> -> memref<128x32xf32, #tpu.memory_space<vmem_shared>>
    tpu.enqueue_dma source(%arg17 : memref<128x32xf32, #tpu.memory_space<vmem>>) target(%dma_start3A_58 : memref<128x32xf32, #tpu.memory_space<vmem_shared>>) target_semaphore(%arg30 : memref<!tpu.dma_semaphore, #tpu.memory_space<semaphore_mem>>)
    "tpu.region"() ({
      %run_scoped3A = tpu.sem_alloc : memref<!tpu.dma_semaphore, #tpu.memory_space<semaphore_mem>>
      %dma_start3A_468 = arith.constant 0 : i32
      %dma_start3A_469 = arith.constant 0 : i32
      %dma_start3A_470 = tpu.memref_slice %arg3[%add3A, %dma_start3A_468, %dma_start3A_469] : memref<32x80x128xi32, #tpu.memory_space<hbm>> -> memref<1x80x128xi32, #tpu.memory_space<hbm>>
      %dma_start3A_471 = tpu.memref_squeeze %dma_start3A_470 : memref<1x80x128xi32, #tpu.memory_space<hbm>> -> memref<80x128xi32, #tpu.memory_space<hbm>>
      %dma_start3A_472 = arith.constant 0 : i32
      %dma_start3A_473 = arith.constant 0 : i32
      %dma_start3A_474 = tpu.memref_slice %arg3[%add3A, %dma_start3A_472, %dma_start3A_473] : memref<32x80x128xi32, #tpu.memory_space<hbm>> -> memref<1x80x128xi32, #tpu.memory_space<hbm>>
      %dma_start3A_475 = tpu.memref_squeeze %dma_start3A_474 : memref<1x80x128xi32, #tpu.memory_space<hbm>> -> memref<80x128xi32, #tpu.memory_space<hbm>>
      tpu.enqueue_dma source(%dma_start3A_475 : memref<80x128xi32, #tpu.memory_space<hbm>>) target(%arg8 : memref<80x128xi32, #tpu.memory_space<vmem>>) target_semaphore(%run_scoped3A : memref<!tpu.dma_semaphore, #tpu.memory_space<semaphore_mem>>)
      %dma_wait3A_476 = arith.constant 0 : i32
      %dma_wait3A_477 = arith.constant 0 : i32
      %dma_wait3A_478 = tpu.memref_slice %arg3[%add3A, %dma_wait3A_476, %dma_wait3A_477] : memref<32x80x128xi32, #tpu.memory_space<hbm>> -> memref<1x80x128xi32, #tpu.memory_space<hbm>>
      %dma_wait3A_479 = tpu.memref_squeeze %dma_wait3A_478 : memref<1x80x128xi32, #tpu.memory_space<hbm>> -> memref<80x128xi32, #tpu.memory_space<hbm>>
      %dma_wait3A_480 = arith.constant 0 : i32
      %dma_wait3A_481 = arith.constant 0 : i32
      %dma_wait3A_482 = tpu.memref_slice %arg3[%add3A, %dma_wait3A_480, %dma_wait3A_481] : memref<32x80x128xi32, #tpu.memory_space<hbm>> -> memref<1x80x128xi32, #tpu.memory_space<hbm>>
      %dma_wait3A_483 = tpu.memref_squeeze %dma_wait3A_482 : memref<1x80x128xi32, #tpu.memory_space<hbm>> -> memref<80x128xi32, #tpu.memory_space<hbm>>
      tpu.wait_dma2 semaphore(%run_scoped3A : memref<!tpu.dma_semaphore, #tpu.memory_space<semaphore_mem>>) src(%dma_wait3A_483 : memref<80x128xi32, #tpu.memory_space<hbm>>) dst(%arg8 : memref<80x128xi32, #tpu.memory_space<vmem>>)
      tpu.yield
    }) : () -> ()
    "tpu.region"() ({
      %run_scoped3A = tpu.sem_alloc : memref<!tpu.dma_semaphore, #tpu.memory_space<semaphore_mem>>
      %dma_start3A_468 = arith.constant 0 : i32
      %dma_start3A_469 = arith.constant 0 : i32
      %dma_start3A_470 = tpu.memref_slice %arg4[%add3A, %dma_start3A_468, %dma_start3A_469] : memref<32x80x128xi32, #tpu.memory_space<hbm>> -> memref<1x80x128xi32, #tpu.memory_space<hbm>>
      %dma_start3A_471 = tpu.memref_squeeze %dma_start3A_470 : memref<1x80x128xi32, #tpu.memory_space<hbm>> -> memref<80x128xi32, #tpu.memory_space<hbm>>
      %dma_start3A_472 = arith.constant 0 : i32
      %dma_start3A_473 = arith.constant 0 : i32
      %dma_start3A_474 = tpu.memref_slice %arg4[%add3A, %dma_start3A_472, %dma_start3A_473] : memref<32x80x128xi32, #tpu.memory_space<hbm>> -> memref<1x80x128xi32, #tpu.memory_space<hbm>>
      %dma_start3A_475 = tpu.memref_squeeze %dma_start3A_474 : memref<1x80x128xi32, #tpu.memory_space<hbm>> -> memref<80x128xi32, #tpu.memory_space<hbm>>
      tpu.enqueue_dma source(%dma_start3A_475 : memref<80x128xi32, #tpu.memory_space<hbm>>) target(%arg9 : memref<80x128xi32, #tpu.memory_space<vmem>>) target_semaphore(%run_scoped3A : memref<!tpu.dma_semaphore, #tpu.memory_space<semaphore_mem>>)
      %dma_wait3A_476 = arith.constant 0 : i32
      %dma_wait3A_477 = arith.constant 0 : i32
      %dma_wait3A_478 = tpu.memref_slice %arg4[%add3A, %dma_wait3A_476, %dma_wait3A_477] : memref<32x80x128xi32, #tpu.memory_space<hbm>> -> memref<1x80x128xi32, #tpu.memory_space<hbm>>
      %dma_wait3A_479 = tpu.memref_squeeze %dma_wait3A_478 : memref<1x80x128xi32, #tpu.memory_space<hbm>> -> memref<80x128xi32, #tpu.memory_space<hbm>>
      %dma_wait3A_480 = arith.constant 0 : i32
      %dma_wait3A_481 = arith.constant 0 : i32
      %dma_wait3A_482 = tpu.memref_slice %arg4[%add3A, %dma_wait3A_480, %dma_wait3A_481] : memref<32x80x128xi32, #tpu.memory_space<hbm>> -> memref<1x80x128xi32, #tpu.memory_space<hbm>>
      %dma_wait3A_483 = tpu.memref_squeeze %dma_wait3A_482 : memref<1x80x128xi32, #tpu.memory_space<hbm>> -> memref<80x128xi32, #tpu.memory_space<hbm>>
      tpu.wait_dma2 semaphore(%run_scoped3A : memref<!tpu.dma_semaphore, #tpu.memory_space<semaphore_mem>>) src(%dma_wait3A_483 : memref<80x128xi32, #tpu.memory_space<hbm>>) dst(%arg9 : memref<80x128xi32, #tpu.memory_space<vmem>>)
      tpu.yield
    }) : () -> ()
    %add3A_59 = arith.constant 0 : i32
    %add3A_60 = arith.addi %mul3A_2, %add3A_59 : i32
    %dma_wait3A = arith.constant 0 : i32
    %dma_wait3A_61 = tpu.memref_slice %arg2[%add3A_60, %dma_wait3A] : memref<10240x32xf32, #tpu.memory_space<hbm>> -> memref<128x32xf32, #tpu.memory_space<hbm>>
    %dma_wait3A_62 = arith.constant 0 : i32
    %dma_wait3A_63 = tpu.memref_slice %arg2[%add3A_60, %dma_wait3A_62] : memref<10240x32xf32, #tpu.memory_space<hbm>> -> memref<128x32xf32, #tpu.memory_space<hbm>>
    tpu.wait_dma2 semaphore(%arg18 : memref<!tpu.dma_semaphore, #tpu.memory_space<semaphore_mem>>) src(%dma_wait3A_63 : memref<128x32xf32, #tpu.memory_space<hbm>>) dst(%arg10 : memref<128x32xf32, #tpu.memory_space<vmem>>)
    %dma_start3A_64 = arith.constant 0 : i32
    %dma_start3A_65 = tpu.memref_slice %arg7[%add3A_60, %dma_start3A_64] : memref<10240x32xf32, #tpu.memory_space<vmem_shared>> -> memref<128x32xf32, #tpu.memory_space<vmem_shared>>
    %dma_start3A_66 = arith.constant 0 : i32
    %dma_start3A_67 = tpu.memref_slice %arg7[%add3A_60, %dma_start3A_66] : memref<10240x32xf32, #tpu.memory_space<vmem_shared>> -> memref<128x32xf32, #tpu.memory_space<vmem_shared>>
    tpu.enqueue_dma source(%arg10 : memref<128x32xf32, #tpu.memory_space<vmem>>) target(%dma_start3A_67 : memref<128x32xf32, #tpu.memory_space<vmem_shared>>) target_semaphore(%arg18 : memref<!tpu.dma_semaphore, #tpu.memory_space<semaphore_mem>>)
    %add3A_68 = arith.constant 128 : i32
    %add3A_69 = arith.addi %mul3A_2, %add3A_68 : i32
    %dma_wait3A_70 = arith.constant 0 : i32
    %dma_wait3A_71 = tpu.memref_slice %arg2[%add3A_69, %dma_wait3A_70] : memref<10240x32xf32, #tpu.memory_space<hbm>> -> memref<128x32xf32, #tpu.memory_space<hbm>>
    %dma_wait3A_72 = arith.constant 0 : i32
    %dma_wait3A_73 = tpu.memref_slice %arg2[%add3A_69, %dma_wait3A_72] : memref<10240x32xf32, #tpu.memory_space<hbm>> -> memref<128x32xf32, #tpu.memory_space<hbm>>
    tpu.wait_dma2 semaphore(%arg19 : memref<!tpu.dma_semaphore, #tpu.memory_space<semaphore_mem>>) src(%dma_wait3A_73 : memref<128x32xf32, #tpu.memory_space<hbm>>) dst(%arg11 : memref<128x32xf32, #tpu.memory_space<vmem>>)
    %dma_start3A_74 = arith.constant 0 : i32
    %dma_start3A_75 = tpu.memref_slice %arg7[%add3A_69, %dma_start3A_74] : memref<10240x32xf32, #tpu.memory_space<vmem_shared>> -> memref<128x32xf32, #tpu.memory_space<vmem_shared>>
    %dma_start3A_76 = arith.constant 0 : i32
    %dma_start3A_77 = tpu.memref_slice %arg7[%add3A_69, %dma_start3A_76] : memref<10240x32xf32, #tpu.memory_space<vmem_shared>> -> memref<128x32xf32, #tpu.memory_space<vmem_shared>>
    tpu.enqueue_dma source(%arg11 : memref<128x32xf32, #tpu.memory_space<vmem>>) target(%dma_start3A_77 : memref<128x32xf32, #tpu.memory_space<vmem_shared>>) target_semaphore(%arg19 : memref<!tpu.dma_semaphore, #tpu.memory_space<semaphore_mem>>)
    %add3A_78 = arith.constant 256 : i32
    %add3A_79 = arith.addi %mul3A_2, %add3A_78 : i32
    %dma_wait3A_80 = arith.constant 0 : i32
    %dma_wait3A_81 = tpu.memref_slice %arg2[%add3A_79, %dma_wait3A_80] : memref<10240x32xf32, #tpu.memory_space<hbm>> -> memref<128x32xf32, #tpu.memory_space<hbm>>
    %dma_wait3A_82 = arith.constant 0 : i32
    %dma_wait3A_83 = tpu.memref_slice %arg2[%add3A_79, %dma_wait3A_82] : memref<10240x32xf32, #tpu.memory_space<hbm>> -> memref<128x32xf32, #tpu.memory_space<hbm>>
    tpu.wait_dma2 semaphore(%arg20 : memref<!tpu.dma_semaphore, #tpu.memory_space<semaphore_mem>>) src(%dma_wait3A_83 : memref<128x32xf32, #tpu.memory_space<hbm>>) dst(%arg12 : memref<128x32xf32, #tpu.memory_space<vmem>>)
    %dma_start3A_84 = arith.constant 0 : i32
    %dma_start3A_85 = tpu.memref_slice %arg7[%add3A_79, %dma_start3A_84] : memref<10240x32xf32, #tpu.memory_space<vmem_shared>> -> memref<128x32xf32, #tpu.memory_space<vmem_shared>>
    %dma_start3A_86 = arith.constant 0 : i32
    %dma_start3A_87 = tpu.memref_slice %arg7[%add3A_79, %dma_start3A_86] : memref<10240x32xf32, #tpu.memory_space<vmem_shared>> -> memref<128x32xf32, #tpu.memory_space<vmem_shared>>
    tpu.enqueue_dma source(%arg12 : memref<128x32xf32, #tpu.memory_space<vmem>>) target(%dma_start3A_87 : memref<128x32xf32, #tpu.memory_space<vmem_shared>>) target_semaphore(%arg20 : memref<!tpu.dma_semaphore, #tpu.memory_space<semaphore_mem>>)
    %add3A_88 = arith.constant 384 : i32
    %add3A_89 = arith.addi %mul3A_2, %add3A_88 : i32
    %dma_wait3A_90 = arith.constant 0 : i32
    %dma_wait3A_91 = tpu.memref_slice %arg2[%add3A_89, %dma_wait3A_90] : memref<10240x32xf32, #tpu.memory_space<hbm>> -> memref<128x32xf32, #tpu.memory_space<hbm>>
    %dma_wait3A_92 = arith.constant 0 : i32
    %dma_wait3A_93 = tpu.memref_slice %arg2[%add3A_89, %dma_wait3A_92] : memref<10240x32xf32, #tpu.memory_space<hbm>> -> memref<128x32xf32, #tpu.memory_space<hbm>>
    tpu.wait_dma2 semaphore(%arg21 : memref<!tpu.dma_semaphore, #tpu.memory_space<semaphore_mem>>) src(%dma_wait3A_93 : memref<128x32xf32, #tpu.memory_space<hbm>>) dst(%arg13 : memref<128x32xf32, #tpu.memory_space<vmem>>)
    %dma_start3A_94 = arith.constant 0 : i32
    %dma_start3A_95 = tpu.memref_slice %arg7[%add3A_89, %dma_start3A_94] : memref<10240x32xf32, #tpu.memory_space<vmem_shared>> -> memref<128x32xf32, #tpu.memory_space<vmem_shared>>
    %dma_start3A_96 = arith.constant 0 : i32
    %dma_start3A_97 = tpu.memref_slice %arg7[%add3A_89, %dma_start3A_96] : memref<10240x32xf32, #tpu.memory_space<vmem_shared>> -> memref<128x32xf32, #tpu.memory_space<vmem_shared>>
    tpu.enqueue_dma source(%arg13 : memref<128x32xf32, #tpu.memory_space<vmem>>) target(%dma_start3A_97 : memref<128x32xf32, #tpu.memory_space<vmem_shared>>) target_semaphore(%arg21 : memref<!tpu.dma_semaphore, #tpu.memory_space<semaphore_mem>>)
    %add3A_98 = arith.constant 512 : i32
    %add3A_99 = arith.addi %mul3A_2, %add3A_98 : i32
    %dma_wait3A_100 = arith.constant 0 : i32
    %dma_wait3A_101 = tpu.memref_slice %arg2[%add3A_99, %dma_wait3A_100] : memref<10240x32xf32, #tpu.memory_space<hbm>> -> memref<128x32xf32, #tpu.memory_space<hbm>>
    %dma_wait3A_102 = arith.constant 0 : i32
    %dma_wait3A_103 = tpu.memref_slice %arg2[%add3A_99, %dma_wait3A_102] : memref<10240x32xf32, #tpu.memory_space<hbm>> -> memref<128x32xf32, #tpu.memory_space<hbm>>
    tpu.wait_dma2 semaphore(%arg22 : memref<!tpu.dma_semaphore, #tpu.memory_space<semaphore_mem>>) src(%dma_wait3A_103 : memref<128x32xf32, #tpu.memory_space<hbm>>) dst(%arg14 : memref<128x32xf32, #tpu.memory_space<vmem>>)
    %dma_start3A_104 = arith.constant 0 : i32
    %dma_start3A_105 = tpu.memref_slice %arg7[%add3A_99, %dma_start3A_104] : memref<10240x32xf32, #tpu.memory_space<vmem_shared>> -> memref<128x32xf32, #tpu.memory_space<vmem_shared>>
    %dma_start3A_106 = arith.constant 0 : i32
    %dma_start3A_107 = tpu.memref_slice %arg7[%add3A_99, %dma_start3A_106] : memref<10240x32xf32, #tpu.memory_space<vmem_shared>> -> memref<128x32xf32, #tpu.memory_space<vmem_shared>>
    tpu.enqueue_dma source(%arg14 : memref<128x32xf32, #tpu.memory_space<vmem>>) target(%dma_start3A_107 : memref<128x32xf32, #tpu.memory_space<vmem_shared>>) target_semaphore(%arg22 : memref<!tpu.dma_semaphore, #tpu.memory_space<semaphore_mem>>)
    %add3A_108 = arith.constant 0 : i32
    %add3A_109 = arith.addi %mul3A_2, %add3A_108 : i32
    %dma_wait3A_110 = arith.constant 0 : i32
    %dma_wait3A_111 = tpu.memref_slice %arg7[%add3A_109, %dma_wait3A_110] : memref<10240x32xf32, #tpu.memory_space<vmem_shared>> -> memref<128x32xf32, #tpu.memory_space<vmem_shared>>
    %dma_wait3A_112 = arith.constant 0 : i32
    %dma_wait3A_113 = tpu.memref_slice %arg7[%add3A_109, %dma_wait3A_112] : memref<10240x32xf32, #tpu.memory_space<vmem_shared>> -> memref<128x32xf32, #tpu.memory_space<vmem_shared>>
    tpu.wait_dma2 semaphore(%arg18 : memref<!tpu.dma_semaphore, #tpu.memory_space<semaphore_mem>>) src(%arg10 : memref<128x32xf32, #tpu.memory_space<vmem>>) dst(%dma_wait3A_113 : memref<128x32xf32, #tpu.memory_space<vmem_shared>>)
    %dma_wait3A_114 = arith.constant 0 : i32
    %dma_wait3A_115 = tpu.memref_slice %arg6[%add3A_109, %dma_wait3A_114] : memref<10240x32xf32, #tpu.memory_space<vmem_shared>> -> memref<128x32xf32, #tpu.memory_space<vmem_shared>>
    %dma_wait3A_116 = arith.constant 0 : i32
    %dma_wait3A_117 = tpu.memref_slice %arg6[%add3A_109, %dma_wait3A_116] : memref<10240x32xf32, #tpu.memory_space<vmem_shared>> -> memref<128x32xf32, #tpu.memory_space<vmem_shared>>
    tpu.wait_dma2 semaphore(%arg26 : memref<!tpu.dma_semaphore, #tpu.memory_space<semaphore_mem>>) src(%arg17 : memref<128x32xf32, #tpu.memory_space<vmem>>) dst(%dma_wait3A_117 : memref<128x32xf32, #tpu.memory_space<vmem_shared>>)
    %add3A_118 = arith.constant 128 : i32
    %add3A_119 = arith.addi %mul3A_2, %add3A_118 : i32
    %dma_wait3A_120 = arith.constant 0 : i32
    %dma_wait3A_121 = tpu.memref_slice %arg7[%add3A_119, %dma_wait3A_120] : memref<10240x32xf32, #tpu.memory_space<vmem_shared>> -> memref<128x32xf32, #tpu.memory_space<vmem_shared>>
    %dma_wait3A_122 = arith.constant 0 : i32
    %dma_wait3A_123 = tpu.memref_slice %arg7[%add3A_119, %dma_wait3A_122] : memref<10240x32xf32, #tpu.memory_space<vmem_shared>> -> memref<128x32xf32, #tpu.memory_space<vmem_shared>>
    tpu.wait_dma2 semaphore(%arg19 : memref<!tpu.dma_semaphore, #tpu.memory_space<semaphore_mem>>) src(%arg11 : memref<128x32xf32, #tpu.memory_space<vmem>>) dst(%dma_wait3A_123 : memref<128x32xf32, #tpu.memory_space<vmem_shared>>)
    %dma_wait3A_124 = arith.constant 0 : i32
    %dma_wait3A_125 = tpu.memref_slice %arg6[%add3A_119, %dma_wait3A_124] : memref<10240x32xf32, #tpu.memory_space<vmem_shared>> -> memref<128x32xf32, #tpu.memory_space<vmem_shared>>
    %dma_wait3A_126 = arith.constant 0 : i32
    %dma_wait3A_127 = tpu.memref_slice %arg6[%add3A_119, %dma_wait3A_126] : memref<10240x32xf32, #tpu.memory_space<vmem_shared>> -> memref<128x32xf32, #tpu.memory_space<vmem_shared>>
    tpu.wait_dma2 semaphore(%arg27 : memref<!tpu.dma_semaphore, #tpu.memory_space<semaphore_mem>>) src(%arg17 : memref<128x32xf32, #tpu.memory_space<vmem>>) dst(%dma_wait3A_127 : memref<128x32xf32, #tpu.memory_space<vmem_shared>>)
    %add3A_128 = arith.constant 256 : i32
    %add3A_129 = arith.addi %mul3A_2, %add3A_128 : i32
    %dma_wait3A_130 = arith.constant 0 : i32
    %dma_wait3A_131 = tpu.memref_slice %arg7[%add3A_129, %dma_wait3A_130] : memref<10240x32xf32, #tpu.memory_space<vmem_shared>> -> memref<128x32xf32, #tpu.memory_space<vmem_shared>>
    %dma_wait3A_132 = arith.constant 0 : i32
    %dma_wait3A_133 = tpu.memref_slice %arg7[%add3A_129, %dma_wait3A_132] : memref<10240x32xf32, #tpu.memory_space<vmem_shared>> -> memref<128x32xf32, #tpu.memory_space<vmem_shared>>
    tpu.wait_dma2 semaphore(%arg20 : memref<!tpu.dma_semaphore, #tpu.memory_space<semaphore_mem>>) src(%arg12 : memref<128x32xf32, #tpu.memory_space<vmem>>) dst(%dma_wait3A_133 : memref<128x32xf32, #tpu.memory_space<vmem_shared>>)
    %dma_wait3A_134 = arith.constant 0 : i32
    %dma_wait3A_135 = tpu.memref_slice %arg6[%add3A_129, %dma_wait3A_134] : memref<10240x32xf32, #tpu.memory_space<vmem_shared>> -> memref<128x32xf32, #tpu.memory_space<vmem_shared>>
    %dma_wait3A_136 = arith.constant 0 : i32
    %dma_wait3A_137 = tpu.memref_slice %arg6[%add3A_129, %dma_wait3A_136] : memref<10240x32xf32, #tpu.memory_space<vmem_shared>> -> memref<128x32xf32, #tpu.memory_space<vmem_shared>>
    tpu.wait_dma2 semaphore(%arg28 : memref<!tpu.dma_semaphore, #tpu.memory_space<semaphore_mem>>) src(%arg17 : memref<128x32xf32, #tpu.memory_space<vmem>>) dst(%dma_wait3A_137 : memref<128x32xf32, #tpu.memory_space<vmem_shared>>)
    %add3A_138 = arith.constant 384 : i32
    %add3A_139 = arith.addi %mul3A_2, %add3A_138 : i32
    %dma_wait3A_140 = arith.constant 0 : i32
    %dma_wait3A_141 = tpu.memref_slice %arg7[%add3A_139, %dma_wait3A_140] : memref<10240x32xf32, #tpu.memory_space<vmem_shared>> -> memref<128x32xf32, #tpu.memory_space<vmem_shared>>
    %dma_wait3A_142 = arith.constant 0 : i32
    %dma_wait3A_143 = tpu.memref_slice %arg7[%add3A_139, %dma_wait3A_142] : memref<10240x32xf32, #tpu.memory_space<vmem_shared>> -> memref<128x32xf32, #tpu.memory_space<vmem_shared>>
    tpu.wait_dma2 semaphore(%arg21 : memref<!tpu.dma_semaphore, #tpu.memory_space<semaphore_mem>>) src(%arg13 : memref<128x32xf32, #tpu.memory_space<vmem>>) dst(%dma_wait3A_143 : memref<128x32xf32, #tpu.memory_space<vmem_shared>>)
    %dma_wait3A_144 = arith.constant 0 : i32
    %dma_wait3A_145 = tpu.memref_slice %arg6[%add3A_139, %dma_wait3A_144] : memref<10240x32xf32, #tpu.memory_space<vmem_shared>> -> memref<128x32xf32, #tpu.memory_space<vmem_shared>>
    %dma_wait3A_146 = arith.constant 0 : i32
    %dma_wait3A_147 = tpu.memref_slice %arg6[%add3A_139, %dma_wait3A_146] : memref<10240x32xf32, #tpu.memory_space<vmem_shared>> -> memref<128x32xf32, #tpu.memory_space<vmem_shared>>
    tpu.wait_dma2 semaphore(%arg29 : memref<!tpu.dma_semaphore, #tpu.memory_space<semaphore_mem>>) src(%arg17 : memref<128x32xf32, #tpu.memory_space<vmem>>) dst(%dma_wait3A_147 : memref<128x32xf32, #tpu.memory_space<vmem_shared>>)
    %add3A_148 = arith.constant 512 : i32
    %add3A_149 = arith.addi %mul3A_2, %add3A_148 : i32
    %dma_wait3A_150 = arith.constant 0 : i32
    %dma_wait3A_151 = tpu.memref_slice %arg7[%add3A_149, %dma_wait3A_150] : memref<10240x32xf32, #tpu.memory_space<vmem_shared>> -> memref<128x32xf32, #tpu.memory_space<vmem_shared>>
    %dma_wait3A_152 = arith.constant 0 : i32
    %dma_wait3A_153 = tpu.memref_slice %arg7[%add3A_149, %dma_wait3A_152] : memref<10240x32xf32, #tpu.memory_space<vmem_shared>> -> memref<128x32xf32, #tpu.memory_space<vmem_shared>>
    tpu.wait_dma2 semaphore(%arg22 : memref<!tpu.dma_semaphore, #tpu.memory_space<semaphore_mem>>) src(%arg14 : memref<128x32xf32, #tpu.memory_space<vmem>>) dst(%dma_wait3A_153 : memref<128x32xf32, #tpu.memory_space<vmem_shared>>)
    %dma_wait3A_154 = arith.constant 0 : i32
    %dma_wait3A_155 = tpu.memref_slice %arg6[%add3A_149, %dma_wait3A_154] : memref<10240x32xf32, #tpu.memory_space<vmem_shared>> -> memref<128x32xf32, #tpu.memory_space<vmem_shared>>
    %dma_wait3A_156 = arith.constant 0 : i32
    %dma_wait3A_157 = tpu.memref_slice %arg6[%add3A_149, %dma_wait3A_156] : memref<10240x32xf32, #tpu.memory_space<vmem_shared>> -> memref<128x32xf32, #tpu.memory_space<vmem_shared>>
    tpu.wait_dma2 semaphore(%arg30 : memref<!tpu.dma_semaphore, #tpu.memory_space<semaphore_mem>>) src(%arg17 : memref<128x32xf32, #tpu.memory_space<vmem>>) dst(%dma_wait3A_157 : memref<128x32xf32, #tpu.memory_space<vmem_shared>>)
    %barrier3A = arith.constant 0 : index
    tpu.barrier barrier_id(%barrier3A)
    %dma_start3A_158 = arith.constant 0 : i32
    %dma_start3A_159 = arith.constant 0 : i32
    %dma_start3A_160 = tpu.memref_slice %arg8[%dma_start3A_158, %dma_start3A_159] : memref<80x128xi32, #tpu.memory_space<vmem>> -> memref<1x128xi32, #tpu.memory_space<vmem>>
    %dma_start3A_161 = tpu.memref_squeeze %dma_start3A_160 : memref<1x128xi32, #tpu.memory_space<vmem>> -> memref<128xi32, #tpu.memory_space<vmem>>
    %dma_start3A_162 = arith.constant 0 : i32
    %dma_start3A_163 = arith.constant 0 : i32
    %dma_start3A_164 = tpu.memref_slice %arg7[%dma_start3A_162, %dma_start3A_163] : memref<10240x32xf32, #tpu.memory_space<vmem_shared>> -> memref<10240x32xf32, #tpu.memory_space<vmem_shared>>
    tpu.enqueue_indirect_dma source(%dma_start3A_164 : memref<10240x32xf32, #tpu.memory_space<vmem_shared>>) target(%arg10 : memref<128x32xf32, #tpu.memory_space<vmem>>) offsets(%dma_start3A_161 : memref<128xi32, #tpu.memory_space<vmem>>) semaphore(%arg18 : memref<!tpu.dma_semaphore, #tpu.memory_space<semaphore_mem>>)
    %dma_start3A_165 = arith.constant 1 : i32
    %dma_start3A_166 = arith.constant 0 : i32
    %dma_start3A_167 = tpu.memref_slice %arg8[%dma_start3A_165, %dma_start3A_166] : memref<80x128xi32, #tpu.memory_space<vmem>> -> memref<1x128xi32, #tpu.memory_space<vmem>>
    %dma_start3A_168 = tpu.memref_squeeze %dma_start3A_167 : memref<1x128xi32, #tpu.memory_space<vmem>> -> memref<128xi32, #tpu.memory_space<vmem>>
    %dma_start3A_169 = arith.constant 0 : i32
    %dma_start3A_170 = arith.constant 0 : i32
    %dma_start3A_171 = tpu.memref_slice %arg7[%dma_start3A_169, %dma_start3A_170] : memref<10240x32xf32, #tpu.memory_space<vmem_shared>> -> memref<10240x32xf32, #tpu.memory_space<vmem_shared>>
    tpu.enqueue_indirect_dma source(%dma_start3A_171 : memref<10240x32xf32, #tpu.memory_space<vmem_shared>>) target(%arg11 : memref<128x32xf32, #tpu.memory_space<vmem>>) offsets(%dma_start3A_168 : memref<128xi32, #tpu.memory_space<vmem>>) semaphore(%arg19 : memref<!tpu.dma_semaphore, #tpu.memory_space<semaphore_mem>>)
    %dma_start3A_172 = arith.constant 2 : i32
    %dma_start3A_173 = arith.constant 0 : i32
    %dma_start3A_174 = tpu.memref_slice %arg8[%dma_start3A_172, %dma_start3A_173] : memref<80x128xi32, #tpu.memory_space<vmem>> -> memref<1x128xi32, #tpu.memory_space<vmem>>
    %dma_start3A_175 = tpu.memref_squeeze %dma_start3A_174 : memref<1x128xi32, #tpu.memory_space<vmem>> -> memref<128xi32, #tpu.memory_space<vmem>>
    %dma_start3A_176 = arith.constant 0 : i32
    %dma_start3A_177 = arith.constant 0 : i32
    %dma_start3A_178 = tpu.memref_slice %arg7[%dma_start3A_176, %dma_start3A_177] : memref<10240x32xf32, #tpu.memory_space<vmem_shared>> -> memref<10240x32xf32, #tpu.memory_space<vmem_shared>>
    tpu.enqueue_indirect_dma source(%dma_start3A_178 : memref<10240x32xf32, #tpu.memory_space<vmem_shared>>) target(%arg12 : memref<128x32xf32, #tpu.memory_space<vmem>>) offsets(%dma_start3A_175 : memref<128xi32, #tpu.memory_space<vmem>>) semaphore(%arg20 : memref<!tpu.dma_semaphore, #tpu.memory_space<semaphore_mem>>)
    %dma_start3A_179 = arith.constant 3 : i32
    %dma_start3A_180 = arith.constant 0 : i32
    %dma_start3A_181 = tpu.memref_slice %arg8[%dma_start3A_179, %dma_start3A_180] : memref<80x128xi32, #tpu.memory_space<vmem>> -> memref<1x128xi32, #tpu.memory_space<vmem>>
    %dma_start3A_182 = tpu.memref_squeeze %dma_start3A_181 : memref<1x128xi32, #tpu.memory_space<vmem>> -> memref<128xi32, #tpu.memory_space<vmem>>
    %dma_start3A_183 = arith.constant 0 : i32
    %dma_start3A_184 = arith.constant 0 : i32
    %dma_start3A_185 = tpu.memref_slice %arg7[%dma_start3A_183, %dma_start3A_184] : memref<10240x32xf32, #tpu.memory_space<vmem_shared>> -> memref<10240x32xf32, #tpu.memory_space<vmem_shared>>
    tpu.enqueue_indirect_dma source(%dma_start3A_185 : memref<10240x32xf32, #tpu.memory_space<vmem_shared>>) target(%arg13 : memref<128x32xf32, #tpu.memory_space<vmem>>) offsets(%dma_start3A_182 : memref<128xi32, #tpu.memory_space<vmem>>) semaphore(%arg21 : memref<!tpu.dma_semaphore, #tpu.memory_space<semaphore_mem>>)
    %dma_start3A_186 = arith.constant 4 : i32
    %dma_start3A_187 = arith.constant 0 : i32
    %dma_start3A_188 = tpu.memref_slice %arg8[%dma_start3A_186, %dma_start3A_187] : memref<80x128xi32, #tpu.memory_space<vmem>> -> memref<1x128xi32, #tpu.memory_space<vmem>>
    %dma_start3A_189 = tpu.memref_squeeze %dma_start3A_188 : memref<1x128xi32, #tpu.memory_space<vmem>> -> memref<128xi32, #tpu.memory_space<vmem>>
    %dma_start3A_190 = arith.constant 0 : i32
    %dma_start3A_191 = arith.constant 0 : i32
    %dma_start3A_192 = tpu.memref_slice %arg7[%dma_start3A_190, %dma_start3A_191] : memref<10240x32xf32, #tpu.memory_space<vmem_shared>> -> memref<10240x32xf32, #tpu.memory_space<vmem_shared>>
    tpu.enqueue_indirect_dma source(%dma_start3A_192 : memref<10240x32xf32, #tpu.memory_space<vmem_shared>>) target(%arg14 : memref<128x32xf32, #tpu.memory_space<vmem>>) offsets(%dma_start3A_189 : memref<128xi32, #tpu.memory_space<vmem>>) semaphore(%arg22 : memref<!tpu.dma_semaphore, #tpu.memory_space<semaphore_mem>>)
    %dma_start3A_193 = arith.constant 5 : i32
    %dma_start3A_194 = arith.constant 0 : i32
    %dma_start3A_195 = tpu.memref_slice %arg8[%dma_start3A_193, %dma_start3A_194] : memref<80x128xi32, #tpu.memory_space<vmem>> -> memref<1x128xi32, #tpu.memory_space<vmem>>
    %dma_start3A_196 = tpu.memref_squeeze %dma_start3A_195 : memref<1x128xi32, #tpu.memory_space<vmem>> -> memref<128xi32, #tpu.memory_space<vmem>>
    %dma_start3A_197 = arith.constant 0 : i32
    %dma_start3A_198 = arith.constant 0 : i32
    %dma_start3A_199 = tpu.memref_slice %arg7[%dma_start3A_197, %dma_start3A_198] : memref<10240x32xf32, #tpu.memory_space<vmem_shared>> -> memref<10240x32xf32, #tpu.memory_space<vmem_shared>>
    tpu.enqueue_indirect_dma source(%dma_start3A_199 : memref<10240x32xf32, #tpu.memory_space<vmem_shared>>) target(%arg15 : memref<128x32xf32, #tpu.memory_space<vmem>>) offsets(%dma_start3A_196 : memref<128xi32, #tpu.memory_space<vmem>>) semaphore(%arg23 : memref<!tpu.dma_semaphore, #tpu.memory_space<semaphore_mem>>)
    %dma_start3A_200 = arith.constant 6 : i32
    %dma_start3A_201 = arith.constant 0 : i32
    %dma_start3A_202 = tpu.memref_slice %arg8[%dma_start3A_200, %dma_start3A_201] : memref<80x128xi32, #tpu.memory_space<vmem>> -> memref<1x128xi32, #tpu.memory_space<vmem>>
    %dma_start3A_203 = tpu.memref_squeeze %dma_start3A_202 : memref<1x128xi32, #tpu.memory_space<vmem>> -> memref<128xi32, #tpu.memory_space<vmem>>
    %dma_start3A_204 = arith.constant 0 : i32
    %dma_start3A_205 = arith.constant 0 : i32
    %dma_start3A_206 = tpu.memref_slice %arg7[%dma_start3A_204, %dma_start3A_205] : memref<10240x32xf32, #tpu.memory_space<vmem_shared>> -> memref<10240x32xf32, #tpu.memory_space<vmem_shared>>
    tpu.enqueue_indirect_dma source(%dma_start3A_206 : memref<10240x32xf32, #tpu.memory_space<vmem_shared>>) target(%arg16 : memref<128x32xf32, #tpu.memory_space<vmem>>) offsets(%dma_start3A_203 : memref<128xi32, #tpu.memory_space<vmem>>) semaphore(%arg24 : memref<!tpu.dma_semaphore, #tpu.memory_space<semaphore_mem>>)
    %dma_start3A_207 = arith.constant 7 : i32
    %dma_start3A_208 = arith.constant 0 : i32
    %dma_start3A_209 = tpu.memref_slice %arg8[%dma_start3A_207, %dma_start3A_208] : memref<80x128xi32, #tpu.memory_space<vmem>> -> memref<1x128xi32, #tpu.memory_space<vmem>>
    %dma_start3A_210 = tpu.memref_squeeze %dma_start3A_209 : memref<1x128xi32, #tpu.memory_space<vmem>> -> memref<128xi32, #tpu.memory_space<vmem>>
    %dma_start3A_211 = arith.constant 0 : i32
    %dma_start3A_212 = arith.constant 0 : i32
    %dma_start3A_213 = tpu.memref_slice %arg7[%dma_start3A_211, %dma_start3A_212] : memref<10240x32xf32, #tpu.memory_space<vmem_shared>> -> memref<10240x32xf32, #tpu.memory_space<vmem_shared>>
    tpu.enqueue_indirect_dma source(%dma_start3A_213 : memref<10240x32xf32, #tpu.memory_space<vmem_shared>>) target(%arg17 : memref<128x32xf32, #tpu.memory_space<vmem>>) offsets(%dma_start3A_210 : memref<128xi32, #tpu.memory_space<vmem>>) semaphore(%arg25 : memref<!tpu.dma_semaphore, #tpu.memory_space<semaphore_mem>>)
    %scan3A_214 = arith.constant 0 : i32
    %scan3A_215 = arith.constant 0 : i32
    %scan3A_216 = arith.constant 10 : i32
    %scan3A_217 = arith.addi %scan3A_215, %scan3A_216 : i32
    %scan3A_218 = arith.constant 1 : i32
    %scan3A_219 = scf.for %scan3A_468 = %scan3A_215 to %scan3A_217 step %scan3A_218 iter_args(%scan3A_469 = %scan3A_214) -> (i32)  : i32 {
      %mul3A_470 = arith.constant 8 : i32
      %mul3A_471 = arith.muli %scan3A_468, %mul3A_470 : i32
      %add3A_472 = arith.constant 0 : i32
      %add3A_473 = arith.addi %mul3A_471, %add3A_472 : i32
      %dma_wait3A_474 = arith.constant 0 : i32
      %dma_wait3A_475 = tpu.memref_slice %arg8[%add3A_473, %dma_wait3A_474] : memref<80x128xi32, #tpu.memory_space<vmem>> -> memref<1x128xi32, #tpu.memory_space<vmem>>
      %dma_wait3A_476 = tpu.memref_squeeze %dma_wait3A_475 : memref<1x128xi32, #tpu.memory_space<vmem>> -> memref<128xi32, #tpu.memory_space<vmem>>
      %dma_wait3A_477 = arith.constant 0 : i32
      %dma_wait3A_478 = arith.constant 0 : i32
      %dma_wait3A_479 = tpu.memref_slice %arg7[%dma_wait3A_477, %dma_wait3A_478] : memref<10240x32xf32, #tpu.memory_space<vmem_shared>> -> memref<10240x32xf32, #tpu.memory_space<vmem_shared>>
      tpu.wait_indirect_dma semaphore(%arg18 : memref<!tpu.dma_semaphore, #tpu.memory_space<semaphore_mem>>) src(%dma_wait3A_479 : memref<10240x32xf32, #tpu.memory_space<vmem_shared>>) dst(%arg10 : memref<128x32xf32, #tpu.memory_space<vmem>>)
      %dma_start3A_480 = arith.constant 0 : i32
      %dma_start3A_481 = tpu.memref_slice %arg9[%add3A_473, %dma_start3A_480] : memref<80x128xi32, #tpu.memory_space<vmem>> -> memref<1x128xi32, #tpu.memory_space<vmem>>
      %dma_start3A_482 = tpu.memref_squeeze %dma_start3A_481 : memref<1x128xi32, #tpu.memory_space<vmem>> -> memref<128xi32, #tpu.memory_space<vmem>>
      %dma_start3A_483 = arith.constant 0 : i32
      %dma_start3A_484 = arith.constant 0 : i32
      %dma_start3A_485 = tpu.memref_slice %arg6[%dma_start3A_483, %dma_start3A_484] : memref<10240x32xf32, #tpu.memory_space<vmem_shared>> -> memref<10240x32xf32, #tpu.memory_space<vmem_shared>>
      tpu.enqueue_indirect_dma source(%arg10 : memref<128x32xf32, #tpu.memory_space<vmem>>) target(%dma_start3A_485 : memref<10240x32xf32, #tpu.memory_space<vmem_shared>>) offsets(%dma_start3A_482 : memref<128xi32, #tpu.memory_space<vmem>>) semaphore(%arg26 : memref<!tpu.dma_semaphore, #tpu.memory_space<semaphore_mem>>) {add = true}
      %add3A_486 = arith.constant 8 : i32
      %add3A_487 = arith.addi %add3A_473, %add3A_486 : i32
      %lt3A = arith.constant 80 : i32
      %lt3A_488 = arith.cmpi slt, %add3A_487, %lt3A : i32
      %convert_element_type3A = arith.extui %lt3A_488 : i1 to i32
      %cond3A = arith.constant 0 : i32
      %cond3A_489 = arith.cmpi ne, %convert_element_type3A, %cond3A : i32
      scf.if %cond3A_489 {
        %dma_wait3A_638 = arith.constant 0 : i32
        %dma_wait3A_639 = tpu.memref_slice %arg9[%add3A_473, %dma_wait3A_638] : memref<80x128xi32, #tpu.memory_space<vmem>> -> memref<1x128xi32, #tpu.memory_space<vmem>>
        %dma_wait3A_640 = tpu.memref_squeeze %dma_wait3A_639 : memref<1x128xi32, #tpu.memory_space<vmem>> -> memref<128xi32, #tpu.memory_space<vmem>>
        %dma_wait3A_641 = arith.constant 0 : i32
        %dma_wait3A_642 = arith.constant 0 : i32
        %dma_wait3A_643 = tpu.memref_slice %arg6[%dma_wait3A_641, %dma_wait3A_642] : memref<10240x32xf32, #tpu.memory_space<vmem_shared>> -> memref<10240x32xf32, #tpu.memory_space<vmem_shared>>
        tpu.wait_indirect_dma semaphore(%arg26 : memref<!tpu.dma_semaphore, #tpu.memory_space<semaphore_mem>>) src(%arg10 : memref<128x32xf32, #tpu.memory_space<vmem>>) dst(%dma_wait3A_643 : memref<10240x32xf32, #tpu.memory_space<vmem_shared>>)
        %dma_start3A_644 = arith.constant 0 : i32
        %dma_start3A_645 = tpu.memref_slice %arg8[%add3A_487, %dma_start3A_644] : memref<80x128xi32, #tpu.memory_space<vmem>> -> memref<1x128xi32, #tpu.memory_space<vmem>>
        %dma_start3A_646 = tpu.memref_squeeze %dma_start3A_645 : memref<1x128xi32, #tpu.memory_space<vmem>> -> memref<128xi32, #tpu.memory_space<vmem>>
        %dma_start3A_647 = arith.constant 0 : i32
        %dma_start3A_648 = arith.constant 0 : i32
        %dma_start3A_649 = tpu.memref_slice %arg7[%dma_start3A_647, %dma_start3A_648] : memref<10240x32xf32, #tpu.memory_space<vmem_shared>> -> memref<10240x32xf32, #tpu.memory_space<vmem_shared>>
        tpu.enqueue_indirect_dma source(%dma_start3A_649 : memref<10240x32xf32, #tpu.memory_space<vmem_shared>>) target(%arg10 : memref<128x32xf32, #tpu.memory_space<vmem>>) offsets(%dma_start3A_646 : memref<128xi32, #tpu.memory_space<vmem>>) semaphore(%arg18 : memref<!tpu.dma_semaphore, #tpu.memory_space<semaphore_mem>>)
      } else {
      }
      %add3A_490 = arith.constant 1 : i32
      %add3A_491 = arith.addi %mul3A_471, %add3A_490 : i32
      %dma_wait3A_492 = arith.constant 0 : i32
      %dma_wait3A_493 = tpu.memref_slice %arg8[%add3A_491, %dma_wait3A_492] : memref<80x128xi32, #tpu.memory_space<vmem>> -> memref<1x128xi32, #tpu.memory_space<vmem>>
      %dma_wait3A_494 = tpu.memref_squeeze %dma_wait3A_493 : memref<1x128xi32, #tpu.memory_space<vmem>> -> memref<128xi32, #tpu.memory_space<vmem>>
      %dma_wait3A_495 = arith.constant 0 : i32
      %dma_wait3A_496 = arith.constant 0 : i32
      %dma_wait3A_497 = tpu.memref_slice %arg7[%dma_wait3A_495, %dma_wait3A_496] : memref<10240x32xf32, #tpu.memory_space<vmem_shared>> -> memref<10240x32xf32, #tpu.memory_space<vmem_shared>>
      tpu.wait_indirect_dma semaphore(%arg19 : memref<!tpu.dma_semaphore, #tpu.memory_space<semaphore_mem>>) src(%dma_wait3A_497 : memref<10240x32xf32, #tpu.memory_space<vmem_shared>>) dst(%arg11 : memref<128x32xf32, #tpu.memory_space<vmem>>)
      %dma_start3A_498 = arith.constant 0 : i32
      %dma_start3A_499 = tpu.memref_slice %arg9[%add3A_491, %dma_start3A_498] : memref<80x128xi32, #tpu.memory_space<vmem>> -> memref<1x128xi32, #tpu.memory_space<vmem>>
      %dma_start3A_500 = tpu.memref_squeeze %dma_start3A_499 : memref<1x128xi32, #tpu.memory_space<vmem>> -> memref<128xi32, #tpu.memory_space<vmem>>
      %dma_start3A_501 = arith.constant 0 : i32
      %dma_start3A_502 = arith.constant 0 : i32
      %dma_start3A_503 = tpu.memref_slice %arg6[%dma_start3A_501, %dma_start3A_502] : memref<10240x32xf32, #tpu.memory_space<vmem_shared>> -> memref<10240x32xf32, #tpu.memory_space<vmem_shared>>
      tpu.enqueue_indirect_dma source(%arg11 : memref<128x32xf32, #tpu.memory_space<vmem>>) target(%dma_start3A_503 : memref<10240x32xf32, #tpu.memory_space<vmem_shared>>) offsets(%dma_start3A_500 : memref<128xi32, #tpu.memory_space<vmem>>) semaphore(%arg27 : memref<!tpu.dma_semaphore, #tpu.memory_space<semaphore_mem>>) {add = true}
      %add3A_504 = arith.constant 8 : i32
      %add3A_505 = arith.addi %add3A_491, %add3A_504 : i32
      %lt3A_506 = arith.constant 80 : i32
      %lt3A_507 = arith.cmpi slt, %add3A_505, %lt3A_506 : i32
      %convert_element_type3A_508 = arith.extui %lt3A_507 : i1 to i32
      %cond3A_509 = arith.constant 0 : i32
      %cond3A_510 = arith.cmpi ne, %convert_element_type3A_508, %cond3A_509 : i32
      scf.if %cond3A_510 {
        %dma_wait3A_638 = arith.constant 0 : i32
        %dma_wait3A_639 = tpu.memref_slice %arg9[%add3A_491, %dma_wait3A_638] : memref<80x128xi32, #tpu.memory_space<vmem>> -> memref<1x128xi32, #tpu.memory_space<vmem>>
        %dma_wait3A_640 = tpu.memref_squeeze %dma_wait3A_639 : memref<1x128xi32, #tpu.memory_space<vmem>> -> memref<128xi32, #tpu.memory_space<vmem>>
        %dma_wait3A_641 = arith.constant 0 : i32
        %dma_wait3A_642 = arith.constant 0 : i32
        %dma_wait3A_643 = tpu.memref_slice %arg6[%dma_wait3A_641, %dma_wait3A_642] : memref<10240x32xf32, #tpu.memory_space<vmem_shared>> -> memref<10240x32xf32, #tpu.memory_space<vmem_shared>>
        tpu.wait_indirect_dma semaphore(%arg27 : memref<!tpu.dma_semaphore, #tpu.memory_space<semaphore_mem>>) src(%arg11 : memref<128x32xf32, #tpu.memory_space<vmem>>) dst(%dma_wait3A_643 : memref<10240x32xf32, #tpu.memory_space<vmem_shared>>)
        %dma_start3A_644 = arith.constant 0 : i32
        %dma_start3A_645 = tpu.memref_slice %arg8[%add3A_505, %dma_start3A_644] : memref<80x128xi32, #tpu.memory_space<vmem>> -> memref<1x128xi32, #tpu.memory_space<vmem>>
        %dma_start3A_646 = tpu.memref_squeeze %dma_start3A_645 : memref<1x128xi32, #tpu.memory_space<vmem>> -> memref<128xi32, #tpu.memory_space<vmem>>
        %dma_start3A_647 = arith.constant 0 : i32
        %dma_start3A_648 = arith.constant 0 : i32
        %dma_start3A_649 = tpu.memref_slice %arg7[%dma_start3A_647, %dma_start3A_648] : memref<10240x32xf32, #tpu.memory_space<vmem_shared>> -> memref<10240x32xf32, #tpu.memory_space<vmem_shared>>
        tpu.enqueue_indirect_dma source(%dma_start3A_649 : memref<10240x32xf32, #tpu.memory_space<vmem_shared>>) target(%arg11 : memref<128x32xf32, #tpu.memory_space<vmem>>) offsets(%dma_start3A_646 : memref<128xi32, #tpu.memory_space<vmem>>) semaphore(%arg19 : memref<!tpu.dma_semaphore, #tpu.memory_space<semaphore_mem>>)
      } else {
      }
      %add3A_511 = arith.constant 2 : i32
      %add3A_512 = arith.addi %mul3A_471, %add3A_511 : i32
      %dma_wait3A_513 = arith.constant 0 : i32
      %dma_wait3A_514 = tpu.memref_slice %arg8[%add3A_512, %dma_wait3A_513] : memref<80x128xi32, #tpu.memory_space<vmem>> -> memref<1x128xi32, #tpu.memory_space<vmem>>
      %dma_wait3A_515 = tpu.memref_squeeze %dma_wait3A_514 : memref<1x128xi32, #tpu.memory_space<vmem>> -> memref<128xi32, #tpu.memory_space<vmem>>
      %dma_wait3A_516 = arith.constant 0 : i32
      %dma_wait3A_517 = arith.constant 0 : i32
      %dma_wait3A_518 = tpu.memref_slice %arg7[%dma_wait3A_516, %dma_wait3A_517] : memref<10240x32xf32, #tpu.memory_space<vmem_shared>> -> memref<10240x32xf32, #tpu.memory_space<vmem_shared>>
      tpu.wait_indirect_dma semaphore(%arg20 : memref<!tpu.dma_semaphore, #tpu.memory_space<semaphore_mem>>) src(%dma_wait3A_518 : memref<10240x32xf32, #tpu.memory_space<vmem_shared>>) dst(%arg12 : memref<128x32xf32, #tpu.memory_space<vmem>>)
      %dma_start3A_519 = arith.constant 0 : i32
      %dma_start3A_520 = tpu.memref_slice %arg9[%add3A_512, %dma_start3A_519] : memref<80x128xi32, #tpu.memory_space<vmem>> -> memref<1x128xi32, #tpu.memory_space<vmem>>
      %dma_start3A_521 = tpu.memref_squeeze %dma_start3A_520 : memref<1x128xi32, #tpu.memory_space<vmem>> -> memref<128xi32, #tpu.memory_space<vmem>>
      %dma_start3A_522 = arith.constant 0 : i32
      %dma_start3A_523 = arith.constant 0 : i32
      %dma_start3A_524 = tpu.memref_slice %arg6[%dma_start3A_522, %dma_start3A_523] : memref<10240x32xf32, #tpu.memory_space<vmem_shared>> -> memref<10240x32xf32, #tpu.memory_space<vmem_shared>>
      tpu.enqueue_indirect_dma source(%arg12 : memref<128x32xf32, #tpu.memory_space<vmem>>) target(%dma_start3A_524 : memref<10240x32xf32, #tpu.memory_space<vmem_shared>>) offsets(%dma_start3A_521 : memref<128xi32, #tpu.memory_space<vmem>>) semaphore(%arg28 : memref<!tpu.dma_semaphore, #tpu.memory_space<semaphore_mem>>) {add = true}
      %add3A_525 = arith.constant 8 : i32
      %add3A_526 = arith.addi %add3A_512, %add3A_525 : i32
      %lt3A_527 = arith.constant 80 : i32
      %lt3A_528 = arith.cmpi slt, %add3A_526, %lt3A_527 : i32
      %convert_element_type3A_529 = arith.extui %lt3A_528 : i1 to i32
      %cond3A_530 = arith.constant 0 : i32
      %cond3A_531 = arith.cmpi ne, %convert_element_type3A_529, %cond3A_530 : i32
      scf.if %cond3A_531 {
        %dma_wait3A_638 = arith.constant 0 : i32
        %dma_wait3A_639 = tpu.memref_slice %arg9[%add3A_512, %dma_wait3A_638] : memref<80x128xi32, #tpu.memory_space<vmem>> -> memref<1x128xi32, #tpu.memory_space<vmem>>
        %dma_wait3A_640 = tpu.memref_squeeze %dma_wait3A_639 : memref<1x128xi32, #tpu.memory_space<vmem>> -> memref<128xi32, #tpu.memory_space<vmem>>
        %dma_wait3A_641 = arith.constant 0 : i32
        %dma_wait3A_642 = arith.constant 0 : i32
        %dma_wait3A_643 = tpu.memref_slice %arg6[%dma_wait3A_641, %dma_wait3A_642] : memref<10240x32xf32, #tpu.memory_space<vmem_shared>> -> memref<10240x32xf32, #tpu.memory_space<vmem_shared>>
        tpu.wait_indirect_dma semaphore(%arg28 : memref<!tpu.dma_semaphore, #tpu.memory_space<semaphore_mem>>) src(%arg12 : memref<128x32xf32, #tpu.memory_space<vmem>>) dst(%dma_wait3A_643 : memref<10240x32xf32, #tpu.memory_space<vmem_shared>>)
        %dma_start3A_644 = arith.constant 0 : i32
        %dma_start3A_645 = tpu.memref_slice %arg8[%add3A_526, %dma_start3A_644] : memref<80x128xi32, #tpu.memory_space<vmem>> -> memref<1x128xi32, #tpu.memory_space<vmem>>
        %dma_start3A_646 = tpu.memref_squeeze %dma_start3A_645 : memref<1x128xi32, #tpu.memory_space<vmem>> -> memref<128xi32, #tpu.memory_space<vmem>>
        %dma_start3A_647 = arith.constant 0 : i32
        %dma_start3A_648 = arith.constant 0 : i32
        %dma_start3A_649 = tpu.memref_slice %arg7[%dma_start3A_647, %dma_start3A_648] : memref<10240x32xf32, #tpu.memory_space<vmem_shared>> -> memref<10240x32xf32, #tpu.memory_space<vmem_shared>>
        tpu.enqueue_indirect_dma source(%dma_start3A_649 : memref<10240x32xf32, #tpu.memory_space<vmem_shared>>) target(%arg12 : memref<128x32xf32, #tpu.memory_space<vmem>>) offsets(%dma_start3A_646 : memref<128xi32, #tpu.memory_space<vmem>>) semaphore(%arg20 : memref<!tpu.dma_semaphore, #tpu.memory_space<semaphore_mem>>)
      } else {
      }
      %add3A_532 = arith.constant 3 : i32
      %add3A_533 = arith.addi %mul3A_471, %add3A_532 : i32
      %dma_wait3A_534 = arith.constant 0 : i32
      %dma_wait3A_535 = tpu.memref_slice %arg8[%add3A_533, %dma_wait3A_534] : memref<80x128xi32, #tpu.memory_space<vmem>> -> memref<1x128xi32, #tpu.memory_space<vmem>>
      %dma_wait3A_536 = tpu.memref_squeeze %dma_wait3A_535 : memref<1x128xi32, #tpu.memory_space<vmem>> -> memref<128xi32, #tpu.memory_space<vmem>>
      %dma_wait3A_537 = arith.constant 0 : i32
      %dma_wait3A_538 = arith.constant 0 : i32
      %dma_wait3A_539 = tpu.memref_slice %arg7[%dma_wait3A_537, %dma_wait3A_538] : memref<10240x32xf32, #tpu.memory_space<vmem_shared>> -> memref<10240x32xf32, #tpu.memory_space<vmem_shared>>
      tpu.wait_indirect_dma semaphore(%arg21 : memref<!tpu.dma_semaphore, #tpu.memory_space<semaphore_mem>>) src(%dma_wait3A_539 : memref<10240x32xf32, #tpu.memory_space<vmem_shared>>) dst(%arg13 : memref<128x32xf32, #tpu.memory_space<vmem>>)
      %dma_start3A_540 = arith.constant 0 : i32
      %dma_start3A_541 = tpu.memref_slice %arg9[%add3A_533, %dma_start3A_540] : memref<80x128xi32, #tpu.memory_space<vmem>> -> memref<1x128xi32, #tpu.memory_space<vmem>>
      %dma_start3A_542 = tpu.memref_squeeze %dma_start3A_541 : memref<1x128xi32, #tpu.memory_space<vmem>> -> memref<128xi32, #tpu.memory_space<vmem>>
      %dma_start3A_543 = arith.constant 0 : i32
      %dma_start3A_544 = arith.constant 0 : i32
      %dma_start3A_545 = tpu.memref_slice %arg6[%dma_start3A_543, %dma_start3A_544] : memref<10240x32xf32, #tpu.memory_space<vmem_shared>> -> memref<10240x32xf32, #tpu.memory_space<vmem_shared>>
      tpu.enqueue_indirect_dma source(%arg13 : memref<128x32xf32, #tpu.memory_space<vmem>>) target(%dma_start3A_545 : memref<10240x32xf32, #tpu.memory_space<vmem_shared>>) offsets(%dma_start3A_542 : memref<128xi32, #tpu.memory_space<vmem>>) semaphore(%arg29 : memref<!tpu.dma_semaphore, #tpu.memory_space<semaphore_mem>>) {add = true}
      %add3A_546 = arith.constant 8 : i32
      %add3A_547 = arith.addi %add3A_533, %add3A_546 : i32
      %lt3A_548 = arith.constant 80 : i32
      %lt3A_549 = arith.cmpi slt, %add3A_547, %lt3A_548 : i32
      %convert_element_type3A_550 = arith.extui %lt3A_549 : i1 to i32
      %cond3A_551 = arith.constant 0 : i32
      %cond3A_552 = arith.cmpi ne, %convert_element_type3A_550, %cond3A_551 : i32
      scf.if %cond3A_552 {
        %dma_wait3A_638 = arith.constant 0 : i32
        %dma_wait3A_639 = tpu.memref_slice %arg9[%add3A_533, %dma_wait3A_638] : memref<80x128xi32, #tpu.memory_space<vmem>> -> memref<1x128xi32, #tpu.memory_space<vmem>>
        %dma_wait3A_640 = tpu.memref_squeeze %dma_wait3A_639 : memref<1x128xi32, #tpu.memory_space<vmem>> -> memref<128xi32, #tpu.memory_space<vmem>>
        %dma_wait3A_641 = arith.constant 0 : i32
        %dma_wait3A_642 = arith.constant 0 : i32
        %dma_wait3A_643 = tpu.memref_slice %arg6[%dma_wait3A_641, %dma_wait3A_642] : memref<10240x32xf32, #tpu.memory_space<vmem_shared>> -> memref<10240x32xf32, #tpu.memory_space<vmem_shared>>
        tpu.wait_indirect_dma semaphore(%arg29 : memref<!tpu.dma_semaphore, #tpu.memory_space<semaphore_mem>>) src(%arg13 : memref<128x32xf32, #tpu.memory_space<vmem>>) dst(%dma_wait3A_643 : memref<10240x32xf32, #tpu.memory_space<vmem_shared>>)
        %dma_start3A_644 = arith.constant 0 : i32
        %dma_start3A_645 = tpu.memref_slice %arg8[%add3A_547, %dma_start3A_644] : memref<80x128xi32, #tpu.memory_space<vmem>> -> memref<1x128xi32, #tpu.memory_space<vmem>>
        %dma_start3A_646 = tpu.memref_squeeze %dma_start3A_645 : memref<1x128xi32, #tpu.memory_space<vmem>> -> memref<128xi32, #tpu.memory_space<vmem>>
        %dma_start3A_647 = arith.constant 0 : i32
        %dma_start3A_648 = arith.constant 0 : i32
        %dma_start3A_649 = tpu.memref_slice %arg7[%dma_start3A_647, %dma_start3A_648] : memref<10240x32xf32, #tpu.memory_space<vmem_shared>> -> memref<10240x32xf32, #tpu.memory_space<vmem_shared>>
        tpu.enqueue_indirect_dma source(%dma_start3A_649 : memref<10240x32xf32, #tpu.memory_space<vmem_shared>>) target(%arg13 : memref<128x32xf32, #tpu.memory_space<vmem>>) offsets(%dma_start3A_646 : memref<128xi32, #tpu.memory_space<vmem>>) semaphore(%arg21 : memref<!tpu.dma_semaphore, #tpu.memory_space<semaphore_mem>>)
      } else {
      }
      %add3A_553 = arith.constant 4 : i32
      %add3A_554 = arith.addi %mul3A_471, %add3A_553 : i32
      %dma_wait3A_555 = arith.constant 0 : i32
      %dma_wait3A_556 = tpu.memref_slice %arg8[%add3A_554, %dma_wait3A_555] : memref<80x128xi32, #tpu.memory_space<vmem>> -> memref<1x128xi32, #tpu.memory_space<vmem>>
      %dma_wait3A_557 = tpu.memref_squeeze %dma_wait3A_556 : memref<1x128xi32, #tpu.memory_space<vmem>> -> memref<128xi32, #tpu.memory_space<vmem>>
      %dma_wait3A_558 = arith.constant 0 : i32
      %dma_wait3A_559 = arith.constant 0 : i32
      %dma_wait3A_560 = tpu.memref_slice %arg7[%dma_wait3A_558, %dma_wait3A_559] : memref<10240x32xf32, #tpu.memory_space<vmem_shared>> -> memref<10240x32xf32, #tpu.memory_space<vmem_shared>>
      tpu.wait_indirect_dma semaphore(%arg22 : memref<!tpu.dma_semaphore, #tpu.memory_space<semaphore_mem>>) src(%dma_wait3A_560 : memref<10240x32xf32, #tpu.memory_space<vmem_shared>>) dst(%arg14 : memref<128x32xf32, #tpu.memory_space<vmem>>)
      %dma_start3A_561 = arith.constant 0 : i32
      %dma_start3A_562 = tpu.memref_slice %arg9[%add3A_554, %dma_start3A_561] : memref<80x128xi32, #tpu.memory_space<vmem>> -> memref<1x128xi32, #tpu.memory_space<vmem>>
      %dma_start3A_563 = tpu.memref_squeeze %dma_start3A_562 : memref<1x128xi32, #tpu.memory_space<vmem>> -> memref<128xi32, #tpu.memory_space<vmem>>
      %dma_start3A_564 = arith.constant 0 : i32
      %dma_start3A_565 = arith.constant 0 : i32
      %dma_start3A_566 = tpu.memref_slice %arg6[%dma_start3A_564, %dma_start3A_565] : memref<10240x32xf32, #tpu.memory_space<vmem_shared>> -> memref<10240x32xf32, #tpu.memory_space<vmem_shared>>
      tpu.enqueue_indirect_dma source(%arg14 : memref<128x32xf32, #tpu.memory_space<vmem>>) target(%dma_start3A_566 : memref<10240x32xf32, #tpu.memory_space<vmem_shared>>) offsets(%dma_start3A_563 : memref<128xi32, #tpu.memory_space<vmem>>) semaphore(%arg30 : memref<!tpu.dma_semaphore, #tpu.memory_space<semaphore_mem>>) {add = true}
      %add3A_567 = arith.constant 8 : i32
      %add3A_568 = arith.addi %add3A_554, %add3A_567 : i32
      %lt3A_569 = arith.constant 80 : i32
      %lt3A_570 = arith.cmpi slt, %add3A_568, %lt3A_569 : i32
      %convert_element_type3A_571 = arith.extui %lt3A_570 : i1 to i32
      %cond3A_572 = arith.constant 0 : i32
      %cond3A_573 = arith.cmpi ne, %convert_element_type3A_571, %cond3A_572 : i32
      scf.if %cond3A_573 {
        %dma_wait3A_638 = arith.constant 0 : i32
        %dma_wait3A_639 = tpu.memref_slice %arg9[%add3A_554, %dma_wait3A_638] : memref<80x128xi32, #tpu.memory_space<vmem>> -> memref<1x128xi32, #tpu.memory_space<vmem>>
        %dma_wait3A_640 = tpu.memref_squeeze %dma_wait3A_639 : memref<1x128xi32, #tpu.memory_space<vmem>> -> memref<128xi32, #tpu.memory_space<vmem>>
        %dma_wait3A_641 = arith.constant 0 : i32
        %dma_wait3A_642 = arith.constant 0 : i32
        %dma_wait3A_643 = tpu.memref_slice %arg6[%dma_wait3A_641, %dma_wait3A_642] : memref<10240x32xf32, #tpu.memory_space<vmem_shared>> -> memref<10240x32xf32, #tpu.memory_space<vmem_shared>>
        tpu.wait_indirect_dma semaphore(%arg30 : memref<!tpu.dma_semaphore, #tpu.memory_space<semaphore_mem>>) src(%arg14 : memref<128x32xf32, #tpu.memory_space<vmem>>) dst(%dma_wait3A_643 : memref<10240x32xf32, #tpu.memory_space<vmem_shared>>)
        %dma_start3A_644 = arith.constant 0 : i32
        %dma_start3A_645 = tpu.memref_slice %arg8[%add3A_568, %dma_start3A_644] : memref<80x128xi32, #tpu.memory_space<vmem>> -> memref<1x128xi32, #tpu.memory_space<vmem>>
        %dma_start3A_646 = tpu.memref_squeeze %dma_start3A_645 : memref<1x128xi32, #tpu.memory_space<vmem>> -> memref<128xi32, #tpu.memory_space<vmem>>
        %dma_start3A_647 = arith.constant 0 : i32
        %dma_start3A_648 = arith.constant 0 : i32
        %dma_start3A_649 = tpu.memref_slice %arg7[%dma_start3A_647, %dma_start3A_648] : memref<10240x32xf32, #tpu.memory_space<vmem_shared>> -> memref<10240x32xf32, #tpu.memory_space<vmem_shared>>
        tpu.enqueue_indirect_dma source(%dma_start3A_649 : memref<10240x32xf32, #tpu.memory_space<vmem_shared>>) target(%arg14 : memref<128x32xf32, #tpu.memory_space<vmem>>) offsets(%dma_start3A_646 : memref<128xi32, #tpu.memory_space<vmem>>) semaphore(%arg22 : memref<!tpu.dma_semaphore, #tpu.memory_space<semaphore_mem>>)
      } else {
      }
      %add3A_574 = arith.constant 5 : i32
      %add3A_575 = arith.addi %mul3A_471, %add3A_574 : i32
      %dma_wait3A_576 = arith.constant 0 : i32
      %dma_wait3A_577 = tpu.memref_slice %arg8[%add3A_575, %dma_wait3A_576] : memref<80x128xi32, #tpu.memory_space<vmem>> -> memref<1x128xi32, #tpu.memory_space<vmem>>
      %dma_wait3A_578 = tpu.memref_squeeze %dma_wait3A_577 : memref<1x128xi32, #tpu.memory_space<vmem>> -> memref<128xi32, #tpu.memory_space<vmem>>
      %dma_wait3A_579 = arith.constant 0 : i32
      %dma_wait3A_580 = arith.constant 0 : i32
      %dma_wait3A_581 = tpu.memref_slice %arg7[%dma_wait3A_579, %dma_wait3A_580] : memref<10240x32xf32, #tpu.memory_space<vmem_shared>> -> memref<10240x32xf32, #tpu.memory_space<vmem_shared>>
      tpu.wait_indirect_dma semaphore(%arg23 : memref<!tpu.dma_semaphore, #tpu.memory_space<semaphore_mem>>) src(%dma_wait3A_581 : memref<10240x32xf32, #tpu.memory_space<vmem_shared>>) dst(%arg15 : memref<128x32xf32, #tpu.memory_space<vmem>>)
      %dma_start3A_582 = arith.constant 0 : i32
      %dma_start3A_583 = tpu.memref_slice %arg9[%add3A_575, %dma_start3A_582] : memref<80x128xi32, #tpu.memory_space<vmem>> -> memref<1x128xi32, #tpu.memory_space<vmem>>
      %dma_start3A_584 = tpu.memref_squeeze %dma_start3A_583 : memref<1x128xi32, #tpu.memory_space<vmem>> -> memref<128xi32, #tpu.memory_space<vmem>>
      %dma_start3A_585 = arith.constant 0 : i32
      %dma_start3A_586 = arith.constant 0 : i32
      %dma_start3A_587 = tpu.memref_slice %arg6[%dma_start3A_585, %dma_start3A_586] : memref<10240x32xf32, #tpu.memory_space<vmem_shared>> -> memref<10240x32xf32, #tpu.memory_space<vmem_shared>>
      tpu.enqueue_indirect_dma source(%arg15 : memref<128x32xf32, #tpu.memory_space<vmem>>) target(%dma_start3A_587 : memref<10240x32xf32, #tpu.memory_space<vmem_shared>>) offsets(%dma_start3A_584 : memref<128xi32, #tpu.memory_space<vmem>>) semaphore(%arg31 : memref<!tpu.dma_semaphore, #tpu.memory_space<semaphore_mem>>) {add = true}
      %add3A_588 = arith.constant 8 : i32
      %add3A_589 = arith.addi %add3A_575, %add3A_588 : i32
      %lt3A_590 = arith.constant 80 : i32
      %lt3A_591 = arith.cmpi slt, %add3A_589, %lt3A_590 : i32
      %convert_element_type3A_592 = arith.extui %lt3A_591 : i1 to i32
      %cond3A_593 = arith.constant 0 : i32
      %cond3A_594 = arith.cmpi ne, %convert_element_type3A_592, %cond3A_593 : i32
      scf.if %cond3A_594 {
        %dma_wait3A_638 = arith.constant 0 : i32
        %dma_wait3A_639 = tpu.memref_slice %arg9[%add3A_575, %dma_wait3A_638] : memref<80x128xi32, #tpu.memory_space<vmem>> -> memref<1x128xi32, #tpu.memory_space<vmem>>
        %dma_wait3A_640 = tpu.memref_squeeze %dma_wait3A_639 : memref<1x128xi32, #tpu.memory_space<vmem>> -> memref<128xi32, #tpu.memory_space<vmem>>
        %dma_wait3A_641 = arith.constant 0 : i32
        %dma_wait3A_642 = arith.constant 0 : i32
        %dma_wait3A_643 = tpu.memref_slice %arg6[%dma_wait3A_641, %dma_wait3A_642] : memref<10240x32xf32, #tpu.memory_space<vmem_shared>> -> memref<10240x32xf32, #tpu.memory_space<vmem_shared>>
        tpu.wait_indirect_dma semaphore(%arg31 : memref<!tpu.dma_semaphore, #tpu.memory_space<semaphore_mem>>) src(%arg15 : memref<128x32xf32, #tpu.memory_space<vmem>>) dst(%dma_wait3A_643 : memref<10240x32xf32, #tpu.memory_space<vmem_shared>>)
        %dma_start3A_644 = arith.constant 0 : i32
        %dma_start3A_645 = tpu.memref_slice %arg8[%add3A_589, %dma_start3A_644] : memref<80x128xi32, #tpu.memory_space<vmem>> -> memref<1x128xi32, #tpu.memory_space<vmem>>
        %dma_start3A_646 = tpu.memref_squeeze %dma_start3A_645 : memref<1x128xi32, #tpu.memory_space<vmem>> -> memref<128xi32, #tpu.memory_space<vmem>>
        %dma_start3A_647 = arith.constant 0 : i32
        %dma_start3A_648 = arith.constant 0 : i32
        %dma_start3A_649 = tpu.memref_slice %arg7[%dma_start3A_647, %dma_start3A_648] : memref<10240x32xf32, #tpu.memory_space<vmem_shared>> -> memref<10240x32xf32, #tpu.memory_space<vmem_shared>>
        tpu.enqueue_indirect_dma source(%dma_start3A_649 : memref<10240x32xf32, #tpu.memory_space<vmem_shared>>) target(%arg15 : memref<128x32xf32, #tpu.memory_space<vmem>>) offsets(%dma_start3A_646 : memref<128xi32, #tpu.memory_space<vmem>>) semaphore(%arg23 : memref<!tpu.dma_semaphore, #tpu.memory_space<semaphore_mem>>)
      } else {
      }
      %add3A_595 = arith.constant 6 : i32
      %add3A_596 = arith.addi %mul3A_471, %add3A_595 : i32
      %dma_wait3A_597 = arith.constant 0 : i32
      %dma_wait3A_598 = tpu.memref_slice %arg8[%add3A_596, %dma_wait3A_597] : memref<80x128xi32, #tpu.memory_space<vmem>> -> memref<1x128xi32, #tpu.memory_space<vmem>>
      %dma_wait3A_599 = tpu.memref_squeeze %dma_wait3A_598 : memref<1x128xi32, #tpu.memory_space<vmem>> -> memref<128xi32, #tpu.memory_space<vmem>>
      %dma_wait3A_600 = arith.constant 0 : i32
      %dma_wait3A_601 = arith.constant 0 : i32
      %dma_wait3A_602 = tpu.memref_slice %arg7[%dma_wait3A_600, %dma_wait3A_601] : memref<10240x32xf32, #tpu.memory_space<vmem_shared>> -> memref<10240x32xf32, #tpu.memory_space<vmem_shared>>
      tpu.wait_indirect_dma semaphore(%arg24 : memref<!tpu.dma_semaphore, #tpu.memory_space<semaphore_mem>>) src(%dma_wait3A_602 : memref<10240x32xf32, #tpu.memory_space<vmem_shared>>) dst(%arg16 : memref<128x32xf32, #tpu.memory_space<vmem>>)
      %dma_start3A_603 = arith.constant 0 : i32
      %dma_start3A_604 = tpu.memref_slice %arg9[%add3A_596, %dma_start3A_603] : memref<80x128xi32, #tpu.memory_space<vmem>> -> memref<1x128xi32, #tpu.memory_space<vmem>>
      %dma_start3A_605 = tpu.memref_squeeze %dma_start3A_604 : memref<1x128xi32, #tpu.memory_space<vmem>> -> memref<128xi32, #tpu.memory_space<vmem>>
      %dma_start3A_606 = arith.constant 0 : i32
      %dma_start3A_607 = arith.constant 0 : i32
      %dma_start3A_608 = tpu.memref_slice %arg6[%dma_start3A_606, %dma_start3A_607] : memref<10240x32xf32, #tpu.memory_space<vmem_shared>> -> memref<10240x32xf32, #tpu.memory_space<vmem_shared>>
      tpu.enqueue_indirect_dma source(%arg16 : memref<128x32xf32, #tpu.memory_space<vmem>>) target(%dma_start3A_608 : memref<10240x32xf32, #tpu.memory_space<vmem_shared>>) offsets(%dma_start3A_605 : memref<128xi32, #tpu.memory_space<vmem>>) semaphore(%arg32 : memref<!tpu.dma_semaphore, #tpu.memory_space<semaphore_mem>>) {add = true}
      %add3A_609 = arith.constant 8 : i32
      %add3A_610 = arith.addi %add3A_596, %add3A_609 : i32
      %lt3A_611 = arith.constant 80 : i32
      %lt3A_612 = arith.cmpi slt, %add3A_610, %lt3A_611 : i32
      %convert_element_type3A_613 = arith.extui %lt3A_612 : i1 to i32
      %cond3A_614 = arith.constant 0 : i32
      %cond3A_615 = arith.cmpi ne, %convert_element_type3A_613, %cond3A_614 : i32
      scf.if %cond3A_615 {
        %dma_wait3A_638 = arith.constant 0 : i32
        %dma_wait3A_639 = tpu.memref_slice %arg9[%add3A_596, %dma_wait3A_638] : memref<80x128xi32, #tpu.memory_space<vmem>> -> memref<1x128xi32, #tpu.memory_space<vmem>>
        %dma_wait3A_640 = tpu.memref_squeeze %dma_wait3A_639 : memref<1x128xi32, #tpu.memory_space<vmem>> -> memref<128xi32, #tpu.memory_space<vmem>>
        %dma_wait3A_641 = arith.constant 0 : i32
        %dma_wait3A_642 = arith.constant 0 : i32
        %dma_wait3A_643 = tpu.memref_slice %arg6[%dma_wait3A_641, %dma_wait3A_642] : memref<10240x32xf32, #tpu.memory_space<vmem_shared>> -> memref<10240x32xf32, #tpu.memory_space<vmem_shared>>
        tpu.wait_indirect_dma semaphore(%arg32 : memref<!tpu.dma_semaphore, #tpu.memory_space<semaphore_mem>>) src(%arg16 : memref<128x32xf32, #tpu.memory_space<vmem>>) dst(%dma_wait3A_643 : memref<10240x32xf32, #tpu.memory_space<vmem_shared>>)
        %dma_start3A_644 = arith.constant 0 : i32
        %dma_start3A_645 = tpu.memref_slice %arg8[%add3A_610, %dma_start3A_644] : memref<80x128xi32, #tpu.memory_space<vmem>> -> memref<1x128xi32, #tpu.memory_space<vmem>>
        %dma_start3A_646 = tpu.memref_squeeze %dma_start3A_645 : memref<1x128xi32, #tpu.memory_space<vmem>> -> memref<128xi32, #tpu.memory_space<vmem>>
        %dma_start3A_647 = arith.constant 0 : i32
        %dma_start3A_648 = arith.constant 0 : i32
        %dma_start3A_649 = tpu.memref_slice %arg7[%dma_start3A_647, %dma_start3A_648] : memref<10240x32xf32, #tpu.memory_space<vmem_shared>> -> memref<10240x32xf32, #tpu.memory_space<vmem_shared>>
        tpu.enqueue_indirect_dma source(%dma_start3A_649 : memref<10240x32xf32, #tpu.memory_space<vmem_shared>>) target(%arg16 : memref<128x32xf32, #tpu.memory_space<vmem>>) offsets(%dma_start3A_646 : memref<128xi32, #tpu.memory_space<vmem>>) semaphore(%arg24 : memref<!tpu.dma_semaphore, #tpu.memory_space<semaphore_mem>>)
      } else {
      }
      %add3A_616 = arith.constant 7 : i32
      %add3A_617 = arith.addi %mul3A_471, %add3A_616 : i32
      %dma_wait3A_618 = arith.constant 0 : i32
      %dma_wait3A_619 = tpu.memref_slice %arg8[%add3A_617, %dma_wait3A_618] : memref<80x128xi32, #tpu.memory_space<vmem>> -> memref<1x128xi32, #tpu.memory_space<vmem>>
      %dma_wait3A_620 = tpu.memref_squeeze %dma_wait3A_619 : memref<1x128xi32, #tpu.memory_space<vmem>> -> memref<128xi32, #tpu.memory_space<vmem>>
      %dma_wait3A_621 = arith.constant 0 : i32
      %dma_wait3A_622 = arith.constant 0 : i32
      %dma_wait3A_623 = tpu.memref_slice %arg7[%dma_wait3A_621, %dma_wait3A_622] : memref<10240x32xf32, #tpu.memory_space<vmem_shared>> -> memref<10240x32xf32, #tpu.memory_space<vmem_shared>>
      tpu.wait_indirect_dma semaphore(%arg25 : memref<!tpu.dma_semaphore, #tpu.memory_space<semaphore_mem>>) src(%dma_wait3A_623 : memref<10240x32xf32, #tpu.memory_space<vmem_shared>>) dst(%arg17 : memref<128x32xf32, #tpu.memory_space<vmem>>)
      %dma_start3A_624 = arith.constant 0 : i32
      %dma_start3A_625 = tpu.memref_slice %arg9[%add3A_617, %dma_start3A_624] : memref<80x128xi32, #tpu.memory_space<vmem>> -> memref<1x128xi32, #tpu.memory_space<vmem>>
      %dma_start3A_626 = tpu.memref_squeeze %dma_start3A_625 : memref<1x128xi32, #tpu.memory_space<vmem>> -> memref<128xi32, #tpu.memory_space<vmem>>
      %dma_start3A_627 = arith.constant 0 : i32
      %dma_start3A_628 = arith.constant 0 : i32
      %dma_start3A_629 = tpu.memref_slice %arg6[%dma_start3A_627, %dma_start3A_628] : memref<10240x32xf32, #tpu.memory_space<vmem_shared>> -> memref<10240x32xf32, #tpu.memory_space<vmem_shared>>
      tpu.enqueue_indirect_dma source(%arg17 : memref<128x32xf32, #tpu.memory_space<vmem>>) target(%dma_start3A_629 : memref<10240x32xf32, #tpu.memory_space<vmem_shared>>) offsets(%dma_start3A_626 : memref<128xi32, #tpu.memory_space<vmem>>) semaphore(%arg33 : memref<!tpu.dma_semaphore, #tpu.memory_space<semaphore_mem>>) {add = true}
      %add3A_630 = arith.constant 8 : i32
      %add3A_631 = arith.addi %add3A_617, %add3A_630 : i32
      %lt3A_632 = arith.constant 80 : i32
      %lt3A_633 = arith.cmpi slt, %add3A_631, %lt3A_632 : i32
      %convert_element_type3A_634 = arith.extui %lt3A_633 : i1 to i32
      %cond3A_635 = arith.constant 0 : i32
      %cond3A_636 = arith.cmpi ne, %convert_element_type3A_634, %cond3A_635 : i32
      scf.if %cond3A_636 {
        %dma_wait3A_638 = arith.constant 0 : i32
        %dma_wait3A_639 = tpu.memref_slice %arg9[%add3A_617, %dma_wait3A_638] : memref<80x128xi32, #tpu.memory_space<vmem>> -> memref<1x128xi32, #tpu.memory_space<vmem>>
        %dma_wait3A_640 = tpu.memref_squeeze %dma_wait3A_639 : memref<1x128xi32, #tpu.memory_space<vmem>> -> memref<128xi32, #tpu.memory_space<vmem>>
        %dma_wait3A_641 = arith.constant 0 : i32
        %dma_wait3A_642 = arith.constant 0 : i32
        %dma_wait3A_643 = tpu.memref_slice %arg6[%dma_wait3A_641, %dma_wait3A_642] : memref<10240x32xf32, #tpu.memory_space<vmem_shared>> -> memref<10240x32xf32, #tpu.memory_space<vmem_shared>>
        tpu.wait_indirect_dma semaphore(%arg33 : memref<!tpu.dma_semaphore, #tpu.memory_space<semaphore_mem>>) src(%arg17 : memref<128x32xf32, #tpu.memory_space<vmem>>) dst(%dma_wait3A_643 : memref<10240x32xf32, #tpu.memory_space<vmem_shared>>)
        %dma_start3A_644 = arith.constant 0 : i32
        %dma_start3A_645 = tpu.memref_slice %arg8[%add3A_631, %dma_start3A_644] : memref<80x128xi32, #tpu.memory_space<vmem>> -> memref<1x128xi32, #tpu.memory_space<vmem>>
        %dma_start3A_646 = tpu.memref_squeeze %dma_start3A_645 : memref<1x128xi32, #tpu.memory_space<vmem>> -> memref<128xi32, #tpu.memory_space<vmem>>
        %dma_start3A_647 = arith.constant 0 : i32
        %dma_start3A_648 = arith.constant 0 : i32
        %dma_start3A_649 = tpu.memref_slice %arg7[%dma_start3A_647, %dma_start3A_648] : memref<10240x32xf32, #tpu.memory_space<vmem_shared>> -> memref<10240x32xf32, #tpu.memory_space<vmem_shared>>
        tpu.enqueue_indirect_dma source(%dma_start3A_649 : memref<10240x32xf32, #tpu.memory_space<vmem_shared>>) target(%arg17 : memref<128x32xf32, #tpu.memory_space<vmem>>) offsets(%dma_start3A_646 : memref<128xi32, #tpu.memory_space<vmem>>) semaphore(%arg25 : memref<!tpu.dma_semaphore, #tpu.memory_space<semaphore_mem>>)
      } else {
      }
      %scan3A_637 = arith.constant 0 : i32
      scf.yield %scan3A_637 : i32
    }
    %scan3A_220 = arith.constant 10 : i32
    %dma_wait3A_221 = arith.constant 72 : i32
    %dma_wait3A_222 = arith.constant 0 : i32
    %dma_wait3A_223 = tpu.memref_slice %arg9[%dma_wait3A_221, %dma_wait3A_222] : memref<80x128xi32, #tpu.memory_space<vmem>> -> memref<1x128xi32, #tpu.memory_space<vmem>>
    %dma_wait3A_224 = tpu.memref_squeeze %dma_wait3A_223 : memref<1x128xi32, #tpu.memory_space<vmem>> -> memref<128xi32, #tpu.memory_space<vmem>>
    %dma_wait3A_225 = arith.constant 0 : i32
    %dma_wait3A_226 = arith.constant 0 : i32
    %dma_wait3A_227 = tpu.memref_slice %arg6[%dma_wait3A_225, %dma_wait3A_226] : memref<10240x32xf32, #tpu.memory_space<vmem_shared>> -> memref<10240x32xf32, #tpu.memory_space<vmem_shared>>
    tpu.wait_indirect_dma semaphore(%arg26 : memref<!tpu.dma_semaphore, #tpu.memory_space<semaphore_mem>>) src(%arg10 : memref<128x32xf32, #tpu.memory_space<vmem>>) dst(%dma_wait3A_227 : memref<10240x32xf32, #tpu.memory_space<vmem_shared>>)
    %dma_wait3A_228 = arith.constant 73 : i32
    %dma_wait3A_229 = arith.constant 0 : i32
    %dma_wait3A_230 = tpu.memref_slice %arg9[%dma_wait3A_228, %dma_wait3A_229] : memref<80x128xi32, #tpu.memory_space<vmem>> -> memref<1x128xi32, #tpu.memory_space<vmem>>
    %dma_wait3A_231 = tpu.memref_squeeze %dma_wait3A_230 : memref<1x128xi32, #tpu.memory_space<vmem>> -> memref<128xi32, #tpu.memory_space<vmem>>
    %dma_wait3A_232 = arith.constant 0 : i32
    %dma_wait3A_233 = arith.constant 0 : i32
    %dma_wait3A_234 = tpu.memref_slice %arg6[%dma_wait3A_232, %dma_wait3A_233] : memref<10240x32xf32, #tpu.memory_space<vmem_shared>> -> memref<10240x32xf32, #tpu.memory_space<vmem_shared>>
    tpu.wait_indirect_dma semaphore(%arg27 : memref<!tpu.dma_semaphore, #tpu.memory_space<semaphore_mem>>) src(%arg11 : memref<128x32xf32, #tpu.memory_space<vmem>>) dst(%dma_wait3A_234 : memref<10240x32xf32, #tpu.memory_space<vmem_shared>>)
    %dma_wait3A_235 = arith.constant 74 : i32
    %dma_wait3A_236 = arith.constant 0 : i32
    %dma_wait3A_237 = tpu.memref_slice %arg9[%dma_wait3A_235, %dma_wait3A_236] : memref<80x128xi32, #tpu.memory_space<vmem>> -> memref<1x128xi32, #tpu.memory_space<vmem>>
    %dma_wait3A_238 = tpu.memref_squeeze %dma_wait3A_237 : memref<1x128xi32, #tpu.memory_space<vmem>> -> memref<128xi32, #tpu.memory_space<vmem>>
    %dma_wait3A_239 = arith.constant 0 : i32
    %dma_wait3A_240 = arith.constant 0 : i32
    %dma_wait3A_241 = tpu.memref_slice %arg6[%dma_wait3A_239, %dma_wait3A_240] : memref<10240x32xf32, #tpu.memory_space<vmem_shared>> -> memref<10240x32xf32, #tpu.memory_space<vmem_shared>>
    tpu.wait_indirect_dma semaphore(%arg28 : memref<!tpu.dma_semaphore, #tpu.memory_space<semaphore_mem>>) src(%arg12 : memref<128x32xf32, #tpu.memory_space<vmem>>) dst(%dma_wait3A_241 : memref<10240x32xf32, #tpu.memory_space<vmem_shared>>)
    %dma_wait3A_242 = arith.constant 75 : i32
    %dma_wait3A_243 = arith.constant 0 : i32
    %dma_wait3A_244 = tpu.memref_slice %arg9[%dma_wait3A_242, %dma_wait3A_243] : memref<80x128xi32, #tpu.memory_space<vmem>> -> memref<1x128xi32, #tpu.memory_space<vmem>>
    %dma_wait3A_245 = tpu.memref_squeeze %dma_wait3A_244 : memref<1x128xi32, #tpu.memory_space<vmem>> -> memref<128xi32, #tpu.memory_space<vmem>>
    %dma_wait3A_246 = arith.constant 0 : i32
    %dma_wait3A_247 = arith.constant 0 : i32
    %dma_wait3A_248 = tpu.memref_slice %arg6[%dma_wait3A_246, %dma_wait3A_247] : memref<10240x32xf32, #tpu.memory_space<vmem_shared>> -> memref<10240x32xf32, #tpu.memory_space<vmem_shared>>
    tpu.wait_indirect_dma semaphore(%arg29 : memref<!tpu.dma_semaphore, #tpu.memory_space<semaphore_mem>>) src(%arg13 : memref<128x32xf32, #tpu.memory_space<vmem>>) dst(%dma_wait3A_248 : memref<10240x32xf32, #tpu.memory_space<vmem_shared>>)
    %dma_wait3A_249 = arith.constant 76 : i32
    %dma_wait3A_250 = arith.constant 0 : i32
    %dma_wait3A_251 = tpu.memref_slice %arg9[%dma_wait3A_249, %dma_wait3A_250] : memref<80x128xi32, #tpu.memory_space<vmem>> -> memref<1x128xi32, #tpu.memory_space<vmem>>
    %dma_wait3A_252 = tpu.memref_squeeze %dma_wait3A_251 : memref<1x128xi32, #tpu.memory_space<vmem>> -> memref<128xi32, #tpu.memory_space<vmem>>
    %dma_wait3A_253 = arith.constant 0 : i32
    %dma_wait3A_254 = arith.constant 0 : i32
    %dma_wait3A_255 = tpu.memref_slice %arg6[%dma_wait3A_253, %dma_wait3A_254] : memref<10240x32xf32, #tpu.memory_space<vmem_shared>> -> memref<10240x32xf32, #tpu.memory_space<vmem_shared>>
    tpu.wait_indirect_dma semaphore(%arg30 : memref<!tpu.dma_semaphore, #tpu.memory_space<semaphore_mem>>) src(%arg14 : memref<128x32xf32, #tpu.memory_space<vmem>>) dst(%dma_wait3A_255 : memref<10240x32xf32, #tpu.memory_space<vmem_shared>>)
    %dma_wait3A_256 = arith.constant 77 : i32
    %dma_wait3A_257 = arith.constant 0 : i32
    %dma_wait3A_258 = tpu.memref_slice %arg9[%dma_wait3A_256, %dma_wait3A_257] : memref<80x128xi32, #tpu.memory_space<vmem>> -> memref<1x128xi32, #tpu.memory_space<vmem>>
    %dma_wait3A_259 = tpu.memref_squeeze %dma_wait3A_258 : memref<1x128xi32, #tpu.memory_space<vmem>> -> memref<128xi32, #tpu.memory_space<vmem>>
    %dma_wait3A_260 = arith.constant 0 : i32
    %dma_wait3A_261 = arith.constant 0 : i32
    %dma_wait3A_262 = tpu.memref_slice %arg6[%dma_wait3A_260, %dma_wait3A_261] : memref<10240x32xf32, #tpu.memory_space<vmem_shared>> -> memref<10240x32xf32, #tpu.memory_space<vmem_shared>>
    tpu.wait_indirect_dma semaphore(%arg31 : memref<!tpu.dma_semaphore, #tpu.memory_space<semaphore_mem>>) src(%arg15 : memref<128x32xf32, #tpu.memory_space<vmem>>) dst(%dma_wait3A_262 : memref<10240x32xf32, #tpu.memory_space<vmem_shared>>)
    %dma_wait3A_263 = arith.constant 78 : i32
    %dma_wait3A_264 = arith.constant 0 : i32
    %dma_wait3A_265 = tpu.memref_slice %arg9[%dma_wait3A_263, %dma_wait3A_264] : memref<80x128xi32, #tpu.memory_space<vmem>> -> memref<1x128xi32, #tpu.memory_space<vmem>>
    %dma_wait3A_266 = tpu.memref_squeeze %dma_wait3A_265 : memref<1x128xi32, #tpu.memory_space<vmem>> -> memref<128xi32, #tpu.memory_space<vmem>>
    %dma_wait3A_267 = arith.constant 0 : i32
    %dma_wait3A_268 = arith.constant 0 : i32
    %dma_wait3A_269 = tpu.memref_slice %arg6[%dma_wait3A_267, %dma_wait3A_268] : memref<10240x32xf32, #tpu.memory_space<vmem_shared>> -> memref<10240x32xf32, #tpu.memory_space<vmem_shared>>
    tpu.wait_indirect_dma semaphore(%arg32 : memref<!tpu.dma_semaphore, #tpu.memory_space<semaphore_mem>>) src(%arg16 : memref<128x32xf32, #tpu.memory_space<vmem>>) dst(%dma_wait3A_269 : memref<10240x32xf32, #tpu.memory_space<vmem_shared>>)
    %dma_wait3A_270 = arith.constant 79 : i32
    %dma_wait3A_271 = arith.constant 0 : i32
    %dma_wait3A_272 = tpu.memref_slice %arg9[%dma_wait3A_270, %dma_wait3A_271] : memref<80x128xi32, #tpu.memory_space<vmem>> -> memref<1x128xi32, #tpu.memory_space<vmem>>
    %dma_wait3A_273 = tpu.memref_squeeze %dma_wait3A_272 : memref<1x128xi32, #tpu.memory_space<vmem>> -> memref<128xi32, #tpu.memory_space<vmem>>
    %dma_wait3A_274 = arith.constant 0 : i32
    %dma_wait3A_275 = arith.constant 0 : i32
    %dma_wait3A_276 = tpu.memref_slice %arg6[%dma_wait3A_274, %dma_wait3A_275] : memref<10240x32xf32, #tpu.memory_space<vmem_shared>> -> memref<10240x32xf32, #tpu.memory_space<vmem_shared>>
    tpu.wait_indirect_dma semaphore(%arg33 : memref<!tpu.dma_semaphore, #tpu.memory_space<semaphore_mem>>) src(%arg17 : memref<128x32xf32, #tpu.memory_space<vmem>>) dst(%dma_wait3A_276 : memref<10240x32xf32, #tpu.memory_space<vmem_shared>>)
    %barrier3A_277 = arith.constant 0 : index
    tpu.barrier barrier_id(%barrier3A_277)
    %add3A_278 = arith.constant 0 : i32
    %add3A_279 = arith.addi %mul3A_2, %add3A_278 : i32
    %dma_start3A_280 = arith.constant 0 : i32
    %dma_start3A_281 = tpu.memref_slice %arg6[%add3A_279, %dma_start3A_280] : memref<10240x32xf32, #tpu.memory_space<vmem_shared>> -> memref<128x32xf32, #tpu.memory_space<vmem_shared>>
    %dma_start3A_282 = arith.constant 0 : i32
    %dma_start3A_283 = tpu.memref_slice %arg6[%add3A_279, %dma_start3A_282] : memref<10240x32xf32, #tpu.memory_space<vmem_shared>> -> memref<128x32xf32, #tpu.memory_space<vmem_shared>>
    tpu.enqueue_dma source(%dma_start3A_283 : memref<128x32xf32, #tpu.memory_space<vmem_shared>>) target(%arg10 : memref<128x32xf32, #tpu.memory_space<vmem>>) target_semaphore(%arg18 : memref<!tpu.dma_semaphore, #tpu.memory_space<semaphore_mem>>)
    %add3A_284 = arith.constant 128 : i32
    %add3A_285 = arith.addi %mul3A_2, %add3A_284 : i32
    %dma_start3A_286 = arith.constant 0 : i32
    %dma_start3A_287 = tpu.memref_slice %arg6[%add3A_285, %dma_start3A_286] : memref<10240x32xf32, #tpu.memory_space<vmem_shared>> -> memref<128x32xf32, #tpu.memory_space<vmem_shared>>
    %dma_start3A_288 = arith.constant 0 : i32
    %dma_start3A_289 = tpu.memref_slice %arg6[%add3A_285, %dma_start3A_288] : memref<10240x32xf32, #tpu.memory_space<vmem_shared>> -> memref<128x32xf32, #tpu.memory_space<vmem_shared>>
    tpu.enqueue_dma source(%dma_start3A_289 : memref<128x32xf32, #tpu.memory_space<vmem_shared>>) target(%arg11 : memref<128x32xf32, #tpu.memory_space<vmem>>) target_semaphore(%arg19 : memref<!tpu.dma_semaphore, #tpu.memory_space<semaphore_mem>>)
    %add3A_290 = arith.constant 256 : i32
    %add3A_291 = arith.addi %mul3A_2, %add3A_290 : i32
    %dma_start3A_292 = arith.constant 0 : i32
    %dma_start3A_293 = tpu.memref_slice %arg6[%add3A_291, %dma_start3A_292] : memref<10240x32xf32, #tpu.memory_space<vmem_shared>> -> memref<128x32xf32, #tpu.memory_space<vmem_shared>>
    %dma_start3A_294 = arith.constant 0 : i32
    %dma_start3A_295 = tpu.memref_slice %arg6[%add3A_291, %dma_start3A_294] : memref<10240x32xf32, #tpu.memory_space<vmem_shared>> -> memref<128x32xf32, #tpu.memory_space<vmem_shared>>
    tpu.enqueue_dma source(%dma_start3A_295 : memref<128x32xf32, #tpu.memory_space<vmem_shared>>) target(%arg12 : memref<128x32xf32, #tpu.memory_space<vmem>>) target_semaphore(%arg20 : memref<!tpu.dma_semaphore, #tpu.memory_space<semaphore_mem>>)
    %add3A_296 = arith.constant 384 : i32
    %add3A_297 = arith.addi %mul3A_2, %add3A_296 : i32
    %dma_start3A_298 = arith.constant 0 : i32
    %dma_start3A_299 = tpu.memref_slice %arg6[%add3A_297, %dma_start3A_298] : memref<10240x32xf32, #tpu.memory_space<vmem_shared>> -> memref<128x32xf32, #tpu.memory_space<vmem_shared>>
    %dma_start3A_300 = arith.constant 0 : i32
    %dma_start3A_301 = tpu.memref_slice %arg6[%add3A_297, %dma_start3A_300] : memref<10240x32xf32, #tpu.memory_space<vmem_shared>> -> memref<128x32xf32, #tpu.memory_space<vmem_shared>>
    tpu.enqueue_dma source(%dma_start3A_301 : memref<128x32xf32, #tpu.memory_space<vmem_shared>>) target(%arg13 : memref<128x32xf32, #tpu.memory_space<vmem>>) target_semaphore(%arg21 : memref<!tpu.dma_semaphore, #tpu.memory_space<semaphore_mem>>)
    %add3A_302 = arith.constant 512 : i32
    %add3A_303 = arith.addi %mul3A_2, %add3A_302 : i32
    %dma_start3A_304 = arith.constant 0 : i32
    %dma_start3A_305 = tpu.memref_slice %arg6[%add3A_303, %dma_start3A_304] : memref<10240x32xf32, #tpu.memory_space<vmem_shared>> -> memref<128x32xf32, #tpu.memory_space<vmem_shared>>
    %dma_start3A_306 = arith.constant 0 : i32
    %dma_start3A_307 = tpu.memref_slice %arg6[%add3A_303, %dma_start3A_306] : memref<10240x32xf32, #tpu.memory_space<vmem_shared>> -> memref<128x32xf32, #tpu.memory_space<vmem_shared>>
    tpu.enqueue_dma source(%dma_start3A_307 : memref<128x32xf32, #tpu.memory_space<vmem_shared>>) target(%arg14 : memref<128x32xf32, #tpu.memory_space<vmem>>) target_semaphore(%arg22 : memref<!tpu.dma_semaphore, #tpu.memory_space<semaphore_mem>>)
    %add3A_308 = arith.constant 0 : i32
    %add3A_309 = arith.addi %mul3A_2, %add3A_308 : i32
    %dma_wait3A_310 = arith.constant 0 : i32
    %dma_wait3A_311 = tpu.memref_slice %arg6[%add3A_309, %dma_wait3A_310] : memref<10240x32xf32, #tpu.memory_space<vmem_shared>> -> memref<128x32xf32, #tpu.memory_space<vmem_shared>>
    %dma_wait3A_312 = arith.constant 0 : i32
    %dma_wait3A_313 = tpu.memref_slice %arg6[%add3A_309, %dma_wait3A_312] : memref<10240x32xf32, #tpu.memory_space<vmem_shared>> -> memref<128x32xf32, #tpu.memory_space<vmem_shared>>
    tpu.wait_dma2 semaphore(%arg18 : memref<!tpu.dma_semaphore, #tpu.memory_space<semaphore_mem>>) src(%dma_wait3A_313 : memref<128x32xf32, #tpu.memory_space<vmem_shared>>) dst(%arg10 : memref<128x32xf32, #tpu.memory_space<vmem>>)
    %dma_start3A_314 = arith.constant 0 : i32
    %dma_start3A_315 = arith.constant 0 : i32
    %dma_start3A_316 = tpu.memref_slice %arg5[%arg0, %dma_start3A_314, %dma_start3A_315] : memref<2x10240x32xf32, #tpu.memory_space<hbm>> -> memref<1x10240x32xf32, #tpu.memory_space<hbm>>
    %dma_start3A_317 = tpu.memref_squeeze %dma_start3A_316 : memref<1x10240x32xf32, #tpu.memory_space<hbm>> -> memref<10240x32xf32, #tpu.memory_space<hbm>>
    %dma_start3A_318 = arith.constant 0 : i32
    %dma_start3A_319 = tpu.memref_slice %dma_start3A_317[%add3A_309, %dma_start3A_318] : memref<10240x32xf32, #tpu.memory_space<hbm>> -> memref<128x32xf32, #tpu.memory_space<hbm>>
    %dma_start3A_320 = arith.constant 0 : i32
    %dma_start3A_321 = arith.constant 0 : i32
    %dma_start3A_322 = tpu.memref_slice %arg5[%arg0, %dma_start3A_320, %dma_start3A_321] : memref<2x10240x32xf32, #tpu.memory_space<hbm>> -> memref<1x10240x32xf32, #tpu.memory_space<hbm>>
    %dma_start3A_323 = tpu.memref_squeeze %dma_start3A_322 : memref<1x10240x32xf32, #tpu.memory_space<hbm>> -> memref<10240x32xf32, #tpu.memory_space<hbm>>
    %dma_start3A_324 = arith.constant 0 : i32
    %dma_start3A_325 = tpu.memref_slice %dma_start3A_323[%add3A_309, %dma_start3A_324] : memref<10240x32xf32, #tpu.memory_space<hbm>> -> memref<128x32xf32, #tpu.memory_space<hbm>>
    tpu.enqueue_dma source(%arg10 : memref<128x32xf32, #tpu.memory_space<vmem>>) target(%dma_start3A_325 : memref<128x32xf32, #tpu.memory_space<hbm>>) target_semaphore(%arg26 : memref<!tpu.dma_semaphore, #tpu.memory_space<semaphore_mem>>)
    %add3A_326 = arith.constant 128 : i32
    %add3A_327 = arith.addi %mul3A_2, %add3A_326 : i32
    %dma_wait3A_328 = arith.constant 0 : i32
    %dma_wait3A_329 = tpu.memref_slice %arg6[%add3A_327, %dma_wait3A_328] : memref<10240x32xf32, #tpu.memory_space<vmem_shared>> -> memref<128x32xf32, #tpu.memory_space<vmem_shared>>
    %dma_wait3A_330 = arith.constant 0 : i32
    %dma_wait3A_331 = tpu.memref_slice %arg6[%add3A_327, %dma_wait3A_330] : memref<10240x32xf32, #tpu.memory_space<vmem_shared>> -> memref<128x32xf32, #tpu.memory_space<vmem_shared>>
    tpu.wait_dma2 semaphore(%arg19 : memref<!tpu.dma_semaphore, #tpu.memory_space<semaphore_mem>>) src(%dma_wait3A_331 : memref<128x32xf32, #tpu.memory_space<vmem_shared>>) dst(%arg11 : memref<128x32xf32, #tpu.memory_space<vmem>>)
    %dma_start3A_332 = arith.constant 0 : i32
    %dma_start3A_333 = arith.constant 0 : i32
    %dma_start3A_334 = tpu.memref_slice %arg5[%arg0, %dma_start3A_332, %dma_start3A_333] : memref<2x10240x32xf32, #tpu.memory_space<hbm>> -> memref<1x10240x32xf32, #tpu.memory_space<hbm>>
    %dma_start3A_335 = tpu.memref_squeeze %dma_start3A_334 : memref<1x10240x32xf32, #tpu.memory_space<hbm>> -> memref<10240x32xf32, #tpu.memory_space<hbm>>
    %dma_start3A_336 = arith.constant 0 : i32
    %dma_start3A_337 = tpu.memref_slice %dma_start3A_335[%add3A_327, %dma_start3A_336] : memref<10240x32xf32, #tpu.memory_space<hbm>> -> memref<128x32xf32, #tpu.memory_space<hbm>>
    %dma_start3A_338 = arith.constant 0 : i32
    %dma_start3A_339 = arith.constant 0 : i32
    %dma_start3A_340 = tpu.memref_slice %arg5[%arg0, %dma_start3A_338, %dma_start3A_339] : memref<2x10240x32xf32, #tpu.memory_space<hbm>> -> memref<1x10240x32xf32, #tpu.memory_space<hbm>>
    %dma_start3A_341 = tpu.memref_squeeze %dma_start3A_340 : memref<1x10240x32xf32, #tpu.memory_space<hbm>> -> memref<10240x32xf32, #tpu.memory_space<hbm>>
    %dma_start3A_342 = arith.constant 0 : i32
    %dma_start3A_343 = tpu.memref_slice %dma_start3A_341[%add3A_327, %dma_start3A_342] : memref<10240x32xf32, #tpu.memory_space<hbm>> -> memref<128x32xf32, #tpu.memory_space<hbm>>
    tpu.enqueue_dma source(%arg11 : memref<128x32xf32, #tpu.memory_space<vmem>>) target(%dma_start3A_343 : memref<128x32xf32, #tpu.memory_space<hbm>>) target_semaphore(%arg27 : memref<!tpu.dma_semaphore, #tpu.memory_space<semaphore_mem>>)
    %add3A_344 = arith.constant 256 : i32
    %add3A_345 = arith.addi %mul3A_2, %add3A_344 : i32
    %dma_wait3A_346 = arith.constant 0 : i32
    %dma_wait3A_347 = tpu.memref_slice %arg6[%add3A_345, %dma_wait3A_346] : memref<10240x32xf32, #tpu.memory_space<vmem_shared>> -> memref<128x32xf32, #tpu.memory_space<vmem_shared>>
    %dma_wait3A_348 = arith.constant 0 : i32
    %dma_wait3A_349 = tpu.memref_slice %arg6[%add3A_345, %dma_wait3A_348] : memref<10240x32xf32, #tpu.memory_space<vmem_shared>> -> memref<128x32xf32, #tpu.memory_space<vmem_shared>>
    tpu.wait_dma2 semaphore(%arg20 : memref<!tpu.dma_semaphore, #tpu.memory_space<semaphore_mem>>) src(%dma_wait3A_349 : memref<128x32xf32, #tpu.memory_space<vmem_shared>>) dst(%arg12 : memref<128x32xf32, #tpu.memory_space<vmem>>)
    %dma_start3A_350 = arith.constant 0 : i32
    %dma_start3A_351 = arith.constant 0 : i32
    %dma_start3A_352 = tpu.memref_slice %arg5[%arg0, %dma_start3A_350, %dma_start3A_351] : memref<2x10240x32xf32, #tpu.memory_space<hbm>> -> memref<1x10240x32xf32, #tpu.memory_space<hbm>>
    %dma_start3A_353 = tpu.memref_squeeze %dma_start3A_352 : memref<1x10240x32xf32, #tpu.memory_space<hbm>> -> memref<10240x32xf32, #tpu.memory_space<hbm>>
    %dma_start3A_354 = arith.constant 0 : i32
    %dma_start3A_355 = tpu.memref_slice %dma_start3A_353[%add3A_345, %dma_start3A_354] : memref<10240x32xf32, #tpu.memory_space<hbm>> -> memref<128x32xf32, #tpu.memory_space<hbm>>
    %dma_start3A_356 = arith.constant 0 : i32
    %dma_start3A_357 = arith.constant 0 : i32
    %dma_start3A_358 = tpu.memref_slice %arg5[%arg0, %dma_start3A_356, %dma_start3A_357] : memref<2x10240x32xf32, #tpu.memory_space<hbm>> -> memref<1x10240x32xf32, #tpu.memory_space<hbm>>
    %dma_start3A_359 = tpu.memref_squeeze %dma_start3A_358 : memref<1x10240x32xf32, #tpu.memory_space<hbm>> -> memref<10240x32xf32, #tpu.memory_space<hbm>>
    %dma_start3A_360 = arith.constant 0 : i32
    %dma_start3A_361 = tpu.memref_slice %dma_start3A_359[%add3A_345, %dma_start3A_360] : memref<10240x32xf32, #tpu.memory_space<hbm>> -> memref<128x32xf32, #tpu.memory_space<hbm>>
    tpu.enqueue_dma source(%arg12 : memref<128x32xf32, #tpu.memory_space<vmem>>) target(%dma_start3A_361 : memref<128x32xf32, #tpu.memory_space<hbm>>) target_semaphore(%arg28 : memref<!tpu.dma_semaphore, #tpu.memory_space<semaphore_mem>>)
    %add3A_362 = arith.constant 384 : i32
    %add3A_363 = arith.addi %mul3A_2, %add3A_362 : i32
    %dma_wait3A_364 = arith.constant 0 : i32
    %dma_wait3A_365 = tpu.memref_slice %arg6[%add3A_363, %dma_wait3A_364] : memref<10240x32xf32, #tpu.memory_space<vmem_shared>> -> memref<128x32xf32, #tpu.memory_space<vmem_shared>>
    %dma_wait3A_366 = arith.constant 0 : i32
    %dma_wait3A_367 = tpu.memref_slice %arg6[%add3A_363, %dma_wait3A_366] : memref<10240x32xf32, #tpu.memory_space<vmem_shared>> -> memref<128x32xf32, #tpu.memory_space<vmem_shared>>
    tpu.wait_dma2 semaphore(%arg21 : memref<!tpu.dma_semaphore, #tpu.memory_space<semaphore_mem>>) src(%dma_wait3A_367 : memref<128x32xf32, #tpu.memory_space<vmem_shared>>) dst(%arg13 : memref<128x32xf32, #tpu.memory_space<vmem>>)
    %dma_start3A_368 = arith.constant 0 : i32
    %dma_start3A_369 = arith.constant 0 : i32
    %dma_start3A_370 = tpu.memref_slice %arg5[%arg0, %dma_start3A_368, %dma_start3A_369] : memref<2x10240x32xf32, #tpu.memory_space<hbm>> -> memref<1x10240x32xf32, #tpu.memory_space<hbm>>
    %dma_start3A_371 = tpu.memref_squeeze %dma_start3A_370 : memref<1x10240x32xf32, #tpu.memory_space<hbm>> -> memref<10240x32xf32, #tpu.memory_space<hbm>>
    %dma_start3A_372 = arith.constant 0 : i32
    %dma_start3A_373 = tpu.memref_slice %dma_start3A_371[%add3A_363, %dma_start3A_372] : memref<10240x32xf32, #tpu.memory_space<hbm>> -> memref<128x32xf32, #tpu.memory_space<hbm>>
    %dma_start3A_374 = arith.constant 0 : i32
    %dma_start3A_375 = arith.constant 0 : i32
    %dma_start3A_376 = tpu.memref_slice %arg5[%arg0, %dma_start3A_374, %dma_start3A_375] : memref<2x10240x32xf32, #tpu.memory_space<hbm>> -> memref<1x10240x32xf32, #tpu.memory_space<hbm>>
    %dma_start3A_377 = tpu.memref_squeeze %dma_start3A_376 : memref<1x10240x32xf32, #tpu.memory_space<hbm>> -> memref<10240x32xf32, #tpu.memory_space<hbm>>
    %dma_start3A_378 = arith.constant 0 : i32
    %dma_start3A_379 = tpu.memref_slice %dma_start3A_377[%add3A_363, %dma_start3A_378] : memref<10240x32xf32, #tpu.memory_space<hbm>> -> memref<128x32xf32, #tpu.memory_space<hbm>>
    tpu.enqueue_dma source(%arg13 : memref<128x32xf32, #tpu.memory_space<vmem>>) target(%dma_start3A_379 : memref<128x32xf32, #tpu.memory_space<hbm>>) target_semaphore(%arg29 : memref<!tpu.dma_semaphore, #tpu.memory_space<semaphore_mem>>)
    %add3A_380 = arith.constant 512 : i32
    %add3A_381 = arith.addi %mul3A_2, %add3A_380 : i32
    %dma_wait3A_382 = arith.constant 0 : i32
    %dma_wait3A_383 = tpu.memref_slice %arg6[%add3A_381, %dma_wait3A_382] : memref<10240x32xf32, #tpu.memory_space<vmem_shared>> -> memref<128x32xf32, #tpu.memory_space<vmem_shared>>
    %dma_wait3A_384 = arith.constant 0 : i32
    %dma_wait3A_385 = tpu.memref_slice %arg6[%add3A_381, %dma_wait3A_384] : memref<10240x32xf32, #tpu.memory_space<vmem_shared>> -> memref<128x32xf32, #tpu.memory_space<vmem_shared>>
    tpu.wait_dma2 semaphore(%arg22 : memref<!tpu.dma_semaphore, #tpu.memory_space<semaphore_mem>>) src(%dma_wait3A_385 : memref<128x32xf32, #tpu.memory_space<vmem_shared>>) dst(%arg14 : memref<128x32xf32, #tpu.memory_space<vmem>>)
    %dma_start3A_386 = arith.constant 0 : i32
    %dma_start3A_387 = arith.constant 0 : i32
    %dma_start3A_388 = tpu.memref_slice %arg5[%arg0, %dma_start3A_386, %dma_start3A_387] : memref<2x10240x32xf32, #tpu.memory_space<hbm>> -> memref<1x10240x32xf32, #tpu.memory_space<hbm>>
    %dma_start3A_389 = tpu.memref_squeeze %dma_start3A_388 : memref<1x10240x32xf32, #tpu.memory_space<hbm>> -> memref<10240x32xf32, #tpu.memory_space<hbm>>
    %dma_start3A_390 = arith.constant 0 : i32
    %dma_start3A_391 = tpu.memref_slice %dma_start3A_389[%add3A_381, %dma_start3A_390] : memref<10240x32xf32, #tpu.memory_space<hbm>> -> memref<128x32xf32, #tpu.memory_space<hbm>>
    %dma_start3A_392 = arith.constant 0 : i32
    %dma_start3A_393 = arith.constant 0 : i32
    %dma_start3A_394 = tpu.memref_slice %arg5[%arg0, %dma_start3A_392, %dma_start3A_393] : memref<2x10240x32xf32, #tpu.memory_space<hbm>> -> memref<1x10240x32xf32, #tpu.memory_space<hbm>>
    %dma_start3A_395 = tpu.memref_squeeze %dma_start3A_394 : memref<1x10240x32xf32, #tpu.memory_space<hbm>> -> memref<10240x32xf32, #tpu.memory_space<hbm>>
    %dma_start3A_396 = arith.constant 0 : i32
    %dma_start3A_397 = tpu.memref_slice %dma_start3A_395[%add3A_381, %dma_start3A_396] : memref<10240x32xf32, #tpu.memory_space<hbm>> -> memref<128x32xf32, #tpu.memory_space<hbm>>
    tpu.enqueue_dma source(%arg14 : memref<128x32xf32, #tpu.memory_space<vmem>>) target(%dma_start3A_397 : memref<128x32xf32, #tpu.memory_space<hbm>>) target_semaphore(%arg30 : memref<!tpu.dma_semaphore, #tpu.memory_space<semaphore_mem>>)
    %add3A_398 = arith.constant 0 : i32
    %add3A_399 = arith.addi %mul3A_2, %add3A_398 : i32
    %dma_wait3A_400 = arith.constant 0 : i32
    %dma_wait3A_401 = arith.constant 0 : i32
    %dma_wait3A_402 = tpu.memref_slice %arg5[%arg0, %dma_wait3A_400, %dma_wait3A_401] : memref<2x10240x32xf32, #tpu.memory_space<hbm>> -> memref<1x10240x32xf32, #tpu.memory_space<hbm>>
    %dma_wait3A_403 = tpu.memref_squeeze %dma_wait3A_402 : memref<1x10240x32xf32, #tpu.memory_space<hbm>> -> memref<10240x32xf32, #tpu.memory_space<hbm>>
    %dma_wait3A_404 = arith.constant 0 : i32
    %dma_wait3A_405 = tpu.memref_slice %dma_wait3A_403[%add3A_399, %dma_wait3A_404] : memref<10240x32xf32, #tpu.memory_space<hbm>> -> memref<128x32xf32, #tpu.memory_space<hbm>>
    %dma_wait3A_406 = arith.constant 0 : i32
    %dma_wait3A_407 = arith.constant 0 : i32
    %dma_wait3A_408 = tpu.memref_slice %arg5[%arg0, %dma_wait3A_406, %dma_wait3A_407] : memref<2x10240x32xf32, #tpu.memory_space<hbm>> -> memref<1x10240x32xf32, #tpu.memory_space<hbm>>
    %dma_wait3A_409 = tpu.memref_squeeze %dma_wait3A_408 : memref<1x10240x32xf32, #tpu.memory_space<hbm>> -> memref<10240x32xf32, #tpu.memory_space<hbm>>
    %dma_wait3A_410 = arith.constant 0 : i32
    %dma_wait3A_411 = tpu.memref_slice %dma_wait3A_409[%add3A_399, %dma_wait3A_410] : memref<10240x32xf32, #tpu.memory_space<hbm>> -> memref<128x32xf32, #tpu.memory_space<hbm>>
    tpu.wait_dma2 semaphore(%arg26 : memref<!tpu.dma_semaphore, #tpu.memory_space<semaphore_mem>>) src(%arg10 : memref<128x32xf32, #tpu.memory_space<vmem>>) dst(%dma_wait3A_411 : memref<128x32xf32, #tpu.memory_space<hbm>>)
    %add3A_412 = arith.constant 128 : i32
    %add3A_413 = arith.addi %mul3A_2, %add3A_412 : i32
    %dma_wait3A_414 = arith.constant 0 : i32
    %dma_wait3A_415 = arith.constant 0 : i32
    %dma_wait3A_416 = tpu.memref_slice %arg5[%arg0, %dma_wait3A_414, %dma_wait3A_415] : memref<2x10240x32xf32, #tpu.memory_space<hbm>> -> memref<1x10240x32xf32, #tpu.memory_space<hbm>>
    %dma_wait3A_417 = tpu.memref_squeeze %dma_wait3A_416 : memref<1x10240x32xf32, #tpu.memory_space<hbm>> -> memref<10240x32xf32, #tpu.memory_space<hbm>>
    %dma_wait3A_418 = arith.constant 0 : i32
    %dma_wait3A_419 = tpu.memref_slice %dma_wait3A_417[%add3A_413, %dma_wait3A_418] : memref<10240x32xf32, #tpu.memory_space<hbm>> -> memref<128x32xf32, #tpu.memory_space<hbm>>
    %dma_wait3A_420 = arith.constant 0 : i32
    %dma_wait3A_421 = arith.constant 0 : i32
    %dma_wait3A_422 = tpu.memref_slice %arg5[%arg0, %dma_wait3A_420, %dma_wait3A_421] : memref<2x10240x32xf32, #tpu.memory_space<hbm>> -> memref<1x10240x32xf32, #tpu.memory_space<hbm>>
    %dma_wait3A_423 = tpu.memref_squeeze %dma_wait3A_422 : memref<1x10240x32xf32, #tpu.memory_space<hbm>> -> memref<10240x32xf32, #tpu.memory_space<hbm>>
    %dma_wait3A_424 = arith.constant 0 : i32
    %dma_wait3A_425 = tpu.memref_slice %dma_wait3A_423[%add3A_413, %dma_wait3A_424] : memref<10240x32xf32, #tpu.memory_space<hbm>> -> memref<128x32xf32, #tpu.memory_space<hbm>>
    tpu.wait_dma2 semaphore(%arg27 : memref<!tpu.dma_semaphore, #tpu.memory_space<semaphore_mem>>) src(%arg11 : memref<128x32xf32, #tpu.memory_space<vmem>>) dst(%dma_wait3A_425 : memref<128x32xf32, #tpu.memory_space<hbm>>)
    %add3A_426 = arith.constant 256 : i32
    %add3A_427 = arith.addi %mul3A_2, %add3A_426 : i32
    %dma_wait3A_428 = arith.constant 0 : i32
    %dma_wait3A_429 = arith.constant 0 : i32
    %dma_wait3A_430 = tpu.memref_slice %arg5[%arg0, %dma_wait3A_428, %dma_wait3A_429] : memref<2x10240x32xf32, #tpu.memory_space<hbm>> -> memref<1x10240x32xf32, #tpu.memory_space<hbm>>
    %dma_wait3A_431 = tpu.memref_squeeze %dma_wait3A_430 : memref<1x10240x32xf32, #tpu.memory_space<hbm>> -> memref<10240x32xf32, #tpu.memory_space<hbm>>
    %dma_wait3A_432 = arith.constant 0 : i32
    %dma_wait3A_433 = tpu.memref_slice %dma_wait3A_431[%add3A_427, %dma_wait3A_432] : memref<10240x32xf32, #tpu.memory_space<hbm>> -> memref<128x32xf32, #tpu.memory_space<hbm>>
    %dma_wait3A_434 = arith.constant 0 : i32
    %dma_wait3A_435 = arith.constant 0 : i32
    %dma_wait3A_436 = tpu.memref_slice %arg5[%arg0, %dma_wait3A_434, %dma_wait3A_435] : memref<2x10240x32xf32, #tpu.memory_space<hbm>> -> memref<1x10240x32xf32, #tpu.memory_space<hbm>>
    %dma_wait3A_437 = tpu.memref_squeeze %dma_wait3A_436 : memref<1x10240x32xf32, #tpu.memory_space<hbm>> -> memref<10240x32xf32, #tpu.memory_space<hbm>>
    %dma_wait3A_438 = arith.constant 0 : i32
    %dma_wait3A_439 = tpu.memref_slice %dma_wait3A_437[%add3A_427, %dma_wait3A_438] : memref<10240x32xf32, #tpu.memory_space<hbm>> -> memref<128x32xf32, #tpu.memory_space<hbm>>
    tpu.wait_dma2 semaphore(%arg28 : memref<!tpu.dma_semaphore, #tpu.memory_space<semaphore_mem>>) src(%arg12 : memref<128x32xf32, #tpu.memory_space<vmem>>) dst(%dma_wait3A_439 : memref<128x32xf32, #tpu.memory_space<hbm>>)
    %add3A_440 = arith.constant 384 : i32
    %add3A_441 = arith.addi %mul3A_2, %add3A_440 : i32
    %dma_wait3A_442 = arith.constant 0 : i32
    %dma_wait3A_443 = arith.constant 0 : i32
    %dma_wait3A_444 = tpu.memref_slice %arg5[%arg0, %dma_wait3A_442, %dma_wait3A_443] : memref<2x10240x32xf32, #tpu.memory_space<hbm>> -> memref<1x10240x32xf32, #tpu.memory_space<hbm>>
    %dma_wait3A_445 = tpu.memref_squeeze %dma_wait3A_444 : memref<1x10240x32xf32, #tpu.memory_space<hbm>> -> memref<10240x32xf32, #tpu.memory_space<hbm>>
    %dma_wait3A_446 = arith.constant 0 : i32
    %dma_wait3A_447 = tpu.memref_slice %dma_wait3A_445[%add3A_441, %dma_wait3A_446] : memref<10240x32xf32, #tpu.memory_space<hbm>> -> memref<128x32xf32, #tpu.memory_space<hbm>>
    %dma_wait3A_448 = arith.constant 0 : i32
    %dma_wait3A_449 = arith.constant 0 : i32
    %dma_wait3A_450 = tpu.memref_slice %arg5[%arg0, %dma_wait3A_448, %dma_wait3A_449] : memref<2x10240x32xf32, #tpu.memory_space<hbm>> -> memref<1x10240x32xf32, #tpu.memory_space<hbm>>
    %dma_wait3A_451 = tpu.memref_squeeze %dma_wait3A_450 : memref<1x10240x32xf32, #tpu.memory_space<hbm>> -> memref<10240x32xf32, #tpu.memory_space<hbm>>
    %dma_wait3A_452 = arith.constant 0 : i32
    %dma_wait3A_453 = tpu.memref_slice %dma_wait3A_451[%add3A_441, %dma_wait3A_452] : memref<10240x32xf32, #tpu.memory_space<hbm>> -> memref<128x32xf32, #tpu.memory_space<hbm>>
    tpu.wait_dma2 semaphore(%arg29 : memref<!tpu.dma_semaphore, #tpu.memory_space<semaphore_mem>>) src(%arg13 : memref<128x32xf32, #tpu.memory_space<vmem>>) dst(%dma_wait3A_453 : memref<128x32xf32, #tpu.memory_space<hbm>>)
    %add3A_454 = arith.constant 512 : i32
    %add3A_455 = arith.addi %mul3A_2, %add3A_454 : i32
    %dma_wait3A_456 = arith.constant 0 : i32
    %dma_wait3A_457 = arith.constant 0 : i32
    %dma_wait3A_458 = tpu.memref_slice %arg5[%arg0, %dma_wait3A_456, %dma_wait3A_457] : memref<2x10240x32xf32, #tpu.memory_space<hbm>> -> memref<1x10240x32xf32, #tpu.memory_space<hbm>>
    %dma_wait3A_459 = tpu.memref_squeeze %dma_wait3A_458 : memref<1x10240x32xf32, #tpu.memory_space<hbm>> -> memref<10240x32xf32, #tpu.memory_space<hbm>>
    %dma_wait3A_460 = arith.constant 0 : i32
    %dma_wait3A_461 = tpu.memref_slice %dma_wait3A_459[%add3A_455, %dma_wait3A_460] : memref<10240x32xf32, #tpu.memory_space<hbm>> -> memref<128x32xf32, #tpu.memory_space<hbm>>
    %dma_wait3A_462 = arith.constant 0 : i32
    %dma_wait3A_463 = arith.constant 0 : i32
    %dma_wait3A_464 = tpu.memref_slice %arg5[%arg0, %dma_wait3A_462, %dma_wait3A_463] : memref<2x10240x32xf32, #tpu.memory_space<hbm>> -> memref<1x10240x32xf32, #tpu.memory_space<hbm>>
    %dma_wait3A_465 = tpu.memref_squeeze %dma_wait3A_464 : memref<1x10240x32xf32, #tpu.memory_space<hbm>> -> memref<10240x32xf32, #tpu.memory_space<hbm>>
    %dma_wait3A_466 = arith.constant 0 : i32
    %dma_wait3A_467 = tpu.memref_slice %dma_wait3A_465[%add3A_455, %dma_wait3A_466] : memref<10240x32xf32, #tpu.memory_space<hbm>> -> memref<128x32xf32, #tpu.memory_space<hbm>>
    tpu.wait_dma2 semaphore(%arg30 : memref<!tpu.dma_semaphore, #tpu.memory_space<semaphore_mem>>) src(%arg14 : memref<128x32xf32, #tpu.memory_space<vmem>>) dst(%dma_wait3A_467 : memref<128x32xf32, #tpu.memory_space<hbm>>)
    return
  }
}

#map = affine_map<(d0, d1) -> (0, 0, 0)>
#map1 = affine_map<(d0, d1) -> (0, 0)>
module attributes {stable_mosaic.version = 14 : i64} {
  func.func @deg_kernel(%arg0: i32, %arg1: i32, %arg2: memref<32x80x128xi32, #tpu.memory_space<hbm>>, %arg3: memref<2x10240xf32, #tpu.memory_space<hbm>>, %arg4: memref<10240xf32, #tpu.memory_space<vmem_shared>>, %arg5: memref<80x128xi32, #tpu.memory_space<vmem>>, %arg6: memref<128xf32, #tpu.memory_space<vmem>>, %arg7: memref<128xf32, #tpu.memory_space<vmem>>) attributes {dimension_semantics = [#tpu.dimension_semantics<core_parallel>, #tpu.dimension_semantics<subcore_parallel>], iteration_bounds = array<i64: 2, 16>, scalar_prefetch = 0 : i64, scratch_operands = 4 : i64, tpu.core_type = #tpu.core_type<sc_vector_subcore>, window_params = [{transform_indices = #map}, {transform_indices = #map1}]} {
    %mul3A = arith.constant 16 : i32
    %mul3A_0 = arith.muli %arg0, %mul3A : i32
    %add3A = arith.addi %mul3A_0, %arg1 : i32
    %broadcast_in_dim3A = arith.constant 1.000000e+00 : f32
    %broadcast_in_dim3A_1 = vector.broadcast %broadcast_in_dim3A : f32 to vector<16xf32>
    %swap3A = arith.constant 0 : index
    %swap3A_2 = tpu.vector_load %arg6[%swap3A] {strides = array<i32>} : memref<128xf32, #tpu.memory_space<vmem>>, vector<16xf32>,
    %swap3A_3 = vector.shape_cast %swap3A_2 : vector<16xf32> to vector<16xf32>
    %swap3A_4 = vector.shape_cast %broadcast_in_dim3A_1 : vector<16xf32> to vector<16xf32>
    tpu.vector_store %arg6[%swap3A], %swap3A_4 {strides = array<i32>} : memref<128xf32, #tpu.memory_space<vmem>>, vector<16xf32>,
    %swap3A_5 = arith.constant 16 : index
    %swap3A_6 = tpu.vector_load %arg6[%swap3A_5] {strides = array<i32>} : memref<128xf32, #tpu.memory_space<vmem>>, vector<16xf32>,
    %swap3A_7 = vector.shape_cast %swap3A_6 : vector<16xf32> to vector<16xf32>
    %swap3A_8 = vector.shape_cast %broadcast_in_dim3A_1 : vector<16xf32> to vector<16xf32>
    tpu.vector_store %arg6[%swap3A_5], %swap3A_8 {strides = array<i32>} : memref<128xf32, #tpu.memory_space<vmem>>, vector<16xf32>,
    %swap3A_9 = arith.constant 32 : index
    %swap3A_10 = tpu.vector_load %arg6[%swap3A_9] {strides = array<i32>} : memref<128xf32, #tpu.memory_space<vmem>>, vector<16xf32>,
    %swap3A_11 = vector.shape_cast %swap3A_10 : vector<16xf32> to vector<16xf32>
    %swap3A_12 = vector.shape_cast %broadcast_in_dim3A_1 : vector<16xf32> to vector<16xf32>
    tpu.vector_store %arg6[%swap3A_9], %swap3A_12 {strides = array<i32>} : memref<128xf32, #tpu.memory_space<vmem>>, vector<16xf32>,
    %swap3A_13 = arith.constant 48 : index
    %swap3A_14 = tpu.vector_load %arg6[%swap3A_13] {strides = array<i32>} : memref<128xf32, #tpu.memory_space<vmem>>, vector<16xf32>,
    %swap3A_15 = vector.shape_cast %swap3A_14 : vector<16xf32> to vector<16xf32>
    %swap3A_16 = vector.shape_cast %broadcast_in_dim3A_1 : vector<16xf32> to vector<16xf32>
    tpu.vector_store %arg6[%swap3A_13], %swap3A_16 {strides = array<i32>} : memref<128xf32, #tpu.memory_space<vmem>>, vector<16xf32>,
    %swap3A_17 = arith.constant 64 : index
    %swap3A_18 = tpu.vector_load %arg6[%swap3A_17] {strides = array<i32>} : memref<128xf32, #tpu.memory_space<vmem>>, vector<16xf32>,
    %swap3A_19 = vector.shape_cast %swap3A_18 : vector<16xf32> to vector<16xf32>
    %swap3A_20 = vector.shape_cast %broadcast_in_dim3A_1 : vector<16xf32> to vector<16xf32>
    tpu.vector_store %arg6[%swap3A_17], %swap3A_20 {strides = array<i32>} : memref<128xf32, #tpu.memory_space<vmem>>, vector<16xf32>,
    %swap3A_21 = arith.constant 80 : index
    %swap3A_22 = tpu.vector_load %arg6[%swap3A_21] {strides = array<i32>} : memref<128xf32, #tpu.memory_space<vmem>>, vector<16xf32>,
    %swap3A_23 = vector.shape_cast %swap3A_22 : vector<16xf32> to vector<16xf32>
    %swap3A_24 = vector.shape_cast %broadcast_in_dim3A_1 : vector<16xf32> to vector<16xf32>
    tpu.vector_store %arg6[%swap3A_21], %swap3A_24 {strides = array<i32>} : memref<128xf32, #tpu.memory_space<vmem>>, vector<16xf32>,
    %swap3A_25 = arith.constant 96 : index
    %swap3A_26 = tpu.vector_load %arg6[%swap3A_25] {strides = array<i32>} : memref<128xf32, #tpu.memory_space<vmem>>, vector<16xf32>,
    %swap3A_27 = vector.shape_cast %swap3A_26 : vector<16xf32> to vector<16xf32>
    %swap3A_28 = vector.shape_cast %broadcast_in_dim3A_1 : vector<16xf32> to vector<16xf32>
    tpu.vector_store %arg6[%swap3A_25], %swap3A_28 {strides = array<i32>} : memref<128xf32, #tpu.memory_space<vmem>>, vector<16xf32>,
    %swap3A_29 = arith.constant 112 : index
    %swap3A_30 = tpu.vector_load %arg6[%swap3A_29] {strides = array<i32>} : memref<128xf32, #tpu.memory_space<vmem>>, vector<16xf32>,
    %swap3A_31 = vector.shape_cast %swap3A_30 : vector<16xf32> to vector<16xf32>
    %swap3A_32 = vector.shape_cast %broadcast_in_dim3A_1 : vector<16xf32> to vector<16xf32>
    tpu.vector_store %arg6[%swap3A_29], %swap3A_32 {strides = array<i32>} : memref<128xf32, #tpu.memory_space<vmem>>, vector<16xf32>,
    %broadcast_in_dim3A_33 = arith.constant 0.000000e+00 : f32
    %broadcast_in_dim3A_34 = vector.broadcast %broadcast_in_dim3A_33 : f32 to vector<16xf32>
    %scan3A = arith.constant 0 : i32
    %scan3A_35 = arith.constant 0 : i32
    %mul3A_36 = arith.constant 128 : i32
    %mul3A_37 = arith.muli %scan3A_35, %mul3A_36 : i32
    %add3A_38 = arith.constant 0 : i32
    %add3A_39 = arith.addi %mul3A_37, %add3A_38 : i32
    %swap3A_40 = arith.index_cast %add3A_39 : i32 to index
    %swap3A_41 = tpu.vector_load %arg7[%swap3A_40] {strides = array<i32>} : memref<128xf32, #tpu.memory_space<vmem>>, vector<16xf32>,
    %swap3A_42 = vector.shape_cast %swap3A_41 : vector<16xf32> to vector<16xf32>
    %swap3A_43 = vector.shape_cast %broadcast_in_dim3A_34 : vector<16xf32> to vector<16xf32>
    tpu.vector_store %arg7[%swap3A_40], %swap3A_43 {strides = array<i32>} : memref<128xf32, #tpu.memory_space<vmem>>, vector<16xf32>,
    %mul3A_44 = arith.constant 128 : i32
    %mul3A_45 = arith.muli %scan3A_35, %mul3A_44 : i32
    %add3A_46 = arith.constant 16 : i32
    %add3A_47 = arith.addi %mul3A_45, %add3A_46 : i32
    %swap3A_48 = arith.index_cast %add3A_47 : i32 to index
    %swap3A_49 = tpu.vector_load %arg7[%swap3A_48] {strides = array<i32>} : memref<128xf32, #tpu.memory_space<vmem>>, vector<16xf32>,
    %swap3A_50 = vector.shape_cast %swap3A_49 : vector<16xf32> to vector<16xf32>
    %swap3A_51 = vector.shape_cast %broadcast_in_dim3A_34 : vector<16xf32> to vector<16xf32>
    tpu.vector_store %arg7[%swap3A_48], %swap3A_51 {strides = array<i32>} : memref<128xf32, #tpu.memory_space<vmem>>, vector<16xf32>,
    %mul3A_52 = arith.constant 128 : i32
    %mul3A_53 = arith.muli %scan3A_35, %mul3A_52 : i32
    %add3A_54 = arith.constant 32 : i32
    %add3A_55 = arith.addi %mul3A_53, %add3A_54 : i32
    %swap3A_56 = arith.index_cast %add3A_55 : i32 to index
    %swap3A_57 = tpu.vector_load %arg7[%swap3A_56] {strides = array<i32>} : memref<128xf32, #tpu.memory_space<vmem>>, vector<16xf32>,
    %swap3A_58 = vector.shape_cast %swap3A_57 : vector<16xf32> to vector<16xf32>
    %swap3A_59 = vector.shape_cast %broadcast_in_dim3A_34 : vector<16xf32> to vector<16xf32>
    tpu.vector_store %arg7[%swap3A_56], %swap3A_59 {strides = array<i32>} : memref<128xf32, #tpu.memory_space<vmem>>, vector<16xf32>,
    %mul3A_60 = arith.constant 128 : i32
    %mul3A_61 = arith.muli %scan3A_35, %mul3A_60 : i32
    %add3A_62 = arith.constant 48 : i32
    %add3A_63 = arith.addi %mul3A_61, %add3A_62 : i32
    %swap3A_64 = arith.index_cast %add3A_63 : i32 to index
    %swap3A_65 = tpu.vector_load %arg7[%swap3A_64] {strides = array<i32>} : memref<128xf32, #tpu.memory_space<vmem>>, vector<16xf32>,
    %swap3A_66 = vector.shape_cast %swap3A_65 : vector<16xf32> to vector<16xf32>
    %swap3A_67 = vector.shape_cast %broadcast_in_dim3A_34 : vector<16xf32> to vector<16xf32>
    tpu.vector_store %arg7[%swap3A_64], %swap3A_67 {strides = array<i32>} : memref<128xf32, #tpu.memory_space<vmem>>, vector<16xf32>,
    %mul3A_68 = arith.constant 128 : i32
    %mul3A_69 = arith.muli %scan3A_35, %mul3A_68 : i32
    %add3A_70 = arith.constant 64 : i32
    %add3A_71 = arith.addi %mul3A_69, %add3A_70 : i32
    %swap3A_72 = arith.index_cast %add3A_71 : i32 to index
    %swap3A_73 = tpu.vector_load %arg7[%swap3A_72] {strides = array<i32>} : memref<128xf32, #tpu.memory_space<vmem>>, vector<16xf32>,
    %swap3A_74 = vector.shape_cast %swap3A_73 : vector<16xf32> to vector<16xf32>
    %swap3A_75 = vector.shape_cast %broadcast_in_dim3A_34 : vector<16xf32> to vector<16xf32>
    tpu.vector_store %arg7[%swap3A_72], %swap3A_75 {strides = array<i32>} : memref<128xf32, #tpu.memory_space<vmem>>, vector<16xf32>,
    %mul3A_76 = arith.constant 128 : i32
    %mul3A_77 = arith.muli %scan3A_35, %mul3A_76 : i32
    %add3A_78 = arith.constant 80 : i32
    %add3A_79 = arith.addi %mul3A_77, %add3A_78 : i32
    %swap3A_80 = arith.index_cast %add3A_79 : i32 to index
    %swap3A_81 = tpu.vector_load %arg7[%swap3A_80] {strides = array<i32>} : memref<128xf32, #tpu.memory_space<vmem>>, vector<16xf32>,
    %swap3A_82 = vector.shape_cast %swap3A_81 : vector<16xf32> to vector<16xf32>
    %swap3A_83 = vector.shape_cast %broadcast_in_dim3A_34 : vector<16xf32> to vector<16xf32>
    tpu.vector_store %arg7[%swap3A_80], %swap3A_83 {strides = array<i32>} : memref<128xf32, #tpu.memory_space<vmem>>, vector<16xf32>,
    %mul3A_84 = arith.constant 128 : i32
    %mul3A_85 = arith.muli %scan3A_35, %mul3A_84 : i32
    %add3A_86 = arith.constant 96 : i32
    %add3A_87 = arith.addi %mul3A_85, %add3A_86 : i32
    %swap3A_88 = arith.index_cast %add3A_87 : i32 to index
    %swap3A_89 = tpu.vector_load %arg7[%swap3A_88] {strides = array<i32>} : memref<128xf32, #tpu.memory_space<vmem>>, vector<16xf32>,
    %swap3A_90 = vector.shape_cast %swap3A_89 : vector<16xf32> to vector<16xf32>
    %swap3A_91 = vector.shape_cast %broadcast_in_dim3A_34 : vector<16xf32> to vector<16xf32>
    tpu.vector_store %arg7[%swap3A_88], %swap3A_91 {strides = array<i32>} : memref<128xf32, #tpu.memory_space<vmem>>, vector<16xf32>,
    %mul3A_92 = arith.constant 128 : i32
    %mul3A_93 = arith.muli %scan3A_35, %mul3A_92 : i32
    %add3A_94 = arith.constant 112 : i32
    %add3A_95 = arith.addi %mul3A_93, %add3A_94 : i32
    %swap3A_96 = arith.index_cast %add3A_95 : i32 to index
    %swap3A_97 = tpu.vector_load %arg7[%swap3A_96] {strides = array<i32>} : memref<128xf32, #tpu.memory_space<vmem>>, vector<16xf32>,
    %swap3A_98 = vector.shape_cast %swap3A_97 : vector<16xf32> to vector<16xf32>
    %swap3A_99 = vector.shape_cast %broadcast_in_dim3A_34 : vector<16xf32> to vector<16xf32>
    tpu.vector_store %arg7[%swap3A_96], %swap3A_99 {strides = array<i32>} : memref<128xf32, #tpu.memory_space<vmem>>, vector<16xf32>,
    %scan3A_100 = arith.constant 0 : i32
    %scan3A_101 = arith.constant 1 : i32
    %mul3A_102 = arith.constant 640 : i32
    %mul3A_103 = arith.muli %arg1, %mul3A_102 : i32
    %add3A_104 = arith.constant 0 : i32
    %add3A_105 = arith.addi %mul3A_103, %add3A_104 : i32
    "tpu.region"() ({
      %run_scoped3A = tpu.sem_alloc : memref<!tpu.dma_semaphore, #tpu.memory_space<semaphore_mem>>
      %dma_start3A = tpu.memref_slice %arg4[%add3A_105] : memref<10240xf32, #tpu.memory_space<vmem_shared>> -> memref<128xf32, #tpu.memory_space<vmem_shared>>
      %dma_start3A_132 = tpu.memref_slice %arg4[%add3A_105] : memref<10240xf32, #tpu.memory_space<vmem_shared>> -> memref<128xf32, #tpu.memory_space<vmem_shared>>
      tpu.enqueue_dma source(%arg7 : memref<128xf32, #tpu.memory_space<vmem>>) target(%dma_start3A_132 : memref<128xf32, #tpu.memory_space<vmem_shared>>) target_semaphore(%run_scoped3A : memref<!tpu.dma_semaphore, #tpu.memory_space<semaphore_mem>>)
      %dma_wait3A = tpu.memref_slice %arg4[%add3A_105] : memref<10240xf32, #tpu.memory_space<vmem_shared>> -> memref<128xf32, #tpu.memory_space<vmem_shared>>
      %dma_wait3A_133 = tpu.memref_slice %arg4[%add3A_105] : memref<10240xf32, #tpu.memory_space<vmem_shared>> -> memref<128xf32, #tpu.memory_space<vmem_shared>>
      tpu.wait_dma2 semaphore(%run_scoped3A : memref<!tpu.dma_semaphore, #tpu.memory_space<semaphore_mem>>) src(%arg7 : memref<128xf32, #tpu.memory_space<vmem>>) dst(%dma_wait3A_133 : memref<128xf32, #tpu.memory_space<vmem_shared>>)
      tpu.yield
    }) : () -> ()
    %add3A_106 = arith.constant 128 : i32
    %add3A_107 = arith.addi %mul3A_103, %add3A_106 : i32
    "tpu.region"() ({
      %run_scoped3A = tpu.sem_alloc : memref<!tpu.dma_semaphore, #tpu.memory_space<semaphore_mem>>
      %dma_start3A = tpu.memref_slice %arg4[%add3A_107] : memref<10240xf32, #tpu.memory_space<vmem_shared>> -> memref<128xf32, #tpu.memory_space<vmem_shared>>
      %dma_start3A_132 = tpu.memref_slice %arg4[%add3A_107] : memref<10240xf32, #tpu.memory_space<vmem_shared>> -> memref<128xf32, #tpu.memory_space<vmem_shared>>
      tpu.enqueue_dma source(%arg7 : memref<128xf32, #tpu.memory_space<vmem>>) target(%dma_start3A_132 : memref<128xf32, #tpu.memory_space<vmem_shared>>) target_semaphore(%run_scoped3A : memref<!tpu.dma_semaphore, #tpu.memory_space<semaphore_mem>>)
      %dma_wait3A = tpu.memref_slice %arg4[%add3A_107] : memref<10240xf32, #tpu.memory_space<vmem_shared>> -> memref<128xf32, #tpu.memory_space<vmem_shared>>
      %dma_wait3A_133 = tpu.memref_slice %arg4[%add3A_107] : memref<10240xf32, #tpu.memory_space<vmem_shared>> -> memref<128xf32, #tpu.memory_space<vmem_shared>>
      tpu.wait_dma2 semaphore(%run_scoped3A : memref<!tpu.dma_semaphore, #tpu.memory_space<semaphore_mem>>) src(%arg7 : memref<128xf32, #tpu.memory_space<vmem>>) dst(%dma_wait3A_133 : memref<128xf32, #tpu.memory_space<vmem_shared>>)
      tpu.yield
    }) : () -> ()
    %add3A_108 = arith.constant 256 : i32
    %add3A_109 = arith.addi %mul3A_103, %add3A_108 : i32
    "tpu.region"() ({
      %run_scoped3A = tpu.sem_alloc : memref<!tpu.dma_semaphore, #tpu.memory_space<semaphore_mem>>
      %dma_start3A = tpu.memref_slice %arg4[%add3A_109] : memref<10240xf32, #tpu.memory_space<vmem_shared>> -> memref<128xf32, #tpu.memory_space<vmem_shared>>
      %dma_start3A_132 = tpu.memref_slice %arg4[%add3A_109] : memref<10240xf32, #tpu.memory_space<vmem_shared>> -> memref<128xf32, #tpu.memory_space<vmem_shared>>
      tpu.enqueue_dma source(%arg7 : memref<128xf32, #tpu.memory_space<vmem>>) target(%dma_start3A_132 : memref<128xf32, #tpu.memory_space<vmem_shared>>) target_semaphore(%run_scoped3A : memref<!tpu.dma_semaphore, #tpu.memory_space<semaphore_mem>>)
      %dma_wait3A = tpu.memref_slice %arg4[%add3A_109] : memref<10240xf32, #tpu.memory_space<vmem_shared>> -> memref<128xf32, #tpu.memory_space<vmem_shared>>
      %dma_wait3A_133 = tpu.memref_slice %arg4[%add3A_109] : memref<10240xf32, #tpu.memory_space<vmem_shared>> -> memref<128xf32, #tpu.memory_space<vmem_shared>>
      tpu.wait_dma2 semaphore(%run_scoped3A : memref<!tpu.dma_semaphore, #tpu.memory_space<semaphore_mem>>) src(%arg7 : memref<128xf32, #tpu.memory_space<vmem>>) dst(%dma_wait3A_133 : memref<128xf32, #tpu.memory_space<vmem_shared>>)
      tpu.yield
    }) : () -> ()
    %add3A_110 = arith.constant 384 : i32
    %add3A_111 = arith.addi %mul3A_103, %add3A_110 : i32
    "tpu.region"() ({
      %run_scoped3A = tpu.sem_alloc : memref<!tpu.dma_semaphore, #tpu.memory_space<semaphore_mem>>
      %dma_start3A = tpu.memref_slice %arg4[%add3A_111] : memref<10240xf32, #tpu.memory_space<vmem_shared>> -> memref<128xf32, #tpu.memory_space<vmem_shared>>
      %dma_start3A_132 = tpu.memref_slice %arg4[%add3A_111] : memref<10240xf32, #tpu.memory_space<vmem_shared>> -> memref<128xf32, #tpu.memory_space<vmem_shared>>
      tpu.enqueue_dma source(%arg7 : memref<128xf32, #tpu.memory_space<vmem>>) target(%dma_start3A_132 : memref<128xf32, #tpu.memory_space<vmem_shared>>) target_semaphore(%run_scoped3A : memref<!tpu.dma_semaphore, #tpu.memory_space<semaphore_mem>>)
      %dma_wait3A = tpu.memref_slice %arg4[%add3A_111] : memref<10240xf32, #tpu.memory_space<vmem_shared>> -> memref<128xf32, #tpu.memory_space<vmem_shared>>
      %dma_wait3A_133 = tpu.memref_slice %arg4[%add3A_111] : memref<10240xf32, #tpu.memory_space<vmem_shared>> -> memref<128xf32, #tpu.memory_space<vmem_shared>>
      tpu.wait_dma2 semaphore(%run_scoped3A : memref<!tpu.dma_semaphore, #tpu.memory_space<semaphore_mem>>) src(%arg7 : memref<128xf32, #tpu.memory_space<vmem>>) dst(%dma_wait3A_133 : memref<128xf32, #tpu.memory_space<vmem_shared>>)
      tpu.yield
    }) : () -> ()
    %add3A_112 = arith.constant 512 : i32
    %add3A_113 = arith.addi %mul3A_103, %add3A_112 : i32
    "tpu.region"() ({
      %run_scoped3A = tpu.sem_alloc : memref<!tpu.dma_semaphore, #tpu.memory_space<semaphore_mem>>
      %dma_start3A = tpu.memref_slice %arg4[%add3A_113] : memref<10240xf32, #tpu.memory_space<vmem_shared>> -> memref<128xf32, #tpu.memory_space<vmem_shared>>
      %dma_start3A_132 = tpu.memref_slice %arg4[%add3A_113] : memref<10240xf32, #tpu.memory_space<vmem_shared>> -> memref<128xf32, #tpu.memory_space<vmem_shared>>
      tpu.enqueue_dma source(%arg7 : memref<128xf32, #tpu.memory_space<vmem>>) target(%dma_start3A_132 : memref<128xf32, #tpu.memory_space<vmem_shared>>) target_semaphore(%run_scoped3A : memref<!tpu.dma_semaphore, #tpu.memory_space<semaphore_mem>>)
      %dma_wait3A = tpu.memref_slice %arg4[%add3A_113] : memref<10240xf32, #tpu.memory_space<vmem_shared>> -> memref<128xf32, #tpu.memory_space<vmem_shared>>
      %dma_wait3A_133 = tpu.memref_slice %arg4[%add3A_113] : memref<10240xf32, #tpu.memory_space<vmem_shared>> -> memref<128xf32, #tpu.memory_space<vmem_shared>>
      tpu.wait_dma2 semaphore(%run_scoped3A : memref<!tpu.dma_semaphore, #tpu.memory_space<semaphore_mem>>) src(%arg7 : memref<128xf32, #tpu.memory_space<vmem>>) dst(%dma_wait3A_133 : memref<128xf32, #tpu.memory_space<vmem_shared>>)
      tpu.yield
    }) : () -> ()
    "tpu.region"() ({
      %run_scoped3A = tpu.sem_alloc : memref<!tpu.dma_semaphore, #tpu.memory_space<semaphore_mem>>
      %dma_start3A = arith.constant 0 : i32
      %dma_start3A_132 = arith.constant 0 : i32
      %dma_start3A_133 = tpu.memref_slice %arg2[%add3A, %dma_start3A, %dma_start3A_132] : memref<32x80x128xi32, #tpu.memory_space<hbm>> -> memref<1x80x128xi32, #tpu.memory_space<hbm>>
      %dma_start3A_134 = tpu.memref_squeeze %dma_start3A_133 : memref<1x80x128xi32, #tpu.memory_space<hbm>> -> memref<80x128xi32, #tpu.memory_space<hbm>>
      %dma_start3A_135 = arith.constant 0 : i32
      %dma_start3A_136 = arith.constant 0 : i32
      %dma_start3A_137 = tpu.memref_slice %arg2[%add3A, %dma_start3A_135, %dma_start3A_136] : memref<32x80x128xi32, #tpu.memory_space<hbm>> -> memref<1x80x128xi32, #tpu.memory_space<hbm>>
      %dma_start3A_138 = tpu.memref_squeeze %dma_start3A_137 : memref<1x80x128xi32, #tpu.memory_space<hbm>> -> memref<80x128xi32, #tpu.memory_space<hbm>>
      tpu.enqueue_dma source(%dma_start3A_138 : memref<80x128xi32, #tpu.memory_space<hbm>>) target(%arg5 : memref<80x128xi32, #tpu.memory_space<vmem>>) target_semaphore(%run_scoped3A : memref<!tpu.dma_semaphore, #tpu.memory_space<semaphore_mem>>)
      %dma_wait3A = arith.constant 0 : i32
      %dma_wait3A_139 = arith.constant 0 : i32
      %dma_wait3A_140 = tpu.memref_slice %arg2[%add3A, %dma_wait3A, %dma_wait3A_139] : memref<32x80x128xi32, #tpu.memory_space<hbm>> -> memref<1x80x128xi32, #tpu.memory_space<hbm>>
      %dma_wait3A_141 = tpu.memref_squeeze %dma_wait3A_140 : memref<1x80x128xi32, #tpu.memory_space<hbm>> -> memref<80x128xi32, #tpu.memory_space<hbm>>
      %dma_wait3A_142 = arith.constant 0 : i32
      %dma_wait3A_143 = arith.constant 0 : i32
      %dma_wait3A_144 = tpu.memref_slice %arg2[%add3A, %dma_wait3A_142, %dma_wait3A_143] : memref<32x80x128xi32, #tpu.memory_space<hbm>> -> memref<1x80x128xi32, #tpu.memory_space<hbm>>
      %dma_wait3A_145 = tpu.memref_squeeze %dma_wait3A_144 : memref<1x80x128xi32, #tpu.memory_space<hbm>> -> memref<80x128xi32, #tpu.memory_space<hbm>>
      tpu.wait_dma2 semaphore(%run_scoped3A : memref<!tpu.dma_semaphore, #tpu.memory_space<semaphore_mem>>) src(%dma_wait3A_145 : memref<80x128xi32, #tpu.memory_space<hbm>>) dst(%arg5 : memref<80x128xi32, #tpu.memory_space<vmem>>)
      tpu.yield
    }) : () -> ()
    %barrier3A = arith.constant 0 : index
    tpu.barrier barrier_id(%barrier3A)
    %scan3A_114 = arith.constant 0 : i32
    %scan3A_115 = arith.constant 0 : i32
    %scan3A_116 = arith.constant 80 : i32
    %scan3A_117 = arith.addi %scan3A_115, %scan3A_116 : i32
    %scan3A_118 = arith.constant 1 : i32
    %scan3A_119 = scf.for %scan3A_132 = %scan3A_115 to %scan3A_117 step %scan3A_118 iter_args(%scan3A_133 = %scan3A_114) -> (i32)  : i32 {
      "tpu.region"() ({
        %run_scoped3A = tpu.sem_alloc : memref<!tpu.dma_semaphore, #tpu.memory_space<semaphore_mem>>
        %dma_start3A = arith.constant 0 : i32
        %dma_start3A_135 = tpu.memref_slice %arg5[%scan3A_132, %dma_start3A] : memref<80x128xi32, #tpu.memory_space<vmem>> -> memref<1x128xi32, #tpu.memory_space<vmem>>
        %dma_start3A_136 = tpu.memref_squeeze %dma_start3A_135 : memref<1x128xi32, #tpu.memory_space<vmem>> -> memref<128xi32, #tpu.memory_space<vmem>>
        %dma_start3A_137 = arith.constant 0 : i32
        %dma_start3A_138 = tpu.memref_slice %arg4[%dma_start3A_137] : memref<10240xf32, #tpu.memory_space<vmem_shared>> -> memref<10240xf32, #tpu.memory_space<vmem_shared>>
        tpu.enqueue_indirect_dma source(%arg6 : memref<128xf32, #tpu.memory_space<vmem>>) target(%dma_start3A_138 : memref<10240xf32, #tpu.memory_space<vmem_shared>>) offsets(%dma_start3A_136 : memref<128xi32, #tpu.memory_space<vmem>>) semaphore(%run_scoped3A : memref<!tpu.dma_semaphore, #tpu.memory_space<semaphore_mem>>) {add = true}
        %dma_wait3A = arith.constant 0 : i32
        %dma_wait3A_139 = tpu.memref_slice %arg5[%scan3A_132, %dma_wait3A] : memref<80x128xi32, #tpu.memory_space<vmem>> -> memref<1x128xi32, #tpu.memory_space<vmem>>
        %dma_wait3A_140 = tpu.memref_squeeze %dma_wait3A_139 : memref<1x128xi32, #tpu.memory_space<vmem>> -> memref<128xi32, #tpu.memory_space<vmem>>
        %dma_wait3A_141 = arith.constant 0 : i32
        %dma_wait3A_142 = tpu.memref_slice %arg4[%dma_wait3A_141] : memref<10240xf32, #tpu.memory_space<vmem_shared>> -> memref<10240xf32, #tpu.memory_space<vmem_shared>>
        tpu.wait_indirect_dma semaphore(%run_scoped3A : memref<!tpu.dma_semaphore, #tpu.memory_space<semaphore_mem>>) src(%arg6 : memref<128xf32, #tpu.memory_space<vmem>>) dst(%dma_wait3A_142 : memref<10240xf32, #tpu.memory_space<vmem_shared>>)
        tpu.yield
      }) : () -> ()
      %scan3A_134 = arith.constant 0 : i32
      scf.yield %scan3A_134 : i32
    }
    %scan3A_120 = arith.constant 80 : i32
    %barrier3A_121 = arith.constant 0 : index
    tpu.barrier barrier_id(%barrier3A_121)
    %add3A_122 = arith.constant 0 : i32
    %add3A_123 = arith.addi %mul3A_103, %add3A_122 : i32
    "tpu.region"() ({
      %run_scoped3A = tpu.sem_alloc : memref<!tpu.dma_semaphore, #tpu.memory_space<semaphore_mem>>
      %dma_start3A = tpu.memref_slice %arg4[%add3A_123] : memref<10240xf32, #tpu.memory_space<vmem_shared>> -> memref<128xf32, #tpu.memory_space<vmem_shared>>
      %dma_start3A_132 = tpu.memref_slice %arg4[%add3A_123] : memref<10240xf32, #tpu.memory_space<vmem_shared>> -> memref<128xf32, #tpu.memory_space<vmem_shared>>
      tpu.enqueue_dma source(%dma_start3A_132 : memref<128xf32, #tpu.memory_space<vmem_shared>>) target(%arg7 : memref<128xf32, #tpu.memory_space<vmem>>) target_semaphore(%run_scoped3A : memref<!tpu.dma_semaphore, #tpu.memory_space<semaphore_mem>>)
      %dma_wait3A = tpu.memref_slice %arg4[%add3A_123] : memref<10240xf32, #tpu.memory_space<vmem_shared>> -> memref<128xf32, #tpu.memory_space<vmem_shared>>
      %dma_wait3A_133 = tpu.memref_slice %arg4[%add3A_123] : memref<10240xf32, #tpu.memory_space<vmem_shared>> -> memref<128xf32, #tpu.memory_space<vmem_shared>>
      tpu.wait_dma2 semaphore(%run_scoped3A : memref<!tpu.dma_semaphore, #tpu.memory_space<semaphore_mem>>) src(%dma_wait3A_133 : memref<128xf32, #tpu.memory_space<vmem_shared>>) dst(%arg7 : memref<128xf32, #tpu.memory_space<vmem>>)
      tpu.yield
    }) : () -> ()
    "tpu.region"() ({
      %run_scoped3A = tpu.sem_alloc : memref<!tpu.dma_semaphore, #tpu.memory_space<semaphore_mem>>
      %dma_start3A = arith.constant 0 : i32
      %dma_start3A_132 = tpu.memref_slice %arg3[%arg0, %dma_start3A] : memref<2x10240xf32, #tpu.memory_space<hbm>> -> memref<1x10240xf32, #tpu.memory_space<hbm>>
      %dma_start3A_133 = tpu.memref_squeeze %dma_start3A_132 : memref<1x10240xf32, #tpu.memory_space<hbm>> -> memref<10240xf32, #tpu.memory_space<hbm>>
      %dma_start3A_134 = tpu.memref_slice %dma_start3A_133[%add3A_123] : memref<10240xf32, #tpu.memory_space<hbm>> -> memref<128xf32, #tpu.memory_space<hbm>>
      %dma_start3A_135 = arith.constant 0 : i32
      %dma_start3A_136 = tpu.memref_slice %arg3[%arg0, %dma_start3A_135] : memref<2x10240xf32, #tpu.memory_space<hbm>> -> memref<1x10240xf32, #tpu.memory_space<hbm>>
      %dma_start3A_137 = tpu.memref_squeeze %dma_start3A_136 : memref<1x10240xf32, #tpu.memory_space<hbm>> -> memref<10240xf32, #tpu.memory_space<hbm>>
      %dma_start3A_138 = tpu.memref_slice %dma_start3A_137[%add3A_123] : memref<10240xf32, #tpu.memory_space<hbm>> -> memref<128xf32, #tpu.memory_space<hbm>>
      tpu.enqueue_dma source(%arg7 : memref<128xf32, #tpu.memory_space<vmem>>) target(%dma_start3A_138 : memref<128xf32, #tpu.memory_space<hbm>>) target_semaphore(%run_scoped3A : memref<!tpu.dma_semaphore, #tpu.memory_space<semaphore_mem>>)
      %dma_wait3A = arith.constant 0 : i32
      %dma_wait3A_139 = tpu.memref_slice %arg3[%arg0, %dma_wait3A] : memref<2x10240xf32, #tpu.memory_space<hbm>> -> memref<1x10240xf32, #tpu.memory_space<hbm>>
      %dma_wait3A_140 = tpu.memref_squeeze %dma_wait3A_139 : memref<1x10240xf32, #tpu.memory_space<hbm>> -> memref<10240xf32, #tpu.memory_space<hbm>>
      %dma_wait3A_141 = tpu.memref_slice %dma_wait3A_140[%add3A_123] : memref<10240xf32, #tpu.memory_space<hbm>> -> memref<128xf32, #tpu.memory_space<hbm>>
      %dma_wait3A_142 = arith.constant 0 : i32
      %dma_wait3A_143 = tpu.memref_slice %arg3[%arg0, %dma_wait3A_142] : memref<2x10240xf32, #tpu.memory_space<hbm>> -> memref<1x10240xf32, #tpu.memory_space<hbm>>
      %dma_wait3A_144 = tpu.memref_squeeze %dma_wait3A_143 : memref<1x10240xf32, #tpu.memory_space<hbm>> -> memref<10240xf32, #tpu.memory_space<hbm>>
      %dma_wait3A_145 = tpu.memref_slice %dma_wait3A_144[%add3A_123] : memref<10240xf32, #tpu.memory_space<hbm>> -> memref<128xf32, #tpu.memory_space<hbm>>
      tpu.wait_dma2 semaphore(%run_scoped3A : memref<!tpu.dma_semaphore, #tpu.memory_space<semaphore_mem>>) src(%arg7 : memref<128xf32, #tpu.memory_space<vmem>>) dst(%dma_wait3A_145 : memref<128xf32, #tpu.memory_space<hbm>>)
      tpu.yield
    }) : () -> ()
    %add3A_124 = arith.constant 128 : i32
    %add3A_125 = arith.addi %mul3A_103, %add3A_124 : i32
    "tpu.region"() ({
      %run_scoped3A = tpu.sem_alloc : memref<!tpu.dma_semaphore, #tpu.memory_space<semaphore_mem>>
      %dma_start3A = tpu.memref_slice %arg4[%add3A_125] : memref<10240xf32, #tpu.memory_space<vmem_shared>> -> memref<128xf32, #tpu.memory_space<vmem_shared>>
      %dma_start3A_132 = tpu.memref_slice %arg4[%add3A_125] : memref<10240xf32, #tpu.memory_space<vmem_shared>> -> memref<128xf32, #tpu.memory_space<vmem_shared>>
      tpu.enqueue_dma source(%dma_start3A_132 : memref<128xf32, #tpu.memory_space<vmem_shared>>) target(%arg7 : memref<128xf32, #tpu.memory_space<vmem>>) target_semaphore(%run_scoped3A : memref<!tpu.dma_semaphore, #tpu.memory_space<semaphore_mem>>)
      %dma_wait3A = tpu.memref_slice %arg4[%add3A_125] : memref<10240xf32, #tpu.memory_space<vmem_shared>> -> memref<128xf32, #tpu.memory_space<vmem_shared>>
      %dma_wait3A_133 = tpu.memref_slice %arg4[%add3A_125] : memref<10240xf32, #tpu.memory_space<vmem_shared>> -> memref<128xf32, #tpu.memory_space<vmem_shared>>
      tpu.wait_dma2 semaphore(%run_scoped3A : memref<!tpu.dma_semaphore, #tpu.memory_space<semaphore_mem>>) src(%dma_wait3A_133 : memref<128xf32, #tpu.memory_space<vmem_shared>>) dst(%arg7 : memref<128xf32, #tpu.memory_space<vmem>>)
      tpu.yield
    }) : () -> ()
    "tpu.region"() ({
      %run_scoped3A = tpu.sem_alloc : memref<!tpu.dma_semaphore, #tpu.memory_space<semaphore_mem>>
      %dma_start3A = arith.constant 0 : i32
      %dma_start3A_132 = tpu.memref_slice %arg3[%arg0, %dma_start3A] : memref<2x10240xf32, #tpu.memory_space<hbm>> -> memref<1x10240xf32, #tpu.memory_space<hbm>>
      %dma_start3A_133 = tpu.memref_squeeze %dma_start3A_132 : memref<1x10240xf32, #tpu.memory_space<hbm>> -> memref<10240xf32, #tpu.memory_space<hbm>>
      %dma_start3A_134 = tpu.memref_slice %dma_start3A_133[%add3A_125] : memref<10240xf32, #tpu.memory_space<hbm>> -> memref<128xf32, #tpu.memory_space<hbm>>
      %dma_start3A_135 = arith.constant 0 : i32
      %dma_start3A_136 = tpu.memref_slice %arg3[%arg0, %dma_start3A_135] : memref<2x10240xf32, #tpu.memory_space<hbm>> -> memref<1x10240xf32, #tpu.memory_space<hbm>>
      %dma_start3A_137 = tpu.memref_squeeze %dma_start3A_136 : memref<1x10240xf32, #tpu.memory_space<hbm>> -> memref<10240xf32, #tpu.memory_space<hbm>>
      %dma_start3A_138 = tpu.memref_slice %dma_start3A_137[%add3A_125] : memref<10240xf32, #tpu.memory_space<hbm>> -> memref<128xf32, #tpu.memory_space<hbm>>
      tpu.enqueue_dma source(%arg7 : memref<128xf32, #tpu.memory_space<vmem>>) target(%dma_start3A_138 : memref<128xf32, #tpu.memory_space<hbm>>) target_semaphore(%run_scoped3A : memref<!tpu.dma_semaphore, #tpu.memory_space<semaphore_mem>>)
      %dma_wait3A = arith.constant 0 : i32
      %dma_wait3A_139 = tpu.memref_slice %arg3[%arg0, %dma_wait3A] : memref<2x10240xf32, #tpu.memory_space<hbm>> -> memref<1x10240xf32, #tpu.memory_space<hbm>>
      %dma_wait3A_140 = tpu.memref_squeeze %dma_wait3A_139 : memref<1x10240xf32, #tpu.memory_space<hbm>> -> memref<10240xf32, #tpu.memory_space<hbm>>
      %dma_wait3A_141 = tpu.memref_slice %dma_wait3A_140[%add3A_125] : memref<10240xf32, #tpu.memory_space<hbm>> -> memref<128xf32, #tpu.memory_space<hbm>>
      %dma_wait3A_142 = arith.constant 0 : i32
      %dma_wait3A_143 = tpu.memref_slice %arg3[%arg0, %dma_wait3A_142] : memref<2x10240xf32, #tpu.memory_space<hbm>> -> memref<1x10240xf32, #tpu.memory_space<hbm>>
      %dma_wait3A_144 = tpu.memref_squeeze %dma_wait3A_143 : memref<1x10240xf32, #tpu.memory_space<hbm>> -> memref<10240xf32, #tpu.memory_space<hbm>>
      %dma_wait3A_145 = tpu.memref_slice %dma_wait3A_144[%add3A_125] : memref<10240xf32, #tpu.memory_space<hbm>> -> memref<128xf32, #tpu.memory_space<hbm>>
      tpu.wait_dma2 semaphore(%run_scoped3A : memref<!tpu.dma_semaphore, #tpu.memory_space<semaphore_mem>>) src(%arg7 : memref<128xf32, #tpu.memory_space<vmem>>) dst(%dma_wait3A_145 : memref<128xf32, #tpu.memory_space<hbm>>)
      tpu.yield
    }) : () -> ()
    %add3A_126 = arith.constant 256 : i32
    %add3A_127 = arith.addi %mul3A_103, %add3A_126 : i32
    "tpu.region"() ({
      %run_scoped3A = tpu.sem_alloc : memref<!tpu.dma_semaphore, #tpu.memory_space<semaphore_mem>>
      %dma_start3A = tpu.memref_slice %arg4[%add3A_127] : memref<10240xf32, #tpu.memory_space<vmem_shared>> -> memref<128xf32, #tpu.memory_space<vmem_shared>>
      %dma_start3A_132 = tpu.memref_slice %arg4[%add3A_127] : memref<10240xf32, #tpu.memory_space<vmem_shared>> -> memref<128xf32, #tpu.memory_space<vmem_shared>>
      tpu.enqueue_dma source(%dma_start3A_132 : memref<128xf32, #tpu.memory_space<vmem_shared>>) target(%arg7 : memref<128xf32, #tpu.memory_space<vmem>>) target_semaphore(%run_scoped3A : memref<!tpu.dma_semaphore, #tpu.memory_space<semaphore_mem>>)
      %dma_wait3A = tpu.memref_slice %arg4[%add3A_127] : memref<10240xf32, #tpu.memory_space<vmem_shared>> -> memref<128xf32, #tpu.memory_space<vmem_shared>>
      %dma_wait3A_133 = tpu.memref_slice %arg4[%add3A_127] : memref<10240xf32, #tpu.memory_space<vmem_shared>> -> memref<128xf32, #tpu.memory_space<vmem_shared>>
      tpu.wait_dma2 semaphore(%run_scoped3A : memref<!tpu.dma_semaphore, #tpu.memory_space<semaphore_mem>>) src(%dma_wait3A_133 : memref<128xf32, #tpu.memory_space<vmem_shared>>) dst(%arg7 : memref<128xf32, #tpu.memory_space<vmem>>)
      tpu.yield
    }) : () -> ()
    "tpu.region"() ({
      %run_scoped3A = tpu.sem_alloc : memref<!tpu.dma_semaphore, #tpu.memory_space<semaphore_mem>>
      %dma_start3A = arith.constant 0 : i32
      %dma_start3A_132 = tpu.memref_slice %arg3[%arg0, %dma_start3A] : memref<2x10240xf32, #tpu.memory_space<hbm>> -> memref<1x10240xf32, #tpu.memory_space<hbm>>
      %dma_start3A_133 = tpu.memref_squeeze %dma_start3A_132 : memref<1x10240xf32, #tpu.memory_space<hbm>> -> memref<10240xf32, #tpu.memory_space<hbm>>
      %dma_start3A_134 = tpu.memref_slice %dma_start3A_133[%add3A_127] : memref<10240xf32, #tpu.memory_space<hbm>> -> memref<128xf32, #tpu.memory_space<hbm>>
      %dma_start3A_135 = arith.constant 0 : i32
      %dma_start3A_136 = tpu.memref_slice %arg3[%arg0, %dma_start3A_135] : memref<2x10240xf32, #tpu.memory_space<hbm>> -> memref<1x10240xf32, #tpu.memory_space<hbm>>
      %dma_start3A_137 = tpu.memref_squeeze %dma_start3A_136 : memref<1x10240xf32, #tpu.memory_space<hbm>> -> memref<10240xf32, #tpu.memory_space<hbm>>
      %dma_start3A_138 = tpu.memref_slice %dma_start3A_137[%add3A_127] : memref<10240xf32, #tpu.memory_space<hbm>> -> memref<128xf32, #tpu.memory_space<hbm>>
      tpu.enqueue_dma source(%arg7 : memref<128xf32, #tpu.memory_space<vmem>>) target(%dma_start3A_138 : memref<128xf32, #tpu.memory_space<hbm>>) target_semaphore(%run_scoped3A : memref<!tpu.dma_semaphore, #tpu.memory_space<semaphore_mem>>)
      %dma_wait3A = arith.constant 0 : i32
      %dma_wait3A_139 = tpu.memref_slice %arg3[%arg0, %dma_wait3A] : memref<2x10240xf32, #tpu.memory_space<hbm>> -> memref<1x10240xf32, #tpu.memory_space<hbm>>
      %dma_wait3A_140 = tpu.memref_squeeze %dma_wait3A_139 : memref<1x10240xf32, #tpu.memory_space<hbm>> -> memref<10240xf32, #tpu.memory_space<hbm>>
      %dma_wait3A_141 = tpu.memref_slice %dma_wait3A_140[%add3A_127] : memref<10240xf32, #tpu.memory_space<hbm>> -> memref<128xf32, #tpu.memory_space<hbm>>
      %dma_wait3A_142 = arith.constant 0 : i32
      %dma_wait3A_143 = tpu.memref_slice %arg3[%arg0, %dma_wait3A_142] : memref<2x10240xf32, #tpu.memory_space<hbm>> -> memref<1x10240xf32, #tpu.memory_space<hbm>>
      %dma_wait3A_144 = tpu.memref_squeeze %dma_wait3A_143 : memref<1x10240xf32, #tpu.memory_space<hbm>> -> memref<10240xf32, #tpu.memory_space<hbm>>
      %dma_wait3A_145 = tpu.memref_slice %dma_wait3A_144[%add3A_127] : memref<10240xf32, #tpu.memory_space<hbm>> -> memref<128xf32, #tpu.memory_space<hbm>>
      tpu.wait_dma2 semaphore(%run_scoped3A : memref<!tpu.dma_semaphore, #tpu.memory_space<semaphore_mem>>) src(%arg7 : memref<128xf32, #tpu.memory_space<vmem>>) dst(%dma_wait3A_145 : memref<128xf32, #tpu.memory_space<hbm>>)
      tpu.yield
    }) : () -> ()
    %add3A_128 = arith.constant 384 : i32
    %add3A_129 = arith.addi %mul3A_103, %add3A_128 : i32
    "tpu.region"() ({
      %run_scoped3A = tpu.sem_alloc : memref<!tpu.dma_semaphore, #tpu.memory_space<semaphore_mem>>
      %dma_start3A = tpu.memref_slice %arg4[%add3A_129] : memref<10240xf32, #tpu.memory_space<vmem_shared>> -> memref<128xf32, #tpu.memory_space<vmem_shared>>
      %dma_start3A_132 = tpu.memref_slice %arg4[%add3A_129] : memref<10240xf32, #tpu.memory_space<vmem_shared>> -> memref<128xf32, #tpu.memory_space<vmem_shared>>
      tpu.enqueue_dma source(%dma_start3A_132 : memref<128xf32, #tpu.memory_space<vmem_shared>>) target(%arg7 : memref<128xf32, #tpu.memory_space<vmem>>) target_semaphore(%run_scoped3A : memref<!tpu.dma_semaphore, #tpu.memory_space<semaphore_mem>>)
      %dma_wait3A = tpu.memref_slice %arg4[%add3A_129] : memref<10240xf32, #tpu.memory_space<vmem_shared>> -> memref<128xf32, #tpu.memory_space<vmem_shared>>
      %dma_wait3A_133 = tpu.memref_slice %arg4[%add3A_129] : memref<10240xf32, #tpu.memory_space<vmem_shared>> -> memref<128xf32, #tpu.memory_space<vmem_shared>>
      tpu.wait_dma2 semaphore(%run_scoped3A : memref<!tpu.dma_semaphore, #tpu.memory_space<semaphore_mem>>) src(%dma_wait3A_133 : memref<128xf32, #tpu.memory_space<vmem_shared>>) dst(%arg7 : memref<128xf32, #tpu.memory_space<vmem>>)
      tpu.yield
    }) : () -> ()
    "tpu.region"() ({
      %run_scoped3A = tpu.sem_alloc : memref<!tpu.dma_semaphore, #tpu.memory_space<semaphore_mem>>
      %dma_start3A = arith.constant 0 : i32
      %dma_start3A_132 = tpu.memref_slice %arg3[%arg0, %dma_start3A] : memref<2x10240xf32, #tpu.memory_space<hbm>> -> memref<1x10240xf32, #tpu.memory_space<hbm>>
      %dma_start3A_133 = tpu.memref_squeeze %dma_start3A_132 : memref<1x10240xf32, #tpu.memory_space<hbm>> -> memref<10240xf32, #tpu.memory_space<hbm>>
      %dma_start3A_134 = tpu.memref_slice %dma_start3A_133[%add3A_129] : memref<10240xf32, #tpu.memory_space<hbm>> -> memref<128xf32, #tpu.memory_space<hbm>>
      %dma_start3A_135 = arith.constant 0 : i32
      %dma_start3A_136 = tpu.memref_slice %arg3[%arg0, %dma_start3A_135] : memref<2x10240xf32, #tpu.memory_space<hbm>> -> memref<1x10240xf32, #tpu.memory_space<hbm>>
      %dma_start3A_137 = tpu.memref_squeeze %dma_start3A_136 : memref<1x10240xf32, #tpu.memory_space<hbm>> -> memref<10240xf32, #tpu.memory_space<hbm>>
      %dma_start3A_138 = tpu.memref_slice %dma_start3A_137[%add3A_129] : memref<10240xf32, #tpu.memory_space<hbm>> -> memref<128xf32, #tpu.memory_space<hbm>>
      tpu.enqueue_dma source(%arg7 : memref<128xf32, #tpu.memory_space<vmem>>) target(%dma_start3A_138 : memref<128xf32, #tpu.memory_space<hbm>>) target_semaphore(%run_scoped3A : memref<!tpu.dma_semaphore, #tpu.memory_space<semaphore_mem>>)
      %dma_wait3A = arith.constant 0 : i32
      %dma_wait3A_139 = tpu.memref_slice %arg3[%arg0, %dma_wait3A] : memref<2x10240xf32, #tpu.memory_space<hbm>> -> memref<1x10240xf32, #tpu.memory_space<hbm>>
      %dma_wait3A_140 = tpu.memref_squeeze %dma_wait3A_139 : memref<1x10240xf32, #tpu.memory_space<hbm>> -> memref<10240xf32, #tpu.memory_space<hbm>>
      %dma_wait3A_141 = tpu.memref_slice %dma_wait3A_140[%add3A_129] : memref<10240xf32, #tpu.memory_space<hbm>> -> memref<128xf32, #tpu.memory_space<hbm>>
      %dma_wait3A_142 = arith.constant 0 : i32
      %dma_wait3A_143 = tpu.memref_slice %arg3[%arg0, %dma_wait3A_142] : memref<2x10240xf32, #tpu.memory_space<hbm>> -> memref<1x10240xf32, #tpu.memory_space<hbm>>
      %dma_wait3A_144 = tpu.memref_squeeze %dma_wait3A_143 : memref<1x10240xf32, #tpu.memory_space<hbm>> -> memref<10240xf32, #tpu.memory_space<hbm>>
      %dma_wait3A_145 = tpu.memref_slice %dma_wait3A_144[%add3A_129] : memref<10240xf32, #tpu.memory_space<hbm>> -> memref<128xf32, #tpu.memory_space<hbm>>
      tpu.wait_dma2 semaphore(%run_scoped3A : memref<!tpu.dma_semaphore, #tpu.memory_space<semaphore_mem>>) src(%arg7 : memref<128xf32, #tpu.memory_space<vmem>>) dst(%dma_wait3A_145 : memref<128xf32, #tpu.memory_space<hbm>>)
      tpu.yield
    }) : () -> ()
    %add3A_130 = arith.constant 512 : i32
    %add3A_131 = arith.addi %mul3A_103, %add3A_130 : i32
    "tpu.region"() ({
      %run_scoped3A = tpu.sem_alloc : memref<!tpu.dma_semaphore, #tpu.memory_space<semaphore_mem>>
      %dma_start3A = tpu.memref_slice %arg4[%add3A_131] : memref<10240xf32, #tpu.memory_space<vmem_shared>> -> memref<128xf32, #tpu.memory_space<vmem_shared>>
      %dma_start3A_132 = tpu.memref_slice %arg4[%add3A_131] : memref<10240xf32, #tpu.memory_space<vmem_shared>> -> memref<128xf32, #tpu.memory_space<vmem_shared>>
      tpu.enqueue_dma source(%dma_start3A_132 : memref<128xf32, #tpu.memory_space<vmem_shared>>) target(%arg7 : memref<128xf32, #tpu.memory_space<vmem>>) target_semaphore(%run_scoped3A : memref<!tpu.dma_semaphore, #tpu.memory_space<semaphore_mem>>)
      %dma_wait3A = tpu.memref_slice %arg4[%add3A_131] : memref<10240xf32, #tpu.memory_space<vmem_shared>> -> memref<128xf32, #tpu.memory_space<vmem_shared>>
      %dma_wait3A_133 = tpu.memref_slice %arg4[%add3A_131] : memref<10240xf32, #tpu.memory_space<vmem_shared>> -> memref<128xf32, #tpu.memory_space<vmem_shared>>
      tpu.wait_dma2 semaphore(%run_scoped3A : memref<!tpu.dma_semaphore, #tpu.memory_space<semaphore_mem>>) src(%dma_wait3A_133 : memref<128xf32, #tpu.memory_space<vmem_shared>>) dst(%arg7 : memref<128xf32, #tpu.memory_space<vmem>>)
      tpu.yield
    }) : () -> ()
    "tpu.region"() ({
      %run_scoped3A = tpu.sem_alloc : memref<!tpu.dma_semaphore, #tpu.memory_space<semaphore_mem>>
      %dma_start3A = arith.constant 0 : i32
      %dma_start3A_132 = tpu.memref_slice %arg3[%arg0, %dma_start3A] : memref<2x10240xf32, #tpu.memory_space<hbm>> -> memref<1x10240xf32, #tpu.memory_space<hbm>>
      %dma_start3A_133 = tpu.memref_squeeze %dma_start3A_132 : memref<1x10240xf32, #tpu.memory_space<hbm>> -> memref<10240xf32, #tpu.memory_space<hbm>>
      %dma_start3A_134 = tpu.memref_slice %dma_start3A_133[%add3A_131] : memref<10240xf32, #tpu.memory_space<hbm>> -> memref<128xf32, #tpu.memory_space<hbm>>
      %dma_start3A_135 = arith.constant 0 : i32
      %dma_start3A_136 = tpu.memref_slice %arg3[%arg0, %dma_start3A_135] : memref<2x10240xf32, #tpu.memory_space<hbm>> -> memref<1x10240xf32, #tpu.memory_space<hbm>>
      %dma_start3A_137 = tpu.memref_squeeze %dma_start3A_136 : memref<1x10240xf32, #tpu.memory_space<hbm>> -> memref<10240xf32, #tpu.memory_space<hbm>>
      %dma_start3A_138 = tpu.memref_slice %dma_start3A_137[%add3A_131] : memref<10240xf32, #tpu.memory_space<hbm>> -> memref<128xf32, #tpu.memory_space<hbm>>
      tpu.enqueue_dma source(%arg7 : memref<128xf32, #tpu.memory_space<vmem>>) target(%dma_start3A_138 : memref<128xf32, #tpu.memory_space<hbm>>) target_semaphore(%run_scoped3A : memref<!tpu.dma_semaphore, #tpu.memory_space<semaphore_mem>>)
      %dma_wait3A = arith.constant 0 : i32
      %dma_wait3A_139 = tpu.memref_slice %arg3[%arg0, %dma_wait3A] : memref<2x10240xf32, #tpu.memory_space<hbm>> -> memref<1x10240xf32, #tpu.memory_space<hbm>>
      %dma_wait3A_140 = tpu.memref_squeeze %dma_wait3A_139 : memref<1x10240xf32, #tpu.memory_space<hbm>> -> memref<10240xf32, #tpu.memory_space<hbm>>
      %dma_wait3A_141 = tpu.memref_slice %dma_wait3A_140[%add3A_131] : memref<10240xf32, #tpu.memory_space<hbm>> -> memref<128xf32, #tpu.memory_space<hbm>>
      %dma_wait3A_142 = arith.constant 0 : i32
      %dma_wait3A_143 = tpu.memref_slice %arg3[%arg0, %dma_wait3A_142] : memref<2x10240xf32, #tpu.memory_space<hbm>> -> memref<1x10240xf32, #tpu.memory_space<hbm>>
      %dma_wait3A_144 = tpu.memref_squeeze %dma_wait3A_143 : memref<1x10240xf32, #tpu.memory_space<hbm>> -> memref<10240xf32, #tpu.memory_space<hbm>>
      %dma_wait3A_145 = tpu.memref_slice %dma_wait3A_144[%add3A_131] : memref<10240xf32, #tpu.memory_space<hbm>> -> memref<128xf32, #tpu.memory_space<hbm>>
      tpu.wait_dma2 semaphore(%run_scoped3A : memref<!tpu.dma_semaphore, #tpu.memory_space<semaphore_mem>>) src(%arg7 : memref<128xf32, #tpu.memory_space<vmem>>) dst(%dma_wait3A_145 : memref<128xf32, #tpu.memory_space<hbm>>)
      tpu.yield
    }) : () -> ()
    return
  }
}

#map = affine_map<(d0, d1) -> (0, 0)>
#map1 = affine_map<(d0, d1) -> (0, 0, 0)>
#map2 = affine_map<(d0, d1) -> (0)>
module attributes {stable_mosaic.version = 14 : i64} {
  func.func @body_fn(%arg0: i32, %arg1: i32, %arg2: memref<10240x32xf32, #tpu.memory_space<hbm>>, %arg3: memref<32x80x128xi32, #tpu.memory_space<hbm>>, %arg4: memref<32x80x128xi32, #tpu.memory_space<hbm>>, %arg5: memref<10240xf32, #tpu.memory_space<hbm>>, %arg6: memref<2x10240x32xf32, #tpu.memory_space<hbm>>, %arg7: memref<32x10240xf32, #tpu.memory_space<hbm>>, %arg8: memref<10240x32xf32, #tpu.memory_space<vmem_shared>>, %arg9: memref<10240x32xf32, #tpu.memory_space<vmem_shared>>, %arg10: memref<80x128xi32, #tpu.memory_space<vmem>>, %arg11: memref<80x128xi32, #tpu.memory_space<vmem>>, %arg12: memref<128x32xf32, #tpu.memory_space<vmem>>, %arg13: memref<128x32xf32, #tpu.memory_space<vmem>>, %arg14: memref<128x32xf32, #tpu.memory_space<vmem>>, %arg15: memref<128x32xf32, #tpu.memory_space<vmem>>, %arg16: memref<128x32xf32, #tpu.memory_space<vmem>>, %arg17: memref<128x32xf32, #tpu.memory_space<vmem>>, %arg18: memref<128x32xf32, #tpu.memory_space<vmem>>, %arg19: memref<128x32xf32, #tpu.memory_space<vmem>>, %arg20: memref<!tpu.dma_semaphore, #tpu.memory_space<semaphore_mem>>, %arg21: memref<!tpu.dma_semaphore, #tpu.memory_space<semaphore_mem>>, %arg22: memref<!tpu.dma_semaphore, #tpu.memory_space<semaphore_mem>>, %arg23: memref<!tpu.dma_semaphore, #tpu.memory_space<semaphore_mem>>, %arg24: memref<!tpu.dma_semaphore, #tpu.memory_space<semaphore_mem>>, %arg25: memref<!tpu.dma_semaphore, #tpu.memory_space<semaphore_mem>>, %arg26: memref<!tpu.dma_semaphore, #tpu.memory_space<semaphore_mem>>, %arg27: memref<!tpu.dma_semaphore, #tpu.memory_space<semaphore_mem>>, %arg28: memref<!tpu.dma_semaphore, #tpu.memory_space<semaphore_mem>>, %arg29: memref<!tpu.dma_semaphore, #tpu.memory_space<semaphore_mem>>, %arg30: memref<!tpu.dma_semaphore, #tpu.memory_space<semaphore_mem>>, %arg31: memref<!tpu.dma_semaphore, #tpu.memory_space<semaphore_mem>>, %arg32: memref<!tpu.dma_semaphore, #tpu.memory_space<semaphore_mem>>, %arg33: memref<!tpu.dma_semaphore, #tpu.memory_space<semaphore_mem>>, %arg34: memref<!tpu.dma_semaphore, #tpu.memory_space<semaphore_mem>>, %arg35: memref<!tpu.dma_semaphore, #tpu.memory_space<semaphore_mem>>, %arg36: memref<10240xf32, #tpu.memory_space<vmem>>, %arg37: memref<10240xf32, #tpu.memory_space<vmem>>) attributes {dimension_semantics = [#tpu.dimension_semantics<core_parallel>, #tpu.dimension_semantics<subcore_parallel>], iteration_bounds = array<i64: 2, 16>, scalar_prefetch = 0 : i64, scratch_operands = 30 : i64, tpu.core_type = #tpu.core_type<sc_vector_subcore>, window_params = [{transform_indices = #map}, {transform_indices = #map1}, {transform_indices = #map1}, {transform_indices = #map2}, {transform_indices = #map1}, {transform_indices = #map}]} {
    %mul3A = arith.constant 16 : i32
    %mul3A_0 = arith.muli %arg0, %mul3A : i32
    %add3A = arith.addi %mul3A_0, %arg1 : i32
    %mul3A_1 = arith.constant 640 : i32
    %mul3A_2 = arith.muli %arg1, %mul3A_1 : i32
    %broadcast_in_dim3A = arith.constant 0.000000e+00 : f32
    %broadcast_in_dim3A_3 = vector.broadcast %broadcast_in_dim3A : f32 to vector<16xf32>
    %scan3A = arith.constant 0 : i32
    %scan3A_4 = arith.constant 0 : i32
    %scan3A_5 = arith.constant 32 : i32
    %scan3A_6 = arith.addi %scan3A_4, %scan3A_5 : i32
    %scan3A_7 = arith.constant 1 : i32
    %scan3A_8 = scf.for %scan3A_489 = %scan3A_4 to %scan3A_6 step %scan3A_7 iter_args(%scan3A_490 = %scan3A) -> (i32)  : i32 {
      %mul3A_491 = arith.constant 4 : i32
      %mul3A_492 = arith.muli %scan3A_489, %mul3A_491 : i32
      %add3A_493 = arith.constant 0 : i32
      %add3A_494 = arith.addi %mul3A_492, %add3A_493 : i32
      %swap3A = arith.index_cast %add3A_494 : i32 to index
      %swap3A_495 = arith.constant 0 : index
      %swap3A_496 = tpu.vector_load %arg19[%swap3A, %swap3A_495] {strides = array<i32>} : memref<128x32xf32, #tpu.memory_space<vmem>>, vector<16xf32>,
      tpu.vector_store %arg19[%swap3A, %swap3A_495], %broadcast_in_dim3A_3 {strides = array<i32>} : memref<128x32xf32, #tpu.memory_space<vmem>>, vector<16xf32>,
      %mul3A_497 = arith.constant 4 : i32
      %mul3A_498 = arith.muli %scan3A_489, %mul3A_497 : i32
      %add3A_499 = arith.constant 0 : i32
      %add3A_500 = arith.addi %mul3A_498, %add3A_499 : i32
      %swap3A_501 = arith.index_cast %add3A_500 : i32 to index
      %swap3A_502 = arith.constant 16 : index
      %swap3A_503 = tpu.vector_load %arg19[%swap3A_501, %swap3A_502] {strides = array<i32>} : memref<128x32xf32, #tpu.memory_space<vmem>>, vector<16xf32>,
      tpu.vector_store %arg19[%swap3A_501, %swap3A_502], %broadcast_in_dim3A_3 {strides = array<i32>} : memref<128x32xf32, #tpu.memory_space<vmem>>, vector<16xf32>,
      %mul3A_504 = arith.constant 4 : i32
      %mul3A_505 = arith.muli %scan3A_489, %mul3A_504 : i32
      %add3A_506 = arith.constant 1 : i32
      %add3A_507 = arith.addi %mul3A_505, %add3A_506 : i32
      %swap3A_508 = arith.index_cast %add3A_507 : i32 to index
      %swap3A_509 = arith.constant 0 : index
      %swap3A_510 = tpu.vector_load %arg19[%swap3A_508, %swap3A_509] {strides = array<i32>} : memref<128x32xf32, #tpu.memory_space<vmem>>, vector<16xf32>,
      tpu.vector_store %arg19[%swap3A_508, %swap3A_509], %broadcast_in_dim3A_3 {strides = array<i32>} : memref<128x32xf32, #tpu.memory_space<vmem>>, vector<16xf32>,
      %mul3A_511 = arith.constant 4 : i32
      %mul3A_512 = arith.muli %scan3A_489, %mul3A_511 : i32
      %add3A_513 = arith.constant 1 : i32
      %add3A_514 = arith.addi %mul3A_512, %add3A_513 : i32
      %swap3A_515 = arith.index_cast %add3A_514 : i32 to index
      %swap3A_516 = arith.constant 16 : index
      %swap3A_517 = tpu.vector_load %arg19[%swap3A_515, %swap3A_516] {strides = array<i32>} : memref<128x32xf32, #tpu.memory_space<vmem>>, vector<16xf32>,
      tpu.vector_store %arg19[%swap3A_515, %swap3A_516], %broadcast_in_dim3A_3 {strides = array<i32>} : memref<128x32xf32, #tpu.memory_space<vmem>>, vector<16xf32>,
      %mul3A_518 = arith.constant 4 : i32
      %mul3A_519 = arith.muli %scan3A_489, %mul3A_518 : i32
      %add3A_520 = arith.constant 2 : i32
      %add3A_521 = arith.addi %mul3A_519, %add3A_520 : i32
      %swap3A_522 = arith.index_cast %add3A_521 : i32 to index
      %swap3A_523 = arith.constant 0 : index
      %swap3A_524 = tpu.vector_load %arg19[%swap3A_522, %swap3A_523] {strides = array<i32>} : memref<128x32xf32, #tpu.memory_space<vmem>>, vector<16xf32>,
      tpu.vector_store %arg19[%swap3A_522, %swap3A_523], %broadcast_in_dim3A_3 {strides = array<i32>} : memref<128x32xf32, #tpu.memory_space<vmem>>, vector<16xf32>,
      %mul3A_525 = arith.constant 4 : i32
      %mul3A_526 = arith.muli %scan3A_489, %mul3A_525 : i32
      %add3A_527 = arith.constant 2 : i32
      %add3A_528 = arith.addi %mul3A_526, %add3A_527 : i32
      %swap3A_529 = arith.index_cast %add3A_528 : i32 to index
      %swap3A_530 = arith.constant 16 : index
      %swap3A_531 = tpu.vector_load %arg19[%swap3A_529, %swap3A_530] {strides = array<i32>} : memref<128x32xf32, #tpu.memory_space<vmem>>, vector<16xf32>,
      tpu.vector_store %arg19[%swap3A_529, %swap3A_530], %broadcast_in_dim3A_3 {strides = array<i32>} : memref<128x32xf32, #tpu.memory_space<vmem>>, vector<16xf32>,
      %mul3A_532 = arith.constant 4 : i32
      %mul3A_533 = arith.muli %scan3A_489, %mul3A_532 : i32
      %add3A_534 = arith.constant 3 : i32
      %add3A_535 = arith.addi %mul3A_533, %add3A_534 : i32
      %swap3A_536 = arith.index_cast %add3A_535 : i32 to index
      %swap3A_537 = arith.constant 0 : index
      %swap3A_538 = tpu.vector_load %arg19[%swap3A_536, %swap3A_537] {strides = array<i32>} : memref<128x32xf32, #tpu.memory_space<vmem>>, vector<16xf32>,
      tpu.vector_store %arg19[%swap3A_536, %swap3A_537], %broadcast_in_dim3A_3 {strides = array<i32>} : memref<128x32xf32, #tpu.memory_space<vmem>>, vector<16xf32>,
      %mul3A_539 = arith.constant 4 : i32
      %mul3A_540 = arith.muli %scan3A_489, %mul3A_539 : i32
      %add3A_541 = arith.constant 3 : i32
      %add3A_542 = arith.addi %mul3A_540, %add3A_541 : i32
      %swap3A_543 = arith.index_cast %add3A_542 : i32 to index
      %swap3A_544 = arith.constant 16 : index
      %swap3A_545 = tpu.vector_load %arg19[%swap3A_543, %swap3A_544] {strides = array<i32>} : memref<128x32xf32, #tpu.memory_space<vmem>>, vector<16xf32>,
      tpu.vector_store %arg19[%swap3A_543, %swap3A_544], %broadcast_in_dim3A_3 {strides = array<i32>} : memref<128x32xf32, #tpu.memory_space<vmem>>, vector<16xf32>,
      %scan3A_546 = arith.constant 0 : i32
      scf.yield %scan3A_546 : i32
    }
    %scan3A_9 = arith.constant 32 : i32
    %add3A_10 = arith.constant 0 : i32
    %add3A_11 = arith.addi %mul3A_2, %add3A_10 : i32
    %dma_start3A = arith.constant 0 : i32
    %dma_start3A_12 = tpu.memref_slice %arg2[%add3A_11, %dma_start3A] : memref<10240x32xf32, #tpu.memory_space<hbm>> -> memref<128x32xf32, #tpu.memory_space<hbm>>
    %dma_start3A_13 = arith.constant 0 : i32
    %dma_start3A_14 = tpu.memref_slice %arg2[%add3A_11, %dma_start3A_13] : memref<10240x32xf32, #tpu.memory_space<hbm>> -> memref<128x32xf32, #tpu.memory_space<hbm>>
    tpu.enqueue_dma source(%dma_start3A_14 : memref<128x32xf32, #tpu.memory_space<hbm>>) target(%arg12 : memref<128x32xf32, #tpu.memory_space<vmem>>) target_semaphore(%arg20 : memref<!tpu.dma_semaphore, #tpu.memory_space<semaphore_mem>>)
    %dma_start3A_15 = arith.constant 0 : i32
    %dma_start3A_16 = tpu.memref_slice %arg8[%add3A_11, %dma_start3A_15] : memref<10240x32xf32, #tpu.memory_space<vmem_shared>> -> memref<128x32xf32, #tpu.memory_space<vmem_shared>>
    %dma_start3A_17 = arith.constant 0 : i32
    %dma_start3A_18 = tpu.memref_slice %arg8[%add3A_11, %dma_start3A_17] : memref<10240x32xf32, #tpu.memory_space<vmem_shared>> -> memref<128x32xf32, #tpu.memory_space<vmem_shared>>
    tpu.enqueue_dma source(%arg19 : memref<128x32xf32, #tpu.memory_space<vmem>>) target(%dma_start3A_18 : memref<128x32xf32, #tpu.memory_space<vmem_shared>>) target_semaphore(%arg28 : memref<!tpu.dma_semaphore, #tpu.memory_space<semaphore_mem>>)
    %add3A_19 = arith.constant 128 : i32
    %add3A_20 = arith.addi %mul3A_2, %add3A_19 : i32
    %dma_start3A_21 = arith.constant 0 : i32
    %dma_start3A_22 = tpu.memref_slice %arg2[%add3A_20, %dma_start3A_21] : memref<10240x32xf32, #tpu.memory_space<hbm>> -> memref<128x32xf32, #tpu.memory_space<hbm>>
    %dma_start3A_23 = arith.constant 0 : i32
    %dma_start3A_24 = tpu.memref_slice %arg2[%add3A_20, %dma_start3A_23] : memref<10240x32xf32, #tpu.memory_space<hbm>> -> memref<128x32xf32, #tpu.memory_space<hbm>>
    tpu.enqueue_dma source(%dma_start3A_24 : memref<128x32xf32, #tpu.memory_space<hbm>>) target(%arg13 : memref<128x32xf32, #tpu.memory_space<vmem>>) target_semaphore(%arg21 : memref<!tpu.dma_semaphore, #tpu.memory_space<semaphore_mem>>)
    %dma_start3A_25 = arith.constant 0 : i32
    %dma_start3A_26 = tpu.memref_slice %arg8[%add3A_20, %dma_start3A_25] : memref<10240x32xf32, #tpu.memory_space<vmem_shared>> -> memref<128x32xf32, #tpu.memory_space<vmem_shared>>
    %dma_start3A_27 = arith.constant 0 : i32
    %dma_start3A_28 = tpu.memref_slice %arg8[%add3A_20, %dma_start3A_27] : memref<10240x32xf32, #tpu.memory_space<vmem_shared>> -> memref<128x32xf32, #tpu.memory_space<vmem_shared>>
    tpu.enqueue_dma source(%arg19 : memref<128x32xf32, #tpu.memory_space<vmem>>) target(%dma_start3A_28 : memref<128x32xf32, #tpu.memory_space<vmem_shared>>) target_semaphore(%arg29 : memref<!tpu.dma_semaphore, #tpu.memory_space<semaphore_mem>>)
    %add3A_29 = arith.constant 256 : i32
    %add3A_30 = arith.addi %mul3A_2, %add3A_29 : i32
    %dma_start3A_31 = arith.constant 0 : i32
    %dma_start3A_32 = tpu.memref_slice %arg2[%add3A_30, %dma_start3A_31] : memref<10240x32xf32, #tpu.memory_space<hbm>> -> memref<128x32xf32, #tpu.memory_space<hbm>>
    %dma_start3A_33 = arith.constant 0 : i32
    %dma_start3A_34 = tpu.memref_slice %arg2[%add3A_30, %dma_start3A_33] : memref<10240x32xf32, #tpu.memory_space<hbm>> -> memref<128x32xf32, #tpu.memory_space<hbm>>
    tpu.enqueue_dma source(%dma_start3A_34 : memref<128x32xf32, #tpu.memory_space<hbm>>) target(%arg14 : memref<128x32xf32, #tpu.memory_space<vmem>>) target_semaphore(%arg22 : memref<!tpu.dma_semaphore, #tpu.memory_space<semaphore_mem>>)
    %dma_start3A_35 = arith.constant 0 : i32
    %dma_start3A_36 = tpu.memref_slice %arg8[%add3A_30, %dma_start3A_35] : memref<10240x32xf32, #tpu.memory_space<vmem_shared>> -> memref<128x32xf32, #tpu.memory_space<vmem_shared>>
    %dma_start3A_37 = arith.constant 0 : i32
    %dma_start3A_38 = tpu.memref_slice %arg8[%add3A_30, %dma_start3A_37] : memref<10240x32xf32, #tpu.memory_space<vmem_shared>> -> memref<128x32xf32, #tpu.memory_space<vmem_shared>>
    tpu.enqueue_dma source(%arg19 : memref<128x32xf32, #tpu.memory_space<vmem>>) target(%dma_start3A_38 : memref<128x32xf32, #tpu.memory_space<vmem_shared>>) target_semaphore(%arg30 : memref<!tpu.dma_semaphore, #tpu.memory_space<semaphore_mem>>)
    %add3A_39 = arith.constant 384 : i32
    %add3A_40 = arith.addi %mul3A_2, %add3A_39 : i32
    %dma_start3A_41 = arith.constant 0 : i32
    %dma_start3A_42 = tpu.memref_slice %arg2[%add3A_40, %dma_start3A_41] : memref<10240x32xf32, #tpu.memory_space<hbm>> -> memref<128x32xf32, #tpu.memory_space<hbm>>
    %dma_start3A_43 = arith.constant 0 : i32
    %dma_start3A_44 = tpu.memref_slice %arg2[%add3A_40, %dma_start3A_43] : memref<10240x32xf32, #tpu.memory_space<hbm>> -> memref<128x32xf32, #tpu.memory_space<hbm>>
    tpu.enqueue_dma source(%dma_start3A_44 : memref<128x32xf32, #tpu.memory_space<hbm>>) target(%arg15 : memref<128x32xf32, #tpu.memory_space<vmem>>) target_semaphore(%arg23 : memref<!tpu.dma_semaphore, #tpu.memory_space<semaphore_mem>>)
    %dma_start3A_45 = arith.constant 0 : i32
    %dma_start3A_46 = tpu.memref_slice %arg8[%add3A_40, %dma_start3A_45] : memref<10240x32xf32, #tpu.memory_space<vmem_shared>> -> memref<128x32xf32, #tpu.memory_space<vmem_shared>>
    %dma_start3A_47 = arith.constant 0 : i32
    %dma_start3A_48 = tpu.memref_slice %arg8[%add3A_40, %dma_start3A_47] : memref<10240x32xf32, #tpu.memory_space<vmem_shared>> -> memref<128x32xf32, #tpu.memory_space<vmem_shared>>
    tpu.enqueue_dma source(%arg19 : memref<128x32xf32, #tpu.memory_space<vmem>>) target(%dma_start3A_48 : memref<128x32xf32, #tpu.memory_space<vmem_shared>>) target_semaphore(%arg31 : memref<!tpu.dma_semaphore, #tpu.memory_space<semaphore_mem>>)
    %add3A_49 = arith.constant 512 : i32
    %add3A_50 = arith.addi %mul3A_2, %add3A_49 : i32
    %dma_start3A_51 = arith.constant 0 : i32
    %dma_start3A_52 = tpu.memref_slice %arg2[%add3A_50, %dma_start3A_51] : memref<10240x32xf32, #tpu.memory_space<hbm>> -> memref<128x32xf32, #tpu.memory_space<hbm>>
    %dma_start3A_53 = arith.constant 0 : i32
    %dma_start3A_54 = tpu.memref_slice %arg2[%add3A_50, %dma_start3A_53] : memref<10240x32xf32, #tpu.memory_space<hbm>> -> memref<128x32xf32, #tpu.memory_space<hbm>>
    tpu.enqueue_dma source(%dma_start3A_54 : memref<128x32xf32, #tpu.memory_space<hbm>>) target(%arg16 : memref<128x32xf32, #tpu.memory_space<vmem>>) target_semaphore(%arg24 : memref<!tpu.dma_semaphore, #tpu.memory_space<semaphore_mem>>)
    %dma_start3A_55 = arith.constant 0 : i32
    %dma_start3A_56 = tpu.memref_slice %arg8[%add3A_50, %dma_start3A_55] : memref<10240x32xf32, #tpu.memory_space<vmem_shared>> -> memref<128x32xf32, #tpu.memory_space<vmem_shared>>
    %dma_start3A_57 = arith.constant 0 : i32
    %dma_start3A_58 = tpu.memref_slice %arg8[%add3A_50, %dma_start3A_57] : memref<10240x32xf32, #tpu.memory_space<vmem_shared>> -> memref<128x32xf32, #tpu.memory_space<vmem_shared>>
    tpu.enqueue_dma source(%arg19 : memref<128x32xf32, #tpu.memory_space<vmem>>) target(%dma_start3A_58 : memref<128x32xf32, #tpu.memory_space<vmem_shared>>) target_semaphore(%arg32 : memref<!tpu.dma_semaphore, #tpu.memory_space<semaphore_mem>>)
    "tpu.region"() ({
      %run_scoped3A = tpu.sem_alloc : memref<!tpu.dma_semaphore, #tpu.memory_space<semaphore_mem>>
      %dma_start3A_489 = arith.constant 0 : i32
      %dma_start3A_490 = arith.constant 0 : i32
      %dma_start3A_491 = tpu.memref_slice %arg3[%add3A, %dma_start3A_489, %dma_start3A_490] : memref<32x80x128xi32, #tpu.memory_space<hbm>> -> memref<1x80x128xi32, #tpu.memory_space<hbm>>
      %dma_start3A_492 = tpu.memref_squeeze %dma_start3A_491 : memref<1x80x128xi32, #tpu.memory_space<hbm>> -> memref<80x128xi32, #tpu.memory_space<hbm>>
      %dma_start3A_493 = arith.constant 0 : i32
      %dma_start3A_494 = arith.constant 0 : i32
      %dma_start3A_495 = tpu.memref_slice %arg3[%add3A, %dma_start3A_493, %dma_start3A_494] : memref<32x80x128xi32, #tpu.memory_space<hbm>> -> memref<1x80x128xi32, #tpu.memory_space<hbm>>
      %dma_start3A_496 = tpu.memref_squeeze %dma_start3A_495 : memref<1x80x128xi32, #tpu.memory_space<hbm>> -> memref<80x128xi32, #tpu.memory_space<hbm>>
      tpu.enqueue_dma source(%dma_start3A_496 : memref<80x128xi32, #tpu.memory_space<hbm>>) target(%arg10 : memref<80x128xi32, #tpu.memory_space<vmem>>) target_semaphore(%run_scoped3A : memref<!tpu.dma_semaphore, #tpu.memory_space<semaphore_mem>>)
      %dma_wait3A_497 = arith.constant 0 : i32
      %dma_wait3A_498 = arith.constant 0 : i32
      %dma_wait3A_499 = tpu.memref_slice %arg3[%add3A, %dma_wait3A_497, %dma_wait3A_498] : memref<32x80x128xi32, #tpu.memory_space<hbm>> -> memref<1x80x128xi32, #tpu.memory_space<hbm>>
      %dma_wait3A_500 = tpu.memref_squeeze %dma_wait3A_499 : memref<1x80x128xi32, #tpu.memory_space<hbm>> -> memref<80x128xi32, #tpu.memory_space<hbm>>
      %dma_wait3A_501 = arith.constant 0 : i32
      %dma_wait3A_502 = arith.constant 0 : i32
      %dma_wait3A_503 = tpu.memref_slice %arg3[%add3A, %dma_wait3A_501, %dma_wait3A_502] : memref<32x80x128xi32, #tpu.memory_space<hbm>> -> memref<1x80x128xi32, #tpu.memory_space<hbm>>
      %dma_wait3A_504 = tpu.memref_squeeze %dma_wait3A_503 : memref<1x80x128xi32, #tpu.memory_space<hbm>> -> memref<80x128xi32, #tpu.memory_space<hbm>>
      tpu.wait_dma2 semaphore(%run_scoped3A : memref<!tpu.dma_semaphore, #tpu.memory_space<semaphore_mem>>) src(%dma_wait3A_504 : memref<80x128xi32, #tpu.memory_space<hbm>>) dst(%arg10 : memref<80x128xi32, #tpu.memory_space<vmem>>)
      tpu.yield
    }) : () -> ()
    "tpu.region"() ({
      %run_scoped3A = tpu.sem_alloc : memref<!tpu.dma_semaphore, #tpu.memory_space<semaphore_mem>>
      %dma_start3A_489 = arith.constant 0 : i32
      %dma_start3A_490 = arith.constant 0 : i32
      %dma_start3A_491 = tpu.memref_slice %arg4[%add3A, %dma_start3A_489, %dma_start3A_490] : memref<32x80x128xi32, #tpu.memory_space<hbm>> -> memref<1x80x128xi32, #tpu.memory_space<hbm>>
      %dma_start3A_492 = tpu.memref_squeeze %dma_start3A_491 : memref<1x80x128xi32, #tpu.memory_space<hbm>> -> memref<80x128xi32, #tpu.memory_space<hbm>>
      %dma_start3A_493 = arith.constant 0 : i32
      %dma_start3A_494 = arith.constant 0 : i32
      %dma_start3A_495 = tpu.memref_slice %arg4[%add3A, %dma_start3A_493, %dma_start3A_494] : memref<32x80x128xi32, #tpu.memory_space<hbm>> -> memref<1x80x128xi32, #tpu.memory_space<hbm>>
      %dma_start3A_496 = tpu.memref_squeeze %dma_start3A_495 : memref<1x80x128xi32, #tpu.memory_space<hbm>> -> memref<80x128xi32, #tpu.memory_space<hbm>>
      tpu.enqueue_dma source(%dma_start3A_496 : memref<80x128xi32, #tpu.memory_space<hbm>>) target(%arg11 : memref<80x128xi32, #tpu.memory_space<vmem>>) target_semaphore(%run_scoped3A : memref<!tpu.dma_semaphore, #tpu.memory_space<semaphore_mem>>)
      %dma_wait3A_497 = arith.constant 0 : i32
      %dma_wait3A_498 = arith.constant 0 : i32
      %dma_wait3A_499 = tpu.memref_slice %arg4[%add3A, %dma_wait3A_497, %dma_wait3A_498] : memref<32x80x128xi32, #tpu.memory_space<hbm>> -> memref<1x80x128xi32, #tpu.memory_space<hbm>>
      %dma_wait3A_500 = tpu.memref_squeeze %dma_wait3A_499 : memref<1x80x128xi32, #tpu.memory_space<hbm>> -> memref<80x128xi32, #tpu.memory_space<hbm>>
      %dma_wait3A_501 = arith.constant 0 : i32
      %dma_wait3A_502 = arith.constant 0 : i32
      %dma_wait3A_503 = tpu.memref_slice %arg4[%add3A, %dma_wait3A_501, %dma_wait3A_502] : memref<32x80x128xi32, #tpu.memory_space<hbm>> -> memref<1x80x128xi32, #tpu.memory_space<hbm>>
      %dma_wait3A_504 = tpu.memref_squeeze %dma_wait3A_503 : memref<1x80x128xi32, #tpu.memory_space<hbm>> -> memref<80x128xi32, #tpu.memory_space<hbm>>
      tpu.wait_dma2 semaphore(%run_scoped3A : memref<!tpu.dma_semaphore, #tpu.memory_space<semaphore_mem>>) src(%dma_wait3A_504 : memref<80x128xi32, #tpu.memory_space<hbm>>) dst(%arg11 : memref<80x128xi32, #tpu.memory_space<vmem>>)
      tpu.yield
    }) : () -> ()
    "tpu.region"() ({
      %run_scoped3A = tpu.sem_alloc : memref<!tpu.dma_semaphore, #tpu.memory_space<semaphore_mem>>
      tpu.enqueue_dma source(%arg5 : memref<10240xf32, #tpu.memory_space<hbm>>) target(%arg36 : memref<10240xf32, #tpu.memory_space<vmem>>) target_semaphore(%run_scoped3A : memref<!tpu.dma_semaphore, #tpu.memory_space<semaphore_mem>>)
      tpu.wait_dma2 semaphore(%run_scoped3A : memref<!tpu.dma_semaphore, #tpu.memory_space<semaphore_mem>>) src(%arg5 : memref<10240xf32, #tpu.memory_space<hbm>>) dst(%arg36 : memref<10240xf32, #tpu.memory_space<vmem>>)
      tpu.yield
    }) : () -> ()
    %broadcast_in_dim3A_59 = arith.constant 0.000000e+00 : f32
    %broadcast_in_dim3A_60 = vector.broadcast %broadcast_in_dim3A_59 : f32 to vector<16xf32>
    %scan3A_61 = arith.constant 0 : i32
    %scan3A_62 = arith.constant 0 : i32
    %scan3A_63 = arith.constant 80 : i32
    %scan3A_64 = arith.addi %scan3A_62, %scan3A_63 : i32
    %scan3A_65 = arith.constant 1 : i32
    %scan3A_66 = scf.for %scan3A_489 = %scan3A_62 to %scan3A_64 step %scan3A_65 iter_args(%scan3A_490 = %scan3A_61) -> (i32)  : i32 {
      %mul3A_491 = arith.constant 128 : i32
      %mul3A_492 = arith.muli %scan3A_489, %mul3A_491 : i32
      %add3A_493 = arith.constant 0 : i32
      %add3A_494 = arith.addi %mul3A_492, %add3A_493 : i32
      %swap3A = arith.index_cast %add3A_494 : i32 to index
      %swap3A_495 = tpu.vector_load %arg37[%swap3A] {strides = array<i32>} : memref<10240xf32, #tpu.memory_space<vmem>>, vector<16xf32>,
      tpu.vector_store %arg37[%swap3A], %broadcast_in_dim3A_60 {strides = array<i32>} : memref<10240xf32, #tpu.memory_space<vmem>>, vector<16xf32>,
      %mul3A_496 = arith.constant 128 : i32
      %mul3A_497 = arith.muli %scan3A_489, %mul3A_496 : i32
      %add3A_498 = arith.constant 16 : i32
      %add3A_499 = arith.addi %mul3A_497, %add3A_498 : i32
      %swap3A_500 = arith.index_cast %add3A_499 : i32 to index
      %swap3A_501 = tpu.vector_load %arg37[%swap3A_500] {strides = array<i32>} : memref<10240xf32, #tpu.memory_space<vmem>>, vector<16xf32>,
      tpu.vector_store %arg37[%swap3A_500], %broadcast_in_dim3A_60 {strides = array<i32>} : memref<10240xf32, #tpu.memory_space<vmem>>, vector<16xf32>,
      %mul3A_502 = arith.constant 128 : i32
      %mul3A_503 = arith.muli %scan3A_489, %mul3A_502 : i32
      %add3A_504 = arith.constant 32 : i32
      %add3A_505 = arith.addi %mul3A_503, %add3A_504 : i32
      %swap3A_506 = arith.index_cast %add3A_505 : i32 to index
      %swap3A_507 = tpu.vector_load %arg37[%swap3A_506] {strides = array<i32>} : memref<10240xf32, #tpu.memory_space<vmem>>, vector<16xf32>,
      tpu.vector_store %arg37[%swap3A_506], %broadcast_in_dim3A_60 {strides = array<i32>} : memref<10240xf32, #tpu.memory_space<vmem>>, vector<16xf32>,
      %mul3A_508 = arith.constant 128 : i32
      %mul3A_509 = arith.muli %scan3A_489, %mul3A_508 : i32
      %add3A_510 = arith.constant 48 : i32
      %add3A_511 = arith.addi %mul3A_509, %add3A_510 : i32
      %swap3A_512 = arith.index_cast %add3A_511 : i32 to index
      %swap3A_513 = tpu.vector_load %arg37[%swap3A_512] {strides = array<i32>} : memref<10240xf32, #tpu.memory_space<vmem>>, vector<16xf32>,
      tpu.vector_store %arg37[%swap3A_512], %broadcast_in_dim3A_60 {strides = array<i32>} : memref<10240xf32, #tpu.memory_space<vmem>>, vector<16xf32>,
      %mul3A_514 = arith.constant 128 : i32
      %mul3A_515 = arith.muli %scan3A_489, %mul3A_514 : i32
      %add3A_516 = arith.constant 64 : i32
      %add3A_517 = arith.addi %mul3A_515, %add3A_516 : i32
      %swap3A_518 = arith.index_cast %add3A_517 : i32 to index
      %swap3A_519 = tpu.vector_load %arg37[%swap3A_518] {strides = array<i32>} : memref<10240xf32, #tpu.memory_space<vmem>>, vector<16xf32>,
      tpu.vector_store %arg37[%swap3A_518], %broadcast_in_dim3A_60 {strides = array<i32>} : memref<10240xf32, #tpu.memory_space<vmem>>, vector<16xf32>,
      %mul3A_520 = arith.constant 128 : i32
      %mul3A_521 = arith.muli %scan3A_489, %mul3A_520 : i32
      %add3A_522 = arith.constant 80 : i32
      %add3A_523 = arith.addi %mul3A_521, %add3A_522 : i32
      %swap3A_524 = arith.index_cast %add3A_523 : i32 to index
      %swap3A_525 = tpu.vector_load %arg37[%swap3A_524] {strides = array<i32>} : memref<10240xf32, #tpu.memory_space<vmem>>, vector<16xf32>,
      tpu.vector_store %arg37[%swap3A_524], %broadcast_in_dim3A_60 {strides = array<i32>} : memref<10240xf32, #tpu.memory_space<vmem>>, vector<16xf32>,
      %mul3A_526 = arith.constant 128 : i32
      %mul3A_527 = arith.muli %scan3A_489, %mul3A_526 : i32
      %add3A_528 = arith.constant 96 : i32
      %add3A_529 = arith.addi %mul3A_527, %add3A_528 : i32
      %swap3A_530 = arith.index_cast %add3A_529 : i32 to index
      %swap3A_531 = tpu.vector_load %arg37[%swap3A_530] {strides = array<i32>} : memref<10240xf32, #tpu.memory_space<vmem>>, vector<16xf32>,
      tpu.vector_store %arg37[%swap3A_530], %broadcast_in_dim3A_60 {strides = array<i32>} : memref<10240xf32, #tpu.memory_space<vmem>>, vector<16xf32>,
      %mul3A_532 = arith.constant 128 : i32
      %mul3A_533 = arith.muli %scan3A_489, %mul3A_532 : i32
      %add3A_534 = arith.constant 112 : i32
      %add3A_535 = arith.addi %mul3A_533, %add3A_534 : i32
      %swap3A_536 = arith.index_cast %add3A_535 : i32 to index
      %swap3A_537 = tpu.vector_load %arg37[%swap3A_536] {strides = array<i32>} : memref<10240xf32, #tpu.memory_space<vmem>>, vector<16xf32>,
      tpu.vector_store %arg37[%swap3A_536], %broadcast_in_dim3A_60 {strides = array<i32>} : memref<10240xf32, #tpu.memory_space<vmem>>, vector<16xf32>,
      %scan3A_538 = arith.constant 0 : i32
      scf.yield %scan3A_538 : i32
    }
    %scan3A_67 = arith.constant 80 : i32
    %add3A_68 = arith.constant 0 : i32
    %add3A_69 = arith.addi %mul3A_2, %add3A_68 : i32
    %dma_wait3A = arith.constant 0 : i32
    %dma_wait3A_70 = tpu.memref_slice %arg2[%add3A_69, %dma_wait3A] : memref<10240x32xf32, #tpu.memory_space<hbm>> -> memref<128x32xf32, #tpu.memory_space<hbm>>
    %dma_wait3A_71 = arith.constant 0 : i32
    %dma_wait3A_72 = tpu.memref_slice %arg2[%add3A_69, %dma_wait3A_71] : memref<10240x32xf32, #tpu.memory_space<hbm>> -> memref<128x32xf32, #tpu.memory_space<hbm>>
    tpu.wait_dma2 semaphore(%arg20 : memref<!tpu.dma_semaphore, #tpu.memory_space<semaphore_mem>>) src(%dma_wait3A_72 : memref<128x32xf32, #tpu.memory_space<hbm>>) dst(%arg12 : memref<128x32xf32, #tpu.memory_space<vmem>>)
    %dma_start3A_73 = arith.constant 0 : i32
    %dma_start3A_74 = tpu.memref_slice %arg9[%add3A_69, %dma_start3A_73] : memref<10240x32xf32, #tpu.memory_space<vmem_shared>> -> memref<128x32xf32, #tpu.memory_space<vmem_shared>>
    %dma_start3A_75 = arith.constant 0 : i32
    %dma_start3A_76 = tpu.memref_slice %arg9[%add3A_69, %dma_start3A_75] : memref<10240x32xf32, #tpu.memory_space<vmem_shared>> -> memref<128x32xf32, #tpu.memory_space<vmem_shared>>
    tpu.enqueue_dma source(%arg12 : memref<128x32xf32, #tpu.memory_space<vmem>>) target(%dma_start3A_76 : memref<128x32xf32, #tpu.memory_space<vmem_shared>>) target_semaphore(%arg20 : memref<!tpu.dma_semaphore, #tpu.memory_space<semaphore_mem>>)
    %add3A_77 = arith.constant 128 : i32
    %add3A_78 = arith.addi %mul3A_2, %add3A_77 : i32
    %dma_wait3A_79 = arith.constant 0 : i32
    %dma_wait3A_80 = tpu.memref_slice %arg2[%add3A_78, %dma_wait3A_79] : memref<10240x32xf32, #tpu.memory_space<hbm>> -> memref<128x32xf32, #tpu.memory_space<hbm>>
    %dma_wait3A_81 = arith.constant 0 : i32
    %dma_wait3A_82 = tpu.memref_slice %arg2[%add3A_78, %dma_wait3A_81] : memref<10240x32xf32, #tpu.memory_space<hbm>> -> memref<128x32xf32, #tpu.memory_space<hbm>>
    tpu.wait_dma2 semaphore(%arg21 : memref<!tpu.dma_semaphore, #tpu.memory_space<semaphore_mem>>) src(%dma_wait3A_82 : memref<128x32xf32, #tpu.memory_space<hbm>>) dst(%arg13 : memref<128x32xf32, #tpu.memory_space<vmem>>)
    %dma_start3A_83 = arith.constant 0 : i32
    %dma_start3A_84 = tpu.memref_slice %arg9[%add3A_78, %dma_start3A_83] : memref<10240x32xf32, #tpu.memory_space<vmem_shared>> -> memref<128x32xf32, #tpu.memory_space<vmem_shared>>
    %dma_start3A_85 = arith.constant 0 : i32
    %dma_start3A_86 = tpu.memref_slice %arg9[%add3A_78, %dma_start3A_85] : memref<10240x32xf32, #tpu.memory_space<vmem_shared>> -> memref<128x32xf32, #tpu.memory_space<vmem_shared>>
    tpu.enqueue_dma source(%arg13 : memref<128x32xf32, #tpu.memory_space<vmem>>) target(%dma_start3A_86 : memref<128x32xf32, #tpu.memory_space<vmem_shared>>) target_semaphore(%arg21 : memref<!tpu.dma_semaphore, #tpu.memory_space<semaphore_mem>>)
    %add3A_87 = arith.constant 256 : i32
    %add3A_88 = arith.addi %mul3A_2, %add3A_87 : i32
    %dma_wait3A_89 = arith.constant 0 : i32
    %dma_wait3A_90 = tpu.memref_slice %arg2[%add3A_88, %dma_wait3A_89] : memref<10240x32xf32, #tpu.memory_space<hbm>> -> memref<128x32xf32, #tpu.memory_space<hbm>>
    %dma_wait3A_91 = arith.constant 0 : i32
    %dma_wait3A_92 = tpu.memref_slice %arg2[%add3A_88, %dma_wait3A_91] : memref<10240x32xf32, #tpu.memory_space<hbm>> -> memref<128x32xf32, #tpu.memory_space<hbm>>
    tpu.wait_dma2 semaphore(%arg22 : memref<!tpu.dma_semaphore, #tpu.memory_space<semaphore_mem>>) src(%dma_wait3A_92 : memref<128x32xf32, #tpu.memory_space<hbm>>) dst(%arg14 : memref<128x32xf32, #tpu.memory_space<vmem>>)
    %dma_start3A_93 = arith.constant 0 : i32
    %dma_start3A_94 = tpu.memref_slice %arg9[%add3A_88, %dma_start3A_93] : memref<10240x32xf32, #tpu.memory_space<vmem_shared>> -> memref<128x32xf32, #tpu.memory_space<vmem_shared>>
    %dma_start3A_95 = arith.constant 0 : i32
    %dma_start3A_96 = tpu.memref_slice %arg9[%add3A_88, %dma_start3A_95] : memref<10240x32xf32, #tpu.memory_space<vmem_shared>> -> memref<128x32xf32, #tpu.memory_space<vmem_shared>>
    tpu.enqueue_dma source(%arg14 : memref<128x32xf32, #tpu.memory_space<vmem>>) target(%dma_start3A_96 : memref<128x32xf32, #tpu.memory_space<vmem_shared>>) target_semaphore(%arg22 : memref<!tpu.dma_semaphore, #tpu.memory_space<semaphore_mem>>)
    %add3A_97 = arith.constant 384 : i32
    %add3A_98 = arith.addi %mul3A_2, %add3A_97 : i32
    %dma_wait3A_99 = arith.constant 0 : i32
    %dma_wait3A_100 = tpu.memref_slice %arg2[%add3A_98, %dma_wait3A_99] : memref<10240x32xf32, #tpu.memory_space<hbm>> -> memref<128x32xf32, #tpu.memory_space<hbm>>
    %dma_wait3A_101 = arith.constant 0 : i32
    %dma_wait3A_102 = tpu.memref_slice %arg2[%add3A_98, %dma_wait3A_101] : memref<10240x32xf32, #tpu.memory_space<hbm>> -> memref<128x32xf32, #tpu.memory_space<hbm>>
    tpu.wait_dma2 semaphore(%arg23 : memref<!tpu.dma_semaphore, #tpu.memory_space<semaphore_mem>>) src(%dma_wait3A_102 : memref<128x32xf32, #tpu.memory_space<hbm>>) dst(%arg15 : memref<128x32xf32, #tpu.memory_space<vmem>>)
    %dma_start3A_103 = arith.constant 0 : i32
    %dma_start3A_104 = tpu.memref_slice %arg9[%add3A_98, %dma_start3A_103] : memref<10240x32xf32, #tpu.memory_space<vmem_shared>> -> memref<128x32xf32, #tpu.memory_space<vmem_shared>>
    %dma_start3A_105 = arith.constant 0 : i32
    %dma_start3A_106 = tpu.memref_slice %arg9[%add3A_98, %dma_start3A_105] : memref<10240x32xf32, #tpu.memory_space<vmem_shared>> -> memref<128x32xf32, #tpu.memory_space<vmem_shared>>
    tpu.enqueue_dma source(%arg15 : memref<128x32xf32, #tpu.memory_space<vmem>>) target(%dma_start3A_106 : memref<128x32xf32, #tpu.memory_space<vmem_shared>>) target_semaphore(%arg23 : memref<!tpu.dma_semaphore, #tpu.memory_space<semaphore_mem>>)
    %add3A_107 = arith.constant 512 : i32
    %add3A_108 = arith.addi %mul3A_2, %add3A_107 : i32
    %dma_wait3A_109 = arith.constant 0 : i32
    %dma_wait3A_110 = tpu.memref_slice %arg2[%add3A_108, %dma_wait3A_109] : memref<10240x32xf32, #tpu.memory_space<hbm>> -> memref<128x32xf32, #tpu.memory_space<hbm>>
    %dma_wait3A_111 = arith.constant 0 : i32
    %dma_wait3A_112 = tpu.memref_slice %arg2[%add3A_108, %dma_wait3A_111] : memref<10240x32xf32, #tpu.memory_space<hbm>> -> memref<128x32xf32, #tpu.memory_space<hbm>>
    tpu.wait_dma2 semaphore(%arg24 : memref<!tpu.dma_semaphore, #tpu.memory_space<semaphore_mem>>) src(%dma_wait3A_112 : memref<128x32xf32, #tpu.memory_space<hbm>>) dst(%arg16 : memref<128x32xf32, #tpu.memory_space<vmem>>)
    %dma_start3A_113 = arith.constant 0 : i32
    %dma_start3A_114 = tpu.memref_slice %arg9[%add3A_108, %dma_start3A_113] : memref<10240x32xf32, #tpu.memory_space<vmem_shared>> -> memref<128x32xf32, #tpu.memory_space<vmem_shared>>
    %dma_start3A_115 = arith.constant 0 : i32
    %dma_start3A_116 = tpu.memref_slice %arg9[%add3A_108, %dma_start3A_115] : memref<10240x32xf32, #tpu.memory_space<vmem_shared>> -> memref<128x32xf32, #tpu.memory_space<vmem_shared>>
    tpu.enqueue_dma source(%arg16 : memref<128x32xf32, #tpu.memory_space<vmem>>) target(%dma_start3A_116 : memref<128x32xf32, #tpu.memory_space<vmem_shared>>) target_semaphore(%arg24 : memref<!tpu.dma_semaphore, #tpu.memory_space<semaphore_mem>>)
    %add3A_117 = arith.constant 0 : i32
    %add3A_118 = arith.addi %mul3A_2, %add3A_117 : i32
    %dma_wait3A_119 = arith.constant 0 : i32
    %dma_wait3A_120 = tpu.memref_slice %arg9[%add3A_118, %dma_wait3A_119] : memref<10240x32xf32, #tpu.memory_space<vmem_shared>> -> memref<128x32xf32, #tpu.memory_space<vmem_shared>>
    %dma_wait3A_121 = arith.constant 0 : i32
    %dma_wait3A_122 = tpu.memref_slice %arg9[%add3A_118, %dma_wait3A_121] : memref<10240x32xf32, #tpu.memory_space<vmem_shared>> -> memref<128x32xf32, #tpu.memory_space<vmem_shared>>
    tpu.wait_dma2 semaphore(%arg20 : memref<!tpu.dma_semaphore, #tpu.memory_space<semaphore_mem>>) src(%arg12 : memref<128x32xf32, #tpu.memory_space<vmem>>) dst(%dma_wait3A_122 : memref<128x32xf32, #tpu.memory_space<vmem_shared>>)
    %dma_wait3A_123 = arith.constant 0 : i32
    %dma_wait3A_124 = tpu.memref_slice %arg8[%add3A_118, %dma_wait3A_123] : memref<10240x32xf32, #tpu.memory_space<vmem_shared>> -> memref<128x32xf32, #tpu.memory_space<vmem_shared>>
    %dma_wait3A_125 = arith.constant 0 : i32
    %dma_wait3A_126 = tpu.memref_slice %arg8[%add3A_118, %dma_wait3A_125] : memref<10240x32xf32, #tpu.memory_space<vmem_shared>> -> memref<128x32xf32, #tpu.memory_space<vmem_shared>>
    tpu.wait_dma2 semaphore(%arg28 : memref<!tpu.dma_semaphore, #tpu.memory_space<semaphore_mem>>) src(%arg19 : memref<128x32xf32, #tpu.memory_space<vmem>>) dst(%dma_wait3A_126 : memref<128x32xf32, #tpu.memory_space<vmem_shared>>)
    %add3A_127 = arith.constant 128 : i32
    %add3A_128 = arith.addi %mul3A_2, %add3A_127 : i32
    %dma_wait3A_129 = arith.constant 0 : i32
    %dma_wait3A_130 = tpu.memref_slice %arg9[%add3A_128, %dma_wait3A_129] : memref<10240x32xf32, #tpu.memory_space<vmem_shared>> -> memref<128x32xf32, #tpu.memory_space<vmem_shared>>
    %dma_wait3A_131 = arith.constant 0 : i32
    %dma_wait3A_132 = tpu.memref_slice %arg9[%add3A_128, %dma_wait3A_131] : memref<10240x32xf32, #tpu.memory_space<vmem_shared>> -> memref<128x32xf32, #tpu.memory_space<vmem_shared>>
    tpu.wait_dma2 semaphore(%arg21 : memref<!tpu.dma_semaphore, #tpu.memory_space<semaphore_mem>>) src(%arg13 : memref<128x32xf32, #tpu.memory_space<vmem>>) dst(%dma_wait3A_132 : memref<128x32xf32, #tpu.memory_space<vmem_shared>>)
    %dma_wait3A_133 = arith.constant 0 : i32
    %dma_wait3A_134 = tpu.memref_slice %arg8[%add3A_128, %dma_wait3A_133] : memref<10240x32xf32, #tpu.memory_space<vmem_shared>> -> memref<128x32xf32, #tpu.memory_space<vmem_shared>>
    %dma_wait3A_135 = arith.constant 0 : i32
    %dma_wait3A_136 = tpu.memref_slice %arg8[%add3A_128, %dma_wait3A_135] : memref<10240x32xf32, #tpu.memory_space<vmem_shared>> -> memref<128x32xf32, #tpu.memory_space<vmem_shared>>
    tpu.wait_dma2 semaphore(%arg29 : memref<!tpu.dma_semaphore, #tpu.memory_space<semaphore_mem>>) src(%arg19 : memref<128x32xf32, #tpu.memory_space<vmem>>) dst(%dma_wait3A_136 : memref<128x32xf32, #tpu.memory_space<vmem_shared>>)
    %add3A_137 = arith.constant 256 : i32
    %add3A_138 = arith.addi %mul3A_2, %add3A_137 : i32
    %dma_wait3A_139 = arith.constant 0 : i32
    %dma_wait3A_140 = tpu.memref_slice %arg9[%add3A_138, %dma_wait3A_139] : memref<10240x32xf32, #tpu.memory_space<vmem_shared>> -> memref<128x32xf32, #tpu.memory_space<vmem_shared>>
    %dma_wait3A_141 = arith.constant 0 : i32
    %dma_wait3A_142 = tpu.memref_slice %arg9[%add3A_138, %dma_wait3A_141] : memref<10240x32xf32, #tpu.memory_space<vmem_shared>> -> memref<128x32xf32, #tpu.memory_space<vmem_shared>>
    tpu.wait_dma2 semaphore(%arg22 : memref<!tpu.dma_semaphore, #tpu.memory_space<semaphore_mem>>) src(%arg14 : memref<128x32xf32, #tpu.memory_space<vmem>>) dst(%dma_wait3A_142 : memref<128x32xf32, #tpu.memory_space<vmem_shared>>)
    %dma_wait3A_143 = arith.constant 0 : i32
    %dma_wait3A_144 = tpu.memref_slice %arg8[%add3A_138, %dma_wait3A_143] : memref<10240x32xf32, #tpu.memory_space<vmem_shared>> -> memref<128x32xf32, #tpu.memory_space<vmem_shared>>
    %dma_wait3A_145 = arith.constant 0 : i32
    %dma_wait3A_146 = tpu.memref_slice %arg8[%add3A_138, %dma_wait3A_145] : memref<10240x32xf32, #tpu.memory_space<vmem_shared>> -> memref<128x32xf32, #tpu.memory_space<vmem_shared>>
    tpu.wait_dma2 semaphore(%arg30 : memref<!tpu.dma_semaphore, #tpu.memory_space<semaphore_mem>>) src(%arg19 : memref<128x32xf32, #tpu.memory_space<vmem>>) dst(%dma_wait3A_146 : memref<128x32xf32, #tpu.memory_space<vmem_shared>>)
    %add3A_147 = arith.constant 384 : i32
    %add3A_148 = arith.addi %mul3A_2, %add3A_147 : i32
    %dma_wait3A_149 = arith.constant 0 : i32
    %dma_wait3A_150 = tpu.memref_slice %arg9[%add3A_148, %dma_wait3A_149] : memref<10240x32xf32, #tpu.memory_space<vmem_shared>> -> memref<128x32xf32, #tpu.memory_space<vmem_shared>>
    %dma_wait3A_151 = arith.constant 0 : i32
    %dma_wait3A_152 = tpu.memref_slice %arg9[%add3A_148, %dma_wait3A_151] : memref<10240x32xf32, #tpu.memory_space<vmem_shared>> -> memref<128x32xf32, #tpu.memory_space<vmem_shared>>
    tpu.wait_dma2 semaphore(%arg23 : memref<!tpu.dma_semaphore, #tpu.memory_space<semaphore_mem>>) src(%arg15 : memref<128x32xf32, #tpu.memory_space<vmem>>) dst(%dma_wait3A_152 : memref<128x32xf32, #tpu.memory_space<vmem_shared>>)
    %dma_wait3A_153 = arith.constant 0 : i32
    %dma_wait3A_154 = tpu.memref_slice %arg8[%add3A_148, %dma_wait3A_153] : memref<10240x32xf32, #tpu.memory_space<vmem_shared>> -> memref<128x32xf32, #tpu.memory_space<vmem_shared>>
    %dma_wait3A_155 = arith.constant 0 : i32
    %dma_wait3A_156 = tpu.memref_slice %arg8[%add3A_148, %dma_wait3A_155] : memref<10240x32xf32, #tpu.memory_space<vmem_shared>> -> memref<128x32xf32, #tpu.memory_space<vmem_shared>>
    tpu.wait_dma2 semaphore(%arg31 : memref<!tpu.dma_semaphore, #tpu.memory_space<semaphore_mem>>) src(%arg19 : memref<128x32xf32, #tpu.memory_space<vmem>>) dst(%dma_wait3A_156 : memref<128x32xf32, #tpu.memory_space<vmem_shared>>)
    %add3A_157 = arith.constant 512 : i32
    %add3A_158 = arith.addi %mul3A_2, %add3A_157 : i32
    %dma_wait3A_159 = arith.constant 0 : i32
    %dma_wait3A_160 = tpu.memref_slice %arg9[%add3A_158, %dma_wait3A_159] : memref<10240x32xf32, #tpu.memory_space<vmem_shared>> -> memref<128x32xf32, #tpu.memory_space<vmem_shared>>
    %dma_wait3A_161 = arith.constant 0 : i32
    %dma_wait3A_162 = tpu.memref_slice %arg9[%add3A_158, %dma_wait3A_161] : memref<10240x32xf32, #tpu.memory_space<vmem_shared>> -> memref<128x32xf32, #tpu.memory_space<vmem_shared>>
    tpu.wait_dma2 semaphore(%arg24 : memref<!tpu.dma_semaphore, #tpu.memory_space<semaphore_mem>>) src(%arg16 : memref<128x32xf32, #tpu.memory_space<vmem>>) dst(%dma_wait3A_162 : memref<128x32xf32, #tpu.memory_space<vmem_shared>>)
    %dma_wait3A_163 = arith.constant 0 : i32
    %dma_wait3A_164 = tpu.memref_slice %arg8[%add3A_158, %dma_wait3A_163] : memref<10240x32xf32, #tpu.memory_space<vmem_shared>> -> memref<128x32xf32, #tpu.memory_space<vmem_shared>>
    %dma_wait3A_165 = arith.constant 0 : i32
    %dma_wait3A_166 = tpu.memref_slice %arg8[%add3A_158, %dma_wait3A_165] : memref<10240x32xf32, #tpu.memory_space<vmem_shared>> -> memref<128x32xf32, #tpu.memory_space<vmem_shared>>
    tpu.wait_dma2 semaphore(%arg32 : memref<!tpu.dma_semaphore, #tpu.memory_space<semaphore_mem>>) src(%arg19 : memref<128x32xf32, #tpu.memory_space<vmem>>) dst(%dma_wait3A_166 : memref<128x32xf32, #tpu.memory_space<vmem_shared>>)
    %barrier3A = arith.constant 0 : index
    tpu.barrier barrier_id(%barrier3A)
    %dma_start3A_167 = arith.constant 0 : i32
    %dma_start3A_168 = arith.constant 0 : i32
    %dma_start3A_169 = tpu.memref_slice %arg10[%dma_start3A_167, %dma_start3A_168] : memref<80x128xi32, #tpu.memory_space<vmem>> -> memref<1x128xi32, #tpu.memory_space<vmem>>
    %dma_start3A_170 = tpu.memref_squeeze %dma_start3A_169 : memref<1x128xi32, #tpu.memory_space<vmem>> -> memref<128xi32, #tpu.memory_space<vmem>>
    %dma_start3A_171 = arith.constant 0 : i32
    %dma_start3A_172 = arith.constant 0 : i32
    %dma_start3A_173 = tpu.memref_slice %arg9[%dma_start3A_171, %dma_start3A_172] : memref<10240x32xf32, #tpu.memory_space<vmem_shared>> -> memref<10240x32xf32, #tpu.memory_space<vmem_shared>>
    tpu.enqueue_indirect_dma source(%dma_start3A_173 : memref<10240x32xf32, #tpu.memory_space<vmem_shared>>) target(%arg12 : memref<128x32xf32, #tpu.memory_space<vmem>>) offsets(%dma_start3A_170 : memref<128xi32, #tpu.memory_space<vmem>>) semaphore(%arg20 : memref<!tpu.dma_semaphore, #tpu.memory_space<semaphore_mem>>)
    %dma_start3A_174 = arith.constant 1 : i32
    %dma_start3A_175 = arith.constant 0 : i32
    %dma_start3A_176 = tpu.memref_slice %arg10[%dma_start3A_174, %dma_start3A_175] : memref<80x128xi32, #tpu.memory_space<vmem>> -> memref<1x128xi32, #tpu.memory_space<vmem>>
    %dma_start3A_177 = tpu.memref_squeeze %dma_start3A_176 : memref<1x128xi32, #tpu.memory_space<vmem>> -> memref<128xi32, #tpu.memory_space<vmem>>
    %dma_start3A_178 = arith.constant 0 : i32
    %dma_start3A_179 = arith.constant 0 : i32
    %dma_start3A_180 = tpu.memref_slice %arg9[%dma_start3A_178, %dma_start3A_179] : memref<10240x32xf32, #tpu.memory_space<vmem_shared>> -> memref<10240x32xf32, #tpu.memory_space<vmem_shared>>
    tpu.enqueue_indirect_dma source(%dma_start3A_180 : memref<10240x32xf32, #tpu.memory_space<vmem_shared>>) target(%arg13 : memref<128x32xf32, #tpu.memory_space<vmem>>) offsets(%dma_start3A_177 : memref<128xi32, #tpu.memory_space<vmem>>) semaphore(%arg21 : memref<!tpu.dma_semaphore, #tpu.memory_space<semaphore_mem>>)
    %dma_start3A_181 = arith.constant 2 : i32
    %dma_start3A_182 = arith.constant 0 : i32
    %dma_start3A_183 = tpu.memref_slice %arg10[%dma_start3A_181, %dma_start3A_182] : memref<80x128xi32, #tpu.memory_space<vmem>> -> memref<1x128xi32, #tpu.memory_space<vmem>>
    %dma_start3A_184 = tpu.memref_squeeze %dma_start3A_183 : memref<1x128xi32, #tpu.memory_space<vmem>> -> memref<128xi32, #tpu.memory_space<vmem>>
    %dma_start3A_185 = arith.constant 0 : i32
    %dma_start3A_186 = arith.constant 0 : i32
    %dma_start3A_187 = tpu.memref_slice %arg9[%dma_start3A_185, %dma_start3A_186] : memref<10240x32xf32, #tpu.memory_space<vmem_shared>> -> memref<10240x32xf32, #tpu.memory_space<vmem_shared>>
    tpu.enqueue_indirect_dma source(%dma_start3A_187 : memref<10240x32xf32, #tpu.memory_space<vmem_shared>>) target(%arg14 : memref<128x32xf32, #tpu.memory_space<vmem>>) offsets(%dma_start3A_184 : memref<128xi32, #tpu.memory_space<vmem>>) semaphore(%arg22 : memref<!tpu.dma_semaphore, #tpu.memory_space<semaphore_mem>>)
    %dma_start3A_188 = arith.constant 3 : i32
    %dma_start3A_189 = arith.constant 0 : i32
    %dma_start3A_190 = tpu.memref_slice %arg10[%dma_start3A_188, %dma_start3A_189] : memref<80x128xi32, #tpu.memory_space<vmem>> -> memref<1x128xi32, #tpu.memory_space<vmem>>
    %dma_start3A_191 = tpu.memref_squeeze %dma_start3A_190 : memref<1x128xi32, #tpu.memory_space<vmem>> -> memref<128xi32, #tpu.memory_space<vmem>>
    %dma_start3A_192 = arith.constant 0 : i32
    %dma_start3A_193 = arith.constant 0 : i32
    %dma_start3A_194 = tpu.memref_slice %arg9[%dma_start3A_192, %dma_start3A_193] : memref<10240x32xf32, #tpu.memory_space<vmem_shared>> -> memref<10240x32xf32, #tpu.memory_space<vmem_shared>>
    tpu.enqueue_indirect_dma source(%dma_start3A_194 : memref<10240x32xf32, #tpu.memory_space<vmem_shared>>) target(%arg15 : memref<128x32xf32, #tpu.memory_space<vmem>>) offsets(%dma_start3A_191 : memref<128xi32, #tpu.memory_space<vmem>>) semaphore(%arg23 : memref<!tpu.dma_semaphore, #tpu.memory_space<semaphore_mem>>)
    %dma_start3A_195 = arith.constant 4 : i32
    %dma_start3A_196 = arith.constant 0 : i32
    %dma_start3A_197 = tpu.memref_slice %arg10[%dma_start3A_195, %dma_start3A_196] : memref<80x128xi32, #tpu.memory_space<vmem>> -> memref<1x128xi32, #tpu.memory_space<vmem>>
    %dma_start3A_198 = tpu.memref_squeeze %dma_start3A_197 : memref<1x128xi32, #tpu.memory_space<vmem>> -> memref<128xi32, #tpu.memory_space<vmem>>
    %dma_start3A_199 = arith.constant 0 : i32
    %dma_start3A_200 = arith.constant 0 : i32
    %dma_start3A_201 = tpu.memref_slice %arg9[%dma_start3A_199, %dma_start3A_200] : memref<10240x32xf32, #tpu.memory_space<vmem_shared>> -> memref<10240x32xf32, #tpu.memory_space<vmem_shared>>
    tpu.enqueue_indirect_dma source(%dma_start3A_201 : memref<10240x32xf32, #tpu.memory_space<vmem_shared>>) target(%arg16 : memref<128x32xf32, #tpu.memory_space<vmem>>) offsets(%dma_start3A_198 : memref<128xi32, #tpu.memory_space<vmem>>) semaphore(%arg24 : memref<!tpu.dma_semaphore, #tpu.memory_space<semaphore_mem>>)
    %dma_start3A_202 = arith.constant 5 : i32
    %dma_start3A_203 = arith.constant 0 : i32
    %dma_start3A_204 = tpu.memref_slice %arg10[%dma_start3A_202, %dma_start3A_203] : memref<80x128xi32, #tpu.memory_space<vmem>> -> memref<1x128xi32, #tpu.memory_space<vmem>>
    %dma_start3A_205 = tpu.memref_squeeze %dma_start3A_204 : memref<1x128xi32, #tpu.memory_space<vmem>> -> memref<128xi32, #tpu.memory_space<vmem>>
    %dma_start3A_206 = arith.constant 0 : i32
    %dma_start3A_207 = arith.constant 0 : i32
    %dma_start3A_208 = tpu.memref_slice %arg9[%dma_start3A_206, %dma_start3A_207] : memref<10240x32xf32, #tpu.memory_space<vmem_shared>> -> memref<10240x32xf32, #tpu.memory_space<vmem_shared>>
    tpu.enqueue_indirect_dma source(%dma_start3A_208 : memref<10240x32xf32, #tpu.memory_space<vmem_shared>>) target(%arg17 : memref<128x32xf32, #tpu.memory_space<vmem>>) offsets(%dma_start3A_205 : memref<128xi32, #tpu.memory_space<vmem>>) semaphore(%arg25 : memref<!tpu.dma_semaphore, #tpu.memory_space<semaphore_mem>>)
    %dma_start3A_209 = arith.constant 6 : i32
    %dma_start3A_210 = arith.constant 0 : i32
    %dma_start3A_211 = tpu.memref_slice %arg10[%dma_start3A_209, %dma_start3A_210] : memref<80x128xi32, #tpu.memory_space<vmem>> -> memref<1x128xi32, #tpu.memory_space<vmem>>
    %dma_start3A_212 = tpu.memref_squeeze %dma_start3A_211 : memref<1x128xi32, #tpu.memory_space<vmem>> -> memref<128xi32, #tpu.memory_space<vmem>>
    %dma_start3A_213 = arith.constant 0 : i32
    %dma_start3A_214 = arith.constant 0 : i32
    %dma_start3A_215 = tpu.memref_slice %arg9[%dma_start3A_213, %dma_start3A_214] : memref<10240x32xf32, #tpu.memory_space<vmem_shared>> -> memref<10240x32xf32, #tpu.memory_space<vmem_shared>>
    tpu.enqueue_indirect_dma source(%dma_start3A_215 : memref<10240x32xf32, #tpu.memory_space<vmem_shared>>) target(%arg18 : memref<128x32xf32, #tpu.memory_space<vmem>>) offsets(%dma_start3A_212 : memref<128xi32, #tpu.memory_space<vmem>>) semaphore(%arg26 : memref<!tpu.dma_semaphore, #tpu.memory_space<semaphore_mem>>)
    %dma_start3A_216 = arith.constant 7 : i32
    %dma_start3A_217 = arith.constant 0 : i32
    %dma_start3A_218 = tpu.memref_slice %arg10[%dma_start3A_216, %dma_start3A_217] : memref<80x128xi32, #tpu.memory_space<vmem>> -> memref<1x128xi32, #tpu.memory_space<vmem>>
    %dma_start3A_219 = tpu.memref_squeeze %dma_start3A_218 : memref<1x128xi32, #tpu.memory_space<vmem>> -> memref<128xi32, #tpu.memory_space<vmem>>
    %dma_start3A_220 = arith.constant 0 : i32
    %dma_start3A_221 = arith.constant 0 : i32
    %dma_start3A_222 = tpu.memref_slice %arg9[%dma_start3A_220, %dma_start3A_221] : memref<10240x32xf32, #tpu.memory_space<vmem_shared>> -> memref<10240x32xf32, #tpu.memory_space<vmem_shared>>
    tpu.enqueue_indirect_dma source(%dma_start3A_222 : memref<10240x32xf32, #tpu.memory_space<vmem_shared>>) target(%arg19 : memref<128x32xf32, #tpu.memory_space<vmem>>) offsets(%dma_start3A_219 : memref<128xi32, #tpu.memory_space<vmem>>) semaphore(%arg27 : memref<!tpu.dma_semaphore, #tpu.memory_space<semaphore_mem>>)
    %scan3A_223 = arith.constant 0 : i32
    %scan3A_224 = arith.constant 0 : i32
    %scan3A_225 = arith.constant 10 : i32
    %scan3A_226 = arith.addi %scan3A_224, %scan3A_225 : i32
    %scan3A_227 = arith.constant 1 : i32
    %scan3A_228 = scf.for %scan3A_489 = %scan3A_224 to %scan3A_226 step %scan3A_227 iter_args(%scan3A_490 = %scan3A_223) -> (i32)  : i32 {
      %mul3A_491 = arith.constant 8 : i32
      %mul3A_492 = arith.muli %scan3A_489, %mul3A_491 : i32
      %add3A_493 = arith.constant 0 : i32
      %add3A_494 = arith.addi %mul3A_492, %add3A_493 : i32
      %dma_wait3A_495 = arith.constant 0 : i32
      %dma_wait3A_496 = tpu.memref_slice %arg10[%add3A_494, %dma_wait3A_495] : memref<80x128xi32, #tpu.memory_space<vmem>> -> memref<1x128xi32, #tpu.memory_space<vmem>>
      %dma_wait3A_497 = tpu.memref_squeeze %dma_wait3A_496 : memref<1x128xi32, #tpu.memory_space<vmem>> -> memref<128xi32, #tpu.memory_space<vmem>>
      %dma_wait3A_498 = arith.constant 0 : i32
      %dma_wait3A_499 = arith.constant 0 : i32
      %dma_wait3A_500 = tpu.memref_slice %arg9[%dma_wait3A_498, %dma_wait3A_499] : memref<10240x32xf32, #tpu.memory_space<vmem_shared>> -> memref<10240x32xf32, #tpu.memory_space<vmem_shared>>
      tpu.wait_indirect_dma semaphore(%arg20 : memref<!tpu.dma_semaphore, #tpu.memory_space<semaphore_mem>>) src(%dma_wait3A_500 : memref<10240x32xf32, #tpu.memory_space<vmem_shared>>) dst(%arg12 : memref<128x32xf32, #tpu.memory_space<vmem>>)
      %dma_start3A_501 = arith.constant 0 : i32
      %dma_start3A_502 = tpu.memref_slice %arg11[%add3A_494, %dma_start3A_501] : memref<80x128xi32, #tpu.memory_space<vmem>> -> memref<1x128xi32, #tpu.memory_space<vmem>>
      %dma_start3A_503 = tpu.memref_squeeze %dma_start3A_502 : memref<1x128xi32, #tpu.memory_space<vmem>> -> memref<128xi32, #tpu.memory_space<vmem>>
      %dma_start3A_504 = arith.constant 0 : i32
      %dma_start3A_505 = arith.constant 0 : i32
      %dma_start3A_506 = tpu.memref_slice %arg8[%dma_start3A_504, %dma_start3A_505] : memref<10240x32xf32, #tpu.memory_space<vmem_shared>> -> memref<10240x32xf32, #tpu.memory_space<vmem_shared>>
      tpu.enqueue_indirect_dma source(%arg12 : memref<128x32xf32, #tpu.memory_space<vmem>>) target(%dma_start3A_506 : memref<10240x32xf32, #tpu.memory_space<vmem_shared>>) offsets(%dma_start3A_503 : memref<128xi32, #tpu.memory_space<vmem>>) semaphore(%arg28 : memref<!tpu.dma_semaphore, #tpu.memory_space<semaphore_mem>>) {add = true}
      %get3A = arith.index_cast %add3A_494 : i32 to index
      %get3A_507 = arith.constant 0 : index
      %get3A_508 = tpu.vector_load %arg11[%get3A, %get3A_507] {strides = array<i32>} : memref<80x128xi32, #tpu.memory_space<vmem>>, vector<16xi32>,
      %get3A_509 = arith.index_cast %add3A_494 : i32 to index
      %get3A_510 = arith.constant 0 : index
      %get3A_511 = tpu.vector_load %arg10[%get3A_509, %get3A_510] {strides = array<i32>} : memref<80x128xi32, #tpu.memory_space<vmem>>, vector<16xi32>,
      %gather3A = tpu.vector_load_idx %arg36[%get3A_508] : memref<10240xf32, #tpu.memory_space<vmem>>[vector<16xi32>], vector<16xf32>,
      tpu.vector_store_idx %arg37[%get3A_511], %gather3A {add = true} : memref<10240xf32, #tpu.memory_space<vmem>>[vector<16xi32>], vector<16xf32>,
      %get3A_512 = arith.index_cast %add3A_494 : i32 to index
      %get3A_513 = arith.constant 16 : index
      %get3A_514 = tpu.vector_load %arg11[%get3A_512, %get3A_513] {strides = array<i32>} : memref<80x128xi32, #tpu.memory_space<vmem>>, vector<16xi32>,
      %get3A_515 = arith.index_cast %add3A_494 : i32 to index
      %get3A_516 = arith.constant 16 : index
      %get3A_517 = tpu.vector_load %arg10[%get3A_515, %get3A_516] {strides = array<i32>} : memref<80x128xi32, #tpu.memory_space<vmem>>, vector<16xi32>,
      %gather3A_518 = tpu.vector_load_idx %arg36[%get3A_514] : memref<10240xf32, #tpu.memory_space<vmem>>[vector<16xi32>], vector<16xf32>,
      tpu.vector_store_idx %arg37[%get3A_517], %gather3A_518 {add = true} : memref<10240xf32, #tpu.memory_space<vmem>>[vector<16xi32>], vector<16xf32>,
      %get3A_519 = arith.index_cast %add3A_494 : i32 to index
      %get3A_520 = arith.constant 32 : index
      %get3A_521 = tpu.vector_load %arg11[%get3A_519, %get3A_520] {strides = array<i32>} : memref<80x128xi32, #tpu.memory_space<vmem>>, vector<16xi32>,
      %get3A_522 = arith.index_cast %add3A_494 : i32 to index
      %get3A_523 = arith.constant 32 : index
      %get3A_524 = tpu.vector_load %arg10[%get3A_522, %get3A_523] {strides = array<i32>} : memref<80x128xi32, #tpu.memory_space<vmem>>, vector<16xi32>,
      %gather3A_525 = tpu.vector_load_idx %arg36[%get3A_521] : memref<10240xf32, #tpu.memory_space<vmem>>[vector<16xi32>], vector<16xf32>,
      tpu.vector_store_idx %arg37[%get3A_524], %gather3A_525 {add = true} : memref<10240xf32, #tpu.memory_space<vmem>>[vector<16xi32>], vector<16xf32>,
      %get3A_526 = arith.index_cast %add3A_494 : i32 to index
      %get3A_527 = arith.constant 48 : index
      %get3A_528 = tpu.vector_load %arg11[%get3A_526, %get3A_527] {strides = array<i32>} : memref<80x128xi32, #tpu.memory_space<vmem>>, vector<16xi32>,
      %get3A_529 = arith.index_cast %add3A_494 : i32 to index
      %get3A_530 = arith.constant 48 : index
      %get3A_531 = tpu.vector_load %arg10[%get3A_529, %get3A_530] {strides = array<i32>} : memref<80x128xi32, #tpu.memory_space<vmem>>, vector<16xi32>,
      %gather3A_532 = tpu.vector_load_idx %arg36[%get3A_528] : memref<10240xf32, #tpu.memory_space<vmem>>[vector<16xi32>], vector<16xf32>,
      tpu.vector_store_idx %arg37[%get3A_531], %gather3A_532 {add = true} : memref<10240xf32, #tpu.memory_space<vmem>>[vector<16xi32>], vector<16xf32>,
      %get3A_533 = arith.index_cast %add3A_494 : i32 to index
      %get3A_534 = arith.constant 64 : index
      %get3A_535 = tpu.vector_load %arg11[%get3A_533, %get3A_534] {strides = array<i32>} : memref<80x128xi32, #tpu.memory_space<vmem>>, vector<16xi32>,
      %get3A_536 = arith.index_cast %add3A_494 : i32 to index
      %get3A_537 = arith.constant 64 : index
      %get3A_538 = tpu.vector_load %arg10[%get3A_536, %get3A_537] {strides = array<i32>} : memref<80x128xi32, #tpu.memory_space<vmem>>, vector<16xi32>,
      %gather3A_539 = tpu.vector_load_idx %arg36[%get3A_535] : memref<10240xf32, #tpu.memory_space<vmem>>[vector<16xi32>], vector<16xf32>,
      tpu.vector_store_idx %arg37[%get3A_538], %gather3A_539 {add = true} : memref<10240xf32, #tpu.memory_space<vmem>>[vector<16xi32>], vector<16xf32>,
      %get3A_540 = arith.index_cast %add3A_494 : i32 to index
      %get3A_541 = arith.constant 80 : index
      %get3A_542 = tpu.vector_load %arg11[%get3A_540, %get3A_541] {strides = array<i32>} : memref<80x128xi32, #tpu.memory_space<vmem>>, vector<16xi32>,
      %get3A_543 = arith.index_cast %add3A_494 : i32 to index
      %get3A_544 = arith.constant 80 : index
      %get3A_545 = tpu.vector_load %arg10[%get3A_543, %get3A_544] {strides = array<i32>} : memref<80x128xi32, #tpu.memory_space<vmem>>, vector<16xi32>,
      %gather3A_546 = tpu.vector_load_idx %arg36[%get3A_542] : memref<10240xf32, #tpu.memory_space<vmem>>[vector<16xi32>], vector<16xf32>,
      tpu.vector_store_idx %arg37[%get3A_545], %gather3A_546 {add = true} : memref<10240xf32, #tpu.memory_space<vmem>>[vector<16xi32>], vector<16xf32>,
      %get3A_547 = arith.index_cast %add3A_494 : i32 to index
      %get3A_548 = arith.constant 96 : index
      %get3A_549 = tpu.vector_load %arg11[%get3A_547, %get3A_548] {strides = array<i32>} : memref<80x128xi32, #tpu.memory_space<vmem>>, vector<16xi32>,
      %get3A_550 = arith.index_cast %add3A_494 : i32 to index
      %get3A_551 = arith.constant 96 : index
      %get3A_552 = tpu.vector_load %arg10[%get3A_550, %get3A_551] {strides = array<i32>} : memref<80x128xi32, #tpu.memory_space<vmem>>, vector<16xi32>,
      %gather3A_553 = tpu.vector_load_idx %arg36[%get3A_549] : memref<10240xf32, #tpu.memory_space<vmem>>[vector<16xi32>], vector<16xf32>,
      tpu.vector_store_idx %arg37[%get3A_552], %gather3A_553 {add = true} : memref<10240xf32, #tpu.memory_space<vmem>>[vector<16xi32>], vector<16xf32>,
      %get3A_554 = arith.index_cast %add3A_494 : i32 to index
      %get3A_555 = arith.constant 112 : index
      %get3A_556 = tpu.vector_load %arg11[%get3A_554, %get3A_555] {strides = array<i32>} : memref<80x128xi32, #tpu.memory_space<vmem>>, vector<16xi32>,
      %get3A_557 = arith.index_cast %add3A_494 : i32 to index
      %get3A_558 = arith.constant 112 : index
      %get3A_559 = tpu.vector_load %arg10[%get3A_557, %get3A_558] {strides = array<i32>} : memref<80x128xi32, #tpu.memory_space<vmem>>, vector<16xi32>,
      %gather3A_560 = tpu.vector_load_idx %arg36[%get3A_556] : memref<10240xf32, #tpu.memory_space<vmem>>[vector<16xi32>], vector<16xf32>,
      tpu.vector_store_idx %arg37[%get3A_559], %gather3A_560 {add = true} : memref<10240xf32, #tpu.memory_space<vmem>>[vector<16xi32>], vector<16xf32>,
      %add3A_561 = arith.constant 8 : i32
      %add3A_562 = arith.addi %add3A_494, %add3A_561 : i32
      %lt3A = arith.constant 80 : i32
      %lt3A_563 = arith.cmpi slt, %add3A_562, %lt3A : i32
      %convert_element_type3A = arith.extui %lt3A_563 : i1 to i32
      %cond3A = arith.constant 0 : i32
      %cond3A_564 = arith.cmpi ne, %convert_element_type3A, %cond3A : i32
      scf.if %cond3A_564 {
        %dma_wait3A_1105 = arith.constant 0 : i32
        %dma_wait3A_1106 = tpu.memref_slice %arg11[%add3A_494, %dma_wait3A_1105] : memref<80x128xi32, #tpu.memory_space<vmem>> -> memref<1x128xi32, #tpu.memory_space<vmem>>
        %dma_wait3A_1107 = tpu.memref_squeeze %dma_wait3A_1106 : memref<1x128xi32, #tpu.memory_space<vmem>> -> memref<128xi32, #tpu.memory_space<vmem>>
        %dma_wait3A_1108 = arith.constant 0 : i32
        %dma_wait3A_1109 = arith.constant 0 : i32
        %dma_wait3A_1110 = tpu.memref_slice %arg8[%dma_wait3A_1108, %dma_wait3A_1109] : memref<10240x32xf32, #tpu.memory_space<vmem_shared>> -> memref<10240x32xf32, #tpu.memory_space<vmem_shared>>
        tpu.wait_indirect_dma semaphore(%arg28 : memref<!tpu.dma_semaphore, #tpu.memory_space<semaphore_mem>>) src(%arg12 : memref<128x32xf32, #tpu.memory_space<vmem>>) dst(%dma_wait3A_1110 : memref<10240x32xf32, #tpu.memory_space<vmem_shared>>)
        %dma_start3A_1111 = arith.constant 0 : i32
        %dma_start3A_1112 = tpu.memref_slice %arg10[%add3A_562, %dma_start3A_1111] : memref<80x128xi32, #tpu.memory_space<vmem>> -> memref<1x128xi32, #tpu.memory_space<vmem>>
        %dma_start3A_1113 = tpu.memref_squeeze %dma_start3A_1112 : memref<1x128xi32, #tpu.memory_space<vmem>> -> memref<128xi32, #tpu.memory_space<vmem>>
        %dma_start3A_1114 = arith.constant 0 : i32
        %dma_start3A_1115 = arith.constant 0 : i32
        %dma_start3A_1116 = tpu.memref_slice %arg9[%dma_start3A_1114, %dma_start3A_1115] : memref<10240x32xf32, #tpu.memory_space<vmem_shared>> -> memref<10240x32xf32, #tpu.memory_space<vmem_shared>>
        tpu.enqueue_indirect_dma source(%dma_start3A_1116 : memref<10240x32xf32, #tpu.memory_space<vmem_shared>>) target(%arg12 : memref<128x32xf32, #tpu.memory_space<vmem>>) offsets(%dma_start3A_1113 : memref<128xi32, #tpu.memory_space<vmem>>) semaphore(%arg20 : memref<!tpu.dma_semaphore, #tpu.memory_space<semaphore_mem>>)
      } else {
      }
      %add3A_565 = arith.constant 1 : i32
      %add3A_566 = arith.addi %mul3A_492, %add3A_565 : i32
      %dma_wait3A_567 = arith.constant 0 : i32
      %dma_wait3A_568 = tpu.memref_slice %arg10[%add3A_566, %dma_wait3A_567] : memref<80x128xi32, #tpu.memory_space<vmem>> -> memref<1x128xi32, #tpu.memory_space<vmem>>
      %dma_wait3A_569 = tpu.memref_squeeze %dma_wait3A_568 : memref<1x128xi32, #tpu.memory_space<vmem>> -> memref<128xi32, #tpu.memory_space<vmem>>
      %dma_wait3A_570 = arith.constant 0 : i32
      %dma_wait3A_571 = arith.constant 0 : i32
      %dma_wait3A_572 = tpu.memref_slice %arg9[%dma_wait3A_570, %dma_wait3A_571] : memref<10240x32xf32, #tpu.memory_space<vmem_shared>> -> memref<10240x32xf32, #tpu.memory_space<vmem_shared>>
      tpu.wait_indirect_dma semaphore(%arg21 : memref<!tpu.dma_semaphore, #tpu.memory_space<semaphore_mem>>) src(%dma_wait3A_572 : memref<10240x32xf32, #tpu.memory_space<vmem_shared>>) dst(%arg13 : memref<128x32xf32, #tpu.memory_space<vmem>>)
      %dma_start3A_573 = arith.constant 0 : i32
      %dma_start3A_574 = tpu.memref_slice %arg11[%add3A_566, %dma_start3A_573] : memref<80x128xi32, #tpu.memory_space<vmem>> -> memref<1x128xi32, #tpu.memory_space<vmem>>
      %dma_start3A_575 = tpu.memref_squeeze %dma_start3A_574 : memref<1x128xi32, #tpu.memory_space<vmem>> -> memref<128xi32, #tpu.memory_space<vmem>>
      %dma_start3A_576 = arith.constant 0 : i32
      %dma_start3A_577 = arith.constant 0 : i32
      %dma_start3A_578 = tpu.memref_slice %arg8[%dma_start3A_576, %dma_start3A_577] : memref<10240x32xf32, #tpu.memory_space<vmem_shared>> -> memref<10240x32xf32, #tpu.memory_space<vmem_shared>>
      tpu.enqueue_indirect_dma source(%arg13 : memref<128x32xf32, #tpu.memory_space<vmem>>) target(%dma_start3A_578 : memref<10240x32xf32, #tpu.memory_space<vmem_shared>>) offsets(%dma_start3A_575 : memref<128xi32, #tpu.memory_space<vmem>>) semaphore(%arg29 : memref<!tpu.dma_semaphore, #tpu.memory_space<semaphore_mem>>) {add = true}
      %get3A_579 = arith.index_cast %add3A_566 : i32 to index
      %get3A_580 = arith.constant 0 : index
      %get3A_581 = tpu.vector_load %arg11[%get3A_579, %get3A_580] {strides = array<i32>} : memref<80x128xi32, #tpu.memory_space<vmem>>, vector<16xi32>,
      %get3A_582 = arith.index_cast %add3A_566 : i32 to index
      %get3A_583 = arith.constant 0 : index
      %get3A_584 = tpu.vector_load %arg10[%get3A_582, %get3A_583] {strides = array<i32>} : memref<80x128xi32, #tpu.memory_space<vmem>>, vector<16xi32>,
      %gather3A_585 = tpu.vector_load_idx %arg36[%get3A_581] : memref<10240xf32, #tpu.memory_space<vmem>>[vector<16xi32>], vector<16xf32>,
      tpu.vector_store_idx %arg37[%get3A_584], %gather3A_585 {add = true} : memref<10240xf32, #tpu.memory_space<vmem>>[vector<16xi32>], vector<16xf32>,
      %get3A_586 = arith.index_cast %add3A_566 : i32 to index
      %get3A_587 = arith.constant 16 : index
      %get3A_588 = tpu.vector_load %arg11[%get3A_586, %get3A_587] {strides = array<i32>} : memref<80x128xi32, #tpu.memory_space<vmem>>, vector<16xi32>,
      %get3A_589 = arith.index_cast %add3A_566 : i32 to index
      %get3A_590 = arith.constant 16 : index
      %get3A_591 = tpu.vector_load %arg10[%get3A_589, %get3A_590] {strides = array<i32>} : memref<80x128xi32, #tpu.memory_space<vmem>>, vector<16xi32>,
      %gather3A_592 = tpu.vector_load_idx %arg36[%get3A_588] : memref<10240xf32, #tpu.memory_space<vmem>>[vector<16xi32>], vector<16xf32>,
      tpu.vector_store_idx %arg37[%get3A_591], %gather3A_592 {add = true} : memref<10240xf32, #tpu.memory_space<vmem>>[vector<16xi32>], vector<16xf32>,
      %get3A_593 = arith.index_cast %add3A_566 : i32 to index
      %get3A_594 = arith.constant 32 : index
      %get3A_595 = tpu.vector_load %arg11[%get3A_593, %get3A_594] {strides = array<i32>} : memref<80x128xi32, #tpu.memory_space<vmem>>, vector<16xi32>,
      %get3A_596 = arith.index_cast %add3A_566 : i32 to index
      %get3A_597 = arith.constant 32 : index
      %get3A_598 = tpu.vector_load %arg10[%get3A_596, %get3A_597] {strides = array<i32>} : memref<80x128xi32, #tpu.memory_space<vmem>>, vector<16xi32>,
      %gather3A_599 = tpu.vector_load_idx %arg36[%get3A_595] : memref<10240xf32, #tpu.memory_space<vmem>>[vector<16xi32>], vector<16xf32>,
      tpu.vector_store_idx %arg37[%get3A_598], %gather3A_599 {add = true} : memref<10240xf32, #tpu.memory_space<vmem>>[vector<16xi32>], vector<16xf32>,
      %get3A_600 = arith.index_cast %add3A_566 : i32 to index
      %get3A_601 = arith.constant 48 : index
      %get3A_602 = tpu.vector_load %arg11[%get3A_600, %get3A_601] {strides = array<i32>} : memref<80x128xi32, #tpu.memory_space<vmem>>, vector<16xi32>,
      %get3A_603 = arith.index_cast %add3A_566 : i32 to index
      %get3A_604 = arith.constant 48 : index
      %get3A_605 = tpu.vector_load %arg10[%get3A_603, %get3A_604] {strides = array<i32>} : memref<80x128xi32, #tpu.memory_space<vmem>>, vector<16xi32>,
      %gather3A_606 = tpu.vector_load_idx %arg36[%get3A_602] : memref<10240xf32, #tpu.memory_space<vmem>>[vector<16xi32>], vector<16xf32>,
      tpu.vector_store_idx %arg37[%get3A_605], %gather3A_606 {add = true} : memref<10240xf32, #tpu.memory_space<vmem>>[vector<16xi32>], vector<16xf32>,
      %get3A_607 = arith.index_cast %add3A_566 : i32 to index
      %get3A_608 = arith.constant 64 : index
      %get3A_609 = tpu.vector_load %arg11[%get3A_607, %get3A_608] {strides = array<i32>} : memref<80x128xi32, #tpu.memory_space<vmem>>, vector<16xi32>,
      %get3A_610 = arith.index_cast %add3A_566 : i32 to index
      %get3A_611 = arith.constant 64 : index
      %get3A_612 = tpu.vector_load %arg10[%get3A_610, %get3A_611] {strides = array<i32>} : memref<80x128xi32, #tpu.memory_space<vmem>>, vector<16xi32>,
      %gather3A_613 = tpu.vector_load_idx %arg36[%get3A_609] : memref<10240xf32, #tpu.memory_space<vmem>>[vector<16xi32>], vector<16xf32>,
      tpu.vector_store_idx %arg37[%get3A_612], %gather3A_613 {add = true} : memref<10240xf32, #tpu.memory_space<vmem>>[vector<16xi32>], vector<16xf32>,
      %get3A_614 = arith.index_cast %add3A_566 : i32 to index
      %get3A_615 = arith.constant 80 : index
      %get3A_616 = tpu.vector_load %arg11[%get3A_614, %get3A_615] {strides = array<i32>} : memref<80x128xi32, #tpu.memory_space<vmem>>, vector<16xi32>,
      %get3A_617 = arith.index_cast %add3A_566 : i32 to index
      %get3A_618 = arith.constant 80 : index
      %get3A_619 = tpu.vector_load %arg10[%get3A_617, %get3A_618] {strides = array<i32>} : memref<80x128xi32, #tpu.memory_space<vmem>>, vector<16xi32>,
      %gather3A_620 = tpu.vector_load_idx %arg36[%get3A_616] : memref<10240xf32, #tpu.memory_space<vmem>>[vector<16xi32>], vector<16xf32>,
      tpu.vector_store_idx %arg37[%get3A_619], %gather3A_620 {add = true} : memref<10240xf32, #tpu.memory_space<vmem>>[vector<16xi32>], vector<16xf32>,
      %get3A_621 = arith.index_cast %add3A_566 : i32 to index
      %get3A_622 = arith.constant 96 : index
      %get3A_623 = tpu.vector_load %arg11[%get3A_621, %get3A_622] {strides = array<i32>} : memref<80x128xi32, #tpu.memory_space<vmem>>, vector<16xi32>,
      %get3A_624 = arith.index_cast %add3A_566 : i32 to index
      %get3A_625 = arith.constant 96 : index
      %get3A_626 = tpu.vector_load %arg10[%get3A_624, %get3A_625] {strides = array<i32>} : memref<80x128xi32, #tpu.memory_space<vmem>>, vector<16xi32>,
      %gather3A_627 = tpu.vector_load_idx %arg36[%get3A_623] : memref<10240xf32, #tpu.memory_space<vmem>>[vector<16xi32>], vector<16xf32>,
      tpu.vector_store_idx %arg37[%get3A_626], %gather3A_627 {add = true} : memref<10240xf32, #tpu.memory_space<vmem>>[vector<16xi32>], vector<16xf32>,
      %get3A_628 = arith.index_cast %add3A_566 : i32 to index
      %get3A_629 = arith.constant 112 : index
      %get3A_630 = tpu.vector_load %arg11[%get3A_628, %get3A_629] {strides = array<i32>} : memref<80x128xi32, #tpu.memory_space<vmem>>, vector<16xi32>,
      %get3A_631 = arith.index_cast %add3A_566 : i32 to index
      %get3A_632 = arith.constant 112 : index
      %get3A_633 = tpu.vector_load %arg10[%get3A_631, %get3A_632] {strides = array<i32>} : memref<80x128xi32, #tpu.memory_space<vmem>>, vector<16xi32>,
      %gather3A_634 = tpu.vector_load_idx %arg36[%get3A_630] : memref<10240xf32, #tpu.memory_space<vmem>>[vector<16xi32>], vector<16xf32>,
      tpu.vector_store_idx %arg37[%get3A_633], %gather3A_634 {add = true} : memref<10240xf32, #tpu.memory_space<vmem>>[vector<16xi32>], vector<16xf32>,
      %add3A_635 = arith.constant 8 : i32
      %add3A_636 = arith.addi %add3A_566, %add3A_635 : i32
      %lt3A_637 = arith.constant 80 : i32
      %lt3A_638 = arith.cmpi slt, %add3A_636, %lt3A_637 : i32
      %convert_element_type3A_639 = arith.extui %lt3A_638 : i1 to i32
      %cond3A_640 = arith.constant 0 : i32
      %cond3A_641 = arith.cmpi ne, %convert_element_type3A_639, %cond3A_640 : i32
      scf.if %cond3A_641 {
        %dma_wait3A_1105 = arith.constant 0 : i32
        %dma_wait3A_1106 = tpu.memref_slice %arg11[%add3A_566, %dma_wait3A_1105] : memref<80x128xi32, #tpu.memory_space<vmem>> -> memref<1x128xi32, #tpu.memory_space<vmem>>
        %dma_wait3A_1107 = tpu.memref_squeeze %dma_wait3A_1106 : memref<1x128xi32, #tpu.memory_space<vmem>> -> memref<128xi32, #tpu.memory_space<vmem>>
        %dma_wait3A_1108 = arith.constant 0 : i32
        %dma_wait3A_1109 = arith.constant 0 : i32
        %dma_wait3A_1110 = tpu.memref_slice %arg8[%dma_wait3A_1108, %dma_wait3A_1109] : memref<10240x32xf32, #tpu.memory_space<vmem_shared>> -> memref<10240x32xf32, #tpu.memory_space<vmem_shared>>
        tpu.wait_indirect_dma semaphore(%arg29 : memref<!tpu.dma_semaphore, #tpu.memory_space<semaphore_mem>>) src(%arg13 : memref<128x32xf32, #tpu.memory_space<vmem>>) dst(%dma_wait3A_1110 : memref<10240x32xf32, #tpu.memory_space<vmem_shared>>)
        %dma_start3A_1111 = arith.constant 0 : i32
        %dma_start3A_1112 = tpu.memref_slice %arg10[%add3A_636, %dma_start3A_1111] : memref<80x128xi32, #tpu.memory_space<vmem>> -> memref<1x128xi32, #tpu.memory_space<vmem>>
        %dma_start3A_1113 = tpu.memref_squeeze %dma_start3A_1112 : memref<1x128xi32, #tpu.memory_space<vmem>> -> memref<128xi32, #tpu.memory_space<vmem>>
        %dma_start3A_1114 = arith.constant 0 : i32
        %dma_start3A_1115 = arith.constant 0 : i32
        %dma_start3A_1116 = tpu.memref_slice %arg9[%dma_start3A_1114, %dma_start3A_1115] : memref<10240x32xf32, #tpu.memory_space<vmem_shared>> -> memref<10240x32xf32, #tpu.memory_space<vmem_shared>>
        tpu.enqueue_indirect_dma source(%dma_start3A_1116 : memref<10240x32xf32, #tpu.memory_space<vmem_shared>>) target(%arg13 : memref<128x32xf32, #tpu.memory_space<vmem>>) offsets(%dma_start3A_1113 : memref<128xi32, #tpu.memory_space<vmem>>) semaphore(%arg21 : memref<!tpu.dma_semaphore, #tpu.memory_space<semaphore_mem>>)
      } else {
      }
      %add3A_642 = arith.constant 2 : i32
      %add3A_643 = arith.addi %mul3A_492, %add3A_642 : i32
      %dma_wait3A_644 = arith.constant 0 : i32
      %dma_wait3A_645 = tpu.memref_slice %arg10[%add3A_643, %dma_wait3A_644] : memref<80x128xi32, #tpu.memory_space<vmem>> -> memref<1x128xi32, #tpu.memory_space<vmem>>
      %dma_wait3A_646 = tpu.memref_squeeze %dma_wait3A_645 : memref<1x128xi32, #tpu.memory_space<vmem>> -> memref<128xi32, #tpu.memory_space<vmem>>
      %dma_wait3A_647 = arith.constant 0 : i32
      %dma_wait3A_648 = arith.constant 0 : i32
      %dma_wait3A_649 = tpu.memref_slice %arg9[%dma_wait3A_647, %dma_wait3A_648] : memref<10240x32xf32, #tpu.memory_space<vmem_shared>> -> memref<10240x32xf32, #tpu.memory_space<vmem_shared>>
      tpu.wait_indirect_dma semaphore(%arg22 : memref<!tpu.dma_semaphore, #tpu.memory_space<semaphore_mem>>) src(%dma_wait3A_649 : memref<10240x32xf32, #tpu.memory_space<vmem_shared>>) dst(%arg14 : memref<128x32xf32, #tpu.memory_space<vmem>>)
      %dma_start3A_650 = arith.constant 0 : i32
      %dma_start3A_651 = tpu.memref_slice %arg11[%add3A_643, %dma_start3A_650] : memref<80x128xi32, #tpu.memory_space<vmem>> -> memref<1x128xi32, #tpu.memory_space<vmem>>
      %dma_start3A_652 = tpu.memref_squeeze %dma_start3A_651 : memref<1x128xi32, #tpu.memory_space<vmem>> -> memref<128xi32, #tpu.memory_space<vmem>>
      %dma_start3A_653 = arith.constant 0 : i32
      %dma_start3A_654 = arith.constant 0 : i32
      %dma_start3A_655 = tpu.memref_slice %arg8[%dma_start3A_653, %dma_start3A_654] : memref<10240x32xf32, #tpu.memory_space<vmem_shared>> -> memref<10240x32xf32, #tpu.memory_space<vmem_shared>>
      tpu.enqueue_indirect_dma source(%arg14 : memref<128x32xf32, #tpu.memory_space<vmem>>) target(%dma_start3A_655 : memref<10240x32xf32, #tpu.memory_space<vmem_shared>>) offsets(%dma_start3A_652 : memref<128xi32, #tpu.memory_space<vmem>>) semaphore(%arg30 : memref<!tpu.dma_semaphore, #tpu.memory_space<semaphore_mem>>) {add = true}
      %get3A_656 = arith.index_cast %add3A_643 : i32 to index
      %get3A_657 = arith.constant 0 : index
      %get3A_658 = tpu.vector_load %arg11[%get3A_656, %get3A_657] {strides = array<i32>} : memref<80x128xi32, #tpu.memory_space<vmem>>, vector<16xi32>,
      %get3A_659 = arith.index_cast %add3A_643 : i32 to index
      %get3A_660 = arith.constant 0 : index
      %get3A_661 = tpu.vector_load %arg10[%get3A_659, %get3A_660] {strides = array<i32>} : memref<80x128xi32, #tpu.memory_space<vmem>>, vector<16xi32>,
      %gather3A_662 = tpu.vector_load_idx %arg36[%get3A_658] : memref<10240xf32, #tpu.memory_space<vmem>>[vector<16xi32>], vector<16xf32>,
      tpu.vector_store_idx %arg37[%get3A_661], %gather3A_662 {add = true} : memref<10240xf32, #tpu.memory_space<vmem>>[vector<16xi32>], vector<16xf32>,
      %get3A_663 = arith.index_cast %add3A_643 : i32 to index
      %get3A_664 = arith.constant 16 : index
      %get3A_665 = tpu.vector_load %arg11[%get3A_663, %get3A_664] {strides = array<i32>} : memref<80x128xi32, #tpu.memory_space<vmem>>, vector<16xi32>,
      %get3A_666 = arith.index_cast %add3A_643 : i32 to index
      %get3A_667 = arith.constant 16 : index
      %get3A_668 = tpu.vector_load %arg10[%get3A_666, %get3A_667] {strides = array<i32>} : memref<80x128xi32, #tpu.memory_space<vmem>>, vector<16xi32>,
      %gather3A_669 = tpu.vector_load_idx %arg36[%get3A_665] : memref<10240xf32, #tpu.memory_space<vmem>>[vector<16xi32>], vector<16xf32>,
      tpu.vector_store_idx %arg37[%get3A_668], %gather3A_669 {add = true} : memref<10240xf32, #tpu.memory_space<vmem>>[vector<16xi32>], vector<16xf32>,
      %get3A_670 = arith.index_cast %add3A_643 : i32 to index
      %get3A_671 = arith.constant 32 : index
      %get3A_672 = tpu.vector_load %arg11[%get3A_670, %get3A_671] {strides = array<i32>} : memref<80x128xi32, #tpu.memory_space<vmem>>, vector<16xi32>,
      %get3A_673 = arith.index_cast %add3A_643 : i32 to index
      %get3A_674 = arith.constant 32 : index
      %get3A_675 = tpu.vector_load %arg10[%get3A_673, %get3A_674] {strides = array<i32>} : memref<80x128xi32, #tpu.memory_space<vmem>>, vector<16xi32>,
      %gather3A_676 = tpu.vector_load_idx %arg36[%get3A_672] : memref<10240xf32, #tpu.memory_space<vmem>>[vector<16xi32>], vector<16xf32>,
      tpu.vector_store_idx %arg37[%get3A_675], %gather3A_676 {add = true} : memref<10240xf32, #tpu.memory_space<vmem>>[vector<16xi32>], vector<16xf32>,
      %get3A_677 = arith.index_cast %add3A_643 : i32 to index
      %get3A_678 = arith.constant 48 : index
      %get3A_679 = tpu.vector_load %arg11[%get3A_677, %get3A_678] {strides = array<i32>} : memref<80x128xi32, #tpu.memory_space<vmem>>, vector<16xi32>,
      %get3A_680 = arith.index_cast %add3A_643 : i32 to index
      %get3A_681 = arith.constant 48 : index
      %get3A_682 = tpu.vector_load %arg10[%get3A_680, %get3A_681] {strides = array<i32>} : memref<80x128xi32, #tpu.memory_space<vmem>>, vector<16xi32>,
      %gather3A_683 = tpu.vector_load_idx %arg36[%get3A_679] : memref<10240xf32, #tpu.memory_space<vmem>>[vector<16xi32>], vector<16xf32>,
      tpu.vector_store_idx %arg37[%get3A_682], %gather3A_683 {add = true} : memref<10240xf32, #tpu.memory_space<vmem>>[vector<16xi32>], vector<16xf32>,
      %get3A_684 = arith.index_cast %add3A_643 : i32 to index
      %get3A_685 = arith.constant 64 : index
      %get3A_686 = tpu.vector_load %arg11[%get3A_684, %get3A_685] {strides = array<i32>} : memref<80x128xi32, #tpu.memory_space<vmem>>, vector<16xi32>,
      %get3A_687 = arith.index_cast %add3A_643 : i32 to index
      %get3A_688 = arith.constant 64 : index
      %get3A_689 = tpu.vector_load %arg10[%get3A_687, %get3A_688] {strides = array<i32>} : memref<80x128xi32, #tpu.memory_space<vmem>>, vector<16xi32>,
      %gather3A_690 = tpu.vector_load_idx %arg36[%get3A_686] : memref<10240xf32, #tpu.memory_space<vmem>>[vector<16xi32>], vector<16xf32>,
      tpu.vector_store_idx %arg37[%get3A_689], %gather3A_690 {add = true} : memref<10240xf32, #tpu.memory_space<vmem>>[vector<16xi32>], vector<16xf32>,
      %get3A_691 = arith.index_cast %add3A_643 : i32 to index
      %get3A_692 = arith.constant 80 : index
      %get3A_693 = tpu.vector_load %arg11[%get3A_691, %get3A_692] {strides = array<i32>} : memref<80x128xi32, #tpu.memory_space<vmem>>, vector<16xi32>,
      %get3A_694 = arith.index_cast %add3A_643 : i32 to index
      %get3A_695 = arith.constant 80 : index
      %get3A_696 = tpu.vector_load %arg10[%get3A_694, %get3A_695] {strides = array<i32>} : memref<80x128xi32, #tpu.memory_space<vmem>>, vector<16xi32>,
      %gather3A_697 = tpu.vector_load_idx %arg36[%get3A_693] : memref<10240xf32, #tpu.memory_space<vmem>>[vector<16xi32>], vector<16xf32>,
      tpu.vector_store_idx %arg37[%get3A_696], %gather3A_697 {add = true} : memref<10240xf32, #tpu.memory_space<vmem>>[vector<16xi32>], vector<16xf32>,
      %get3A_698 = arith.index_cast %add3A_643 : i32 to index
      %get3A_699 = arith.constant 96 : index
      %get3A_700 = tpu.vector_load %arg11[%get3A_698, %get3A_699] {strides = array<i32>} : memref<80x128xi32, #tpu.memory_space<vmem>>, vector<16xi32>,
      %get3A_701 = arith.index_cast %add3A_643 : i32 to index
      %get3A_702 = arith.constant 96 : index
      %get3A_703 = tpu.vector_load %arg10[%get3A_701, %get3A_702] {strides = array<i32>} : memref<80x128xi32, #tpu.memory_space<vmem>>, vector<16xi32>,
      %gather3A_704 = tpu.vector_load_idx %arg36[%get3A_700] : memref<10240xf32, #tpu.memory_space<vmem>>[vector<16xi32>], vector<16xf32>,
      tpu.vector_store_idx %arg37[%get3A_703], %gather3A_704 {add = true} : memref<10240xf32, #tpu.memory_space<vmem>>[vector<16xi32>], vector<16xf32>,
      %get3A_705 = arith.index_cast %add3A_643 : i32 to index
      %get3A_706 = arith.constant 112 : index
      %get3A_707 = tpu.vector_load %arg11[%get3A_705, %get3A_706] {strides = array<i32>} : memref<80x128xi32, #tpu.memory_space<vmem>>, vector<16xi32>,
      %get3A_708 = arith.index_cast %add3A_643 : i32 to index
      %get3A_709 = arith.constant 112 : index
      %get3A_710 = tpu.vector_load %arg10[%get3A_708, %get3A_709] {strides = array<i32>} : memref<80x128xi32, #tpu.memory_space<vmem>>, vector<16xi32>,
      %gather3A_711 = tpu.vector_load_idx %arg36[%get3A_707] : memref<10240xf32, #tpu.memory_space<vmem>>[vector<16xi32>], vector<16xf32>,
      tpu.vector_store_idx %arg37[%get3A_710], %gather3A_711 {add = true} : memref<10240xf32, #tpu.memory_space<vmem>>[vector<16xi32>], vector<16xf32>,
      %add3A_712 = arith.constant 8 : i32
      %add3A_713 = arith.addi %add3A_643, %add3A_712 : i32
      %lt3A_714 = arith.constant 80 : i32
      %lt3A_715 = arith.cmpi slt, %add3A_713, %lt3A_714 : i32
      %convert_element_type3A_716 = arith.extui %lt3A_715 : i1 to i32
      %cond3A_717 = arith.constant 0 : i32
      %cond3A_718 = arith.cmpi ne, %convert_element_type3A_716, %cond3A_717 : i32
      scf.if %cond3A_718 {
        %dma_wait3A_1105 = arith.constant 0 : i32
        %dma_wait3A_1106 = tpu.memref_slice %arg11[%add3A_643, %dma_wait3A_1105] : memref<80x128xi32, #tpu.memory_space<vmem>> -> memref<1x128xi32, #tpu.memory_space<vmem>>
        %dma_wait3A_1107 = tpu.memref_squeeze %dma_wait3A_1106 : memref<1x128xi32, #tpu.memory_space<vmem>> -> memref<128xi32, #tpu.memory_space<vmem>>
        %dma_wait3A_1108 = arith.constant 0 : i32
        %dma_wait3A_1109 = arith.constant 0 : i32
        %dma_wait3A_1110 = tpu.memref_slice %arg8[%dma_wait3A_1108, %dma_wait3A_1109] : memref<10240x32xf32, #tpu.memory_space<vmem_shared>> -> memref<10240x32xf32, #tpu.memory_space<vmem_shared>>
        tpu.wait_indirect_dma semaphore(%arg30 : memref<!tpu.dma_semaphore, #tpu.memory_space<semaphore_mem>>) src(%arg14 : memref<128x32xf32, #tpu.memory_space<vmem>>) dst(%dma_wait3A_1110 : memref<10240x32xf32, #tpu.memory_space<vmem_shared>>)
        %dma_start3A_1111 = arith.constant 0 : i32
        %dma_start3A_1112 = tpu.memref_slice %arg10[%add3A_713, %dma_start3A_1111] : memref<80x128xi32, #tpu.memory_space<vmem>> -> memref<1x128xi32, #tpu.memory_space<vmem>>
        %dma_start3A_1113 = tpu.memref_squeeze %dma_start3A_1112 : memref<1x128xi32, #tpu.memory_space<vmem>> -> memref<128xi32, #tpu.memory_space<vmem>>
        %dma_start3A_1114 = arith.constant 0 : i32
        %dma_start3A_1115 = arith.constant 0 : i32
        %dma_start3A_1116 = tpu.memref_slice %arg9[%dma_start3A_1114, %dma_start3A_1115] : memref<10240x32xf32, #tpu.memory_space<vmem_shared>> -> memref<10240x32xf32, #tpu.memory_space<vmem_shared>>
        tpu.enqueue_indirect_dma source(%dma_start3A_1116 : memref<10240x32xf32, #tpu.memory_space<vmem_shared>>) target(%arg14 : memref<128x32xf32, #tpu.memory_space<vmem>>) offsets(%dma_start3A_1113 : memref<128xi32, #tpu.memory_space<vmem>>) semaphore(%arg22 : memref<!tpu.dma_semaphore, #tpu.memory_space<semaphore_mem>>)
      } else {
      }
      %add3A_719 = arith.constant 3 : i32
      %add3A_720 = arith.addi %mul3A_492, %add3A_719 : i32
      %dma_wait3A_721 = arith.constant 0 : i32
      %dma_wait3A_722 = tpu.memref_slice %arg10[%add3A_720, %dma_wait3A_721] : memref<80x128xi32, #tpu.memory_space<vmem>> -> memref<1x128xi32, #tpu.memory_space<vmem>>
      %dma_wait3A_723 = tpu.memref_squeeze %dma_wait3A_722 : memref<1x128xi32, #tpu.memory_space<vmem>> -> memref<128xi32, #tpu.memory_space<vmem>>
      %dma_wait3A_724 = arith.constant 0 : i32
      %dma_wait3A_725 = arith.constant 0 : i32
      %dma_wait3A_726 = tpu.memref_slice %arg9[%dma_wait3A_724, %dma_wait3A_725] : memref<10240x32xf32, #tpu.memory_space<vmem_shared>> -> memref<10240x32xf32, #tpu.memory_space<vmem_shared>>
      tpu.wait_indirect_dma semaphore(%arg23 : memref<!tpu.dma_semaphore, #tpu.memory_space<semaphore_mem>>) src(%dma_wait3A_726 : memref<10240x32xf32, #tpu.memory_space<vmem_shared>>) dst(%arg15 : memref<128x32xf32, #tpu.memory_space<vmem>>)
      %dma_start3A_727 = arith.constant 0 : i32
      %dma_start3A_728 = tpu.memref_slice %arg11[%add3A_720, %dma_start3A_727] : memref<80x128xi32, #tpu.memory_space<vmem>> -> memref<1x128xi32, #tpu.memory_space<vmem>>
      %dma_start3A_729 = tpu.memref_squeeze %dma_start3A_728 : memref<1x128xi32, #tpu.memory_space<vmem>> -> memref<128xi32, #tpu.memory_space<vmem>>
      %dma_start3A_730 = arith.constant 0 : i32
      %dma_start3A_731 = arith.constant 0 : i32
      %dma_start3A_732 = tpu.memref_slice %arg8[%dma_start3A_730, %dma_start3A_731] : memref<10240x32xf32, #tpu.memory_space<vmem_shared>> -> memref<10240x32xf32, #tpu.memory_space<vmem_shared>>
      tpu.enqueue_indirect_dma source(%arg15 : memref<128x32xf32, #tpu.memory_space<vmem>>) target(%dma_start3A_732 : memref<10240x32xf32, #tpu.memory_space<vmem_shared>>) offsets(%dma_start3A_729 : memref<128xi32, #tpu.memory_space<vmem>>) semaphore(%arg31 : memref<!tpu.dma_semaphore, #tpu.memory_space<semaphore_mem>>) {add = true}
      %get3A_733 = arith.index_cast %add3A_720 : i32 to index
      %get3A_734 = arith.constant 0 : index
      %get3A_735 = tpu.vector_load %arg11[%get3A_733, %get3A_734] {strides = array<i32>} : memref<80x128xi32, #tpu.memory_space<vmem>>, vector<16xi32>,
      %get3A_736 = arith.index_cast %add3A_720 : i32 to index
      %get3A_737 = arith.constant 0 : index
      %get3A_738 = tpu.vector_load %arg10[%get3A_736, %get3A_737] {strides = array<i32>} : memref<80x128xi32, #tpu.memory_space<vmem>>, vector<16xi32>,
      %gather3A_739 = tpu.vector_load_idx %arg36[%get3A_735] : memref<10240xf32, #tpu.memory_space<vmem>>[vector<16xi32>], vector<16xf32>,
      tpu.vector_store_idx %arg37[%get3A_738], %gather3A_739 {add = true} : memref<10240xf32, #tpu.memory_space<vmem>>[vector<16xi32>], vector<16xf32>,
      %get3A_740 = arith.index_cast %add3A_720 : i32 to index
      %get3A_741 = arith.constant 16 : index
      %get3A_742 = tpu.vector_load %arg11[%get3A_740, %get3A_741] {strides = array<i32>} : memref<80x128xi32, #tpu.memory_space<vmem>>, vector<16xi32>,
      %get3A_743 = arith.index_cast %add3A_720 : i32 to index
      %get3A_744 = arith.constant 16 : index
      %get3A_745 = tpu.vector_load %arg10[%get3A_743, %get3A_744] {strides = array<i32>} : memref<80x128xi32, #tpu.memory_space<vmem>>, vector<16xi32>,
      %gather3A_746 = tpu.vector_load_idx %arg36[%get3A_742] : memref<10240xf32, #tpu.memory_space<vmem>>[vector<16xi32>], vector<16xf32>,
      tpu.vector_store_idx %arg37[%get3A_745], %gather3A_746 {add = true} : memref<10240xf32, #tpu.memory_space<vmem>>[vector<16xi32>], vector<16xf32>,
      %get3A_747 = arith.index_cast %add3A_720 : i32 to index
      %get3A_748 = arith.constant 32 : index
      %get3A_749 = tpu.vector_load %arg11[%get3A_747, %get3A_748] {strides = array<i32>} : memref<80x128xi32, #tpu.memory_space<vmem>>, vector<16xi32>,
      %get3A_750 = arith.index_cast %add3A_720 : i32 to index
      %get3A_751 = arith.constant 32 : index
      %get3A_752 = tpu.vector_load %arg10[%get3A_750, %get3A_751] {strides = array<i32>} : memref<80x128xi32, #tpu.memory_space<vmem>>, vector<16xi32>,
      %gather3A_753 = tpu.vector_load_idx %arg36[%get3A_749] : memref<10240xf32, #tpu.memory_space<vmem>>[vector<16xi32>], vector<16xf32>,
      tpu.vector_store_idx %arg37[%get3A_752], %gather3A_753 {add = true} : memref<10240xf32, #tpu.memory_space<vmem>>[vector<16xi32>], vector<16xf32>,
      %get3A_754 = arith.index_cast %add3A_720 : i32 to index
      %get3A_755 = arith.constant 48 : index
      %get3A_756 = tpu.vector_load %arg11[%get3A_754, %get3A_755] {strides = array<i32>} : memref<80x128xi32, #tpu.memory_space<vmem>>, vector<16xi32>,
      %get3A_757 = arith.index_cast %add3A_720 : i32 to index
      %get3A_758 = arith.constant 48 : index
      %get3A_759 = tpu.vector_load %arg10[%get3A_757, %get3A_758] {strides = array<i32>} : memref<80x128xi32, #tpu.memory_space<vmem>>, vector<16xi32>,
      %gather3A_760 = tpu.vector_load_idx %arg36[%get3A_756] : memref<10240xf32, #tpu.memory_space<vmem>>[vector<16xi32>], vector<16xf32>,
      tpu.vector_store_idx %arg37[%get3A_759], %gather3A_760 {add = true} : memref<10240xf32, #tpu.memory_space<vmem>>[vector<16xi32>], vector<16xf32>,
      %get3A_761 = arith.index_cast %add3A_720 : i32 to index
      %get3A_762 = arith.constant 64 : index
      %get3A_763 = tpu.vector_load %arg11[%get3A_761, %get3A_762] {strides = array<i32>} : memref<80x128xi32, #tpu.memory_space<vmem>>, vector<16xi32>,
      %get3A_764 = arith.index_cast %add3A_720 : i32 to index
      %get3A_765 = arith.constant 64 : index
      %get3A_766 = tpu.vector_load %arg10[%get3A_764, %get3A_765] {strides = array<i32>} : memref<80x128xi32, #tpu.memory_space<vmem>>, vector<16xi32>,
      %gather3A_767 = tpu.vector_load_idx %arg36[%get3A_763] : memref<10240xf32, #tpu.memory_space<vmem>>[vector<16xi32>], vector<16xf32>,
      tpu.vector_store_idx %arg37[%get3A_766], %gather3A_767 {add = true} : memref<10240xf32, #tpu.memory_space<vmem>>[vector<16xi32>], vector<16xf32>,
      %get3A_768 = arith.index_cast %add3A_720 : i32 to index
      %get3A_769 = arith.constant 80 : index
      %get3A_770 = tpu.vector_load %arg11[%get3A_768, %get3A_769] {strides = array<i32>} : memref<80x128xi32, #tpu.memory_space<vmem>>, vector<16xi32>,
      %get3A_771 = arith.index_cast %add3A_720 : i32 to index
      %get3A_772 = arith.constant 80 : index
      %get3A_773 = tpu.vector_load %arg10[%get3A_771, %get3A_772] {strides = array<i32>} : memref<80x128xi32, #tpu.memory_space<vmem>>, vector<16xi32>,
      %gather3A_774 = tpu.vector_load_idx %arg36[%get3A_770] : memref<10240xf32, #tpu.memory_space<vmem>>[vector<16xi32>], vector<16xf32>,
      tpu.vector_store_idx %arg37[%get3A_773], %gather3A_774 {add = true} : memref<10240xf32, #tpu.memory_space<vmem>>[vector<16xi32>], vector<16xf32>,
      %get3A_775 = arith.index_cast %add3A_720 : i32 to index
      %get3A_776 = arith.constant 96 : index
      %get3A_777 = tpu.vector_load %arg11[%get3A_775, %get3A_776] {strides = array<i32>} : memref<80x128xi32, #tpu.memory_space<vmem>>, vector<16xi32>,
      %get3A_778 = arith.index_cast %add3A_720 : i32 to index
      %get3A_779 = arith.constant 96 : index
      %get3A_780 = tpu.vector_load %arg10[%get3A_778, %get3A_779] {strides = array<i32>} : memref<80x128xi32, #tpu.memory_space<vmem>>, vector<16xi32>,
      %gather3A_781 = tpu.vector_load_idx %arg36[%get3A_777] : memref<10240xf32, #tpu.memory_space<vmem>>[vector<16xi32>], vector<16xf32>,
      tpu.vector_store_idx %arg37[%get3A_780], %gather3A_781 {add = true} : memref<10240xf32, #tpu.memory_space<vmem>>[vector<16xi32>], vector<16xf32>,
      %get3A_782 = arith.index_cast %add3A_720 : i32 to index
      %get3A_783 = arith.constant 112 : index
      %get3A_784 = tpu.vector_load %arg11[%get3A_782, %get3A_783] {strides = array<i32>} : memref<80x128xi32, #tpu.memory_space<vmem>>, vector<16xi32>,
      %get3A_785 = arith.index_cast %add3A_720 : i32 to index
      %get3A_786 = arith.constant 112 : index
      %get3A_787 = tpu.vector_load %arg10[%get3A_785, %get3A_786] {strides = array<i32>} : memref<80x128xi32, #tpu.memory_space<vmem>>, vector<16xi32>,
      %gather3A_788 = tpu.vector_load_idx %arg36[%get3A_784] : memref<10240xf32, #tpu.memory_space<vmem>>[vector<16xi32>], vector<16xf32>,
      tpu.vector_store_idx %arg37[%get3A_787], %gather3A_788 {add = true} : memref<10240xf32, #tpu.memory_space<vmem>>[vector<16xi32>], vector<16xf32>,
      %add3A_789 = arith.constant 8 : i32
      %add3A_790 = arith.addi %add3A_720, %add3A_789 : i32
      %lt3A_791 = arith.constant 80 : i32
      %lt3A_792 = arith.cmpi slt, %add3A_790, %lt3A_791 : i32
      %convert_element_type3A_793 = arith.extui %lt3A_792 : i1 to i32
      %cond3A_794 = arith.constant 0 : i32
      %cond3A_795 = arith.cmpi ne, %convert_element_type3A_793, %cond3A_794 : i32
      scf.if %cond3A_795 {
        %dma_wait3A_1105 = arith.constant 0 : i32
        %dma_wait3A_1106 = tpu.memref_slice %arg11[%add3A_720, %dma_wait3A_1105] : memref<80x128xi32, #tpu.memory_space<vmem>> -> memref<1x128xi32, #tpu.memory_space<vmem>>
        %dma_wait3A_1107 = tpu.memref_squeeze %dma_wait3A_1106 : memref<1x128xi32, #tpu.memory_space<vmem>> -> memref<128xi32, #tpu.memory_space<vmem>>
        %dma_wait3A_1108 = arith.constant 0 : i32
        %dma_wait3A_1109 = arith.constant 0 : i32
        %dma_wait3A_1110 = tpu.memref_slice %arg8[%dma_wait3A_1108, %dma_wait3A_1109] : memref<10240x32xf32, #tpu.memory_space<vmem_shared>> -> memref<10240x32xf32, #tpu.memory_space<vmem_shared>>
        tpu.wait_indirect_dma semaphore(%arg31 : memref<!tpu.dma_semaphore, #tpu.memory_space<semaphore_mem>>) src(%arg15 : memref<128x32xf32, #tpu.memory_space<vmem>>) dst(%dma_wait3A_1110 : memref<10240x32xf32, #tpu.memory_space<vmem_shared>>)
        %dma_start3A_1111 = arith.constant 0 : i32
        %dma_start3A_1112 = tpu.memref_slice %arg10[%add3A_790, %dma_start3A_1111] : memref<80x128xi32, #tpu.memory_space<vmem>> -> memref<1x128xi32, #tpu.memory_space<vmem>>
        %dma_start3A_1113 = tpu.memref_squeeze %dma_start3A_1112 : memref<1x128xi32, #tpu.memory_space<vmem>> -> memref<128xi32, #tpu.memory_space<vmem>>
        %dma_start3A_1114 = arith.constant 0 : i32
        %dma_start3A_1115 = arith.constant 0 : i32
        %dma_start3A_1116 = tpu.memref_slice %arg9[%dma_start3A_1114, %dma_start3A_1115] : memref<10240x32xf32, #tpu.memory_space<vmem_shared>> -> memref<10240x32xf32, #tpu.memory_space<vmem_shared>>
        tpu.enqueue_indirect_dma source(%dma_start3A_1116 : memref<10240x32xf32, #tpu.memory_space<vmem_shared>>) target(%arg15 : memref<128x32xf32, #tpu.memory_space<vmem>>) offsets(%dma_start3A_1113 : memref<128xi32, #tpu.memory_space<vmem>>) semaphore(%arg23 : memref<!tpu.dma_semaphore, #tpu.memory_space<semaphore_mem>>)
      } else {
      }
      %add3A_796 = arith.constant 4 : i32
      %add3A_797 = arith.addi %mul3A_492, %add3A_796 : i32
      %dma_wait3A_798 = arith.constant 0 : i32
      %dma_wait3A_799 = tpu.memref_slice %arg10[%add3A_797, %dma_wait3A_798] : memref<80x128xi32, #tpu.memory_space<vmem>> -> memref<1x128xi32, #tpu.memory_space<vmem>>
      %dma_wait3A_800 = tpu.memref_squeeze %dma_wait3A_799 : memref<1x128xi32, #tpu.memory_space<vmem>> -> memref<128xi32, #tpu.memory_space<vmem>>
      %dma_wait3A_801 = arith.constant 0 : i32
      %dma_wait3A_802 = arith.constant 0 : i32
      %dma_wait3A_803 = tpu.memref_slice %arg9[%dma_wait3A_801, %dma_wait3A_802] : memref<10240x32xf32, #tpu.memory_space<vmem_shared>> -> memref<10240x32xf32, #tpu.memory_space<vmem_shared>>
      tpu.wait_indirect_dma semaphore(%arg24 : memref<!tpu.dma_semaphore, #tpu.memory_space<semaphore_mem>>) src(%dma_wait3A_803 : memref<10240x32xf32, #tpu.memory_space<vmem_shared>>) dst(%arg16 : memref<128x32xf32, #tpu.memory_space<vmem>>)
      %dma_start3A_804 = arith.constant 0 : i32
      %dma_start3A_805 = tpu.memref_slice %arg11[%add3A_797, %dma_start3A_804] : memref<80x128xi32, #tpu.memory_space<vmem>> -> memref<1x128xi32, #tpu.memory_space<vmem>>
      %dma_start3A_806 = tpu.memref_squeeze %dma_start3A_805 : memref<1x128xi32, #tpu.memory_space<vmem>> -> memref<128xi32, #tpu.memory_space<vmem>>
      %dma_start3A_807 = arith.constant 0 : i32
      %dma_start3A_808 = arith.constant 0 : i32
      %dma_start3A_809 = tpu.memref_slice %arg8[%dma_start3A_807, %dma_start3A_808] : memref<10240x32xf32, #tpu.memory_space<vmem_shared>> -> memref<10240x32xf32, #tpu.memory_space<vmem_shared>>
      tpu.enqueue_indirect_dma source(%arg16 : memref<128x32xf32, #tpu.memory_space<vmem>>) target(%dma_start3A_809 : memref<10240x32xf32, #tpu.memory_space<vmem_shared>>) offsets(%dma_start3A_806 : memref<128xi32, #tpu.memory_space<vmem>>) semaphore(%arg32 : memref<!tpu.dma_semaphore, #tpu.memory_space<semaphore_mem>>) {add = true}
      %get3A_810 = arith.index_cast %add3A_797 : i32 to index
      %get3A_811 = arith.constant 0 : index
      %get3A_812 = tpu.vector_load %arg11[%get3A_810, %get3A_811] {strides = array<i32>} : memref<80x128xi32, #tpu.memory_space<vmem>>, vector<16xi32>,
      %get3A_813 = arith.index_cast %add3A_797 : i32 to index
      %get3A_814 = arith.constant 0 : index
      %get3A_815 = tpu.vector_load %arg10[%get3A_813, %get3A_814] {strides = array<i32>} : memref<80x128xi32, #tpu.memory_space<vmem>>, vector<16xi32>,
      %gather3A_816 = tpu.vector_load_idx %arg36[%get3A_812] : memref<10240xf32, #tpu.memory_space<vmem>>[vector<16xi32>], vector<16xf32>,
      tpu.vector_store_idx %arg37[%get3A_815], %gather3A_816 {add = true} : memref<10240xf32, #tpu.memory_space<vmem>>[vector<16xi32>], vector<16xf32>,
      %get3A_817 = arith.index_cast %add3A_797 : i32 to index
      %get3A_818 = arith.constant 16 : index
      %get3A_819 = tpu.vector_load %arg11[%get3A_817, %get3A_818] {strides = array<i32>} : memref<80x128xi32, #tpu.memory_space<vmem>>, vector<16xi32>,
      %get3A_820 = arith.index_cast %add3A_797 : i32 to index
      %get3A_821 = arith.constant 16 : index
      %get3A_822 = tpu.vector_load %arg10[%get3A_820, %get3A_821] {strides = array<i32>} : memref<80x128xi32, #tpu.memory_space<vmem>>, vector<16xi32>,
      %gather3A_823 = tpu.vector_load_idx %arg36[%get3A_819] : memref<10240xf32, #tpu.memory_space<vmem>>[vector<16xi32>], vector<16xf32>,
      tpu.vector_store_idx %arg37[%get3A_822], %gather3A_823 {add = true} : memref<10240xf32, #tpu.memory_space<vmem>>[vector<16xi32>], vector<16xf32>,
      %get3A_824 = arith.index_cast %add3A_797 : i32 to index
      %get3A_825 = arith.constant 32 : index
      %get3A_826 = tpu.vector_load %arg11[%get3A_824, %get3A_825] {strides = array<i32>} : memref<80x128xi32, #tpu.memory_space<vmem>>, vector<16xi32>,
      %get3A_827 = arith.index_cast %add3A_797 : i32 to index
      %get3A_828 = arith.constant 32 : index
      %get3A_829 = tpu.vector_load %arg10[%get3A_827, %get3A_828] {strides = array<i32>} : memref<80x128xi32, #tpu.memory_space<vmem>>, vector<16xi32>,
      %gather3A_830 = tpu.vector_load_idx %arg36[%get3A_826] : memref<10240xf32, #tpu.memory_space<vmem>>[vector<16xi32>], vector<16xf32>,
      tpu.vector_store_idx %arg37[%get3A_829], %gather3A_830 {add = true} : memref<10240xf32, #tpu.memory_space<vmem>>[vector<16xi32>], vector<16xf32>,
      %get3A_831 = arith.index_cast %add3A_797 : i32 to index
      %get3A_832 = arith.constant 48 : index
      %get3A_833 = tpu.vector_load %arg11[%get3A_831, %get3A_832] {strides = array<i32>} : memref<80x128xi32, #tpu.memory_space<vmem>>, vector<16xi32>,
      %get3A_834 = arith.index_cast %add3A_797 : i32 to index
      %get3A_835 = arith.constant 48 : index
      %get3A_836 = tpu.vector_load %arg10[%get3A_834, %get3A_835] {strides = array<i32>} : memref<80x128xi32, #tpu.memory_space<vmem>>, vector<16xi32>,
      %gather3A_837 = tpu.vector_load_idx %arg36[%get3A_833] : memref<10240xf32, #tpu.memory_space<vmem>>[vector<16xi32>], vector<16xf32>,
      tpu.vector_store_idx %arg37[%get3A_836], %gather3A_837 {add = true} : memref<10240xf32, #tpu.memory_space<vmem>>[vector<16xi32>], vector<16xf32>,
      %get3A_838 = arith.index_cast %add3A_797 : i32 to index
      %get3A_839 = arith.constant 64 : index
      %get3A_840 = tpu.vector_load %arg11[%get3A_838, %get3A_839] {strides = array<i32>} : memref<80x128xi32, #tpu.memory_space<vmem>>, vector<16xi32>,
      %get3A_841 = arith.index_cast %add3A_797 : i32 to index
      %get3A_842 = arith.constant 64 : index
      %get3A_843 = tpu.vector_load %arg10[%get3A_841, %get3A_842] {strides = array<i32>} : memref<80x128xi32, #tpu.memory_space<vmem>>, vector<16xi32>,
      %gather3A_844 = tpu.vector_load_idx %arg36[%get3A_840] : memref<10240xf32, #tpu.memory_space<vmem>>[vector<16xi32>], vector<16xf32>,
      tpu.vector_store_idx %arg37[%get3A_843], %gather3A_844 {add = true} : memref<10240xf32, #tpu.memory_space<vmem>>[vector<16xi32>], vector<16xf32>,
      %get3A_845 = arith.index_cast %add3A_797 : i32 to index
      %get3A_846 = arith.constant 80 : index
      %get3A_847 = tpu.vector_load %arg11[%get3A_845, %get3A_846] {strides = array<i32>} : memref<80x128xi32, #tpu.memory_space<vmem>>, vector<16xi32>,
      %get3A_848 = arith.index_cast %add3A_797 : i32 to index
      %get3A_849 = arith.constant 80 : index
      %get3A_850 = tpu.vector_load %arg10[%get3A_848, %get3A_849] {strides = array<i32>} : memref<80x128xi32, #tpu.memory_space<vmem>>, vector<16xi32>,
      %gather3A_851 = tpu.vector_load_idx %arg36[%get3A_847] : memref<10240xf32, #tpu.memory_space<vmem>>[vector<16xi32>], vector<16xf32>,
      tpu.vector_store_idx %arg37[%get3A_850], %gather3A_851 {add = true} : memref<10240xf32, #tpu.memory_space<vmem>>[vector<16xi32>], vector<16xf32>,
      %get3A_852 = arith.index_cast %add3A_797 : i32 to index
      %get3A_853 = arith.constant 96 : index
      %get3A_854 = tpu.vector_load %arg11[%get3A_852, %get3A_853] {strides = array<i32>} : memref<80x128xi32, #tpu.memory_space<vmem>>, vector<16xi32>,
      %get3A_855 = arith.index_cast %add3A_797 : i32 to index
      %get3A_856 = arith.constant 96 : index
      %get3A_857 = tpu.vector_load %arg10[%get3A_855, %get3A_856] {strides = array<i32>} : memref<80x128xi32, #tpu.memory_space<vmem>>, vector<16xi32>,
      %gather3A_858 = tpu.vector_load_idx %arg36[%get3A_854] : memref<10240xf32, #tpu.memory_space<vmem>>[vector<16xi32>], vector<16xf32>,
      tpu.vector_store_idx %arg37[%get3A_857], %gather3A_858 {add = true} : memref<10240xf32, #tpu.memory_space<vmem>>[vector<16xi32>], vector<16xf32>,
      %get3A_859 = arith.index_cast %add3A_797 : i32 to index
      %get3A_860 = arith.constant 112 : index
      %get3A_861 = tpu.vector_load %arg11[%get3A_859, %get3A_860] {strides = array<i32>} : memref<80x128xi32, #tpu.memory_space<vmem>>, vector<16xi32>,
      %get3A_862 = arith.index_cast %add3A_797 : i32 to index
      %get3A_863 = arith.constant 112 : index
      %get3A_864 = tpu.vector_load %arg10[%get3A_862, %get3A_863] {strides = array<i32>} : memref<80x128xi32, #tpu.memory_space<vmem>>, vector<16xi32>,
      %gather3A_865 = tpu.vector_load_idx %arg36[%get3A_861] : memref<10240xf32, #tpu.memory_space<vmem>>[vector<16xi32>], vector<16xf32>,
      tpu.vector_store_idx %arg37[%get3A_864], %gather3A_865 {add = true} : memref<10240xf32, #tpu.memory_space<vmem>>[vector<16xi32>], vector<16xf32>,
      %add3A_866 = arith.constant 8 : i32
      %add3A_867 = arith.addi %add3A_797, %add3A_866 : i32
      %lt3A_868 = arith.constant 80 : i32
      %lt3A_869 = arith.cmpi slt, %add3A_867, %lt3A_868 : i32
      %convert_element_type3A_870 = arith.extui %lt3A_869 : i1 to i32
      %cond3A_871 = arith.constant 0 : i32
      %cond3A_872 = arith.cmpi ne, %convert_element_type3A_870, %cond3A_871 : i32
      scf.if %cond3A_872 {
        %dma_wait3A_1105 = arith.constant 0 : i32
        %dma_wait3A_1106 = tpu.memref_slice %arg11[%add3A_797, %dma_wait3A_1105] : memref<80x128xi32, #tpu.memory_space<vmem>> -> memref<1x128xi32, #tpu.memory_space<vmem>>
        %dma_wait3A_1107 = tpu.memref_squeeze %dma_wait3A_1106 : memref<1x128xi32, #tpu.memory_space<vmem>> -> memref<128xi32, #tpu.memory_space<vmem>>
        %dma_wait3A_1108 = arith.constant 0 : i32
        %dma_wait3A_1109 = arith.constant 0 : i32
        %dma_wait3A_1110 = tpu.memref_slice %arg8[%dma_wait3A_1108, %dma_wait3A_1109] : memref<10240x32xf32, #tpu.memory_space<vmem_shared>> -> memref<10240x32xf32, #tpu.memory_space<vmem_shared>>
        tpu.wait_indirect_dma semaphore(%arg32 : memref<!tpu.dma_semaphore, #tpu.memory_space<semaphore_mem>>) src(%arg16 : memref<128x32xf32, #tpu.memory_space<vmem>>) dst(%dma_wait3A_1110 : memref<10240x32xf32, #tpu.memory_space<vmem_shared>>)
        %dma_start3A_1111 = arith.constant 0 : i32
        %dma_start3A_1112 = tpu.memref_slice %arg10[%add3A_867, %dma_start3A_1111] : memref<80x128xi32, #tpu.memory_space<vmem>> -> memref<1x128xi32, #tpu.memory_space<vmem>>
        %dma_start3A_1113 = tpu.memref_squeeze %dma_start3A_1112 : memref<1x128xi32, #tpu.memory_space<vmem>> -> memref<128xi32, #tpu.memory_space<vmem>>
        %dma_start3A_1114 = arith.constant 0 : i32
        %dma_start3A_1115 = arith.constant 0 : i32
        %dma_start3A_1116 = tpu.memref_slice %arg9[%dma_start3A_1114, %dma_start3A_1115] : memref<10240x32xf32, #tpu.memory_space<vmem_shared>> -> memref<10240x32xf32, #tpu.memory_space<vmem_shared>>
        tpu.enqueue_indirect_dma source(%dma_start3A_1116 : memref<10240x32xf32, #tpu.memory_space<vmem_shared>>) target(%arg16 : memref<128x32xf32, #tpu.memory_space<vmem>>) offsets(%dma_start3A_1113 : memref<128xi32, #tpu.memory_space<vmem>>) semaphore(%arg24 : memref<!tpu.dma_semaphore, #tpu.memory_space<semaphore_mem>>)
      } else {
      }
      %add3A_873 = arith.constant 5 : i32
      %add3A_874 = arith.addi %mul3A_492, %add3A_873 : i32
      %dma_wait3A_875 = arith.constant 0 : i32
      %dma_wait3A_876 = tpu.memref_slice %arg10[%add3A_874, %dma_wait3A_875] : memref<80x128xi32, #tpu.memory_space<vmem>> -> memref<1x128xi32, #tpu.memory_space<vmem>>
      %dma_wait3A_877 = tpu.memref_squeeze %dma_wait3A_876 : memref<1x128xi32, #tpu.memory_space<vmem>> -> memref<128xi32, #tpu.memory_space<vmem>>
      %dma_wait3A_878 = arith.constant 0 : i32
      %dma_wait3A_879 = arith.constant 0 : i32
      %dma_wait3A_880 = tpu.memref_slice %arg9[%dma_wait3A_878, %dma_wait3A_879] : memref<10240x32xf32, #tpu.memory_space<vmem_shared>> -> memref<10240x32xf32, #tpu.memory_space<vmem_shared>>
      tpu.wait_indirect_dma semaphore(%arg25 : memref<!tpu.dma_semaphore, #tpu.memory_space<semaphore_mem>>) src(%dma_wait3A_880 : memref<10240x32xf32, #tpu.memory_space<vmem_shared>>) dst(%arg17 : memref<128x32xf32, #tpu.memory_space<vmem>>)
      %dma_start3A_881 = arith.constant 0 : i32
      %dma_start3A_882 = tpu.memref_slice %arg11[%add3A_874, %dma_start3A_881] : memref<80x128xi32, #tpu.memory_space<vmem>> -> memref<1x128xi32, #tpu.memory_space<vmem>>
      %dma_start3A_883 = tpu.memref_squeeze %dma_start3A_882 : memref<1x128xi32, #tpu.memory_space<vmem>> -> memref<128xi32, #tpu.memory_space<vmem>>
      %dma_start3A_884 = arith.constant 0 : i32
      %dma_start3A_885 = arith.constant 0 : i32
      %dma_start3A_886 = tpu.memref_slice %arg8[%dma_start3A_884, %dma_start3A_885] : memref<10240x32xf32, #tpu.memory_space<vmem_shared>> -> memref<10240x32xf32, #tpu.memory_space<vmem_shared>>
      tpu.enqueue_indirect_dma source(%arg17 : memref<128x32xf32, #tpu.memory_space<vmem>>) target(%dma_start3A_886 : memref<10240x32xf32, #tpu.memory_space<vmem_shared>>) offsets(%dma_start3A_883 : memref<128xi32, #tpu.memory_space<vmem>>) semaphore(%arg33 : memref<!tpu.dma_semaphore, #tpu.memory_space<semaphore_mem>>) {add = true}
      %get3A_887 = arith.index_cast %add3A_874 : i32 to index
      %get3A_888 = arith.constant 0 : index
      %get3A_889 = tpu.vector_load %arg11[%get3A_887, %get3A_888] {strides = array<i32>} : memref<80x128xi32, #tpu.memory_space<vmem>>, vector<16xi32>,
      %get3A_890 = arith.index_cast %add3A_874 : i32 to index
      %get3A_891 = arith.constant 0 : index
      %get3A_892 = tpu.vector_load %arg10[%get3A_890, %get3A_891] {strides = array<i32>} : memref<80x128xi32, #tpu.memory_space<vmem>>, vector<16xi32>,
      %gather3A_893 = tpu.vector_load_idx %arg36[%get3A_889] : memref<10240xf32, #tpu.memory_space<vmem>>[vector<16xi32>], vector<16xf32>,
      tpu.vector_store_idx %arg37[%get3A_892], %gather3A_893 {add = true} : memref<10240xf32, #tpu.memory_space<vmem>>[vector<16xi32>], vector<16xf32>,
      %get3A_894 = arith.index_cast %add3A_874 : i32 to index
      %get3A_895 = arith.constant 16 : index
      %get3A_896 = tpu.vector_load %arg11[%get3A_894, %get3A_895] {strides = array<i32>} : memref<80x128xi32, #tpu.memory_space<vmem>>, vector<16xi32>,
      %get3A_897 = arith.index_cast %add3A_874 : i32 to index
      %get3A_898 = arith.constant 16 : index
      %get3A_899 = tpu.vector_load %arg10[%get3A_897, %get3A_898] {strides = array<i32>} : memref<80x128xi32, #tpu.memory_space<vmem>>, vector<16xi32>,
      %gather3A_900 = tpu.vector_load_idx %arg36[%get3A_896] : memref<10240xf32, #tpu.memory_space<vmem>>[vector<16xi32>], vector<16xf32>,
      tpu.vector_store_idx %arg37[%get3A_899], %gather3A_900 {add = true} : memref<10240xf32, #tpu.memory_space<vmem>>[vector<16xi32>], vector<16xf32>,
      %get3A_901 = arith.index_cast %add3A_874 : i32 to index
      %get3A_902 = arith.constant 32 : index
      %get3A_903 = tpu.vector_load %arg11[%get3A_901, %get3A_902] {strides = array<i32>} : memref<80x128xi32, #tpu.memory_space<vmem>>, vector<16xi32>,
      %get3A_904 = arith.index_cast %add3A_874 : i32 to index
      %get3A_905 = arith.constant 32 : index
      %get3A_906 = tpu.vector_load %arg10[%get3A_904, %get3A_905] {strides = array<i32>} : memref<80x128xi32, #tpu.memory_space<vmem>>, vector<16xi32>,
      %gather3A_907 = tpu.vector_load_idx %arg36[%get3A_903] : memref<10240xf32, #tpu.memory_space<vmem>>[vector<16xi32>], vector<16xf32>,
      tpu.vector_store_idx %arg37[%get3A_906], %gather3A_907 {add = true} : memref<10240xf32, #tpu.memory_space<vmem>>[vector<16xi32>], vector<16xf32>,
      %get3A_908 = arith.index_cast %add3A_874 : i32 to index
      %get3A_909 = arith.constant 48 : index
      %get3A_910 = tpu.vector_load %arg11[%get3A_908, %get3A_909] {strides = array<i32>} : memref<80x128xi32, #tpu.memory_space<vmem>>, vector<16xi32>,
      %get3A_911 = arith.index_cast %add3A_874 : i32 to index
      %get3A_912 = arith.constant 48 : index
      %get3A_913 = tpu.vector_load %arg10[%get3A_911, %get3A_912] {strides = array<i32>} : memref<80x128xi32, #tpu.memory_space<vmem>>, vector<16xi32>,
      %gather3A_914 = tpu.vector_load_idx %arg36[%get3A_910] : memref<10240xf32, #tpu.memory_space<vmem>>[vector<16xi32>], vector<16xf32>,
      tpu.vector_store_idx %arg37[%get3A_913], %gather3A_914 {add = true} : memref<10240xf32, #tpu.memory_space<vmem>>[vector<16xi32>], vector<16xf32>,
      %get3A_915 = arith.index_cast %add3A_874 : i32 to index
      %get3A_916 = arith.constant 64 : index
      %get3A_917 = tpu.vector_load %arg11[%get3A_915, %get3A_916] {strides = array<i32>} : memref<80x128xi32, #tpu.memory_space<vmem>>, vector<16xi32>,
      %get3A_918 = arith.index_cast %add3A_874 : i32 to index
      %get3A_919 = arith.constant 64 : index
      %get3A_920 = tpu.vector_load %arg10[%get3A_918, %get3A_919] {strides = array<i32>} : memref<80x128xi32, #tpu.memory_space<vmem>>, vector<16xi32>,
      %gather3A_921 = tpu.vector_load_idx %arg36[%get3A_917] : memref<10240xf32, #tpu.memory_space<vmem>>[vector<16xi32>], vector<16xf32>,
      tpu.vector_store_idx %arg37[%get3A_920], %gather3A_921 {add = true} : memref<10240xf32, #tpu.memory_space<vmem>>[vector<16xi32>], vector<16xf32>,
      %get3A_922 = arith.index_cast %add3A_874 : i32 to index
      %get3A_923 = arith.constant 80 : index
      %get3A_924 = tpu.vector_load %arg11[%get3A_922, %get3A_923] {strides = array<i32>} : memref<80x128xi32, #tpu.memory_space<vmem>>, vector<16xi32>,
      %get3A_925 = arith.index_cast %add3A_874 : i32 to index
      %get3A_926 = arith.constant 80 : index
      %get3A_927 = tpu.vector_load %arg10[%get3A_925, %get3A_926] {strides = array<i32>} : memref<80x128xi32, #tpu.memory_space<vmem>>, vector<16xi32>,
      %gather3A_928 = tpu.vector_load_idx %arg36[%get3A_924] : memref<10240xf32, #tpu.memory_space<vmem>>[vector<16xi32>], vector<16xf32>,
      tpu.vector_store_idx %arg37[%get3A_927], %gather3A_928 {add = true} : memref<10240xf32, #tpu.memory_space<vmem>>[vector<16xi32>], vector<16xf32>,
      %get3A_929 = arith.index_cast %add3A_874 : i32 to index
      %get3A_930 = arith.constant 96 : index
      %get3A_931 = tpu.vector_load %arg11[%get3A_929, %get3A_930] {strides = array<i32>} : memref<80x128xi32, #tpu.memory_space<vmem>>, vector<16xi32>,
      %get3A_932 = arith.index_cast %add3A_874 : i32 to index
      %get3A_933 = arith.constant 96 : index
      %get3A_934 = tpu.vector_load %arg10[%get3A_932, %get3A_933] {strides = array<i32>} : memref<80x128xi32, #tpu.memory_space<vmem>>, vector<16xi32>,
      %gather3A_935 = tpu.vector_load_idx %arg36[%get3A_931] : memref<10240xf32, #tpu.memory_space<vmem>>[vector<16xi32>], vector<16xf32>,
      tpu.vector_store_idx %arg37[%get3A_934], %gather3A_935 {add = true} : memref<10240xf32, #tpu.memory_space<vmem>>[vector<16xi32>], vector<16xf32>,
      %get3A_936 = arith.index_cast %add3A_874 : i32 to index
      %get3A_937 = arith.constant 112 : index
      %get3A_938 = tpu.vector_load %arg11[%get3A_936, %get3A_937] {strides = array<i32>} : memref<80x128xi32, #tpu.memory_space<vmem>>, vector<16xi32>,
      %get3A_939 = arith.index_cast %add3A_874 : i32 to index
      %get3A_940 = arith.constant 112 : index
      %get3A_941 = tpu.vector_load %arg10[%get3A_939, %get3A_940] {strides = array<i32>} : memref<80x128xi32, #tpu.memory_space<vmem>>, vector<16xi32>,
      %gather3A_942 = tpu.vector_load_idx %arg36[%get3A_938] : memref<10240xf32, #tpu.memory_space<vmem>>[vector<16xi32>], vector<16xf32>,
      tpu.vector_store_idx %arg37[%get3A_941], %gather3A_942 {add = true} : memref<10240xf32, #tpu.memory_space<vmem>>[vector<16xi32>], vector<16xf32>,
      %add3A_943 = arith.constant 8 : i32
      %add3A_944 = arith.addi %add3A_874, %add3A_943 : i32
      %lt3A_945 = arith.constant 80 : i32
      %lt3A_946 = arith.cmpi slt, %add3A_944, %lt3A_945 : i32
      %convert_element_type3A_947 = arith.extui %lt3A_946 : i1 to i32
      %cond3A_948 = arith.constant 0 : i32
      %cond3A_949 = arith.cmpi ne, %convert_element_type3A_947, %cond3A_948 : i32
      scf.if %cond3A_949 {
        %dma_wait3A_1105 = arith.constant 0 : i32
        %dma_wait3A_1106 = tpu.memref_slice %arg11[%add3A_874, %dma_wait3A_1105] : memref<80x128xi32, #tpu.memory_space<vmem>> -> memref<1x128xi32, #tpu.memory_space<vmem>>
        %dma_wait3A_1107 = tpu.memref_squeeze %dma_wait3A_1106 : memref<1x128xi32, #tpu.memory_space<vmem>> -> memref<128xi32, #tpu.memory_space<vmem>>
        %dma_wait3A_1108 = arith.constant 0 : i32
        %dma_wait3A_1109 = arith.constant 0 : i32
        %dma_wait3A_1110 = tpu.memref_slice %arg8[%dma_wait3A_1108, %dma_wait3A_1109] : memref<10240x32xf32, #tpu.memory_space<vmem_shared>> -> memref<10240x32xf32, #tpu.memory_space<vmem_shared>>
        tpu.wait_indirect_dma semaphore(%arg33 : memref<!tpu.dma_semaphore, #tpu.memory_space<semaphore_mem>>) src(%arg17 : memref<128x32xf32, #tpu.memory_space<vmem>>) dst(%dma_wait3A_1110 : memref<10240x32xf32, #tpu.memory_space<vmem_shared>>)
        %dma_start3A_1111 = arith.constant 0 : i32
        %dma_start3A_1112 = tpu.memref_slice %arg10[%add3A_944, %dma_start3A_1111] : memref<80x128xi32, #tpu.memory_space<vmem>> -> memref<1x128xi32, #tpu.memory_space<vmem>>
        %dma_start3A_1113 = tpu.memref_squeeze %dma_start3A_1112 : memref<1x128xi32, #tpu.memory_space<vmem>> -> memref<128xi32, #tpu.memory_space<vmem>>
        %dma_start3A_1114 = arith.constant 0 : i32
        %dma_start3A_1115 = arith.constant 0 : i32
        %dma_start3A_1116 = tpu.memref_slice %arg9[%dma_start3A_1114, %dma_start3A_1115] : memref<10240x32xf32, #tpu.memory_space<vmem_shared>> -> memref<10240x32xf32, #tpu.memory_space<vmem_shared>>
        tpu.enqueue_indirect_dma source(%dma_start3A_1116 : memref<10240x32xf32, #tpu.memory_space<vmem_shared>>) target(%arg17 : memref<128x32xf32, #tpu.memory_space<vmem>>) offsets(%dma_start3A_1113 : memref<128xi32, #tpu.memory_space<vmem>>) semaphore(%arg25 : memref<!tpu.dma_semaphore, #tpu.memory_space<semaphore_mem>>)
      } else {
      }
      %add3A_950 = arith.constant 6 : i32
      %add3A_951 = arith.addi %mul3A_492, %add3A_950 : i32
      %dma_wait3A_952 = arith.constant 0 : i32
      %dma_wait3A_953 = tpu.memref_slice %arg10[%add3A_951, %dma_wait3A_952] : memref<80x128xi32, #tpu.memory_space<vmem>> -> memref<1x128xi32, #tpu.memory_space<vmem>>
      %dma_wait3A_954 = tpu.memref_squeeze %dma_wait3A_953 : memref<1x128xi32, #tpu.memory_space<vmem>> -> memref<128xi32, #tpu.memory_space<vmem>>
      %dma_wait3A_955 = arith.constant 0 : i32
      %dma_wait3A_956 = arith.constant 0 : i32
      %dma_wait3A_957 = tpu.memref_slice %arg9[%dma_wait3A_955, %dma_wait3A_956] : memref<10240x32xf32, #tpu.memory_space<vmem_shared>> -> memref<10240x32xf32, #tpu.memory_space<vmem_shared>>
      tpu.wait_indirect_dma semaphore(%arg26 : memref<!tpu.dma_semaphore, #tpu.memory_space<semaphore_mem>>) src(%dma_wait3A_957 : memref<10240x32xf32, #tpu.memory_space<vmem_shared>>) dst(%arg18 : memref<128x32xf32, #tpu.memory_space<vmem>>)
      %dma_start3A_958 = arith.constant 0 : i32
      %dma_start3A_959 = tpu.memref_slice %arg11[%add3A_951, %dma_start3A_958] : memref<80x128xi32, #tpu.memory_space<vmem>> -> memref<1x128xi32, #tpu.memory_space<vmem>>
      %dma_start3A_960 = tpu.memref_squeeze %dma_start3A_959 : memref<1x128xi32, #tpu.memory_space<vmem>> -> memref<128xi32, #tpu.memory_space<vmem>>
      %dma_start3A_961 = arith.constant 0 : i32
      %dma_start3A_962 = arith.constant 0 : i32
      %dma_start3A_963 = tpu.memref_slice %arg8[%dma_start3A_961, %dma_start3A_962] : memref<10240x32xf32, #tpu.memory_space<vmem_shared>> -> memref<10240x32xf32, #tpu.memory_space<vmem_shared>>
      tpu.enqueue_indirect_dma source(%arg18 : memref<128x32xf32, #tpu.memory_space<vmem>>) target(%dma_start3A_963 : memref<10240x32xf32, #tpu.memory_space<vmem_shared>>) offsets(%dma_start3A_960 : memref<128xi32, #tpu.memory_space<vmem>>) semaphore(%arg34 : memref<!tpu.dma_semaphore, #tpu.memory_space<semaphore_mem>>) {add = true}
      %get3A_964 = arith.index_cast %add3A_951 : i32 to index
      %get3A_965 = arith.constant 0 : index
      %get3A_966 = tpu.vector_load %arg11[%get3A_964, %get3A_965] {strides = array<i32>} : memref<80x128xi32, #tpu.memory_space<vmem>>, vector<16xi32>,
      %get3A_967 = arith.index_cast %add3A_951 : i32 to index
      %get3A_968 = arith.constant 0 : index
      %get3A_969 = tpu.vector_load %arg10[%get3A_967, %get3A_968] {strides = array<i32>} : memref<80x128xi32, #tpu.memory_space<vmem>>, vector<16xi32>,
      %gather3A_970 = tpu.vector_load_idx %arg36[%get3A_966] : memref<10240xf32, #tpu.memory_space<vmem>>[vector<16xi32>], vector<16xf32>,
      tpu.vector_store_idx %arg37[%get3A_969], %gather3A_970 {add = true} : memref<10240xf32, #tpu.memory_space<vmem>>[vector<16xi32>], vector<16xf32>,
      %get3A_971 = arith.index_cast %add3A_951 : i32 to index
      %get3A_972 = arith.constant 16 : index
      %get3A_973 = tpu.vector_load %arg11[%get3A_971, %get3A_972] {strides = array<i32>} : memref<80x128xi32, #tpu.memory_space<vmem>>, vector<16xi32>,
      %get3A_974 = arith.index_cast %add3A_951 : i32 to index
      %get3A_975 = arith.constant 16 : index
      %get3A_976 = tpu.vector_load %arg10[%get3A_974, %get3A_975] {strides = array<i32>} : memref<80x128xi32, #tpu.memory_space<vmem>>, vector<16xi32>,
      %gather3A_977 = tpu.vector_load_idx %arg36[%get3A_973] : memref<10240xf32, #tpu.memory_space<vmem>>[vector<16xi32>], vector<16xf32>,
      tpu.vector_store_idx %arg37[%get3A_976], %gather3A_977 {add = true} : memref<10240xf32, #tpu.memory_space<vmem>>[vector<16xi32>], vector<16xf32>,
      %get3A_978 = arith.index_cast %add3A_951 : i32 to index
      %get3A_979 = arith.constant 32 : index
      %get3A_980 = tpu.vector_load %arg11[%get3A_978, %get3A_979] {strides = array<i32>} : memref<80x128xi32, #tpu.memory_space<vmem>>, vector<16xi32>,
      %get3A_981 = arith.index_cast %add3A_951 : i32 to index
      %get3A_982 = arith.constant 32 : index
      %get3A_983 = tpu.vector_load %arg10[%get3A_981, %get3A_982] {strides = array<i32>} : memref<80x128xi32, #tpu.memory_space<vmem>>, vector<16xi32>,
      %gather3A_984 = tpu.vector_load_idx %arg36[%get3A_980] : memref<10240xf32, #tpu.memory_space<vmem>>[vector<16xi32>], vector<16xf32>,
      tpu.vector_store_idx %arg37[%get3A_983], %gather3A_984 {add = true} : memref<10240xf32, #tpu.memory_space<vmem>>[vector<16xi32>], vector<16xf32>,
      %get3A_985 = arith.index_cast %add3A_951 : i32 to index
      %get3A_986 = arith.constant 48 : index
      %get3A_987 = tpu.vector_load %arg11[%get3A_985, %get3A_986] {strides = array<i32>} : memref<80x128xi32, #tpu.memory_space<vmem>>, vector<16xi32>,
      %get3A_988 = arith.index_cast %add3A_951 : i32 to index
      %get3A_989 = arith.constant 48 : index
      %get3A_990 = tpu.vector_load %arg10[%get3A_988, %get3A_989] {strides = array<i32>} : memref<80x128xi32, #tpu.memory_space<vmem>>, vector<16xi32>,
      %gather3A_991 = tpu.vector_load_idx %arg36[%get3A_987] : memref<10240xf32, #tpu.memory_space<vmem>>[vector<16xi32>], vector<16xf32>,
      tpu.vector_store_idx %arg37[%get3A_990], %gather3A_991 {add = true} : memref<10240xf32, #tpu.memory_space<vmem>>[vector<16xi32>], vector<16xf32>,
      %get3A_992 = arith.index_cast %add3A_951 : i32 to index
      %get3A_993 = arith.constant 64 : index
      %get3A_994 = tpu.vector_load %arg11[%get3A_992, %get3A_993] {strides = array<i32>} : memref<80x128xi32, #tpu.memory_space<vmem>>, vector<16xi32>,
      %get3A_995 = arith.index_cast %add3A_951 : i32 to index
      %get3A_996 = arith.constant 64 : index
      %get3A_997 = tpu.vector_load %arg10[%get3A_995, %get3A_996] {strides = array<i32>} : memref<80x128xi32, #tpu.memory_space<vmem>>, vector<16xi32>,
      %gather3A_998 = tpu.vector_load_idx %arg36[%get3A_994] : memref<10240xf32, #tpu.memory_space<vmem>>[vector<16xi32>], vector<16xf32>,
      tpu.vector_store_idx %arg37[%get3A_997], %gather3A_998 {add = true} : memref<10240xf32, #tpu.memory_space<vmem>>[vector<16xi32>], vector<16xf32>,
      %get3A_999 = arith.index_cast %add3A_951 : i32 to index
      %get3A_1000 = arith.constant 80 : index
      %get3A_1001 = tpu.vector_load %arg11[%get3A_999, %get3A_1000] {strides = array<i32>} : memref<80x128xi32, #tpu.memory_space<vmem>>, vector<16xi32>,
      %get3A_1002 = arith.index_cast %add3A_951 : i32 to index
      %get3A_1003 = arith.constant 80 : index
      %get3A_1004 = tpu.vector_load %arg10[%get3A_1002, %get3A_1003] {strides = array<i32>} : memref<80x128xi32, #tpu.memory_space<vmem>>, vector<16xi32>,
      %gather3A_1005 = tpu.vector_load_idx %arg36[%get3A_1001] : memref<10240xf32, #tpu.memory_space<vmem>>[vector<16xi32>], vector<16xf32>,
      tpu.vector_store_idx %arg37[%get3A_1004], %gather3A_1005 {add = true} : memref<10240xf32, #tpu.memory_space<vmem>>[vector<16xi32>], vector<16xf32>,
      %get3A_1006 = arith.index_cast %add3A_951 : i32 to index
      %get3A_1007 = arith.constant 96 : index
      %get3A_1008 = tpu.vector_load %arg11[%get3A_1006, %get3A_1007] {strides = array<i32>} : memref<80x128xi32, #tpu.memory_space<vmem>>, vector<16xi32>,
      %get3A_1009 = arith.index_cast %add3A_951 : i32 to index
      %get3A_1010 = arith.constant 96 : index
      %get3A_1011 = tpu.vector_load %arg10[%get3A_1009, %get3A_1010] {strides = array<i32>} : memref<80x128xi32, #tpu.memory_space<vmem>>, vector<16xi32>,
      %gather3A_1012 = tpu.vector_load_idx %arg36[%get3A_1008] : memref<10240xf32, #tpu.memory_space<vmem>>[vector<16xi32>], vector<16xf32>,
      tpu.vector_store_idx %arg37[%get3A_1011], %gather3A_1012 {add = true} : memref<10240xf32, #tpu.memory_space<vmem>>[vector<16xi32>], vector<16xf32>,
      %get3A_1013 = arith.index_cast %add3A_951 : i32 to index
      %get3A_1014 = arith.constant 112 : index
      %get3A_1015 = tpu.vector_load %arg11[%get3A_1013, %get3A_1014] {strides = array<i32>} : memref<80x128xi32, #tpu.memory_space<vmem>>, vector<16xi32>,
      %get3A_1016 = arith.index_cast %add3A_951 : i32 to index
      %get3A_1017 = arith.constant 112 : index
      %get3A_1018 = tpu.vector_load %arg10[%get3A_1016, %get3A_1017] {strides = array<i32>} : memref<80x128xi32, #tpu.memory_space<vmem>>, vector<16xi32>,
      %gather3A_1019 = tpu.vector_load_idx %arg36[%get3A_1015] : memref<10240xf32, #tpu.memory_space<vmem>>[vector<16xi32>], vector<16xf32>,
      tpu.vector_store_idx %arg37[%get3A_1018], %gather3A_1019 {add = true} : memref<10240xf32, #tpu.memory_space<vmem>>[vector<16xi32>], vector<16xf32>,
      %add3A_1020 = arith.constant 8 : i32
      %add3A_1021 = arith.addi %add3A_951, %add3A_1020 : i32
      %lt3A_1022 = arith.constant 80 : i32
      %lt3A_1023 = arith.cmpi slt, %add3A_1021, %lt3A_1022 : i32
      %convert_element_type3A_1024 = arith.extui %lt3A_1023 : i1 to i32
      %cond3A_1025 = arith.constant 0 : i32
      %cond3A_1026 = arith.cmpi ne, %convert_element_type3A_1024, %cond3A_1025 : i32
      scf.if %cond3A_1026 {
        %dma_wait3A_1105 = arith.constant 0 : i32
        %dma_wait3A_1106 = tpu.memref_slice %arg11[%add3A_951, %dma_wait3A_1105] : memref<80x128xi32, #tpu.memory_space<vmem>> -> memref<1x128xi32, #tpu.memory_space<vmem>>
        %dma_wait3A_1107 = tpu.memref_squeeze %dma_wait3A_1106 : memref<1x128xi32, #tpu.memory_space<vmem>> -> memref<128xi32, #tpu.memory_space<vmem>>
        %dma_wait3A_1108 = arith.constant 0 : i32
        %dma_wait3A_1109 = arith.constant 0 : i32
        %dma_wait3A_1110 = tpu.memref_slice %arg8[%dma_wait3A_1108, %dma_wait3A_1109] : memref<10240x32xf32, #tpu.memory_space<vmem_shared>> -> memref<10240x32xf32, #tpu.memory_space<vmem_shared>>
        tpu.wait_indirect_dma semaphore(%arg34 : memref<!tpu.dma_semaphore, #tpu.memory_space<semaphore_mem>>) src(%arg18 : memref<128x32xf32, #tpu.memory_space<vmem>>) dst(%dma_wait3A_1110 : memref<10240x32xf32, #tpu.memory_space<vmem_shared>>)
        %dma_start3A_1111 = arith.constant 0 : i32
        %dma_start3A_1112 = tpu.memref_slice %arg10[%add3A_1021, %dma_start3A_1111] : memref<80x128xi32, #tpu.memory_space<vmem>> -> memref<1x128xi32, #tpu.memory_space<vmem>>
        %dma_start3A_1113 = tpu.memref_squeeze %dma_start3A_1112 : memref<1x128xi32, #tpu.memory_space<vmem>> -> memref<128xi32, #tpu.memory_space<vmem>>
        %dma_start3A_1114 = arith.constant 0 : i32
        %dma_start3A_1115 = arith.constant 0 : i32
        %dma_start3A_1116 = tpu.memref_slice %arg9[%dma_start3A_1114, %dma_start3A_1115] : memref<10240x32xf32, #tpu.memory_space<vmem_shared>> -> memref<10240x32xf32, #tpu.memory_space<vmem_shared>>
        tpu.enqueue_indirect_dma source(%dma_start3A_1116 : memref<10240x32xf32, #tpu.memory_space<vmem_shared>>) target(%arg18 : memref<128x32xf32, #tpu.memory_space<vmem>>) offsets(%dma_start3A_1113 : memref<128xi32, #tpu.memory_space<vmem>>) semaphore(%arg26 : memref<!tpu.dma_semaphore, #tpu.memory_space<semaphore_mem>>)
      } else {
      }
      %add3A_1027 = arith.constant 7 : i32
      %add3A_1028 = arith.addi %mul3A_492, %add3A_1027 : i32
      %dma_wait3A_1029 = arith.constant 0 : i32
      %dma_wait3A_1030 = tpu.memref_slice %arg10[%add3A_1028, %dma_wait3A_1029] : memref<80x128xi32, #tpu.memory_space<vmem>> -> memref<1x128xi32, #tpu.memory_space<vmem>>
      %dma_wait3A_1031 = tpu.memref_squeeze %dma_wait3A_1030 : memref<1x128xi32, #tpu.memory_space<vmem>> -> memref<128xi32, #tpu.memory_space<vmem>>
      %dma_wait3A_1032 = arith.constant 0 : i32
      %dma_wait3A_1033 = arith.constant 0 : i32
      %dma_wait3A_1034 = tpu.memref_slice %arg9[%dma_wait3A_1032, %dma_wait3A_1033] : memref<10240x32xf32, #tpu.memory_space<vmem_shared>> -> memref<10240x32xf32, #tpu.memory_space<vmem_shared>>
      tpu.wait_indirect_dma semaphore(%arg27 : memref<!tpu.dma_semaphore, #tpu.memory_space<semaphore_mem>>) src(%dma_wait3A_1034 : memref<10240x32xf32, #tpu.memory_space<vmem_shared>>) dst(%arg19 : memref<128x32xf32, #tpu.memory_space<vmem>>)
      %dma_start3A_1035 = arith.constant 0 : i32
      %dma_start3A_1036 = tpu.memref_slice %arg11[%add3A_1028, %dma_start3A_1035] : memref<80x128xi32, #tpu.memory_space<vmem>> -> memref<1x128xi32, #tpu.memory_space<vmem>>
      %dma_start3A_1037 = tpu.memref_squeeze %dma_start3A_1036 : memref<1x128xi32, #tpu.memory_space<vmem>> -> memref<128xi32, #tpu.memory_space<vmem>>
      %dma_start3A_1038 = arith.constant 0 : i32
      %dma_start3A_1039 = arith.constant 0 : i32
      %dma_start3A_1040 = tpu.memref_slice %arg8[%dma_start3A_1038, %dma_start3A_1039] : memref<10240x32xf32, #tpu.memory_space<vmem_shared>> -> memref<10240x32xf32, #tpu.memory_space<vmem_shared>>
      tpu.enqueue_indirect_dma source(%arg19 : memref<128x32xf32, #tpu.memory_space<vmem>>) target(%dma_start3A_1040 : memref<10240x32xf32, #tpu.memory_space<vmem_shared>>) offsets(%dma_start3A_1037 : memref<128xi32, #tpu.memory_space<vmem>>) semaphore(%arg35 : memref<!tpu.dma_semaphore, #tpu.memory_space<semaphore_mem>>) {add = true}
      %get3A_1041 = arith.index_cast %add3A_1028 : i32 to index
      %get3A_1042 = arith.constant 0 : index
      %get3A_1043 = tpu.vector_load %arg11[%get3A_1041, %get3A_1042] {strides = array<i32>} : memref<80x128xi32, #tpu.memory_space<vmem>>, vector<16xi32>,
      %get3A_1044 = arith.index_cast %add3A_1028 : i32 to index
      %get3A_1045 = arith.constant 0 : index
      %get3A_1046 = tpu.vector_load %arg10[%get3A_1044, %get3A_1045] {strides = array<i32>} : memref<80x128xi32, #tpu.memory_space<vmem>>, vector<16xi32>,
      %gather3A_1047 = tpu.vector_load_idx %arg36[%get3A_1043] : memref<10240xf32, #tpu.memory_space<vmem>>[vector<16xi32>], vector<16xf32>,
      tpu.vector_store_idx %arg37[%get3A_1046], %gather3A_1047 {add = true} : memref<10240xf32, #tpu.memory_space<vmem>>[vector<16xi32>], vector<16xf32>,
      %get3A_1048 = arith.index_cast %add3A_1028 : i32 to index
      %get3A_1049 = arith.constant 16 : index
      %get3A_1050 = tpu.vector_load %arg11[%get3A_1048, %get3A_1049] {strides = array<i32>} : memref<80x128xi32, #tpu.memory_space<vmem>>, vector<16xi32>,
      %get3A_1051 = arith.index_cast %add3A_1028 : i32 to index
      %get3A_1052 = arith.constant 16 : index
      %get3A_1053 = tpu.vector_load %arg10[%get3A_1051, %get3A_1052] {strides = array<i32>} : memref<80x128xi32, #tpu.memory_space<vmem>>, vector<16xi32>,
      %gather3A_1054 = tpu.vector_load_idx %arg36[%get3A_1050] : memref<10240xf32, #tpu.memory_space<vmem>>[vector<16xi32>], vector<16xf32>,
      tpu.vector_store_idx %arg37[%get3A_1053], %gather3A_1054 {add = true} : memref<10240xf32, #tpu.memory_space<vmem>>[vector<16xi32>], vector<16xf32>,
      %get3A_1055 = arith.index_cast %add3A_1028 : i32 to index
      %get3A_1056 = arith.constant 32 : index
      %get3A_1057 = tpu.vector_load %arg11[%get3A_1055, %get3A_1056] {strides = array<i32>} : memref<80x128xi32, #tpu.memory_space<vmem>>, vector<16xi32>,
      %get3A_1058 = arith.index_cast %add3A_1028 : i32 to index
      %get3A_1059 = arith.constant 32 : index
      %get3A_1060 = tpu.vector_load %arg10[%get3A_1058, %get3A_1059] {strides = array<i32>} : memref<80x128xi32, #tpu.memory_space<vmem>>, vector<16xi32>,
      %gather3A_1061 = tpu.vector_load_idx %arg36[%get3A_1057] : memref<10240xf32, #tpu.memory_space<vmem>>[vector<16xi32>], vector<16xf32>,
      tpu.vector_store_idx %arg37[%get3A_1060], %gather3A_1061 {add = true} : memref<10240xf32, #tpu.memory_space<vmem>>[vector<16xi32>], vector<16xf32>,
      %get3A_1062 = arith.index_cast %add3A_1028 : i32 to index
      %get3A_1063 = arith.constant 48 : index
      %get3A_1064 = tpu.vector_load %arg11[%get3A_1062, %get3A_1063] {strides = array<i32>} : memref<80x128xi32, #tpu.memory_space<vmem>>, vector<16xi32>,
      %get3A_1065 = arith.index_cast %add3A_1028 : i32 to index
      %get3A_1066 = arith.constant 48 : index
      %get3A_1067 = tpu.vector_load %arg10[%get3A_1065, %get3A_1066] {strides = array<i32>} : memref<80x128xi32, #tpu.memory_space<vmem>>, vector<16xi32>,
      %gather3A_1068 = tpu.vector_load_idx %arg36[%get3A_1064] : memref<10240xf32, #tpu.memory_space<vmem>>[vector<16xi32>], vector<16xf32>,
      tpu.vector_store_idx %arg37[%get3A_1067], %gather3A_1068 {add = true} : memref<10240xf32, #tpu.memory_space<vmem>>[vector<16xi32>], vector<16xf32>,
      %get3A_1069 = arith.index_cast %add3A_1028 : i32 to index
      %get3A_1070 = arith.constant 64 : index
      %get3A_1071 = tpu.vector_load %arg11[%get3A_1069, %get3A_1070] {strides = array<i32>} : memref<80x128xi32, #tpu.memory_space<vmem>>, vector<16xi32>,
      %get3A_1072 = arith.index_cast %add3A_1028 : i32 to index
      %get3A_1073 = arith.constant 64 : index
      %get3A_1074 = tpu.vector_load %arg10[%get3A_1072, %get3A_1073] {strides = array<i32>} : memref<80x128xi32, #tpu.memory_space<vmem>>, vector<16xi32>,
      %gather3A_1075 = tpu.vector_load_idx %arg36[%get3A_1071] : memref<10240xf32, #tpu.memory_space<vmem>>[vector<16xi32>], vector<16xf32>,
      tpu.vector_store_idx %arg37[%get3A_1074], %gather3A_1075 {add = true} : memref<10240xf32, #tpu.memory_space<vmem>>[vector<16xi32>], vector<16xf32>,
      %get3A_1076 = arith.index_cast %add3A_1028 : i32 to index
      %get3A_1077 = arith.constant 80 : index
      %get3A_1078 = tpu.vector_load %arg11[%get3A_1076, %get3A_1077] {strides = array<i32>} : memref<80x128xi32, #tpu.memory_space<vmem>>, vector<16xi32>,
      %get3A_1079 = arith.index_cast %add3A_1028 : i32 to index
      %get3A_1080 = arith.constant 80 : index
      %get3A_1081 = tpu.vector_load %arg10[%get3A_1079, %get3A_1080] {strides = array<i32>} : memref<80x128xi32, #tpu.memory_space<vmem>>, vector<16xi32>,
      %gather3A_1082 = tpu.vector_load_idx %arg36[%get3A_1078] : memref<10240xf32, #tpu.memory_space<vmem>>[vector<16xi32>], vector<16xf32>,
      tpu.vector_store_idx %arg37[%get3A_1081], %gather3A_1082 {add = true} : memref<10240xf32, #tpu.memory_space<vmem>>[vector<16xi32>], vector<16xf32>,
      %get3A_1083 = arith.index_cast %add3A_1028 : i32 to index
      %get3A_1084 = arith.constant 96 : index
      %get3A_1085 = tpu.vector_load %arg11[%get3A_1083, %get3A_1084] {strides = array<i32>} : memref<80x128xi32, #tpu.memory_space<vmem>>, vector<16xi32>,
      %get3A_1086 = arith.index_cast %add3A_1028 : i32 to index
      %get3A_1087 = arith.constant 96 : index
      %get3A_1088 = tpu.vector_load %arg10[%get3A_1086, %get3A_1087] {strides = array<i32>} : memref<80x128xi32, #tpu.memory_space<vmem>>, vector<16xi32>,
      %gather3A_1089 = tpu.vector_load_idx %arg36[%get3A_1085] : memref<10240xf32, #tpu.memory_space<vmem>>[vector<16xi32>], vector<16xf32>,
      tpu.vector_store_idx %arg37[%get3A_1088], %gather3A_1089 {add = true} : memref<10240xf32, #tpu.memory_space<vmem>>[vector<16xi32>], vector<16xf32>,
      %get3A_1090 = arith.index_cast %add3A_1028 : i32 to index
      %get3A_1091 = arith.constant 112 : index
      %get3A_1092 = tpu.vector_load %arg11[%get3A_1090, %get3A_1091] {strides = array<i32>} : memref<80x128xi32, #tpu.memory_space<vmem>>, vector<16xi32>,
      %get3A_1093 = arith.index_cast %add3A_1028 : i32 to index
      %get3A_1094 = arith.constant 112 : index
      %get3A_1095 = tpu.vector_load %arg10[%get3A_1093, %get3A_1094] {strides = array<i32>} : memref<80x128xi32, #tpu.memory_space<vmem>>, vector<16xi32>,
      %gather3A_1096 = tpu.vector_load_idx %arg36[%get3A_1092] : memref<10240xf32, #tpu.memory_space<vmem>>[vector<16xi32>], vector<16xf32>,
      tpu.vector_store_idx %arg37[%get3A_1095], %gather3A_1096 {add = true} : memref<10240xf32, #tpu.memory_space<vmem>>[vector<16xi32>], vector<16xf32>,
      %add3A_1097 = arith.constant 8 : i32
      %add3A_1098 = arith.addi %add3A_1028, %add3A_1097 : i32
      %lt3A_1099 = arith.constant 80 : i32
      %lt3A_1100 = arith.cmpi slt, %add3A_1098, %lt3A_1099 : i32
      %convert_element_type3A_1101 = arith.extui %lt3A_1100 : i1 to i32
      %cond3A_1102 = arith.constant 0 : i32
      %cond3A_1103 = arith.cmpi ne, %convert_element_type3A_1101, %cond3A_1102 : i32
      scf.if %cond3A_1103 {
        %dma_wait3A_1105 = arith.constant 0 : i32
        %dma_wait3A_1106 = tpu.memref_slice %arg11[%add3A_1028, %dma_wait3A_1105] : memref<80x128xi32, #tpu.memory_space<vmem>> -> memref<1x128xi32, #tpu.memory_space<vmem>>
        %dma_wait3A_1107 = tpu.memref_squeeze %dma_wait3A_1106 : memref<1x128xi32, #tpu.memory_space<vmem>> -> memref<128xi32, #tpu.memory_space<vmem>>
        %dma_wait3A_1108 = arith.constant 0 : i32
        %dma_wait3A_1109 = arith.constant 0 : i32
        %dma_wait3A_1110 = tpu.memref_slice %arg8[%dma_wait3A_1108, %dma_wait3A_1109] : memref<10240x32xf32, #tpu.memory_space<vmem_shared>> -> memref<10240x32xf32, #tpu.memory_space<vmem_shared>>
        tpu.wait_indirect_dma semaphore(%arg35 : memref<!tpu.dma_semaphore, #tpu.memory_space<semaphore_mem>>) src(%arg19 : memref<128x32xf32, #tpu.memory_space<vmem>>) dst(%dma_wait3A_1110 : memref<10240x32xf32, #tpu.memory_space<vmem_shared>>)
        %dma_start3A_1111 = arith.constant 0 : i32
        %dma_start3A_1112 = tpu.memref_slice %arg10[%add3A_1098, %dma_start3A_1111] : memref<80x128xi32, #tpu.memory_space<vmem>> -> memref<1x128xi32, #tpu.memory_space<vmem>>
        %dma_start3A_1113 = tpu.memref_squeeze %dma_start3A_1112 : memref<1x128xi32, #tpu.memory_space<vmem>> -> memref<128xi32, #tpu.memory_space<vmem>>
        %dma_start3A_1114 = arith.constant 0 : i32
        %dma_start3A_1115 = arith.constant 0 : i32
        %dma_start3A_1116 = tpu.memref_slice %arg9[%dma_start3A_1114, %dma_start3A_1115] : memref<10240x32xf32, #tpu.memory_space<vmem_shared>> -> memref<10240x32xf32, #tpu.memory_space<vmem_shared>>
        tpu.enqueue_indirect_dma source(%dma_start3A_1116 : memref<10240x32xf32, #tpu.memory_space<vmem_shared>>) target(%arg19 : memref<128x32xf32, #tpu.memory_space<vmem>>) offsets(%dma_start3A_1113 : memref<128xi32, #tpu.memory_space<vmem>>) semaphore(%arg27 : memref<!tpu.dma_semaphore, #tpu.memory_space<semaphore_mem>>)
      } else {
      }
      %scan3A_1104 = arith.constant 0 : i32
      scf.yield %scan3A_1104 : i32
    }
    %scan3A_229 = arith.constant 10 : i32
    %dma_start3A_230 = arith.constant 0 : i32
    %dma_start3A_231 = tpu.memref_slice %arg7[%add3A, %dma_start3A_230] : memref<32x10240xf32, #tpu.memory_space<hbm>> -> memref<1x10240xf32, #tpu.memory_space<hbm>>
    %dma_start3A_232 = tpu.memref_squeeze %dma_start3A_231 : memref<1x10240xf32, #tpu.memory_space<hbm>> -> memref<10240xf32, #tpu.memory_space<hbm>>
    %dma_start3A_233 = arith.constant 0 : i32
    %dma_start3A_234 = tpu.memref_slice %arg7[%add3A, %dma_start3A_233] : memref<32x10240xf32, #tpu.memory_space<hbm>> -> memref<1x10240xf32, #tpu.memory_space<hbm>>
    %dma_start3A_235 = tpu.memref_squeeze %dma_start3A_234 : memref<1x10240xf32, #tpu.memory_space<hbm>> -> memref<10240xf32, #tpu.memory_space<hbm>>
    tpu.enqueue_dma source(%arg37 : memref<10240xf32, #tpu.memory_space<vmem>>) target(%dma_start3A_235 : memref<10240xf32, #tpu.memory_space<hbm>>) target_semaphore(%arg27 : memref<!tpu.dma_semaphore, #tpu.memory_space<semaphore_mem>>)
    %dma_wait3A_236 = arith.constant 72 : i32
    %dma_wait3A_237 = arith.constant 0 : i32
    %dma_wait3A_238 = tpu.memref_slice %arg11[%dma_wait3A_236, %dma_wait3A_237] : memref<80x128xi32, #tpu.memory_space<vmem>> -> memref<1x128xi32, #tpu.memory_space<vmem>>
    %dma_wait3A_239 = tpu.memref_squeeze %dma_wait3A_238 : memref<1x128xi32, #tpu.memory_space<vmem>> -> memref<128xi32, #tpu.memory_space<vmem>>
    %dma_wait3A_240 = arith.constant 0 : i32
    %dma_wait3A_241 = arith.constant 0 : i32
    %dma_wait3A_242 = tpu.memref_slice %arg8[%dma_wait3A_240, %dma_wait3A_241] : memref<10240x32xf32, #tpu.memory_space<vmem_shared>> -> memref<10240x32xf32, #tpu.memory_space<vmem_shared>>
    tpu.wait_indirect_dma semaphore(%arg28 : memref<!tpu.dma_semaphore, #tpu.memory_space<semaphore_mem>>) src(%arg12 : memref<128x32xf32, #tpu.memory_space<vmem>>) dst(%dma_wait3A_242 : memref<10240x32xf32, #tpu.memory_space<vmem_shared>>)
    %dma_wait3A_243 = arith.constant 73 : i32
    %dma_wait3A_244 = arith.constant 0 : i32
    %dma_wait3A_245 = tpu.memref_slice %arg11[%dma_wait3A_243, %dma_wait3A_244] : memref<80x128xi32, #tpu.memory_space<vmem>> -> memref<1x128xi32, #tpu.memory_space<vmem>>
    %dma_wait3A_246 = tpu.memref_squeeze %dma_wait3A_245 : memref<1x128xi32, #tpu.memory_space<vmem>> -> memref<128xi32, #tpu.memory_space<vmem>>
    %dma_wait3A_247 = arith.constant 0 : i32
    %dma_wait3A_248 = arith.constant 0 : i32
    %dma_wait3A_249 = tpu.memref_slice %arg8[%dma_wait3A_247, %dma_wait3A_248] : memref<10240x32xf32, #tpu.memory_space<vmem_shared>> -> memref<10240x32xf32, #tpu.memory_space<vmem_shared>>
    tpu.wait_indirect_dma semaphore(%arg29 : memref<!tpu.dma_semaphore, #tpu.memory_space<semaphore_mem>>) src(%arg13 : memref<128x32xf32, #tpu.memory_space<vmem>>) dst(%dma_wait3A_249 : memref<10240x32xf32, #tpu.memory_space<vmem_shared>>)
    %dma_wait3A_250 = arith.constant 74 : i32
    %dma_wait3A_251 = arith.constant 0 : i32
    %dma_wait3A_252 = tpu.memref_slice %arg11[%dma_wait3A_250, %dma_wait3A_251] : memref<80x128xi32, #tpu.memory_space<vmem>> -> memref<1x128xi32, #tpu.memory_space<vmem>>
    %dma_wait3A_253 = tpu.memref_squeeze %dma_wait3A_252 : memref<1x128xi32, #tpu.memory_space<vmem>> -> memref<128xi32, #tpu.memory_space<vmem>>
    %dma_wait3A_254 = arith.constant 0 : i32
    %dma_wait3A_255 = arith.constant 0 : i32
    %dma_wait3A_256 = tpu.memref_slice %arg8[%dma_wait3A_254, %dma_wait3A_255] : memref<10240x32xf32, #tpu.memory_space<vmem_shared>> -> memref<10240x32xf32, #tpu.memory_space<vmem_shared>>
    tpu.wait_indirect_dma semaphore(%arg30 : memref<!tpu.dma_semaphore, #tpu.memory_space<semaphore_mem>>) src(%arg14 : memref<128x32xf32, #tpu.memory_space<vmem>>) dst(%dma_wait3A_256 : memref<10240x32xf32, #tpu.memory_space<vmem_shared>>)
    %dma_wait3A_257 = arith.constant 75 : i32
    %dma_wait3A_258 = arith.constant 0 : i32
    %dma_wait3A_259 = tpu.memref_slice %arg11[%dma_wait3A_257, %dma_wait3A_258] : memref<80x128xi32, #tpu.memory_space<vmem>> -> memref<1x128xi32, #tpu.memory_space<vmem>>
    %dma_wait3A_260 = tpu.memref_squeeze %dma_wait3A_259 : memref<1x128xi32, #tpu.memory_space<vmem>> -> memref<128xi32, #tpu.memory_space<vmem>>
    %dma_wait3A_261 = arith.constant 0 : i32
    %dma_wait3A_262 = arith.constant 0 : i32
    %dma_wait3A_263 = tpu.memref_slice %arg8[%dma_wait3A_261, %dma_wait3A_262] : memref<10240x32xf32, #tpu.memory_space<vmem_shared>> -> memref<10240x32xf32, #tpu.memory_space<vmem_shared>>
    tpu.wait_indirect_dma semaphore(%arg31 : memref<!tpu.dma_semaphore, #tpu.memory_space<semaphore_mem>>) src(%arg15 : memref<128x32xf32, #tpu.memory_space<vmem>>) dst(%dma_wait3A_263 : memref<10240x32xf32, #tpu.memory_space<vmem_shared>>)
    %dma_wait3A_264 = arith.constant 76 : i32
    %dma_wait3A_265 = arith.constant 0 : i32
    %dma_wait3A_266 = tpu.memref_slice %arg11[%dma_wait3A_264, %dma_wait3A_265] : memref<80x128xi32, #tpu.memory_space<vmem>> -> memref<1x128xi32, #tpu.memory_space<vmem>>
    %dma_wait3A_267 = tpu.memref_squeeze %dma_wait3A_266 : memref<1x128xi32, #tpu.memory_space<vmem>> -> memref<128xi32, #tpu.memory_space<vmem>>
    %dma_wait3A_268 = arith.constant 0 : i32
    %dma_wait3A_269 = arith.constant 0 : i32
    %dma_wait3A_270 = tpu.memref_slice %arg8[%dma_wait3A_268, %dma_wait3A_269] : memref<10240x32xf32, #tpu.memory_space<vmem_shared>> -> memref<10240x32xf32, #tpu.memory_space<vmem_shared>>
    tpu.wait_indirect_dma semaphore(%arg32 : memref<!tpu.dma_semaphore, #tpu.memory_space<semaphore_mem>>) src(%arg16 : memref<128x32xf32, #tpu.memory_space<vmem>>) dst(%dma_wait3A_270 : memref<10240x32xf32, #tpu.memory_space<vmem_shared>>)
    %dma_wait3A_271 = arith.constant 77 : i32
    %dma_wait3A_272 = arith.constant 0 : i32
    %dma_wait3A_273 = tpu.memref_slice %arg11[%dma_wait3A_271, %dma_wait3A_272] : memref<80x128xi32, #tpu.memory_space<vmem>> -> memref<1x128xi32, #tpu.memory_space<vmem>>
    %dma_wait3A_274 = tpu.memref_squeeze %dma_wait3A_273 : memref<1x128xi32, #tpu.memory_space<vmem>> -> memref<128xi32, #tpu.memory_space<vmem>>
    %dma_wait3A_275 = arith.constant 0 : i32
    %dma_wait3A_276 = arith.constant 0 : i32
    %dma_wait3A_277 = tpu.memref_slice %arg8[%dma_wait3A_275, %dma_wait3A_276] : memref<10240x32xf32, #tpu.memory_space<vmem_shared>> -> memref<10240x32xf32, #tpu.memory_space<vmem_shared>>
    tpu.wait_indirect_dma semaphore(%arg33 : memref<!tpu.dma_semaphore, #tpu.memory_space<semaphore_mem>>) src(%arg17 : memref<128x32xf32, #tpu.memory_space<vmem>>) dst(%dma_wait3A_277 : memref<10240x32xf32, #tpu.memory_space<vmem_shared>>)
    %dma_wait3A_278 = arith.constant 78 : i32
    %dma_wait3A_279 = arith.constant 0 : i32
    %dma_wait3A_280 = tpu.memref_slice %arg11[%dma_wait3A_278, %dma_wait3A_279] : memref<80x128xi32, #tpu.memory_space<vmem>> -> memref<1x128xi32, #tpu.memory_space<vmem>>
    %dma_wait3A_281 = tpu.memref_squeeze %dma_wait3A_280 : memref<1x128xi32, #tpu.memory_space<vmem>> -> memref<128xi32, #tpu.memory_space<vmem>>
    %dma_wait3A_282 = arith.constant 0 : i32
    %dma_wait3A_283 = arith.constant 0 : i32
    %dma_wait3A_284 = tpu.memref_slice %arg8[%dma_wait3A_282, %dma_wait3A_283] : memref<10240x32xf32, #tpu.memory_space<vmem_shared>> -> memref<10240x32xf32, #tpu.memory_space<vmem_shared>>
    tpu.wait_indirect_dma semaphore(%arg34 : memref<!tpu.dma_semaphore, #tpu.memory_space<semaphore_mem>>) src(%arg18 : memref<128x32xf32, #tpu.memory_space<vmem>>) dst(%dma_wait3A_284 : memref<10240x32xf32, #tpu.memory_space<vmem_shared>>)
    %dma_wait3A_285 = arith.constant 79 : i32
    %dma_wait3A_286 = arith.constant 0 : i32
    %dma_wait3A_287 = tpu.memref_slice %arg11[%dma_wait3A_285, %dma_wait3A_286] : memref<80x128xi32, #tpu.memory_space<vmem>> -> memref<1x128xi32, #tpu.memory_space<vmem>>
    %dma_wait3A_288 = tpu.memref_squeeze %dma_wait3A_287 : memref<1x128xi32, #tpu.memory_space<vmem>> -> memref<128xi32, #tpu.memory_space<vmem>>
    %dma_wait3A_289 = arith.constant 0 : i32
    %dma_wait3A_290 = arith.constant 0 : i32
    %dma_wait3A_291 = tpu.memref_slice %arg8[%dma_wait3A_289, %dma_wait3A_290] : memref<10240x32xf32, #tpu.memory_space<vmem_shared>> -> memref<10240x32xf32, #tpu.memory_space<vmem_shared>>
    tpu.wait_indirect_dma semaphore(%arg35 : memref<!tpu.dma_semaphore, #tpu.memory_space<semaphore_mem>>) src(%arg19 : memref<128x32xf32, #tpu.memory_space<vmem>>) dst(%dma_wait3A_291 : memref<10240x32xf32, #tpu.memory_space<vmem_shared>>)
    %barrier3A_292 = arith.constant 0 : index
    tpu.barrier barrier_id(%barrier3A_292)
    %add3A_293 = arith.constant 0 : i32
    %add3A_294 = arith.addi %mul3A_2, %add3A_293 : i32
    %dma_start3A_295 = arith.constant 0 : i32
    %dma_start3A_296 = tpu.memref_slice %arg8[%add3A_294, %dma_start3A_295] : memref<10240x32xf32, #tpu.memory_space<vmem_shared>> -> memref<128x32xf32, #tpu.memory_space<vmem_shared>>
    %dma_start3A_297 = arith.constant 0 : i32
    %dma_start3A_298 = tpu.memref_slice %arg8[%add3A_294, %dma_start3A_297] : memref<10240x32xf32, #tpu.memory_space<vmem_shared>> -> memref<128x32xf32, #tpu.memory_space<vmem_shared>>
    tpu.enqueue_dma source(%dma_start3A_298 : memref<128x32xf32, #tpu.memory_space<vmem_shared>>) target(%arg12 : memref<128x32xf32, #tpu.memory_space<vmem>>) target_semaphore(%arg20 : memref<!tpu.dma_semaphore, #tpu.memory_space<semaphore_mem>>)
    %add3A_299 = arith.constant 128 : i32
    %add3A_300 = arith.addi %mul3A_2, %add3A_299 : i32
    %dma_start3A_301 = arith.constant 0 : i32
    %dma_start3A_302 = tpu.memref_slice %arg8[%add3A_300, %dma_start3A_301] : memref<10240x32xf32, #tpu.memory_space<vmem_shared>> -> memref<128x32xf32, #tpu.memory_space<vmem_shared>>
    %dma_start3A_303 = arith.constant 0 : i32
    %dma_start3A_304 = tpu.memref_slice %arg8[%add3A_300, %dma_start3A_303] : memref<10240x32xf32, #tpu.memory_space<vmem_shared>> -> memref<128x32xf32, #tpu.memory_space<vmem_shared>>
    tpu.enqueue_dma source(%dma_start3A_304 : memref<128x32xf32, #tpu.memory_space<vmem_shared>>) target(%arg13 : memref<128x32xf32, #tpu.memory_space<vmem>>) target_semaphore(%arg21 : memref<!tpu.dma_semaphore, #tpu.memory_space<semaphore_mem>>)
    %add3A_305 = arith.constant 256 : i32
    %add3A_306 = arith.addi %mul3A_2, %add3A_305 : i32
    %dma_start3A_307 = arith.constant 0 : i32
    %dma_start3A_308 = tpu.memref_slice %arg8[%add3A_306, %dma_start3A_307] : memref<10240x32xf32, #tpu.memory_space<vmem_shared>> -> memref<128x32xf32, #tpu.memory_space<vmem_shared>>
    %dma_start3A_309 = arith.constant 0 : i32
    %dma_start3A_310 = tpu.memref_slice %arg8[%add3A_306, %dma_start3A_309] : memref<10240x32xf32, #tpu.memory_space<vmem_shared>> -> memref<128x32xf32, #tpu.memory_space<vmem_shared>>
    tpu.enqueue_dma source(%dma_start3A_310 : memref<128x32xf32, #tpu.memory_space<vmem_shared>>) target(%arg14 : memref<128x32xf32, #tpu.memory_space<vmem>>) target_semaphore(%arg22 : memref<!tpu.dma_semaphore, #tpu.memory_space<semaphore_mem>>)
    %add3A_311 = arith.constant 384 : i32
    %add3A_312 = arith.addi %mul3A_2, %add3A_311 : i32
    %dma_start3A_313 = arith.constant 0 : i32
    %dma_start3A_314 = tpu.memref_slice %arg8[%add3A_312, %dma_start3A_313] : memref<10240x32xf32, #tpu.memory_space<vmem_shared>> -> memref<128x32xf32, #tpu.memory_space<vmem_shared>>
    %dma_start3A_315 = arith.constant 0 : i32
    %dma_start3A_316 = tpu.memref_slice %arg8[%add3A_312, %dma_start3A_315] : memref<10240x32xf32, #tpu.memory_space<vmem_shared>> -> memref<128x32xf32, #tpu.memory_space<vmem_shared>>
    tpu.enqueue_dma source(%dma_start3A_316 : memref<128x32xf32, #tpu.memory_space<vmem_shared>>) target(%arg15 : memref<128x32xf32, #tpu.memory_space<vmem>>) target_semaphore(%arg23 : memref<!tpu.dma_semaphore, #tpu.memory_space<semaphore_mem>>)
    %add3A_317 = arith.constant 512 : i32
    %add3A_318 = arith.addi %mul3A_2, %add3A_317 : i32
    %dma_start3A_319 = arith.constant 0 : i32
    %dma_start3A_320 = tpu.memref_slice %arg8[%add3A_318, %dma_start3A_319] : memref<10240x32xf32, #tpu.memory_space<vmem_shared>> -> memref<128x32xf32, #tpu.memory_space<vmem_shared>>
    %dma_start3A_321 = arith.constant 0 : i32
    %dma_start3A_322 = tpu.memref_slice %arg8[%add3A_318, %dma_start3A_321] : memref<10240x32xf32, #tpu.memory_space<vmem_shared>> -> memref<128x32xf32, #tpu.memory_space<vmem_shared>>
    tpu.enqueue_dma source(%dma_start3A_322 : memref<128x32xf32, #tpu.memory_space<vmem_shared>>) target(%arg16 : memref<128x32xf32, #tpu.memory_space<vmem>>) target_semaphore(%arg24 : memref<!tpu.dma_semaphore, #tpu.memory_space<semaphore_mem>>)
    %add3A_323 = arith.constant 0 : i32
    %add3A_324 = arith.addi %mul3A_2, %add3A_323 : i32
    %dma_wait3A_325 = arith.constant 0 : i32
    %dma_wait3A_326 = tpu.memref_slice %arg8[%add3A_324, %dma_wait3A_325] : memref<10240x32xf32, #tpu.memory_space<vmem_shared>> -> memref<128x32xf32, #tpu.memory_space<vmem_shared>>
    %dma_wait3A_327 = arith.constant 0 : i32
    %dma_wait3A_328 = tpu.memref_slice %arg8[%add3A_324, %dma_wait3A_327] : memref<10240x32xf32, #tpu.memory_space<vmem_shared>> -> memref<128x32xf32, #tpu.memory_space<vmem_shared>>
    tpu.wait_dma2 semaphore(%arg20 : memref<!tpu.dma_semaphore, #tpu.memory_space<semaphore_mem>>) src(%dma_wait3A_328 : memref<128x32xf32, #tpu.memory_space<vmem_shared>>) dst(%arg12 : memref<128x32xf32, #tpu.memory_space<vmem>>)
    %dma_start3A_329 = arith.constant 0 : i32
    %dma_start3A_330 = arith.constant 0 : i32
    %dma_start3A_331 = tpu.memref_slice %arg6[%arg0, %dma_start3A_329, %dma_start3A_330] : memref<2x10240x32xf32, #tpu.memory_space<hbm>> -> memref<1x10240x32xf32, #tpu.memory_space<hbm>>
    %dma_start3A_332 = tpu.memref_squeeze %dma_start3A_331 : memref<1x10240x32xf32, #tpu.memory_space<hbm>> -> memref<10240x32xf32, #tpu.memory_space<hbm>>
    %dma_start3A_333 = arith.constant 0 : i32
    %dma_start3A_334 = tpu.memref_slice %dma_start3A_332[%add3A_324, %dma_start3A_333] : memref<10240x32xf32, #tpu.memory_space<hbm>> -> memref<128x32xf32, #tpu.memory_space<hbm>>
    %dma_start3A_335 = arith.constant 0 : i32
    %dma_start3A_336 = arith.constant 0 : i32
    %dma_start3A_337 = tpu.memref_slice %arg6[%arg0, %dma_start3A_335, %dma_start3A_336] : memref<2x10240x32xf32, #tpu.memory_space<hbm>> -> memref<1x10240x32xf32, #tpu.memory_space<hbm>>
    %dma_start3A_338 = tpu.memref_squeeze %dma_start3A_337 : memref<1x10240x32xf32, #tpu.memory_space<hbm>> -> memref<10240x32xf32, #tpu.memory_space<hbm>>
    %dma_start3A_339 = arith.constant 0 : i32
    %dma_start3A_340 = tpu.memref_slice %dma_start3A_338[%add3A_324, %dma_start3A_339] : memref<10240x32xf32, #tpu.memory_space<hbm>> -> memref<128x32xf32, #tpu.memory_space<hbm>>
    tpu.enqueue_dma source(%arg12 : memref<128x32xf32, #tpu.memory_space<vmem>>) target(%dma_start3A_340 : memref<128x32xf32, #tpu.memory_space<hbm>>) target_semaphore(%arg28 : memref<!tpu.dma_semaphore, #tpu.memory_space<semaphore_mem>>)
    %add3A_341 = arith.constant 128 : i32
    %add3A_342 = arith.addi %mul3A_2, %add3A_341 : i32
    %dma_wait3A_343 = arith.constant 0 : i32
    %dma_wait3A_344 = tpu.memref_slice %arg8[%add3A_342, %dma_wait3A_343] : memref<10240x32xf32, #tpu.memory_space<vmem_shared>> -> memref<128x32xf32, #tpu.memory_space<vmem_shared>>
    %dma_wait3A_345 = arith.constant 0 : i32
    %dma_wait3A_346 = tpu.memref_slice %arg8[%add3A_342, %dma_wait3A_345] : memref<10240x32xf32, #tpu.memory_space<vmem_shared>> -> memref<128x32xf32, #tpu.memory_space<vmem_shared>>
    tpu.wait_dma2 semaphore(%arg21 : memref<!tpu.dma_semaphore, #tpu.memory_space<semaphore_mem>>) src(%dma_wait3A_346 : memref<128x32xf32, #tpu.memory_space<vmem_shared>>) dst(%arg13 : memref<128x32xf32, #tpu.memory_space<vmem>>)
    %dma_start3A_347 = arith.constant 0 : i32
    %dma_start3A_348 = arith.constant 0 : i32
    %dma_start3A_349 = tpu.memref_slice %arg6[%arg0, %dma_start3A_347, %dma_start3A_348] : memref<2x10240x32xf32, #tpu.memory_space<hbm>> -> memref<1x10240x32xf32, #tpu.memory_space<hbm>>
    %dma_start3A_350 = tpu.memref_squeeze %dma_start3A_349 : memref<1x10240x32xf32, #tpu.memory_space<hbm>> -> memref<10240x32xf32, #tpu.memory_space<hbm>>
    %dma_start3A_351 = arith.constant 0 : i32
    %dma_start3A_352 = tpu.memref_slice %dma_start3A_350[%add3A_342, %dma_start3A_351] : memref<10240x32xf32, #tpu.memory_space<hbm>> -> memref<128x32xf32, #tpu.memory_space<hbm>>
    %dma_start3A_353 = arith.constant 0 : i32
    %dma_start3A_354 = arith.constant 0 : i32
    %dma_start3A_355 = tpu.memref_slice %arg6[%arg0, %dma_start3A_353, %dma_start3A_354] : memref<2x10240x32xf32, #tpu.memory_space<hbm>> -> memref<1x10240x32xf32, #tpu.memory_space<hbm>>
    %dma_start3A_356 = tpu.memref_squeeze %dma_start3A_355 : memref<1x10240x32xf32, #tpu.memory_space<hbm>> -> memref<10240x32xf32, #tpu.memory_space<hbm>>
    %dma_start3A_357 = arith.constant 0 : i32
    %dma_start3A_358 = tpu.memref_slice %dma_start3A_356[%add3A_342, %dma_start3A_357] : memref<10240x32xf32, #tpu.memory_space<hbm>> -> memref<128x32xf32, #tpu.memory_space<hbm>>
    tpu.enqueue_dma source(%arg13 : memref<128x32xf32, #tpu.memory_space<vmem>>) target(%dma_start3A_358 : memref<128x32xf32, #tpu.memory_space<hbm>>) target_semaphore(%arg29 : memref<!tpu.dma_semaphore, #tpu.memory_space<semaphore_mem>>)
    %add3A_359 = arith.constant 256 : i32
    %add3A_360 = arith.addi %mul3A_2, %add3A_359 : i32
    %dma_wait3A_361 = arith.constant 0 : i32
    %dma_wait3A_362 = tpu.memref_slice %arg8[%add3A_360, %dma_wait3A_361] : memref<10240x32xf32, #tpu.memory_space<vmem_shared>> -> memref<128x32xf32, #tpu.memory_space<vmem_shared>>
    %dma_wait3A_363 = arith.constant 0 : i32
    %dma_wait3A_364 = tpu.memref_slice %arg8[%add3A_360, %dma_wait3A_363] : memref<10240x32xf32, #tpu.memory_space<vmem_shared>> -> memref<128x32xf32, #tpu.memory_space<vmem_shared>>
    tpu.wait_dma2 semaphore(%arg22 : memref<!tpu.dma_semaphore, #tpu.memory_space<semaphore_mem>>) src(%dma_wait3A_364 : memref<128x32xf32, #tpu.memory_space<vmem_shared>>) dst(%arg14 : memref<128x32xf32, #tpu.memory_space<vmem>>)
    %dma_start3A_365 = arith.constant 0 : i32
    %dma_start3A_366 = arith.constant 0 : i32
    %dma_start3A_367 = tpu.memref_slice %arg6[%arg0, %dma_start3A_365, %dma_start3A_366] : memref<2x10240x32xf32, #tpu.memory_space<hbm>> -> memref<1x10240x32xf32, #tpu.memory_space<hbm>>
    %dma_start3A_368 = tpu.memref_squeeze %dma_start3A_367 : memref<1x10240x32xf32, #tpu.memory_space<hbm>> -> memref<10240x32xf32, #tpu.memory_space<hbm>>
    %dma_start3A_369 = arith.constant 0 : i32
    %dma_start3A_370 = tpu.memref_slice %dma_start3A_368[%add3A_360, %dma_start3A_369] : memref<10240x32xf32, #tpu.memory_space<hbm>> -> memref<128x32xf32, #tpu.memory_space<hbm>>
    %dma_start3A_371 = arith.constant 0 : i32
    %dma_start3A_372 = arith.constant 0 : i32
    %dma_start3A_373 = tpu.memref_slice %arg6[%arg0, %dma_start3A_371, %dma_start3A_372] : memref<2x10240x32xf32, #tpu.memory_space<hbm>> -> memref<1x10240x32xf32, #tpu.memory_space<hbm>>
    %dma_start3A_374 = tpu.memref_squeeze %dma_start3A_373 : memref<1x10240x32xf32, #tpu.memory_space<hbm>> -> memref<10240x32xf32, #tpu.memory_space<hbm>>
    %dma_start3A_375 = arith.constant 0 : i32
    %dma_start3A_376 = tpu.memref_slice %dma_start3A_374[%add3A_360, %dma_start3A_375] : memref<10240x32xf32, #tpu.memory_space<hbm>> -> memref<128x32xf32, #tpu.memory_space<hbm>>
    tpu.enqueue_dma source(%arg14 : memref<128x32xf32, #tpu.memory_space<vmem>>) target(%dma_start3A_376 : memref<128x32xf32, #tpu.memory_space<hbm>>) target_semaphore(%arg30 : memref<!tpu.dma_semaphore, #tpu.memory_space<semaphore_mem>>)
    %add3A_377 = arith.constant 384 : i32
    %add3A_378 = arith.addi %mul3A_2, %add3A_377 : i32
    %dma_wait3A_379 = arith.constant 0 : i32
    %dma_wait3A_380 = tpu.memref_slice %arg8[%add3A_378, %dma_wait3A_379] : memref<10240x32xf32, #tpu.memory_space<vmem_shared>> -> memref<128x32xf32, #tpu.memory_space<vmem_shared>>
    %dma_wait3A_381 = arith.constant 0 : i32
    %dma_wait3A_382 = tpu.memref_slice %arg8[%add3A_378, %dma_wait3A_381] : memref<10240x32xf32, #tpu.memory_space<vmem_shared>> -> memref<128x32xf32, #tpu.memory_space<vmem_shared>>
    tpu.wait_dma2 semaphore(%arg23 : memref<!tpu.dma_semaphore, #tpu.memory_space<semaphore_mem>>) src(%dma_wait3A_382 : memref<128x32xf32, #tpu.memory_space<vmem_shared>>) dst(%arg15 : memref<128x32xf32, #tpu.memory_space<vmem>>)
    %dma_start3A_383 = arith.constant 0 : i32
    %dma_start3A_384 = arith.constant 0 : i32
    %dma_start3A_385 = tpu.memref_slice %arg6[%arg0, %dma_start3A_383, %dma_start3A_384] : memref<2x10240x32xf32, #tpu.memory_space<hbm>> -> memref<1x10240x32xf32, #tpu.memory_space<hbm>>
    %dma_start3A_386 = tpu.memref_squeeze %dma_start3A_385 : memref<1x10240x32xf32, #tpu.memory_space<hbm>> -> memref<10240x32xf32, #tpu.memory_space<hbm>>
    %dma_start3A_387 = arith.constant 0 : i32
    %dma_start3A_388 = tpu.memref_slice %dma_start3A_386[%add3A_378, %dma_start3A_387] : memref<10240x32xf32, #tpu.memory_space<hbm>> -> memref<128x32xf32, #tpu.memory_space<hbm>>
    %dma_start3A_389 = arith.constant 0 : i32
    %dma_start3A_390 = arith.constant 0 : i32
    %dma_start3A_391 = tpu.memref_slice %arg6[%arg0, %dma_start3A_389, %dma_start3A_390] : memref<2x10240x32xf32, #tpu.memory_space<hbm>> -> memref<1x10240x32xf32, #tpu.memory_space<hbm>>
    %dma_start3A_392 = tpu.memref_squeeze %dma_start3A_391 : memref<1x10240x32xf32, #tpu.memory_space<hbm>> -> memref<10240x32xf32, #tpu.memory_space<hbm>>
    %dma_start3A_393 = arith.constant 0 : i32
    %dma_start3A_394 = tpu.memref_slice %dma_start3A_392[%add3A_378, %dma_start3A_393] : memref<10240x32xf32, #tpu.memory_space<hbm>> -> memref<128x32xf32, #tpu.memory_space<hbm>>
    tpu.enqueue_dma source(%arg15 : memref<128x32xf32, #tpu.memory_space<vmem>>) target(%dma_start3A_394 : memref<128x32xf32, #tpu.memory_space<hbm>>) target_semaphore(%arg31 : memref<!tpu.dma_semaphore, #tpu.memory_space<semaphore_mem>>)
    %add3A_395 = arith.constant 512 : i32
    %add3A_396 = arith.addi %mul3A_2, %add3A_395 : i32
    %dma_wait3A_397 = arith.constant 0 : i32
    %dma_wait3A_398 = tpu.memref_slice %arg8[%add3A_396, %dma_wait3A_397] : memref<10240x32xf32, #tpu.memory_space<vmem_shared>> -> memref<128x32xf32, #tpu.memory_space<vmem_shared>>
    %dma_wait3A_399 = arith.constant 0 : i32
    %dma_wait3A_400 = tpu.memref_slice %arg8[%add3A_396, %dma_wait3A_399] : memref<10240x32xf32, #tpu.memory_space<vmem_shared>> -> memref<128x32xf32, #tpu.memory_space<vmem_shared>>
    tpu.wait_dma2 semaphore(%arg24 : memref<!tpu.dma_semaphore, #tpu.memory_space<semaphore_mem>>) src(%dma_wait3A_400 : memref<128x32xf32, #tpu.memory_space<vmem_shared>>) dst(%arg16 : memref<128x32xf32, #tpu.memory_space<vmem>>)
    %dma_start3A_401 = arith.constant 0 : i32
    %dma_start3A_402 = arith.constant 0 : i32
    %dma_start3A_403 = tpu.memref_slice %arg6[%arg0, %dma_start3A_401, %dma_start3A_402] : memref<2x10240x32xf32, #tpu.memory_space<hbm>> -> memref<1x10240x32xf32, #tpu.memory_space<hbm>>
    %dma_start3A_404 = tpu.memref_squeeze %dma_start3A_403 : memref<1x10240x32xf32, #tpu.memory_space<hbm>> -> memref<10240x32xf32, #tpu.memory_space<hbm>>
    %dma_start3A_405 = arith.constant 0 : i32
    %dma_start3A_406 = tpu.memref_slice %dma_start3A_404[%add3A_396, %dma_start3A_405] : memref<10240x32xf32, #tpu.memory_space<hbm>> -> memref<128x32xf32, #tpu.memory_space<hbm>>
    %dma_start3A_407 = arith.constant 0 : i32
    %dma_start3A_408 = arith.constant 0 : i32
    %dma_start3A_409 = tpu.memref_slice %arg6[%arg0, %dma_start3A_407, %dma_start3A_408] : memref<2x10240x32xf32, #tpu.memory_space<hbm>> -> memref<1x10240x32xf32, #tpu.memory_space<hbm>>
    %dma_start3A_410 = tpu.memref_squeeze %dma_start3A_409 : memref<1x10240x32xf32, #tpu.memory_space<hbm>> -> memref<10240x32xf32, #tpu.memory_space<hbm>>
    %dma_start3A_411 = arith.constant 0 : i32
    %dma_start3A_412 = tpu.memref_slice %dma_start3A_410[%add3A_396, %dma_start3A_411] : memref<10240x32xf32, #tpu.memory_space<hbm>> -> memref<128x32xf32, #tpu.memory_space<hbm>>
    tpu.enqueue_dma source(%arg16 : memref<128x32xf32, #tpu.memory_space<vmem>>) target(%dma_start3A_412 : memref<128x32xf32, #tpu.memory_space<hbm>>) target_semaphore(%arg32 : memref<!tpu.dma_semaphore, #tpu.memory_space<semaphore_mem>>)
    %add3A_413 = arith.constant 0 : i32
    %add3A_414 = arith.addi %mul3A_2, %add3A_413 : i32
    %dma_wait3A_415 = arith.constant 0 : i32
    %dma_wait3A_416 = arith.constant 0 : i32
    %dma_wait3A_417 = tpu.memref_slice %arg6[%arg0, %dma_wait3A_415, %dma_wait3A_416] : memref<2x10240x32xf32, #tpu.memory_space<hbm>> -> memref<1x10240x32xf32, #tpu.memory_space<hbm>>
    %dma_wait3A_418 = tpu.memref_squeeze %dma_wait3A_417 : memref<1x10240x32xf32, #tpu.memory_space<hbm>> -> memref<10240x32xf32, #tpu.memory_space<hbm>>
    %dma_wait3A_419 = arith.constant 0 : i32
    %dma_wait3A_420 = tpu.memref_slice %dma_wait3A_418[%add3A_414, %dma_wait3A_419] : memref<10240x32xf32, #tpu.memory_space<hbm>> -> memref<128x32xf32, #tpu.memory_space<hbm>>
    %dma_wait3A_421 = arith.constant 0 : i32
    %dma_wait3A_422 = arith.constant 0 : i32
    %dma_wait3A_423 = tpu.memref_slice %arg6[%arg0, %dma_wait3A_421, %dma_wait3A_422] : memref<2x10240x32xf32, #tpu.memory_space<hbm>> -> memref<1x10240x32xf32, #tpu.memory_space<hbm>>
    %dma_wait3A_424 = tpu.memref_squeeze %dma_wait3A_423 : memref<1x10240x32xf32, #tpu.memory_space<hbm>> -> memref<10240x32xf32, #tpu.memory_space<hbm>>
    %dma_wait3A_425 = arith.constant 0 : i32
    %dma_wait3A_426 = tpu.memref_slice %dma_wait3A_424[%add3A_414, %dma_wait3A_425] : memref<10240x32xf32, #tpu.memory_space<hbm>> -> memref<128x32xf32, #tpu.memory_space<hbm>>
    tpu.wait_dma2 semaphore(%arg28 : memref<!tpu.dma_semaphore, #tpu.memory_space<semaphore_mem>>) src(%arg12 : memref<128x32xf32, #tpu.memory_space<vmem>>) dst(%dma_wait3A_426 : memref<128x32xf32, #tpu.memory_space<hbm>>)
    %add3A_427 = arith.constant 128 : i32
    %add3A_428 = arith.addi %mul3A_2, %add3A_427 : i32
    %dma_wait3A_429 = arith.constant 0 : i32
    %dma_wait3A_430 = arith.constant 0 : i32
    %dma_wait3A_431 = tpu.memref_slice %arg6[%arg0, %dma_wait3A_429, %dma_wait3A_430] : memref<2x10240x32xf32, #tpu.memory_space<hbm>> -> memref<1x10240x32xf32, #tpu.memory_space<hbm>>
    %dma_wait3A_432 = tpu.memref_squeeze %dma_wait3A_431 : memref<1x10240x32xf32, #tpu.memory_space<hbm>> -> memref<10240x32xf32, #tpu.memory_space<hbm>>
    %dma_wait3A_433 = arith.constant 0 : i32
    %dma_wait3A_434 = tpu.memref_slice %dma_wait3A_432[%add3A_428, %dma_wait3A_433] : memref<10240x32xf32, #tpu.memory_space<hbm>> -> memref<128x32xf32, #tpu.memory_space<hbm>>
    %dma_wait3A_435 = arith.constant 0 : i32
    %dma_wait3A_436 = arith.constant 0 : i32
    %dma_wait3A_437 = tpu.memref_slice %arg6[%arg0, %dma_wait3A_435, %dma_wait3A_436] : memref<2x10240x32xf32, #tpu.memory_space<hbm>> -> memref<1x10240x32xf32, #tpu.memory_space<hbm>>
    %dma_wait3A_438 = tpu.memref_squeeze %dma_wait3A_437 : memref<1x10240x32xf32, #tpu.memory_space<hbm>> -> memref<10240x32xf32, #tpu.memory_space<hbm>>
    %dma_wait3A_439 = arith.constant 0 : i32
    %dma_wait3A_440 = tpu.memref_slice %dma_wait3A_438[%add3A_428, %dma_wait3A_439] : memref<10240x32xf32, #tpu.memory_space<hbm>> -> memref<128x32xf32, #tpu.memory_space<hbm>>
    tpu.wait_dma2 semaphore(%arg29 : memref<!tpu.dma_semaphore, #tpu.memory_space<semaphore_mem>>) src(%arg13 : memref<128x32xf32, #tpu.memory_space<vmem>>) dst(%dma_wait3A_440 : memref<128x32xf32, #tpu.memory_space<hbm>>)
    %add3A_441 = arith.constant 256 : i32
    %add3A_442 = arith.addi %mul3A_2, %add3A_441 : i32
    %dma_wait3A_443 = arith.constant 0 : i32
    %dma_wait3A_444 = arith.constant 0 : i32
    %dma_wait3A_445 = tpu.memref_slice %arg6[%arg0, %dma_wait3A_443, %dma_wait3A_444] : memref<2x10240x32xf32, #tpu.memory_space<hbm>> -> memref<1x10240x32xf32, #tpu.memory_space<hbm>>
    %dma_wait3A_446 = tpu.memref_squeeze %dma_wait3A_445 : memref<1x10240x32xf32, #tpu.memory_space<hbm>> -> memref<10240x32xf32, #tpu.memory_space<hbm>>
    %dma_wait3A_447 = arith.constant 0 : i32
    %dma_wait3A_448 = tpu.memref_slice %dma_wait3A_446[%add3A_442, %dma_wait3A_447] : memref<10240x32xf32, #tpu.memory_space<hbm>> -> memref<128x32xf32, #tpu.memory_space<hbm>>
    %dma_wait3A_449 = arith.constant 0 : i32
    %dma_wait3A_450 = arith.constant 0 : i32
    %dma_wait3A_451 = tpu.memref_slice %arg6[%arg0, %dma_wait3A_449, %dma_wait3A_450] : memref<2x10240x32xf32, #tpu.memory_space<hbm>> -> memref<1x10240x32xf32, #tpu.memory_space<hbm>>
    %dma_wait3A_452 = tpu.memref_squeeze %dma_wait3A_451 : memref<1x10240x32xf32, #tpu.memory_space<hbm>> -> memref<10240x32xf32, #tpu.memory_space<hbm>>
    %dma_wait3A_453 = arith.constant 0 : i32
    %dma_wait3A_454 = tpu.memref_slice %dma_wait3A_452[%add3A_442, %dma_wait3A_453] : memref<10240x32xf32, #tpu.memory_space<hbm>> -> memref<128x32xf32, #tpu.memory_space<hbm>>
    tpu.wait_dma2 semaphore(%arg30 : memref<!tpu.dma_semaphore, #tpu.memory_space<semaphore_mem>>) src(%arg14 : memref<128x32xf32, #tpu.memory_space<vmem>>) dst(%dma_wait3A_454 : memref<128x32xf32, #tpu.memory_space<hbm>>)
    %add3A_455 = arith.constant 384 : i32
    %add3A_456 = arith.addi %mul3A_2, %add3A_455 : i32
    %dma_wait3A_457 = arith.constant 0 : i32
    %dma_wait3A_458 = arith.constant 0 : i32
    %dma_wait3A_459 = tpu.memref_slice %arg6[%arg0, %dma_wait3A_457, %dma_wait3A_458] : memref<2x10240x32xf32, #tpu.memory_space<hbm>> -> memref<1x10240x32xf32, #tpu.memory_space<hbm>>
    %dma_wait3A_460 = tpu.memref_squeeze %dma_wait3A_459 : memref<1x10240x32xf32, #tpu.memory_space<hbm>> -> memref<10240x32xf32, #tpu.memory_space<hbm>>
    %dma_wait3A_461 = arith.constant 0 : i32
    %dma_wait3A_462 = tpu.memref_slice %dma_wait3A_460[%add3A_456, %dma_wait3A_461] : memref<10240x32xf32, #tpu.memory_space<hbm>> -> memref<128x32xf32, #tpu.memory_space<hbm>>
    %dma_wait3A_463 = arith.constant 0 : i32
    %dma_wait3A_464 = arith.constant 0 : i32
    %dma_wait3A_465 = tpu.memref_slice %arg6[%arg0, %dma_wait3A_463, %dma_wait3A_464] : memref<2x10240x32xf32, #tpu.memory_space<hbm>> -> memref<1x10240x32xf32, #tpu.memory_space<hbm>>
    %dma_wait3A_466 = tpu.memref_squeeze %dma_wait3A_465 : memref<1x10240x32xf32, #tpu.memory_space<hbm>> -> memref<10240x32xf32, #tpu.memory_space<hbm>>
    %dma_wait3A_467 = arith.constant 0 : i32
    %dma_wait3A_468 = tpu.memref_slice %dma_wait3A_466[%add3A_456, %dma_wait3A_467] : memref<10240x32xf32, #tpu.memory_space<hbm>> -> memref<128x32xf32, #tpu.memory_space<hbm>>
    tpu.wait_dma2 semaphore(%arg31 : memref<!tpu.dma_semaphore, #tpu.memory_space<semaphore_mem>>) src(%arg15 : memref<128x32xf32, #tpu.memory_space<vmem>>) dst(%dma_wait3A_468 : memref<128x32xf32, #tpu.memory_space<hbm>>)
    %add3A_469 = arith.constant 512 : i32
    %add3A_470 = arith.addi %mul3A_2, %add3A_469 : i32
    %dma_wait3A_471 = arith.constant 0 : i32
    %dma_wait3A_472 = arith.constant 0 : i32
    %dma_wait3A_473 = tpu.memref_slice %arg6[%arg0, %dma_wait3A_471, %dma_wait3A_472] : memref<2x10240x32xf32, #tpu.memory_space<hbm>> -> memref<1x10240x32xf32, #tpu.memory_space<hbm>>
    %dma_wait3A_474 = tpu.memref_squeeze %dma_wait3A_473 : memref<1x10240x32xf32, #tpu.memory_space<hbm>> -> memref<10240x32xf32, #tpu.memory_space<hbm>>
    %dma_wait3A_475 = arith.constant 0 : i32
    %dma_wait3A_476 = tpu.memref_slice %dma_wait3A_474[%add3A_470, %dma_wait3A_475] : memref<10240x32xf32, #tpu.memory_space<hbm>> -> memref<128x32xf32, #tpu.memory_space<hbm>>
    %dma_wait3A_477 = arith.constant 0 : i32
    %dma_wait3A_478 = arith.constant 0 : i32
    %dma_wait3A_479 = tpu.memref_slice %arg6[%arg0, %dma_wait3A_477, %dma_wait3A_478] : memref<2x10240x32xf32, #tpu.memory_space<hbm>> -> memref<1x10240x32xf32, #tpu.memory_space<hbm>>
    %dma_wait3A_480 = tpu.memref_squeeze %dma_wait3A_479 : memref<1x10240x32xf32, #tpu.memory_space<hbm>> -> memref<10240x32xf32, #tpu.memory_space<hbm>>
    %dma_wait3A_481 = arith.constant 0 : i32
    %dma_wait3A_482 = tpu.memref_slice %dma_wait3A_480[%add3A_470, %dma_wait3A_481] : memref<10240x32xf32, #tpu.memory_space<hbm>> -> memref<128x32xf32, #tpu.memory_space<hbm>>
    tpu.wait_dma2 semaphore(%arg32 : memref<!tpu.dma_semaphore, #tpu.memory_space<semaphore_mem>>) src(%arg16 : memref<128x32xf32, #tpu.memory_space<vmem>>) dst(%dma_wait3A_482 : memref<128x32xf32, #tpu.memory_space<hbm>>)
    %dma_wait3A_483 = arith.constant 0 : i32
    %dma_wait3A_484 = tpu.memref_slice %arg7[%add3A, %dma_wait3A_483] : memref<32x10240xf32, #tpu.memory_space<hbm>> -> memref<1x10240xf32, #tpu.memory_space<hbm>>
    %dma_wait3A_485 = tpu.memref_squeeze %dma_wait3A_484 : memref<1x10240xf32, #tpu.memory_space<hbm>> -> memref<10240xf32, #tpu.memory_space<hbm>>
    %dma_wait3A_486 = arith.constant 0 : i32
    %dma_wait3A_487 = tpu.memref_slice %arg7[%add3A, %dma_wait3A_486] : memref<32x10240xf32, #tpu.memory_space<hbm>> -> memref<1x10240xf32, #tpu.memory_space<hbm>>
    %dma_wait3A_488 = tpu.memref_squeeze %dma_wait3A_487 : memref<1x10240xf32, #tpu.memory_space<hbm>> -> memref<10240xf32, #tpu.memory_space<hbm>>
    tpu.wait_dma2 semaphore(%arg27 : memref<!tpu.dma_semaphore, #tpu.memory_space<semaphore_mem>>) src(%arg37 : memref<10240xf32, #tpu.memory_space<vmem>>) dst(%dma_wait3A_488 : memref<10240xf32, #tpu.memory_space<hbm>>)
    return
  }
}

module attributes {stable_mosaic.version = 14 : i64} {
  func.func @_tc_k0(%arg0: i32, %arg1: memref<1280x128xf32, #tpu.memory_space<vmem>>, %arg2: memref<128x32xf32, #tpu.memory_space<vmem>>, %arg3: memref<1280x32xf32, #tpu.memory_space<vmem>>) attributes {dimension_semantics = [#tpu.dimension_semantics<arbitrary>], iteration_bounds = array<i64: 8>, scalar_prefetch = 0 : i64, scratch_operands = 0 : i64, tpu.core_type = #tpu.core_type<tc>, window_params = [{transform_indices = @transform_0, window_bounds = array<i64: 1280, 128>}, {pipeline_mode = #tpu.pipeline_mode<synchronous>, transform_indices = @transform_1, window_bounds = array<i64: 128, 32>}, {transform_indices = @transform_2, window_bounds = array<i64: 1280, 32>}]} {
    %get3A = arith.constant 0 : index
    %get3A_0 = arith.constant 0 : index
    %get3A_1 = vector.load %arg1[%get3A, %get3A_0] : memref<1280x128xf32, #tpu.memory_space<vmem>>, vector<1280x128xf32>
    %get3A_2 = arith.constant 0 : index
    %get3A_3 = arith.constant 0 : index
    %get3A_4 = vector.load %arg2[%get3A_2, %get3A_3] : memref<128x32xf32, #tpu.memory_space<vmem>>, vector<128x32xf32>
    %dot_general3A = arith.constant dense<0.000000e+00> : vector<1280x32xf32>
    %dot_general3A_5 = tpu.matmul %get3A_1, %get3A_4, %dot_general3A {dimension_numbers = #tpu.dot_dimension_numbers<[1], [0], [0], [1], [0, 0, 1, 1], [], []>, transpose_lhs_hint = false} : vector<1280x128xf32>, vector<128x32xf32>, vector<1280x32xf32> -> vector<1280x32xf32>
    %swap3A = arith.constant 0 : index
    %swap3A_6 = arith.constant 0 : index
    %swap3A_7 = vector.load %arg3[%swap3A, %swap3A_6] : memref<1280x32xf32, #tpu.memory_space<vmem>>, vector<1280x32xf32>
    tpu.vector_store %arg3[%swap3A, %swap3A_6], %dot_general3A_5 {strides = array<i32>} : memref<1280x32xf32, #tpu.memory_space<vmem>>, vector<1280x32xf32>,
    return
  }
  func.func @transform_0(%arg0: i32) -> (i32, i32) {
    %c0_i32 = arith.constant 0 : i32
    %c0_i32_0 = arith.constant 0 : i32
    return %arg0, %c0_i32 : i32, i32
  }
  func.func @transform_1(%arg0: i32) -> (i32, i32) {
    %c0_i32 = arith.constant 0 : i32
    %c0_i32_0 = arith.constant 0 : i32
    %c0_i32_1 = arith.constant 0 : i32
    return %c0_i32, %c0_i32_0 : i32, i32
  }
  func.func @transform_2(%arg0: i32) -> (i32, i32) {
    %c0_i32 = arith.constant 0 : i32
    %c0_i32_0 = arith.constant 0 : i32
    return %arg0, %c0_i32 : i32, i32
  }
}

module attributes {stable_mosaic.version = 14 : i64} {
  func.func @_tc_k1(%arg0: i32, %arg1: memref<2x1280xf32, #tpu.memory_space<vmem>>, %arg2: memref<1280x32xf32, #tpu.memory_space<vmem>>, %arg3: memref<1x1280xf32, #tpu.memory_space<vmem>>, %arg4: memref<1280x32xf32, #tpu.memory_space<vmem>>) attributes {dimension_semantics = [#tpu.dimension_semantics<arbitrary>], iteration_bounds = array<i64: 8>, scalar_prefetch = 0 : i64, scratch_operands = 0 : i64, tpu.core_type = #tpu.core_type<tc>, window_params = [{transform_indices = @transform_0, window_bounds = array<i64: 2, 1280>}, {transform_indices = @transform_1, window_bounds = array<i64: 1280, 32>}, {transform_indices = @transform_2, window_bounds = array<i64: 1, 1280>}, {transform_indices = @transform_3, window_bounds = array<i64: 1280, 32>}]} {
    %mul3A = arith.constant 1280 : i32
    %mul3A_0 = arith.muli %arg0, %mul3A : i32
    %iota3A = tpu.iota {dimensions = array<i32: 1>} : vector<1x1280xi32>
    %add3A = vector.broadcast %mul3A_0 : i32 to vector<1x1280xi32>
    %add3A_1 = arith.addi %add3A, %iota3A : vector<1x1280xi32>
    %lt3A = arith.constant 10000 : i32
    %lt3A_2 = vector.broadcast %lt3A : i32 to vector<1x1280xi32>
    %lt3A_3 = arith.cmpi slt, %add3A_1, %lt3A_2 : vector<1x1280xi32>
    %get3A = arith.constant 0 : index
    %get3A_4 = arith.constant 0 : index
    %get3A_5 = vector.load %arg1[%get3A, %get3A_4] : memref<2x1280xf32, #tpu.memory_space<vmem>>, vector<1x1280xf32>
    %get3A_6 = arith.constant 1 : index
    %get3A_7 = arith.constant 0 : index
    %get3A_8 = vector.load %arg1[%get3A_6, %get3A_7] : memref<2x1280xf32, #tpu.memory_space<vmem>>, vector<1x1280xf32>
    %add3A_9 = arith.addf %get3A_5, %get3A_8 : vector<1x1280xf32>
    %add3A_10 = arith.constant 1.000000e+00 : f32
    %add3A_11 = vector.broadcast %add3A_10 : f32 to vector<1x1280xf32>
    %add3A_12 = arith.addf %add3A_9, %add3A_11 : vector<1x1280xf32>
    %rsqrt3A = math.rsqrt %add3A_12 : vector<1x1280xf32>
    %jit3A = arith.constant 0.000000e+00 : f32
    %broadcast_in_dim3A = vector.broadcast %jit3A : f32 to vector<1x1280xf32>
    %select_n3A = arith.select %lt3A_3, %rsqrt3A, %broadcast_in_dim3A : vector<1x1280xi1>, vector<1x1280xf32>
    %swap3A = arith.constant 0 : index
    %swap3A_13 = arith.constant 0 : index
    %swap3A_14 = vector.load %arg3[%swap3A, %swap3A_13] : memref<1x1280xf32, #tpu.memory_space<vmem>>, vector<1x1280xf32>
    tpu.vector_store %arg3[%swap3A, %swap3A_13], %select_n3A {strides = array<i32>} : memref<1x1280xf32, #tpu.memory_space<vmem>>, vector<1x1280xf32>,
    %reshape3A = vector.shape_cast %select_n3A : vector<1x1280xf32> to vector<1280x1xf32>
    %get3A_15 = arith.constant 0 : index
    %get3A_16 = arith.constant 0 : index
    %get3A_17 = vector.load %arg2[%get3A_15, %get3A_16] : memref<1280x32xf32, #tpu.memory_space<vmem>>, vector<1280x32xf32>
    %mul3A_18 = vector.broadcast %reshape3A : vector<1280x1xf32> to vector<1280x32xf32>
    %mul3A_19 = arith.mulf %mul3A_18, %get3A_17 : vector<1280x32xf32>
    %swap3A_20 = arith.constant 0 : index
    %swap3A_21 = arith.constant 0 : index
    %swap3A_22 = vector.load %arg4[%swap3A_20, %swap3A_21] : memref<1280x32xf32, #tpu.memory_space<vmem>>, vector<1280x32xf32>
    tpu.vector_store %arg4[%swap3A_20, %swap3A_21], %mul3A_19 {strides = array<i32>} : memref<1280x32xf32, #tpu.memory_space<vmem>>, vector<1280x32xf32>,
    return
  }
  func.func @transform_0(%arg0: i32) -> (i32, i32) {
    %c0_i32 = arith.constant 0 : i32
    %c0_i32_0 = arith.constant 0 : i32
    return %c0_i32, %arg0 : i32, i32
  }
  func.func @transform_1(%arg0: i32) -> (i32, i32) {
    %c0_i32 = arith.constant 0 : i32
    %c0_i32_0 = arith.constant 0 : i32
    return %arg0, %c0_i32 : i32, i32
  }
  func.func @transform_2(%arg0: i32) -> (i32, i32) {
    %c0_i32 = arith.constant 0 : i32
    %c0_i32_0 = arith.constant 0 : i32
    return %c0_i32, %arg0 : i32, i32
  }
  func.func @transform_3(%arg0: i32) -> (i32, i32) {
    %c0_i32 = arith.constant 0 : i32
    %c0_i32_0 = arith.constant 0 : i32
    return %arg0, %c0_i32 : i32, i32
  }
}

module attributes {stable_mosaic.version = 14 : i64} {
  func.func @_tc_k2(%arg0: memref<2x10240x32xf32, #tpu.memory_space<vmem>>, %arg1: memref<10240x32xf32, #tpu.memory_space<vmem>>, %arg2: memref<1x10240xf32, #tpu.memory_space<vmem>>, %arg3: memref<1x32xf32, #tpu.memory_space<vmem>>, %arg4: memref<32x32xf32, #tpu.memory_space<vmem>>, %arg5: memref<10240x32xf32, #tpu.memory_space<vmem>>) attributes {dimension_semantics = [], scalar_prefetch = 0 : i64, scratch_operands = 0 : i64, tpu.core_type = #tpu.core_type<tc>} {
    %get3A = arith.constant 0 : index
    %get3A_0 = arith.constant 0 : index
    %get3A_1 = vector.load %arg2[%get3A, %get3A_0] : memref<1x10240xf32, #tpu.memory_space<vmem>>, vector<1x10240xf32>
    %reshape3A = vector.shape_cast %get3A_1 : vector<1x10240xf32> to vector<10240x1xf32>
    %get3A_2 = arith.constant 0 : index
    %get3A_3 = arith.constant 0 : index
    %get3A_4 = arith.constant 0 : index
    %get3A_5 = vector.load %arg0[%get3A_2, %get3A_3, %get3A_4] : memref<2x10240x32xf32, #tpu.memory_space<vmem>>, vector<1x10240x32xf32>
    %get3A_6 = vector.shape_cast %get3A_5 : vector<1x10240x32xf32> to vector<10240x32xf32>
    %get3A_7 = arith.constant 1 : index
    %get3A_8 = arith.constant 0 : index
    %get3A_9 = arith.constant 0 : index
    %get3A_10 = vector.load %arg0[%get3A_7, %get3A_8, %get3A_9] : memref<2x10240x32xf32, #tpu.memory_space<vmem>>, vector<1x10240x32xf32>
    %get3A_11 = vector.shape_cast %get3A_10 : vector<1x10240x32xf32> to vector<10240x32xf32>
    %add3A = arith.addf %get3A_6, %get3A_11 : vector<10240x32xf32>
    %get3A_12 = arith.constant 0 : index
    %get3A_13 = arith.constant 0 : index
    %get3A_14 = vector.load %arg1[%get3A_12, %get3A_13] : memref<10240x32xf32, #tpu.memory_space<vmem>>, vector<10240x32xf32>
    %add3A_15 = arith.addf %add3A, %get3A_14 : vector<10240x32xf32>
    %mul3A = vector.broadcast %reshape3A : vector<10240x1xf32> to vector<10240x32xf32>
    %mul3A_16 = arith.mulf %mul3A, %add3A_15 : vector<10240x32xf32>
    %get3A_17 = arith.constant 0 : index
    %get3A_18 = arith.constant 0 : index
    %get3A_19 = vector.load %arg3[%get3A_17, %get3A_18] : memref<1x32xf32, #tpu.memory_space<vmem>>, vector<1x32xf32>
    %add3A_20 = vector.broadcast %get3A_19 : vector<1x32xf32> to vector<10240x32xf32>
    %add3A_21 = arith.addf %mul3A_16, %add3A_20 : vector<10240x32xf32>
    %max3A = arith.constant 0.000000e+00 : f32
    %max3A_22 = vector.broadcast %max3A : f32 to vector<10240x32xf32>
    %max3A_23 = arith.maximumf %add3A_21, %max3A_22 : vector<10240x32xf32>
    %get3A_24 = arith.constant 0 : index
    %get3A_25 = arith.constant 0 : index
    %get3A_26 = vector.load %arg4[%get3A_24, %get3A_25] : memref<32x32xf32, #tpu.memory_space<vmem>>, vector<32x32xf32>
    %dot_general3A = arith.constant dense<0.000000e+00> : vector<10240x32xf32>
    %dot_general3A_27 = tpu.matmul %max3A_23, %get3A_26, %dot_general3A {dimension_numbers = #tpu.dot_dimension_numbers<[1], [0], [0], [1], [0, 0, 1, 1], [], []>, transpose_lhs_hint = false} : vector<10240x32xf32>, vector<32x32xf32>, vector<10240x32xf32> -> vector<10240x32xf32>
    %mul3A_28 = vector.broadcast %reshape3A : vector<10240x1xf32> to vector<10240x32xf32>
    %mul3A_29 = arith.mulf %mul3A_28, %dot_general3A_27 : vector<10240x32xf32>
    %swap3A = arith.constant 0 : index
    %swap3A_30 = arith.constant 0 : index
    %swap3A_31 = vector.load %arg5[%swap3A, %swap3A_30] : memref<10240x32xf32, #tpu.memory_space<vmem>>, vector<10240x32xf32>
    tpu.vector_store %arg5[%swap3A, %swap3A_30], %mul3A_29 {strides = array<i32>} : memref<10240x32xf32, #tpu.memory_space<vmem>>, vector<10240x32xf32>,
    return
  }
}

module attributes {stable_mosaic.version = 14 : i64} {
  func.func @_tc_k3(%arg0: memref<2x10240x32xf32, #tpu.memory_space<vmem>>, %arg1: memref<10240x32xf32, #tpu.memory_space<vmem>>, %arg2: memref<1x10240xf32, #tpu.memory_space<vmem>>, %arg3: memref<1x32xf32, #tpu.memory_space<vmem>>, %arg4: memref<10240x32xf32, #tpu.memory_space<vmem>>, %arg5: memref<32x32xf32, #tpu.memory_space<vmem>>, %arg6: memref<1x32xf32, #tpu.memory_space<vmem>>, %arg7: memref<32x40xf32, #tpu.memory_space<vmem>>, %arg8: memref<1x40xf32, #tpu.memory_space<vmem>>, %arg9: memref<1x40xf32, #tpu.memory_space<vmem>>) attributes {dimension_semantics = [], scalar_prefetch = 0 : i64, scratch_operands = 0 : i64, tpu.core_type = #tpu.core_type<tc>} {
    %get3A = arith.constant 0 : index
    %get3A_0 = arith.constant 0 : index
    %get3A_1 = vector.load %arg2[%get3A, %get3A_0] : memref<1x10240xf32, #tpu.memory_space<vmem>>, vector<1x10240xf32>
    %reshape3A = vector.shape_cast %get3A_1 : vector<1x10240xf32> to vector<10240x1xf32>
    %get3A_2 = arith.constant 0 : index
    %get3A_3 = arith.constant 0 : index
    %get3A_4 = arith.constant 0 : index
    %get3A_5 = vector.load %arg0[%get3A_2, %get3A_3, %get3A_4] : memref<2x10240x32xf32, #tpu.memory_space<vmem>>, vector<1x10240x32xf32>
    %get3A_6 = vector.shape_cast %get3A_5 : vector<1x10240x32xf32> to vector<10240x32xf32>
    %get3A_7 = arith.constant 1 : index
    %get3A_8 = arith.constant 0 : index
    %get3A_9 = arith.constant 0 : index
    %get3A_10 = vector.load %arg0[%get3A_7, %get3A_8, %get3A_9] : memref<2x10240x32xf32, #tpu.memory_space<vmem>>, vector<1x10240x32xf32>
    %get3A_11 = vector.shape_cast %get3A_10 : vector<1x10240x32xf32> to vector<10240x32xf32>
    %add3A = arith.addf %get3A_6, %get3A_11 : vector<10240x32xf32>
    %get3A_12 = arith.constant 0 : index
    %get3A_13 = arith.constant 0 : index
    %get3A_14 = vector.load %arg1[%get3A_12, %get3A_13] : memref<10240x32xf32, #tpu.memory_space<vmem>>, vector<10240x32xf32>
    %add3A_15 = arith.addf %add3A, %get3A_14 : vector<10240x32xf32>
    %mul3A = vector.broadcast %reshape3A : vector<10240x1xf32> to vector<10240x32xf32>
    %mul3A_16 = arith.mulf %mul3A, %add3A_15 : vector<10240x32xf32>
    %get3A_17 = arith.constant 0 : index
    %get3A_18 = arith.constant 0 : index
    %get3A_19 = vector.load %arg3[%get3A_17, %get3A_18] : memref<1x32xf32, #tpu.memory_space<vmem>>, vector<1x32xf32>
    %add3A_20 = vector.broadcast %get3A_19 : vector<1x32xf32> to vector<10240x32xf32>
    %add3A_21 = arith.addf %mul3A_16, %add3A_20 : vector<10240x32xf32>
    %max3A = arith.constant 0.000000e+00 : f32
    %max3A_22 = vector.broadcast %max3A : f32 to vector<10240x32xf32>
    %max3A_23 = arith.maximumf %add3A_21, %max3A_22 : vector<10240x32xf32>
    %get3A_24 = arith.constant 0 : index
    %get3A_25 = arith.constant 0 : index
    %get3A_26 = vector.load %arg4[%get3A_24, %get3A_25] : memref<10240x32xf32, #tpu.memory_space<vmem>>, vector<10240x32xf32>
    %reduce_sum3A = arith.constant dense<0.000000e+00> : vector<10240xf32>
    %reduce_sum3A_27 = vector.multi_reduction <add>, %get3A_26, %reduce_sum3A [1] : vector<10240x32xf32> to vector<10240xf32>
    %broadcast_in_dim3A = vector.shape_cast %reduce_sum3A_27 : vector<10240xf32> to vector<10240x1xf32>
    %add3A_28 = arith.addf %broadcast_in_dim3A, %reshape3A : vector<10240x1xf32>
    %mul3A_29 = arith.mulf %reshape3A, %add3A_28 : vector<10240x1xf32>
    %mul3A_30 = vector.broadcast %mul3A_29 : vector<10240x1xf32> to vector<10240x32xf32>
    %mul3A_31 = arith.mulf %mul3A_30, %max3A_23 : vector<10240x32xf32>
    %reduce_sum3A_32 = arith.constant dense<0.000000e+00> : vector<32xf32>
    %reduce_sum3A_33 = vector.multi_reduction <add>, %mul3A_31, %reduce_sum3A_32 [0] : vector<10240x32xf32> to vector<32xf32>
    %broadcast_in_dim3A_34 = vector.shape_cast %reduce_sum3A_33 : vector<32xf32> to vector<1x32xf32>
    %get3A_35 = arith.constant 0 : index
    %get3A_36 = arith.constant 0 : index
    %get3A_37 = vector.load %arg5[%get3A_35, %get3A_36] : memref<32x32xf32, #tpu.memory_space<vmem>>, vector<32x32xf32>
    %dot_general3A = arith.constant dense<0.000000e+00> : vector<1x32xf32>
    %dot_general3A_38 = tpu.matmul %broadcast_in_dim3A_34, %get3A_37, %dot_general3A {dimension_numbers = #tpu.dot_dimension_numbers<[1], [0], [0], [1], [0, 0, 1, 1], [], []>, transpose_lhs_hint = false} : vector<1x32xf32>, vector<32x32xf32>, vector<1x32xf32> -> vector<1x32xf32>
    %mul3A_39 = arith.constant 9.99999974E-5 : f32
    %mul3A_40 = vector.broadcast %mul3A_39 : f32 to vector<1x32xf32>
    %mul3A_41 = arith.mulf %dot_general3A_38, %mul3A_40 : vector<1x32xf32>
    %get3A_42 = arith.constant 0 : index
    %get3A_43 = arith.constant 0 : index
    %get3A_44 = vector.load %arg6[%get3A_42, %get3A_43] : memref<1x32xf32, #tpu.memory_space<vmem>>, vector<1x32xf32>
    %add3A_45 = arith.addf %mul3A_41, %get3A_44 : vector<1x32xf32>
    %get3A_46 = arith.constant 0 : index
    %get3A_47 = arith.constant 0 : index
    %get3A_48 = vector.load %arg7[%get3A_46, %get3A_47] : memref<32x40xf32, #tpu.memory_space<vmem>>, vector<32x40xf32>
    %dot_general3A_49 = arith.constant dense<0.000000e+00> : vector<1x40xf32>
    %dot_general3A_50 = tpu.matmul %add3A_45, %get3A_48, %dot_general3A_49 {dimension_numbers = #tpu.dot_dimension_numbers<[1], [0], [0], [1], [0, 0, 1, 1], [], []>, transpose_lhs_hint = false} : vector<1x32xf32>, vector<32x40xf32>, vector<1x40xf32> -> vector<1x40xf32>
    %get3A_51 = arith.constant 0 : index
    %get3A_52 = arith.constant 0 : index
    %get3A_53 = vector.load %arg8[%get3A_51, %get3A_52] : memref<1x40xf32, #tpu.memory_space<vmem>>, vector<1x40xf32>
    %add3A_54 = arith.addf %dot_general3A_50, %get3A_53 : vector<1x40xf32>
    %reduce_max3A = arith.constant dense<0xFF800000> : vector<1xf32>
    %reduce_max3A_55 = vector.multi_reduction <maximumf>, %add3A_54, %reduce_max3A [1] : vector<1x40xf32> to vector<1xf32>
    %max3A_56 = arith.constant 0xFF800000 : f32
    %max3A_57 = vector.broadcast %max3A_56 : f32 to vector<1xf32>
    %max3A_58 = arith.maximumf %max3A_57, %reduce_max3A_55 : vector<1xf32>
    %broadcast_in_dim3A_59 = vector.shape_cast %max3A_58 : vector<1xf32> to vector<1x1xf32>
    %sub3A = vector.broadcast %broadcast_in_dim3A_59 : vector<1x1xf32> to vector<1x40xf32>
    %sub3A_60 = arith.subf %add3A_54, %sub3A : vector<1x40xf32>
    %exp3A = math.exp %sub3A_60 : vector<1x40xf32>
    %reduce_sum3A_61 = arith.constant dense<0.000000e+00> : vector<1xf32>
    %reduce_sum3A_62 = vector.multi_reduction <add>, %exp3A, %reduce_sum3A_61 [1] : vector<1x40xf32> to vector<1xf32>
    %broadcast_in_dim3A_63 = vector.shape_cast %reduce_sum3A_62 : vector<1xf32> to vector<1x1xf32>
    %div3A = vector.broadcast %broadcast_in_dim3A_63 : vector<1x1xf32> to vector<1x40xf32>
    %div3A_64 = arith.divf %exp3A, %div3A : vector<1x40xf32>
    %swap3A = arith.constant 0 : index
    %swap3A_65 = arith.constant 0 : index
    %swap3A_66 = vector.load %arg9[%swap3A, %swap3A_65] : memref<1x40xf32, #tpu.memory_space<vmem>>, vector<1x40xf32>
    tpu.vector_store %arg9[%swap3A, %swap3A_65], %div3A_64 {strides = array<i32>} : memref<1x40xf32, #tpu.memory_space<vmem>>, vector<1x40xf32>,
    return
  }
}

</mosaic_0001>

<sc_bundles>
// kernel: kernel.12.cloned.1.call-start
scs
__scs_entry_jumppad:
0x0: {  	(pc) =	sbr.rel $0x88, $3  }
0x1: {  	(tag) =	ssettag $0x0;
	lr =	simm.s32 $0x1  }
0x2: {  	[smem:$0x3F97] =	sst lr;
	_ =	strace $0xD0000000  }
0x3: {  	_ = 	snop  }
0x4: {  	_ = 	snop  }
0x5: {  	_ = 	snop  }
0x6: {  	_ = 	snop  }
0x7: {  	_ = 	snop  }
__scs_overlays_trampoline_lowered:
0x8: {  	[smem:$0x3FA6] =	sst s0  }
0x9: {  	[smem:$0x3FA7] =	sst s1  }
0xa: {  	[smem:$0x3FA8] =	sst s2  }
0xb: {  	[smem:$0x3FA9] =	sst s3  }
0xc: {  	[smem:$0x3FAA] =	sst s4  }
0xd: {  	[smem:$0x3FAB] =	sst s5  }
0xe: {  	[smem:$0x3FAC] =	sst s6  }
0xf: {  	[smem:$0x3FAD] =	sst s7  }
0x10: {  	[smem:$0x3FAE] =	sst s8  }
0x11: {  	[smem:$0x3FAF] =	sst s9;
	s0 =	simm.s32 @!p0 $0x0  }
0x12: {  	s1 =	sld [smem:$0x3F95];
	s0 =	simm.s32 @p0 $0x1  }
0x13: {  	[smem:$0x3FB0] =	sst s0;
	s0 =	simm.s32 @!p1 $0x0  }
0x14: {  	s2 =	sld [smem:$0x3F94];
	s0 =	simm.s32 @p1 $0x1  }
0x15: {  	[smem:$0x3FB1] =	sst s0;
	s0 =	simm.s32 @!p2 $0x0  }
0x16: {  	s3 =	sld [smem:$0x3FDB];
	s0 =	simm.s32 @p2 $0x1  }
0x17: {  	s4 =	simm.s32 $0x1BF5;
	[smem:$0x3FB3] =	sst s0  }
0x18: {  	s0 =	sld [smem:$0x3F96];
	_ =	swait.ge [sflag:s4], $0x0  }
0x19: {  	s7 =	sld [smem:$0x3F97]  }
0x1a: {  	s8 =	sadd.s32 $0xFFFFE003, lr  }
0x1b: {  	s9 =	sadd.s32 $0xFFFFFEF7, lr;
	s5 =	simm.s32 $0xFFFFFFFF;
	p2 =	slt.u32 s8, $0xFFFFF086  }
0x1c: {  	p1 =	slt.u32 s9, $0xF7A;
	s5 =	simm.s32 @!p2 $0x0  }
0x1d: {  	s5 =	simm.s32 @p1 $0x1;
	p0 =	seq.s32 s7, s2  }
0x1e: {  	s7 =	smul.u32 @!p0 $0xF7A, s2;
	p2 =	seq.s32 @!p0 s5, $0x0  }
0x1f: {  	s9 =	smul.u32 $0xF7A, s1;
	s8 =	simm.s32 @!p0 $0x1BF5;
	p2 =	por !p2, p0  }
0x20: {  	[sflag:s8] =	ssyncset.s32 @!p0 $0xFFFFF086;
	s6 =	sadd.s32 @!p0 s3, s7;
	s7 =	simm.s32 @!p0 $0x108  }
0x21: {  	s3 =	sadd.s32 s3, s9;
	s6 =	sadd.s32 @!p0 $0x88, s6;
	s7 =	simm.s32 @p2 $0x1082  }
0x22: {  	[simem:s7], [sflag:s8] =	dma.local @!p0 [hbm:s6], $0xF7A  }
0x23: {  	s9 =	sor.u32 $0xD0000000, s2;
	s6 =	simm.s32 $0x108;
	_ =	swait.ge @!p0 [sflag:s8], $0x0  }
0x24: {  	s3 =	sadd.s32 $0x88, s3;
	s6 =	simm.s32 @!p1 $0x1082;
	[sflag:s4] =	ssyncset.s32 $0xFFFFF086  }
0x25: {  	[simem:s6], [sflag:s4] =	dma.local [hbm:s3], $0xF7A  }
0x26: {  	[smem:$0x3F97] =	sst s1;
	(tag) =	ssettag s2;
	_ =	strace s9  }
0x27: {  	s1 =	sld [smem:$0x3FA7]  }
0x28: {  	s2 =	sld [smem:$0x3FA8]  }
0x29: {  	s4 =	sld [smem:$0x3FAA]  }
0x2a: {  	p0 =	seq.s32 s5, $0x0;
	s5 =	sld [smem:$0x3FAB]  }
0x2b: {  	s6 =	sld [smem:$0x3FAC]  }
0x2c: {  	s7 =	sld [smem:$0x3FAD]  }
0x2d: {  	s3 =	simm.s32 $0x108;
	s8 =	sld [smem:$0x3FAE]  }
0x2e: {  	s3 =	simm.s32 @!p0 $0x1082;
	s9 =	sld [smem:$0x3FAF]  }
0x2f: {  	lr =	sadd.s32 s0, s3;
	s0 =	sld [smem:$0x3FA6]  }
0x30: {  	s3 =	sld [smem:$0x3FA9]  }
0x31: {  	[smem:$0x3FB2] =	sst s10  }
0x32: {  	s10 =	sld [smem:$0x3FB0];
	_ =	sdelay $0x3  }
0x33: {  	p0 =	seq.s32 s10, $0x1;
	s10 =	sld [smem:$0x3FB2];
	_ =	sdelay $0x3  }
0x34: {  	[smem:$0x3FB2] =	sst s10  }
0x35: {  	s10 =	sld [smem:$0x3FB1];
	_ =	sdelay $0x3  }
0x36: {  	p1 =	seq.s32 s10, $0x1;
	s10 =	sld [smem:$0x3FB2];
	_ =	sdelay $0x3  }
0x37: {  	[smem:$0x3FB2] =	sst s10  }
0x38: {  	s10 =	sld [smem:$0x3FB3]  }
0x39: {  	_ = 	snop;
	(pc) =	sbr.ind lr, $3  }
0x3a: {  	_ = 	snop  }
0x3b: {  	_ = 	snop  }
0x3c: {  	p2 =	seq.s32 s10, $0x1;
	s10 =	sld [smem:$0x3FB2]  }
0x3d: {  	_ =	shalt  }
0x3e: {  	_ =	shalt  }
0x3f: {  	_ =	shalt  }
0x40: {  	_ =	shalt  }
0x41: {  	_ =	shalt  }
0x42: {  	_ =	shalt  }
0x43: {  	_ =	shalt  }
0x44: {  	_ =	shalt  }
0x45: {  	_ =	shalt  }
0x46: {  	_ =	shalt  }
0x47: {  	_ =	shalt  }
0x48: {  	_ =	shalt  }
0x49: {  	_ =	shalt  }
0x4a: {  	_ =	shalt  }
0x4b: {  	_ =	shalt  }
0x4c: {  	_ =	shalt  }
0x4d: {  	_ =	shalt  }
0x4e: {  	_ =	shalt  }
0x4f: {  	_ =	shalt  }
0x50: {  	_ =	shalt  }
0x51: {  	_ =	shalt  }
0x52: {  	_ =	shalt  }
0x53: {  	_ =	shalt  }
0x54: {  	_ =	shalt  }
0x55: {  	_ =	shalt  }
0x56: {  	_ =	shalt  }
0x57: {  	_ =	shalt  }
0x58: {  	_ =	shalt  }
0x59: {  	_ =	shalt  }
0x5a: {  	_ =	shalt  }
0x5b: {  	_ =	shalt  }
0x5c: {  	_ =	shalt  }
0x5d: {  	_ =	shalt  }
0x5e: {  	_ =	shalt  }
0x5f: {  	_ =	shalt  }
0x60: {  	_ =	shalt  }
0x61: {  	_ =	shalt  }
0x62: {  	_ =	shalt  }
0x63: {  	_ =	shalt  }
0x64: {  	_ =	shalt  }
0x65: {  	_ =	shalt  }
0x66: {  	_ =	shalt  }
0x67: {  	_ =	shalt  }
0x68: {  	_ =	shalt  }
0x69: {  	_ =	shalt  }
0x6a: {  	_ =	shalt  }
0x6b: {  	_ =	shalt  }
0x6c: {  	_ =	shalt  }
0x6d: {  	_ =	shalt  }
0x6e: {  	_ =	shalt  }
0x6f: {  	_ =	shalt  }
0x70: {  	_ =	shalt  }
0x71: {  	_ =	shalt  }
0x72: {  	_ =	shalt  }
0x73: {  	_ =	shalt  }
0x74: {  	_ =	shalt  }
0x75: {  	_ =	shalt  }
0x76: {  	_ =	shalt  }
0x77: {  	_ =	shalt  }
0x78: {  	_ =	shalt  }
0x79: {  	_ =	shalt  }
0x7a: {  	_ =	shalt  }
0x7b: {  	_ =	shalt  }
0x7c: {  	_ =	shalt  }
0x7d: {  	_ =	shalt  }
0x7e: {  	_ =	shalt  }
0x7f: {  	_ =	shalt  }
0x80: {  	_ =	shalt  }
0x81: {  	_ =	shalt  }
0x82: {  	_ =	shalt  }
0x83: {  	_ =	shalt  }
0x84: {  	_ =	shalt  }
0x85: {  	_ =	shalt  }
0x86: {  	_ =	shalt  }
0x87: {  	_ =	shalt  }
.Lfunc_end0:
.L_simem_size_0:
called_computation.1_lowered:
.L_overlay_start_0:
0x88: {  	s2 =	sld [smem:$0x3FD9]  }
0x89: {  	s3 =	sld [smem:$0x3FFE];
	_ =	sdelay $0x1  }
0x8a: {  	s1 =	srdreg.scid  }
0x8b: {  	s0 =	sand.u32 $0x1, s1  }
0x8c: {  	s16 =	sshll.u32 s0, $0xA;
	s2 =	sadd.s32 s3, s2  }
0x8d: {  	s2 =	sadd.s32 s2, s16  }
0x8e: {  	[smem:$0x3FBE] =	sst s2  }
0x8f: {  	_ = 	snop  }
0x90: {  	(tm) =	ssettm $0x1  }
0x91: {  	s17 =	sld [smem:$0x3FFB];
	_ =	sdelay $0x3  }
0x92: {  	_ =	strace s17  }
0x93: {  	s2 =	sld [smem:$0x3FFC];
	_ =	sdelay $0x3  }
0x94: {  	_ =	strace s2  }
0x95: {  	s2 =	sld [smem:$0x3FFD];
	_ =	sdelay $0x3  }
0x96: {  	_ =	strace s2  }
0x97: {  	_ =	strace $0x8FFFFFFF  }
0x98: {  	s18 =	sld [smem:$0x3FDB];
	_ =	sdelay $0x1  }
0x99: {  	s19 =	simm.s32 $_scs_section_size  }
0x9a: {  	s4 =	simm.s32 $_size__tile_overlayer_lowered;
	s5 =	simm.s32 $_tile_overlayer_lowered  }
0x9b: {  	s22 =	simm.s32 $0x1BFF;
	s21 =	sshll.u32 s5, $0x1;
	s2 =	sadd.s32 s19, s18  }
0x9c: {  	s6 =	simm.s32 $0x0;
	s20 =	sshll.u32 s4, $0x1;
	s4 =	sadd.s32 s21, s2  }
0x9d: {  	[timem:s6], [sflag:s22] =	dma.local [hbm:s4], s20  }
0x9e: {  	_ =	swait.ge [sflag:s22], s20  }
0x9f: {  	s3 =	ssub.s32 $0x0, s20;
	[sflag:s22] =	ssyncset.done $0x0  }
0xa0: {  	[sflag:s22] =	ssyncadd.s32 s3;
	_ =	sdelay $0x1  }
0xa1: {  	s23 =	simm.s32 $0x1B8B  }
0xa2: {  	_ =	swait.ge [sflag:s23], $0x1  }
0xa3: {  	[sflag:s23] =	ssyncset.done $0x0  }
0xa4: {  	s25 =	simm.s32 $0x1B8E;
	s24 =	sld [smem:$0x3FFE];
	[sflag:s23] =	ssyncadd.s32 $0xFFFFFFFF  }
0xa5: {  	s26 =	simm.s32 $execute0_lowered;
	[smem:$0x3FD2] =	sst s25  }
0xa6: {  	s4 =	sshll.u32 s26, $0x1;
	_ =	strace $0x80000049;
	[dreg:$0x1] =	wrdreg $0xFFFFFFFF  }
0xa7: {  	s28 =	simm.s32 $_size_execute0_lowered;
	s2 =	sadd.s32 s2, s4;
	[dreg:$0x0] =	wrdreg $0x0  }
0xa8: {  	s4 =	sshll.u32 s28, $0x1;
	[dreg:$0x2] =	wrdreg s2  }
0xa9: {  	[dreg:$0x3] =	wrdreg s4  }
0xaa: {  	[dreg:$0x4] =	wrdreg $0xC0  }
0xab: {  	_ =	task [dreg:s6], $0x5FFFF  }
0xac: {  	[dreg:$0x1] =	wrdreg $0xFFFFFFFF  }
0xad: {  	[dreg:$0x0] =	wrdreg $0x60  }
0xae: {  	[dreg:$0x2] =	wrdreg s24  }
0xaf: {  	[dreg:$0x3] =	wrdreg $0x0  }
0xb0: {  	[dreg:$0x4] =	wrdreg $0x50000  }
0xb1: {  	[dreg:$0x5] =	wrdreg $0x9  }
0xb2: {  	_ =	task.clear_ibuf [dreg:s6], $0x6FFFF;
	_ =	strace $0x90000049  }
0xb3: {  	s29 =	simm.s32 $0x9;
	_ =	strace $0x8000004B  }
0xb4: {  	_ =	swait.ge [sflag:s29], $0x1  }
0xb5: {  	[sflag:s29] =	ssyncadd.s32 $0xFFFFFFFF  }
0xb6: {  	_ =	strace $0x9000004B  }
0xb7: {  	_ =	sfence  }
0xb8: {  	s30 =	sld [smem:$0x0];
	_ =	sdelay $0x2  }
0xb9: {  	s31 =	sshll.u32 s1, $0xD;
	s1 =	sshrl.u32 s1, $0x2  }
0xba: {  	s3 =	sand.u32 $0x4000, s31;
	s1 =	sadd.s32 s1, s30  }
0xbb: {  	s0 =	sor.u32 s3, s0;
	s1 =	sshll.u32 s1, $0x11  }
0xbc: {  	s0 =	sor.u32 s1, s0  }
0xbd: {  	s0 =	sadd.s32 $0x8F2B, s0  }
0xbe: {  	[sflag:s0] =	ssyncadd.remote.s32 $0x1  }
0xbf: {  	_ =	sfence.sel $0xFFFF  }
0xc0: {  	[dreg:$0x0] =	wrdreg $0xFFFFFFFF;
	(pc) =	sbr.abs _section_cstart, $3  }
0xc1: {  	[dreg:$0x1] =	wrdreg $0xFFFFFFFF  }
0xc2: {  	_ =	task.clear_ibuf [dreg:s6], $0x2FFFF;
	_ =	strace $0x9FFFFFFF  }
0xc3: {  	(tm) =	ssettm $0x7FFFFFFF  }
tec
execute0_lowered:
.L_overlay_start_1:
0x0: {  	(tag) =	ssettag $0x1  }
0x1: {  	s0 =	rddreg [dreg:$0x0]  }
0x2: {  	s1 =	rddreg [dreg:$0x1]  }
0x3: {  	s2 =	rddreg [dreg:$0x2];
	s3 =	srdreg.scid;
	s5 =	simm.s32 $0x0  }
0x4: {  	s7 =	stileid.u32;
	s31 =	simm.s32 $0x80;
	s29 =	simm.s32 $0xA  }
0x5: {  	s30 =	simm.s32 $0xB;
	s3 =	sand.u32 $0x1, s3;
	[smem:$0x7FF] =	sst s5  }
0x6: {  	s6 =	sadd.s32 $0x17400, s0;
	s4 =	sshll.u32 s3, $0x4;
	s18 =	smul.u32 $0xA000, s3  }
0x7: {  	s8 =	sadd.s32 $0xCA00, s0;
	s4 =	sor.u32 s7, s4;
	s7 =	smul.u32 $0x5000, s7  }
0x8: {  	_ =	strace $0x8000004A;
	[dreg:$0x4] =	wrdreg s8;
	s3 =	ssub.s32 $0x2, s3  }
0x9: {  	s8 =	simm.s32 $0x5;
	s19 =	sshrl.u32 s3, $0x1;
	s9 =	sshrl.u32 s7, $0x3  }
0xa: {  	s4 =	smul.u32 $0x500, s4;
	s15 =	sadd.s32 s7, s2;
	[dreg:$0x5] =	wrdreg s9  }
0xb: {  	s5 =	sadd.s32 s18, s0;
	s25 =	sadd.s32 s7, s1;
	[dreg:$0x11] =	wrdreg s15  }
0xc: {  	s20 =	sadd.s32 $0x1000, s7;
	s21 =	sadd.s32 s6, s9;
	[dreg:$0x8] =	wrdreg s25  }
0xd: {  	s23 =	sadd.s32 $0x2000, s7;
	s22 =	sshrl.u32 s20, $0x3;
	[dreg:$0x6] =	wrdreg s21  }
0xe: {  	s24 =	sadd.s32 $0x3000, s7;
	s11 =	sshrl.u32 s23, $0x3;
	[dreg:$0x7] =	wrdreg s22  }
0xf: {  	s10 =	sadd.s32 $0x4000, s7;
	s12 =	sshrl.u32 s24, $0x3;
	[dreg:$0xb] =	wrdreg s11  }
0x10: {  	s3 =	ssub.s32 s3, s19;
	s13 =	sshrl.u32 s10, $0x3;
	[dreg:$0xc] =	wrdreg s12  }
0x11: {  	s7 =	simm.s32 $0x11000;
	s16 =	sadd.s32 s20, s2;
	[dreg:$0xd] =	wrdreg s13  }
0x12: {  	s0 =	sadd.s32 s4, s0;
	s17 =	sadd.s32 s24, s1;
	[dreg:$0x12] =	wrdreg s16  }
0x13: {  	s26 =	sadd.s32 s20, s1;
	s18 =	sadd.s32 s24, s2;
	[dreg:$0x15] =	wrdreg s17  }
0x14: {  	s28 =	sadd.s32 s23, s1;
	s19 =	sadd.s32 s10, s1;
	[dreg:$0x16] =	wrdreg s18  }
0x15: {  	s20 =	sadd.s32 s10, s2;
	s24 =	smax.u32 s3, $0x1;
	[dreg:$0x17] =	wrdreg s19  }
0x16: {  	s3 =	simm.s32 $0x16000;
	s10 =	simm.s32 $0x12000;
	[dreg:$0x18] =	wrdreg s20  }
0x17: {  	s15 =	simm.s32 $0x13000;
	s9 =	simm.s32 $0x6;
	[dreg:$0x1c] =	wrdreg s24  }
0x18: {  	s4 =	sadd.s32 s6, s22;
	s11 =	sadd.s32 s6, s11;
	[dreg:$0xa] =	wrdreg s26  }
0x19: {  	s14 =	sadd.s32 s6, s12;
	s6 =	sadd.s32 s6, s13;
	[dreg:$0x13] =	wrdreg s28  }
0x1a: {  	s21 =	sadd.s32 $0xD400, s0;
	s22 =	sadd.s32 $0x2A00, s0;
	[dreg:$0x9] =	wrdreg s4  }
0x1b: {  	s0 =	sadd.s32 $0x35400, s0;
	s18 =	simm.s32 $0x17000;
	[dreg:$0xe] =	wrdreg s11  }
0x1c: {  	s19 =	simm.s32 $0x1;
	s24 =	simm.s32 $0xC;
	[dreg:$0xf] =	wrdreg s14  }
0x1d: {  	s12 =	simm.s32 $0x14000;
	s13 =	simm.s32 $0x15000;
	[dreg:$0x10] =	wrdreg s6  }
0x1e: {  	s20 =	simm.s32 $0x8;
	s16 =	simm.s32 $0x0;
	[dreg:$0x19] =	wrdreg s21  }
.Ltmp0:
0x1f: {  	s4 =	sadd.s32 s23, s2;
	[dreg:$0x1a] =	wrdreg s22;
	(pc) =	sbr.rel .LBB2_1-.Ltmp0, $4  }
0x20: {  	[dreg:$0x1b] =	wrdreg s0;
	s23 =	sadd.s32 $0x21400, s5;
	s0 =	simm.s32 $0xF000  }
0x21: {  	s5 =	simm.s32 $0x10000;
	s21 =	simm.s32 $0x2;
	s6 =	simm.s32 $0x3  }
0x22: {  	s14 =	simm.s32 $0x19800;
	s11 =	simm.s32 $0x7;
	[dreg:$0x14] =	wrdreg s4  }
0x23: {  	v0 =	vimm.f32 $0.0e+00;
	s22 =	simm.s32 $0x10;
	[dreg:$0x1d] =	wrdreg s23;
	s23 =	simm.s32 $0x4  }
.LBB2_8:
0x24: {  	s16 =	simm.s32 $0x0;
	s4 =	rddreg [dreg:$0x1b];
	s17 =	simm.s32 $0x9  }
0x25: {  	[hbm4b:s4+s16] =	stream.linear.scatter [tilespmem:s14], [sflag:$0x8], $0x2800, $0x38;
	[tilespmem:$0x1C000] =	vst v63  }
0x26: {  	_ =	swait.ge [sflag:s17], $0x1000  }
0x27: {  	[sflag:s17] =	ssyncset.done $0x0  }
0x28: {  	[sflag:s17] =	ssyncadd.s32 $0xFFFFF000  }
0x29: {  	_ =	swait.ge [sflag:s29], $0x1000  }
0x2a: {  	[sflag:s29] =	ssyncset.done $0x0  }
0x2b: {  	[sflag:s29] =	ssyncadd.s32 $0xFFFFF000  }
0x2c: {  	_ =	swait.ge [sflag:s30], $0x1000  }
0x2d: {  	[sflag:s30] =	ssyncset.done $0x0  }
0x2e: {  	[sflag:s30] =	ssyncadd.s32 $0xFFFFF000  }
0x2f: {  	_ =	swait.ge [sflag:s24], $0x1000  }
0x30: {  	[sflag:s24] =	ssyncset.done $0x0  }
0x31: {  	s12 =	simm.s32 $0xD;
	[sflag:s24] =	ssyncadd.s32 $0xFFFFF000  }
0x32: {  	_ =	swait.ge [sflag:s12], $0x1000  }
0x33: {  	[sflag:s12] =	ssyncset.done $0x0  }
0x34: {  	s25 =	simm.s32 $0xE;
	[sflag:s12] =	ssyncadd.s32 $0xFFFFF000  }
0x35: {  	_ =	swait.ge [sflag:s25], $0x1000  }
0x36: {  	[sflag:s25] =	ssyncset.done $0x0  }
0x37: {  	s26 =	simm.s32 $0xF;
	[sflag:s25] =	ssyncadd.s32 $0xFFFFF000  }
0x38: {  	_ =	swait.ge [sflag:s26], $0x1000  }
0x39: {  	[sflag:s26] =	ssyncset.done $0x0  }
0x3a: {  	[sflag:s26] =	ssyncadd.s32 $0xFFFFF000  }
0x3b: {  	_ =	swait.ge [sflag:s22], $0x1000  }
0x3c: {  	[sflag:s22] =	ssyncset.done $0x0  }
0x3d: {  	[sflag:s22] =	ssyncadd.s32 $0xFFFFF000  }
0x3e: {  	[bflag:$0x0] =	sbarrier.arrive $0xFFFF  }
0x3f: {  	s25 =	rddreg [dreg:$0x8]  }
0x40: {  	[tilespmem:s0], [sflag:$0x1] =	stream.linear.gather [spmem:s25], $0x1000, $0x38;
	[tilespmem:$0x1C000] =	vst v63  }
0x41: {  	s26 =	rddreg [dreg:$0xa]  }
0x42: {  	[tilespmem:s5], [sflag:$0x2] =	stream.linear.gather [spmem:s26], $0x1000, $0x38;
	[tilespmem:$0x1C000] =	vst v63  }
0x43: {  	s28 =	rddreg [dreg:$0x13]  }
0x44: {  	[tilespmem:s7], [sflag:$0x3] =	stream.linear.gather [spmem:s28], $0x1000, $0x38;
	[tilespmem:$0x1C000] =	vst v63  }
0x45: {  	s24 =	rddreg [dreg:$0x15]  }
0x46: {  	[tilespmem:s10], [sflag:$0x4] =	stream.linear.gather [spmem:s24], $0x1000, $0x38;
	[tilespmem:$0x1C000] =	vst v63  }
0x47: {  	s24 =	rddreg [dreg:$0x17]  }
0x48: {  	[tilespmem:s15], [sflag:$0x5] =	stream.linear.gather [spmem:s24], $0x1000, $0x38;
	[tilespmem:$0x1C000] =	vst v63  }
0x49: {  	_ =	swait.ge [sflag:s19], $0x1000  }
0x4a: {  	s4 =	rddreg [dreg:$0x5]  }
0x4b: {  	[sflag:s19] =	ssyncset.done $0x0;
	s24 =	rddreg [dreg:$0x1d]  }
0x4c: {  	[sflag:s19] =	ssyncadd.s32 $0xFFFFF000;
	s4 =	sadd.s32 s4, s24  }
0x4d: {  	[hbm4b:s4+s16] =	stream.linear.scatter [tilespmem:s0], [sflag:$0x9], $0x1000, $0x38;
	[tilespmem:$0x1C000] =	vst v63  }
0x4e: {  	_ =	swait.ge [sflag:s21], $0x1000  }
0x4f: {  	[sflag:s21] =	ssyncset.done $0x0;
	s4 =	rddreg [dreg:$0x7]  }
0x50: {  	[sflag:s21] =	ssyncadd.s32 $0xFFFFF000;
	s4 =	sadd.s32 s4, s24  }
0x51: {  	[hbm4b:s4+s16] =	stream.linear.scatter [tilespmem:s5], [sflag:$0xA], $0x1000, $0x38;
	[tilespmem:$0x1C000] =	vst v63  }
0x52: {  	_ =	swait.ge [sflag:s6], $0x1000  }
0x53: {  	[sflag:s6] =	ssyncset.done $0x0;
	s4 =	rddreg [dreg:$0xb]  }
0x54: {  	[sflag:s6] =	ssyncadd.s32 $0xFFFFF000;
	s4 =	sadd.s32 s4, s24  }
0x55: {  	[hbm4b:s4+s16] =	stream.linear.scatter [tilespmem:s7], [sflag:$0xB], $0x1000, $0x38;
	[tilespmem:$0x1C000] =	vst v63  }
0x56: {  	_ =	swait.ge [sflag:s23], $0x1000  }
0x57: {  	[sflag:s23] =	ssyncset.done $0x0;
	s4 =	rddreg [dreg:$0xc]  }
0x58: {  	[sflag:s23] =	ssyncadd.s32 $0xFFFFF000;
	s4 =	sadd.s32 s4, s24  }
0x59: {  	[hbm4b:s4+s16] =	stream.linear.scatter [tilespmem:s10], [sflag:$0xC], $0x1000, $0x38;
	[tilespmem:$0x1C000] =	vst v63  }
0x5a: {  	_ =	swait.ge [sflag:s8], $0x1000  }
0x5b: {  	[sflag:s8] =	ssyncset.done $0x0;
	s4 =	rddreg [dreg:$0xd]  }
0x5c: {  	[sflag:s8] =	ssyncadd.s32 $0xFFFFF000;
	s4 =	sadd.s32 s4, s24  }
0x5d: {  	[hbm4b:s4+s16] =	stream.linear.scatter [tilespmem:s15], [sflag:$0xD], $0x1000, $0x38;
	[tilespmem:$0x1C000] =	vst v63  }
0x5e: {  	_ =	swait.ge [sflag:s17], $0x1000  }
0x5f: {  	[sflag:s17] =	ssyncset.done $0x0  }
0x60: {  	[sflag:s17] =	ssyncadd.s32 $0xFFFFF000  }
0x61: {  	_ =	swait.ge [sflag:s29], $0x1000  }
0x62: {  	[sflag:s29] =	ssyncset.done $0x0  }
0x63: {  	[sflag:s29] =	ssyncadd.s32 $0xFFFFF000  }
0x64: {  	_ =	swait.ge [sflag:s30], $0x1000  }
0x65: {  	[sflag:s30] =	ssyncset.done $0x0  }
0x66: {  	s24 =	simm.s32 $0xC;
	[sflag:s30] =	ssyncadd.s32 $0xFFFFF000  }
0x67: {  	_ =	swait.ge [sflag:s24], $0x1000  }
0x68: {  	[sflag:s24] =	ssyncset.done $0x0  }
0x69: {  	[sflag:s24] =	ssyncadd.s32 $0xFFFFF000  }
0x6a: {  	_ =	swait.ge [sflag:s12], $0x1000  }
0x6b: {  	[sflag:s12] =	ssyncset.done $0x0  }
0x6c: {  	[sflag:s12] =	ssyncadd.s32 $0xFFFFF000  }
0x6d: {  	_ =	swait.ge [sflag:s20], $0x2800  }
0x6e: {  	s4 =	rddreg [dreg:$0x1e]  }
0x6f: {  	s17 =	rddreg [dreg:$0x1c];
	s16 =	sadd.s32 $0x1, s4  }
0x70: {  	p0 =	sne.s32 s16, s17  }
.Ltmp1:
0x71: {  	_ = 	snop;
	(pc) =	sbr.rel @!p0 .LBB2_9-.Ltmp1, $3  }
0x72: {  	_ =	sdelay $0x1  }
0x73: {  	[sflag:s20] =	ssyncset.done $0x0  }
0x74: {  	s12 =	simm.s32 $0x14000;
	[sflag:s20] =	ssyncadd.s32 $0xFFFFD800  }
.LBB2_1:
0x75: {  	[dreg:$0x1e] =	wrdreg s16;
	s4 =	simm.s32 $0x0;
	s17 =	simm.s32 $0x200  }
.LBB2_2:
0x76: {  	p0 =	sne.s32 s17, $0x3E00;
	[tilespmem:s4+$0x16070] =	vst v0  }
0x77: {  	[tilespmem:s4+$0x16000] =	vst v0  }
0x78: {  	[tilespmem:s4+$0x16010] =	vst v0  }
.Ltmp2:
0x79: {  	[tilespmem:s4+$0x16020] =	vst v0;
	(pc) =	sbr.rel @p0 .LBB2_2-.Ltmp2, $4  }
0x7a: {  	[tilespmem:s4+$0x16030] =	vst v0  }
0x7b: {  	[tilespmem:s4+$0x16040] =	vst v0  }
0x7c: {  	[tilespmem:s4+$0x16050] =	vst v0  }
0x7d: {  	[tilespmem:s4+$0x16060] =	vst v0;
	s4 =	sshra.s32 s17, $0x2;
	s17 =	sadd.s32 $0x200, s17  }
0x7e: {  	[tilespmem:s4+$0x16070] =	vst v0  }
0x7f: {  	[tilespmem:s4+$0x16000] =	vst v0  }
0x80: {  	[tilespmem:s4+$0x16010] =	vst v0  }
0x81: {  	[tilespmem:s4+$0x16020] =	vst v0  }
0x82: {  	[tilespmem:s4+$0x16030] =	vst v0  }
0x83: {  	[tilespmem:s4+$0x16040] =	vst v0  }
0x84: {  	[tilespmem:s4+$0x16050] =	vst v0  }
0x85: {  	[tilespmem:s4+$0x16060] =	vst v0;
	s4 =	simm.s32 $0x0;
	s16 =	rddreg [dreg:$0x6]  }
0x86: {  	[tilespmem:s0], [sflag:$0x1] =	stream.linear.gather [hbm4b:s16+s4], $0x1000, $0x38;
	[tilespmem:$0x1C000] =	vst v63  }
0x87: {  	_ = 	snop  }
0x88: {  	[spmem:s25] =	stream.linear.scatter [tilespmem:s3], [sflag:$0x9], $0x1000, $0x38;
	[tilespmem:$0x1C000] =	vst v63  }
0x89: {  	s25 =	rddreg [dreg:$0x9]  }
0x8a: {  	[tilespmem:s5], [sflag:$0x2] =	stream.linear.gather [hbm4b:s25+s4], $0x1000, $0x38;
	[tilespmem:$0x1C000] =	vst v63  }
0x8b: {  	_ = 	snop  }
0x8c: {  	[spmem:s26] =	stream.linear.scatter [tilespmem:s3], [sflag:$0xA], $0x1000, $0x38;
	[tilespmem:$0x1C000] =	vst v63  }
0x8d: {  	s26 =	rddreg [dreg:$0xe]  }
0x8e: {  	[tilespmem:s7], [sflag:$0x3] =	stream.linear.gather [hbm4b:s26+s4], $0x1000, $0x38;
	[tilespmem:$0x1C000] =	vst v63  }
0x8f: {  	_ = 	snop  }
0x90: {  	[spmem:s28] =	stream.linear.scatter [tilespmem:s3], [sflag:$0xB], $0x1000, $0x38;
	[tilespmem:$0x1C000] =	vst v63  }
0x91: {  	s28 =	rddreg [dreg:$0xf]  }
0x92: {  	[tilespmem:s10], [sflag:$0x4] =	stream.linear.gather [hbm4b:s28+s4], $0x1000, $0x38;
	[tilespmem:$0x1C000] =	vst v63  }
0x93: {  	s17 =	rddreg [dreg:$0x15]  }
0x94: {  	[spmem:s17] =	stream.linear.scatter [tilespmem:s3], [sflag:$0xC], $0x1000, $0x38;
	[tilespmem:$0x1C000] =	vst v63  }
0x95: {  	s25 =	rddreg [dreg:$0x10]  }
0x96: {  	[tilespmem:s15], [sflag:$0x5] =	stream.linear.gather [hbm4b:s25+s4], $0x1000, $0x38;
	[tilespmem:$0x1C000] =	vst v63  }
0x97: {  	s26 =	rddreg [dreg:$0x17]  }
0x98: {  	[spmem:s26] =	stream.linear.scatter [tilespmem:s3], [sflag:$0xD], $0x1000, $0x38;
	[tilespmem:$0x1C000] =	vst v63  }
0x99: {  	s28 =	rddreg [dreg:$0x19];
	s17 =	simm.s32 $0xA000  }
0x9a: {  	[tilespmem:s17], [sflag:$0x11] =	stream.linear.gather [hbm4b:s28+s4], $0x2800, $0x38;
	[tilespmem:$0x1C000] =	vst v63  }
0x9b: {  	s17 =	simm.s32 $0x11  }
0x9c: {  	_ =	swait.ge [sflag:s17], $0x2800  }
0x9d: {  	[sflag:s17] =	ssyncset.done $0x0  }
0x9e: {  	s26 =	simm.s32 $0xC800;
	s25 =	rddreg [dreg:$0x1a];
	[sflag:s17] =	ssyncadd.s32 $0xFFFFD800  }
0x9f: {  	[tilespmem:s26], [sflag:$0x11] =	stream.linear.gather [hbm4b:s25+s4], $0x2800, $0x38;
	[tilespmem:$0x1C000] =	vst v63  }
0xa0: {  	_ =	swait.ge [sflag:s17], $0x2800  }
0xa1: {  	[sflag:s17] =	ssyncset.done $0x0  }
0xa2: {  	s28 =	rddreg [dreg:$0x4];
	[sflag:s17] =	ssyncadd.s32 $0xFFFFD800  }
0xa3: {  	[tilespmem:s18], [sflag:$0x11] =	stream.linear.gather [hbm4b:s28+s4], $0x2800, $0x38;
	[tilespmem:$0x1C000] =	vst v63  }
0xa4: {  	_ =	swait.ge [sflag:s17], $0x2800  }
0xa5: {  	[sflag:s17] =	ssyncset.done $0x0  }
0xa6: {  	s4 =	simm.s32 $0x0;
	[sflag:s17] =	ssyncadd.s32 $0xFFFFD800;
	s17 =	simm.s32 $0x200  }
.LBB2_4:
0xa7: {  	p0 =	sne.s32 s17, $0x9E00;
	[tilespmem:s4+$0x19870] =	vst v0  }
0xa8: {  	[tilespmem:s4+$0x19800] =	vst v0  }
0xa9: {  	[tilespmem:s4+$0x19810] =	vst v0  }
.Ltmp3:
0xaa: {  	[tilespmem:s4+$0x19820] =	vst v0;
	(pc) =	sbr.rel @p0 .LBB2_4-.Ltmp3, $4  }
0xab: {  	[tilespmem:s4+$0x19830] =	vst v0  }
0xac: {  	[tilespmem:s4+$0x19840] =	vst v0  }
0xad: {  	[tilespmem:s4+$0x19850] =	vst v0  }
0xae: {  	[tilespmem:s4+$0x19860] =	vst v0;
	s4 =	sshra.s32 s17, $0x2;
	s17 =	sadd.s32 $0x200, s17  }
0xaf: {  	[tilespmem:s4+$0x19870] =	vst v0  }
0xb0: {  	[tilespmem:s4+$0x19800] =	vst v0  }
0xb1: {  	[tilespmem:s4+$0x19810] =	vst v0  }
0xb2: {  	[tilespmem:s4+$0x19820] =	vst v0  }
0xb3: {  	[tilespmem:s4+$0x19830] =	vst v0  }
0xb4: {  	[tilespmem:s4+$0x19840] =	vst v0  }
0xb5: {  	[tilespmem:s4+$0x19850] =	vst v0  }
0xb6: {  	[tilespmem:s4+$0x19860] =	vst v0  }
0xb7: {  	_ =	swait.ge [sflag:s19], $0x1000  }
0xb8: {  	[sflag:s19] =	ssyncset.done $0x0  }
0xb9: {  	s26 =	rddreg [dreg:$0x11];
	[sflag:s19] =	ssyncadd.s32 $0xFFFFF000  }
0xba: {  	[spmem:s26] =	stream.linear.scatter [tilespmem:s0], [sflag:$0x1], $0x1000, $0x38;
	[tilespmem:$0x1C000] =	vst v63  }
0xbb: {  	_ =	swait.ge [sflag:s21], $0x1000  }
0xbc: {  	[sflag:s21] =	ssyncset.done $0x0  }
0xbd: {  	s28 =	rddreg [dreg:$0x12];
	[sflag:s21] =	ssyncadd.s32 $0xFFFFF000  }
0xbe: {  	[spmem:s28] =	stream.linear.scatter [tilespmem:s5], [sflag:$0x2], $0x1000, $0x38;
	[tilespmem:$0x1C000] =	vst v63  }
0xbf: {  	_ =	swait.ge [sflag:s6], $0x1000  }
0xc0: {  	[sflag:s6] =	ssyncset.done $0x0  }
0xc1: {  	s16 =	rddreg [dreg:$0x14];
	[sflag:s6] =	ssyncadd.s32 $0xFFFFF000  }
0xc2: {  	[spmem:s16] =	stream.linear.scatter [tilespmem:s7], [sflag:$0x3], $0x1000, $0x38;
	[tilespmem:$0x1C000] =	vst v63  }
0xc3: {  	_ =	swait.ge [sflag:s23], $0x1000  }
0xc4: {  	[sflag:s23] =	ssyncset.done $0x0  }
0xc5: {  	s17 =	rddreg [dreg:$0x16];
	[sflag:s23] =	ssyncadd.s32 $0xFFFFF000  }
0xc6: {  	[spmem:s17] =	stream.linear.scatter [tilespmem:s10], [sflag:$0x4], $0x1000, $0x38;
	[tilespmem:$0x1C000] =	vst v63  }
0xc7: {  	_ =	swait.ge [sflag:s8], $0x1000  }
0xc8: {  	[sflag:s8] =	ssyncset.done $0x0  }
0xc9: {  	s25 =	rddreg [dreg:$0x18];
	[sflag:s8] =	ssyncadd.s32 $0xFFFFF000  }
0xca: {  	[spmem:s25] =	stream.linear.scatter [tilespmem:s15], [sflag:$0x5], $0x1000, $0x38;
	[tilespmem:$0x1C000] =	vst v63  }
0xcb: {  	_ =	swait.ge [sflag:s19], $0x1000  }
0xcc: {  	[sflag:s19] =	ssyncset.done $0x0  }
0xcd: {  	s26 =	simm.s32 $0x9;
	[sflag:s19] =	ssyncadd.s32 $0xFFFFF000  }
0xce: {  	_ =	swait.ge [sflag:s26], $0x1000  }
0xcf: {  	[sflag:s26] =	ssyncset.done $0x0  }
0xd0: {  	[sflag:s26] =	ssyncadd.s32 $0xFFFFF000  }
0xd1: {  	_ =	swait.ge [sflag:s21], $0x1000  }
0xd2: {  	[sflag:s21] =	ssyncset.done $0x0  }
0xd3: {  	s28 =	simm.s32 $0xA;
	[sflag:s21] =	ssyncadd.s32 $0xFFFFF000  }
0xd4: {  	_ =	swait.ge [sflag:s28], $0x1000  }
0xd5: {  	[sflag:s28] =	ssyncset.done $0x0  }
0xd6: {  	[sflag:s28] =	ssyncadd.s32 $0xFFFFF000  }
0xd7: {  	_ =	swait.ge [sflag:s6], $0x1000  }
0xd8: {  	[sflag:s6] =	ssyncset.done $0x0  }
0xd9: {  	s16 =	simm.s32 $0xB;
	[sflag:s6] =	ssyncadd.s32 $0xFFFFF000  }
0xda: {  	_ =	swait.ge [sflag:s16], $0x1000  }
0xdb: {  	[sflag:s16] =	ssyncset.done $0x0  }
0xdc: {  	[sflag:s16] =	ssyncadd.s32 $0xFFFFF000  }
0xdd: {  	_ =	swait.ge [sflag:s23], $0x1000  }
0xde: {  	[sflag:s23] =	ssyncset.done $0x0  }
0xdf: {  	[sflag:s23] =	ssyncadd.s32 $0xFFFFF000  }
0xe0: {  	_ =	swait.ge [sflag:s24], $0x1000  }
0xe1: {  	[sflag:s24] =	ssyncset.done $0x0  }
0xe2: {  	[sflag:s24] =	ssyncadd.s32 $0xFFFFF000  }
0xe3: {  	_ =	swait.ge [sflag:s8], $0x1000  }
0xe4: {  	[sflag:s8] =	ssyncset.done $0x0  }
0xe5: {  	s17 =	simm.s32 $0xD;
	[sflag:s8] =	ssyncadd.s32 $0xFFFFF000  }
0xe6: {  	_ =	swait.ge [sflag:s17], $0x1000  }
0xe7: {  	[sflag:s17] =	ssyncset.done $0x0  }
0xe8: {  	[sflag:s17] =	ssyncadd.s32 $0xFFFFF000  }
0xe9: {  	s25 =	simm.s32 $0xA000;
	[bflag:$0x0] =	sbarrier.arrive $0xFFFF  }
0xea: {  	[tilespmem:s0], [sflag:$0x1] =	stream.indirect.gather [spmem:s2], $0x20, s25, s31, $0xb8;
	[tilespmem:$0x1C000] =	vst v63  }
0xeb: {  	s26 =	simm.s32 $0xA080  }
0xec: {  	[tilespmem:s5], [sflag:$0x2] =	stream.indirect.gather [spmem:s2], $0x20, s26, s31, $0xb8;
	[tilespmem:$0x1C000] =	vst v63  }
0xed: {  	s28 =	simm.s32 $0xA100  }
0xee: {  	[tilespmem:s7], [sflag:$0x3] =	stream.indirect.gather [spmem:s2], $0x20, s28, s31, $0xb8;
	[tilespmem:$0x1C000] =	vst v63  }
0xef: {  	s16 =	simm.s32 $0xA180  }
0xf0: {  	[tilespmem:s10], [sflag:$0x4] =	stream.indirect.gather [spmem:s2], $0x20, s16, s31, $0xb8;
	[tilespmem:$0x1C000] =	vst v63  }
0xf1: {  	s17 =	simm.s32 $0xA200  }
0xf2: {  	[tilespmem:s15], [sflag:$0x5] =	stream.indirect.gather [spmem:s2], $0x20, s17, s31, $0xb8;
	[tilespmem:$0x1C000] =	vst v63  }
0xf3: {  	s25 =	simm.s32 $0xA280  }
0xf4: {  	[tilespmem:s12], [sflag:$0x6] =	stream.indirect.gather [spmem:s2], $0x20, s25, s31, $0xb8;
	[tilespmem:$0x1C000] =	vst v63  }
0xf5: {  	s26 =	simm.s32 $0xA300  }
0xf6: {  	[tilespmem:s13], [sflag:$0x7] =	stream.indirect.gather [spmem:s2], $0x20, s26, s31, $0xb8;
	[tilespmem:$0x1C000] =	vst v63  }
0xf7: {  	s4 =	simm.s32 $0x0;
	s28 =	simm.s32 $0xA380  }
0xf8: {  	[tilespmem:s3], [sflag:$0x8] =	stream.indirect.gather [spmem:s2], $0x20, s28, s31, $0xb8;
	[tilespmem:$0x1C000] =	vst v63  }
.LBB2_6:
0xf9: {  	_ =	swait.ge [sflag:s19], $0x1000  }
0xfa: {  	s17 =	sshra.s32 s4, $0x2;
	[sflag:s19] =	ssyncset.done $0x0  }
0xfb: {  	s25 =	sadd.s32 $0xC800, s17;
	[sflag:s19] =	ssyncadd.s32 $0xFFFFF000  }
0xfc: {  	[spmem:s1] =	stream.indirect.scatter.add.f32 [tilespmem:s0], [sflag:$0x9], $0x20, s25, s31, $0xb8;
	[tilespmem:$0x1C000] =	vst v63  }
0xfd: {  	v1 =	vld [tilespmem:s17+$0xC800];
	_ =	sdelay $0x4  }
0xfe: {  	v2 =	vld [tilespmem:s17+$0xA000];
	_ =	sdelay $0x2  }
0xff: {  	v1 =	vld.idx.msk [tilespmem:v1+s18+$0x0], $0xffff;
	_ =	sdelay $0x4  }
0x100: {  	[tilespmem:v2+s14+$0x0] =	vst.idx.add.f32.msk $0xffff, v1  }
0x101: {  	v1 =	vld [tilespmem:s17+$0xC810];
	_ =	sdelay $0x4  }
0x102: {  	v2 =	vld [tilespmem:s17+$0xA010];
	_ =	sdelay $0x2  }
0x103: {  	v1 =	vld.idx.msk [tilespmem:v1+s18+$0x0], $0xffff;
	_ =	sdelay $0x4  }
0x104: {  	[tilespmem:v2+s14+$0x0] =	vst.idx.add.f32.msk $0xffff, v1  }
0x105: {  	v1 =	vld [tilespmem:s17+$0xC820];
	_ =	sdelay $0x4  }
0x106: {  	v2 =	vld [tilespmem:s17+$0xA020];
	_ =	sdelay $0x2  }
0x107: {  	v1 =	vld.idx.msk [tilespmem:v1+s18+$0x0], $0xffff;
	_ =	sdelay $0x4  }
0x108: {  	[tilespmem:v2+s14+$0x0] =	vst.idx.add.f32.msk $0xffff, v1  }
0x109: {  	v1 =	vld [tilespmem:s17+$0xC830];
	_ =	sdelay $0x4  }
0x10a: {  	v2 =	vld [tilespmem:s17+$0xA030];
	_ =	sdelay $0x2  }
0x10b: {  	v1 =	vld.idx.msk [tilespmem:v1+s18+$0x0], $0xffff;
	_ =	sdelay $0x4  }
0x10c: {  	[tilespmem:v2+s14+$0x0] =	vst.idx.add.f32.msk $0xffff, v1  }
0x10d: {  	v1 =	vld [tilespmem:s17+$0xC840];
	_ =	sdelay $0x4  }
0x10e: {  	v2 =	vld [tilespmem:s17+$0xA040];
	_ =	sdelay $0x2  }
0x10f: {  	v1 =	vld.idx.msk [tilespmem:v1+s18+$0x0], $0xffff;
	_ =	sdelay $0x4  }
0x110: {  	[tilespmem:v2+s14+$0x0] =	vst.idx.add.f32.msk $0xffff, v1  }
0x111: {  	v1 =	vld [tilespmem:s17+$0xC850];
	_ =	sdelay $0x4  }
0x112: {  	v2 =	vld [tilespmem:s17+$0xA050];
	_ =	sdelay $0x2  }
0x113: {  	v1 =	vld.idx.msk [tilespmem:v1+s18+$0x0], $0xffff;
	_ =	sdelay $0x4  }
0x114: {  	[tilespmem:v2+s14+$0x0] =	vst.idx.add.f32.msk $0xffff, v1  }
0x115: {  	v1 =	vld [tilespmem:s17+$0xC860];
	_ =	sdelay $0x4  }
0x116: {  	v2 =	vld [tilespmem:s17+$0xA060];
	_ =	sdelay $0x2  }
0x117: {  	v1 =	vld.idx.msk [tilespmem:v1+s18+$0x0], $0xffff;
	_ =	sdelay $0x4  }
0x118: {  	[tilespmem:v2+s14+$0x0] =	vst.idx.add.f32.msk $0xffff, v1  }
0x119: {  	v1 =	vld [tilespmem:s17+$0xC870];
	_ =	sdelay $0x4  }
0x11a: {  	v2 =	vld [tilespmem:s17+$0xA070];
	_ =	sdelay $0x2  }
0x11b: {  	v1 =	vld.idx.msk [tilespmem:v1+s18+$0x0], $0xffff;
	_ =	sdelay $0x3  }
0x11c: {  	p0 =	seq.s32 s4, $0x9000  }
0x11d: {  	s25 =	simm.s32 @!p0 $0x9;
	[tilespmem:v2+s14+$0x0] =	vst.idx.add.f32.msk $0xffff, v1  }
0x11e: {  	_ =	swait.ge @!p0 [sflag:s25], $0x1000  }
0x11f: {  	[sflag:s25] =	ssyncset.done @!p0 $0x0  }
0x120: {  	[sflag:s25] =	ssyncadd.s32 @!p0 $0xFFFFF000;
	s25 =	sshra.s32 @!p0 s4, $0x2  }
0x121: {  	s26 =	simm.s32 @!p0 $0x80;
	s16 =	simm.s32 @!p0 $0xF000;
	s28 =	sadd.s32 @!p0 $0xA400, s25  }
0x122: {  	[tilespmem:s16], [sflag:$0x1] =	stream.indirect.gather @!p0 [spmem:s2], $0x20, s28, s26, $0xb8;
	[tilespmem:$0x1C000] =	vst v63  }
0x123: {  	_ =	swait.ge [sflag:s21], $0x1000  }
0x124: {  	[sflag:s21] =	ssyncset.done $0x0  }
0x125: {  	s28 =	sadd.s32 $0xC880, s17;
	[sflag:s21] =	ssyncadd.s32 $0xFFFFF000  }
0x126: {  	[spmem:s1] =	stream.indirect.scatter.add.f32 [tilespmem:s5], [sflag:$0xA], $0x20, s28, s31, $0xb8;
	[tilespmem:$0x1C000] =	vst v63  }
0x127: {  	v1 =	vld [tilespmem:s17+$0xC880];
	_ =	sdelay $0x4  }
0x128: {  	v2 =	vld [tilespmem:s17+$0xA080];
	_ =	sdelay $0x2  }
0x129: {  	v1 =	vld.idx.msk [tilespmem:v1+s18+$0x0], $0xffff;
	_ =	sdelay $0x4  }
0x12a: {  	[tilespmem:v2+s14+$0x0] =	vst.idx.add.f32.msk $0xffff, v1  }
0x12b: {  	v1 =	vld [tilespmem:s17+$0xC890];
	_ =	sdelay $0x4  }
0x12c: {  	v2 =	vld [tilespmem:s17+$0xA090];
	_ =	sdelay $0x2  }
0x12d: {  	v1 =	vld.idx.msk [tilespmem:v1+s18+$0x0], $0xffff;
	_ =	sdelay $0x4  }
0x12e: {  	[tilespmem:v2+s14+$0x0] =	vst.idx.add.f32.msk $0xffff, v1  }
0x12f: {  	v1 =	vld [tilespmem:s17+$0xC8A0];
	_ =	sdelay $0x4  }
0x130: {  	v2 =	vld [tilespmem:s17+$0xA0A0];
	_ =	sdelay $0x2  }
0x131: {  	v1 =	vld.idx.msk [tilespmem:v1+s18+$0x0], $0xffff;
	_ =	sdelay $0x4  }
0x132: {  	[tilespmem:v2+s14+$0x0] =	vst.idx.add.f32.msk $0xffff, v1  }
0x133: {  	v1 =	vld [tilespmem:s17+$0xC8B0];
	_ =	sdelay $0x4  }
0x134: {  	v2 =	vld [tilespmem:s17+$0xA0B0];
	_ =	sdelay $0x2  }
0x135: {  	v1 =	vld.idx.msk [tilespmem:v1+s18+$0x0], $0xffff;
	_ =	sdelay $0x4  }
0x136: {  	[tilespmem:v2+s14+$0x0] =	vst.idx.add.f32.msk $0xffff, v1  }
0x137: {  	v1 =	vld [tilespmem:s17+$0xC8C0];
	_ =	sdelay $0x4  }
0x138: {  	v2 =	vld [tilespmem:s17+$0xA0C0];
	_ =	sdelay $0x2  }
0x139: {  	v1 =	vld.idx.msk [tilespmem:v1+s18+$0x0], $0xffff;
	_ =	sdelay $0x4  }
0x13a: {  	[tilespmem:v2+s14+$0x0] =	vst.idx.add.f32.msk $0xffff, v1  }
0x13b: {  	v1 =	vld [tilespmem:s17+$0xC8D0];
	_ =	sdelay $0x4  }
0x13c: {  	v2 =	vld [tilespmem:s17+$0xA0D0];
	_ =	sdelay $0x2  }
0x13d: {  	v1 =	vld.idx.msk [tilespmem:v1+s18+$0x0], $0xffff;
	_ =	sdelay $0x4  }
0x13e: {  	[tilespmem:v2+s14+$0x0] =	vst.idx.add.f32.msk $0xffff, v1  }
0x13f: {  	v1 =	vld [tilespmem:s17+$0xC8E0];
	_ =	sdelay $0x4  }
0x140: {  	v2 =	vld [tilespmem:s17+$0xA0E0];
	_ =	sdelay $0x2  }
0x141: {  	v1 =	vld.idx.msk [tilespmem:v1+s18+$0x0], $0xffff;
	_ =	sdelay $0x4  }
0x142: {  	[tilespmem:v2+s14+$0x0] =	vst.idx.add.f32.msk $0xffff, v1  }
0x143: {  	v1 =	vld [tilespmem:s17+$0xC8F0];
	_ =	sdelay $0x4  }
0x144: {  	v2 =	vld [tilespmem:s17+$0xA0F0];
	_ =	sdelay $0x2  }
0x145: {  	v1 =	vld.idx.msk [tilespmem:v1+s18+$0x0], $0xffff;
	_ =	sdelay $0x4  }
0x146: {  	s16 =	simm.s32 @!p0 $0xA;
	[tilespmem:v2+s14+$0x0] =	vst.idx.add.f32.msk $0xffff, v1  }
0x147: {  	_ =	swait.ge @!p0 [sflag:s16], $0x1000  }
0x148: {  	[sflag:s16] =	ssyncset.done @!p0 $0x0  }
0x149: {  	s28 =	simm.s32 @!p0 $0x10000;
	[sflag:s16] =	ssyncadd.s32 @!p0 $0xFFFFF000;
	s16 =	sadd.s32 @!p0 $0xA480, s25  }
0x14a: {  	[tilespmem:s28], [sflag:$0x2] =	stream.indirect.gather @!p0 [spmem:s2], $0x20, s16, s26, $0xb8;
	[tilespmem:$0x1C000] =	vst v63  }
0x14b: {  	_ =	swait.ge [sflag:s6], $0x1000  }
0x14c: {  	[sflag:s6] =	ssyncset.done $0x0  }
0x14d: {  	s28 =	sadd.s32 $0xC900, s17;
	[sflag:s6] =	ssyncadd.s32 $0xFFFFF000  }
0x14e: {  	[spmem:s1] =	stream.indirect.scatter.add.f32 [tilespmem:s7], [sflag:$0xB], $0x20, s28, s31, $0xb8;
	[tilespmem:$0x1C000] =	vst v63  }
0x14f: {  	v1 =	vld [tilespmem:s17+$0xC900];
	_ =	sdelay $0x4  }
0x150: {  	v2 =	vld [tilespmem:s17+$0xA100];
	_ =	sdelay $0x2  }
0x151: {  	v1 =	vld.idx.msk [tilespmem:v1+s18+$0x0], $0xffff;
	_ =	sdelay $0x4  }
0x152: {  	[tilespmem:v2+s14+$0x0] =	vst.idx.add.f32.msk $0xffff, v1  }
0x153: {  	v1 =	vld [tilespmem:s17+$0xC910];
	_ =	sdelay $0x4  }
0x154: {  	v2 =	vld [tilespmem:s17+$0xA110];
	_ =	sdelay $0x2  }
0x155: {  	v1 =	vld.idx.msk [tilespmem:v1+s18+$0x0], $0xffff;
	_ =	sdelay $0x4  }
0x156: {  	[tilespmem:v2+s14+$0x0] =	vst.idx.add.f32.msk $0xffff, v1  }
0x157: {  	v1 =	vld [tilespmem:s17+$0xC920];
	_ =	sdelay $0x4  }
0x158: {  	v2 =	vld [tilespmem:s17+$0xA120];
	_ =	sdelay $0x2  }
0x159: {  	v1 =	vld.idx.msk [tilespmem:v1+s18+$0x0], $0xffff;
	_ =	sdelay $0x4  }
0x15a: {  	[tilespmem:v2+s14+$0x0] =	vst.idx.add.f32.msk $0xffff, v1  }
0x15b: {  	v1 =	vld [tilespmem:s17+$0xC930];
	_ =	sdelay $0x4  }
0x15c: {  	v2 =	vld [tilespmem:s17+$0xA130];
	_ =	sdelay $0x2  }
0x15d: {  	v1 =	vld.idx.msk [tilespmem:v1+s18+$0x0], $0xffff;
	_ =	sdelay $0x4  }
0x15e: {  	[tilespmem:v2+s14+$0x0] =	vst.idx.add.f32.msk $0xffff, v1  }
0x15f: {  	v1 =	vld [tilespmem:s17+$0xC940];
	_ =	sdelay $0x4  }
0x160: {  	v2 =	vld [tilespmem:s17+$0xA140];
	_ =	sdelay $0x2  }
0x161: {  	v1 =	vld.idx.msk [tilespmem:v1+s18+$0x0], $0xffff;
	_ =	sdelay $0x4  }
0x162: {  	[tilespmem:v2+s14+$0x0] =	vst.idx.add.f32.msk $0xffff, v1  }
0x163: {  	v1 =	vld [tilespmem:s17+$0xC950];
	_ =	sdelay $0x4  }
0x164: {  	v2 =	vld [tilespmem:s17+$0xA150];
	_ =	sdelay $0x2  }
0x165: {  	v1 =	vld.idx.msk [tilespmem:v1+s18+$0x0], $0xffff;
	_ =	sdelay $0x4  }
0x166: {  	[tilespmem:v2+s14+$0x0] =	vst.idx.add.f32.msk $0xffff, v1  }
0x167: {  	v1 =	vld [tilespmem:s17+$0xC960];
	_ =	sdelay $0x4  }
0x168: {  	v2 =	vld [tilespmem:s17+$0xA160];
	_ =	sdelay $0x2  }
0x169: {  	v1 =	vld.idx.msk [tilespmem:v1+s18+$0x0], $0xffff;
	_ =	sdelay $0x4  }
0x16a: {  	[tilespmem:v2+s14+$0x0] =	vst.idx.add.f32.msk $0xffff, v1  }
0x16b: {  	v1 =	vld [tilespmem:s17+$0xC970];
	_ =	sdelay $0x4  }
0x16c: {  	v2 =	vld [tilespmem:s17+$0xA170];
	_ =	sdelay $0x2  }
0x16d: {  	v1 =	vld.idx.msk [tilespmem:v1+s18+$0x0], $0xffff;
	_ =	sdelay $0x4  }
0x16e: {  	s16 =	simm.s32 @!p0 $0xB;
	[tilespmem:v2+s14+$0x0] =	vst.idx.add.f32.msk $0xffff, v1  }
0x16f: {  	_ =	swait.ge @!p0 [sflag:s16], $0x1000  }
0x170: {  	[sflag:s16] =	ssyncset.done @!p0 $0x0  }
0x171: {  	s28 =	simm.s32 @!p0 $0x11000;
	[sflag:s16] =	ssyncadd.s32 @!p0 $0xFFFFF000;
	s16 =	sadd.s32 @!p0 $0xA500, s25  }
0x172: {  	[tilespmem:s28], [sflag:$0x3] =	stream.indirect.gather @!p0 [spmem:s2], $0x20, s16, s26, $0xb8;
	[tilespmem:$0x1C000] =	vst v63  }
0x173: {  	_ =	swait.ge [sflag:s23], $0x1000  }
0x174: {  	[sflag:s23] =	ssyncset.done $0x0  }
0x175: {  	s28 =	sadd.s32 $0xC980, s17;
	[sflag:s23] =	ssyncadd.s32 $0xFFFFF000  }
0x176: {  	[spmem:s1] =	stream.indirect.scatter.add.f32 [tilespmem:s10], [sflag:$0xC], $0x20, s28, s31, $0xb8;
	[tilespmem:$0x1C000] =	vst v63  }
0x177: {  	v1 =	vld [tilespmem:s17+$0xC980];
	_ =	sdelay $0x4  }
0x178: {  	v2 =	vld [tilespmem:s17+$0xA180];
	_ =	sdelay $0x2  }
0x179: {  	v1 =	vld.idx.msk [tilespmem:v1+s18+$0x0], $0xffff;
	_ =	sdelay $0x4  }
0x17a: {  	[tilespmem:v2+s14+$0x0] =	vst.idx.add.f32.msk $0xffff, v1  }
0x17b: {  	v1 =	vld [tilespmem:s17+$0xC990];
	_ =	sdelay $0x4  }
0x17c: {  	v2 =	vld [tilespmem:s17+$0xA190];
	_ =	sdelay $0x2  }
0x17d: {  	v1 =	vld.idx.msk [tilespmem:v1+s18+$0x0], $0xffff;
	_ =	sdelay $0x4  }
0x17e: {  	[tilespmem:v2+s14+$0x0] =	vst.idx.add.f32.msk $0xffff, v1  }
0x17f: {  	v1 =	vld [tilespmem:s17+$0xC9A0];
	_ =	sdelay $0x4  }
0x180: {  	v2 =	vld [tilespmem:s17+$0xA1A0];
	_ =	sdelay $0x2  }
0x181: {  	v1 =	vld.idx.msk [tilespmem:v1+s18+$0x0], $0xffff;
	_ =	sdelay $0x4  }
0x182: {  	[tilespmem:v2+s14+$0x0] =	vst.idx.add.f32.msk $0xffff, v1  }
0x183: {  	v1 =	vld [tilespmem:s17+$0xC9B0];
	_ =	sdelay $0x4  }
0x184: {  	v2 =	vld [tilespmem:s17+$0xA1B0];
	_ =	sdelay $0x2  }
0x185: {  	v1 =	vld.idx.msk [tilespmem:v1+s18+$0x0], $0xffff;
	_ =	sdelay $0x4  }
0x186: {  	[tilespmem:v2+s14+$0x0] =	vst.idx.add.f32.msk $0xffff, v1  }
0x187: {  	v1 =	vld [tilespmem:s17+$0xC9C0];
	_ =	sdelay $0x4  }
0x188: {  	v2 =	vld [tilespmem:s17+$0xA1C0];
	_ =	sdelay $0x2  }
0x189: {  	v1 =	vld.idx.msk [tilespmem:v1+s18+$0x0], $0xffff;
	_ =	sdelay $0x4  }
0x18a: {  	[tilespmem:v2+s14+$0x0] =	vst.idx.add.f32.msk $0xffff, v1  }
0x18b: {  	v1 =	vld [tilespmem:s17+$0xC9D0];
	_ =	sdelay $0x4  }
0x18c: {  	v2 =	vld [tilespmem:s17+$0xA1D0];
	_ =	sdelay $0x2  }
0x18d: {  	v1 =	vld.idx.msk [tilespmem:v1+s18+$0x0], $0xffff;
	_ =	sdelay $0x4  }
0x18e: {  	[tilespmem:v2+s14+$0x0] =	vst.idx.add.f32.msk $0xffff, v1  }
0x18f: {  	v1 =	vld [tilespmem:s17+$0xC9E0];
	_ =	sdelay $0x4  }
0x190: {  	v2 =	vld [tilespmem:s17+$0xA1E0];
	_ =	sdelay $0x2  }
0x191: {  	v1 =	vld.idx.msk [tilespmem:v1+s18+$0x0], $0xffff;
	_ =	sdelay $0x4  }
0x192: {  	[tilespmem:v2+s14+$0x0] =	vst.idx.add.f32.msk $0xffff, v1  }
0x193: {  	v1 =	vld [tilespmem:s17+$0xC9F0];
	_ =	sdelay $0x4  }
0x194: {  	v2 =	vld [tilespmem:s17+$0xA1F0];
	_ =	sdelay $0x2  }
0x195: {  	v1 =	vld.idx.msk [tilespmem:v1+s18+$0x0], $0xffff;
	_ =	sdelay $0x4  }
0x196: {  	s16 =	simm.s32 @!p0 $0xC;
	[tilespmem:v2+s14+$0x0] =	vst.idx.add.f32.msk $0xffff, v1  }
0x197: {  	_ =	swait.ge @!p0 [sflag:s16], $0x1000  }
0x198: {  	[sflag:s16] =	ssyncset.done @!p0 $0x0  }
0x199: {  	s28 =	simm.s32 @!p0 $0x12000;
	[sflag:s16] =	ssyncadd.s32 @!p0 $0xFFFFF000;
	s16 =	sadd.s32 @!p0 $0xA580, s25  }
0x19a: {  	[tilespmem:s28], [sflag:$0x4] =	stream.indirect.gather @!p0 [spmem:s2], $0x20, s16, s26, $0xb8;
	[tilespmem:$0x1C000] =	vst v63  }
0x19b: {  	_ =	swait.ge [sflag:s8], $0x1000  }
0x19c: {  	[sflag:s8] =	ssyncset.done $0x0  }
0x19d: {  	s28 =	sadd.s32 $0xCA00, s17;
	[sflag:s8] =	ssyncadd.s32 $0xFFFFF000  }
0x19e: {  	[spmem:s1] =	stream.indirect.scatter.add.f32 [tilespmem:s15], [sflag:$0xD], $0x20, s28, s31, $0xb8;
	[tilespmem:$0x1C000] =	vst v63  }
0x19f: {  	v1 =	vld [tilespmem:s17+$0xCA00];
	_ =	sdelay $0x4  }
0x1a0: {  	v2 =	vld [tilespmem:s17+$0xA200];
	_ =	sdelay $0x2  }
0x1a1: {  	v1 =	vld.idx.msk [tilespmem:v1+s18+$0x0], $0xffff;
	_ =	sdelay $0x4  }
0x1a2: {  	[tilespmem:v2+s14+$0x0] =	vst.idx.add.f32.msk $0xffff, v1  }
0x1a3: {  	v1 =	vld [tilespmem:s17+$0xCA10];
	_ =	sdelay $0x4  }
0x1a4: {  	v2 =	vld [tilespmem:s17+$0xA210];
	_ =	sdelay $0x2  }
0x1a5: {  	v1 =	vld.idx.msk [tilespmem:v1+s18+$0x0], $0xffff;
	_ =	sdelay $0x4  }
0x1a6: {  	[tilespmem:v2+s14+$0x0] =	vst.idx.add.f32.msk $0xffff, v1  }
0x1a7: {  	v1 =	vld [tilespmem:s17+$0xCA20];
	_ =	sdelay $0x4  }
0x1a8: {  	v2 =	vld [tilespmem:s17+$0xA220];
	_ =	sdelay $0x2  }
0x1a9: {  	v1 =	vld.idx.msk [tilespmem:v1+s18+$0x0], $0xffff;
	_ =	sdelay $0x4  }
0x1aa: {  	[tilespmem:v2+s14+$0x0] =	vst.idx.add.f32.msk $0xffff, v1  }
0x1ab: {  	v1 =	vld [tilespmem:s17+$0xCA30];
	_ =	sdelay $0x4  }
0x1ac: {  	v2 =	vld [tilespmem:s17+$0xA230];
	_ =	sdelay $0x2  }
0x1ad: {  	v1 =	vld.idx.msk [tilespmem:v1+s18+$0x0], $0xffff;
	_ =	sdelay $0x4  }
0x1ae: {  	[tilespmem:v2+s14+$0x0] =	vst.idx.add.f32.msk $0xffff, v1  }
0x1af: {  	v1 =	vld [tilespmem:s17+$0xCA40];
	_ =	sdelay $0x4  }
0x1b0: {  	v2 =	vld [tilespmem:s17+$0xA240];
	_ =	sdelay $0x2  }
0x1b1: {  	v1 =	vld.idx.msk [tilespmem:v1+s18+$0x0], $0xffff;
	_ =	sdelay $0x4  }
0x1b2: {  	[tilespmem:v2+s14+$0x0] =	vst.idx.add.f32.msk $0xffff, v1  }
0x1b3: {  	v1 =	vld [tilespmem:s17+$0xCA50];
	_ =	sdelay $0x4  }
0x1b4: {  	v2 =	vld [tilespmem:s17+$0xA250];
	_ =	sdelay $0x2  }
0x1b5: {  	v1 =	vld.idx.msk [tilespmem:v1+s18+$0x0], $0xffff;
	_ =	sdelay $0x4  }
0x1b6: {  	[tilespmem:v2+s14+$0x0] =	vst.idx.add.f32.msk $0xffff, v1  }
0x1b7: {  	v1 =	vld [tilespmem:s17+$0xCA60];
	_ =	sdelay $0x4  }
0x1b8: {  	v2 =	vld [tilespmem:s17+$0xA260];
	_ =	sdelay $0x2  }
0x1b9: {  	v1 =	vld.idx.msk [tilespmem:v1+s18+$0x0], $0xffff;
	_ =	sdelay $0x4  }
0x1ba: {  	[tilespmem:v2+s14+$0x0] =	vst.idx.add.f32.msk $0xffff, v1  }
0x1bb: {  	v1 =	vld [tilespmem:s17+$0xCA70];
	_ =	sdelay $0x4  }
0x1bc: {  	v2 =	vld [tilespmem:s17+$0xA270];
	_ =	sdelay $0x2  }
0x1bd: {  	v1 =	vld.idx.msk [tilespmem:v1+s18+$0x0], $0xffff;
	_ =	sdelay $0x4  }
0x1be: {  	s16 =	simm.s32 @!p0 $0xD;
	[tilespmem:v2+s14+$0x0] =	vst.idx.add.f32.msk $0xffff, v1  }
0x1bf: {  	_ =	swait.ge @!p0 [sflag:s16], $0x1000  }
0x1c0: {  	[sflag:s16] =	ssyncset.done @!p0 $0x0  }
0x1c1: {  	s28 =	simm.s32 @!p0 $0x13000;
	[sflag:s16] =	ssyncadd.s32 @!p0 $0xFFFFF000;
	s16 =	sadd.s32 @!p0 $0xA600, s25  }
0x1c2: {  	[tilespmem:s28], [sflag:$0x5] =	stream.indirect.gather @!p0 [spmem:s2], $0x20, s16, s26, $0xb8;
	[tilespmem:$0x1C000] =	vst v63  }
0x1c3: {  	_ =	swait.ge [sflag:s9], $0x1000  }
0x1c4: {  	[sflag:s9] =	ssyncset.done $0x0  }
0x1c5: {  	s28 =	sadd.s32 $0xCA80, s17;
	[sflag:s9] =	ssyncadd.s32 $0xFFFFF000  }
0x1c6: {  	[spmem:s1] =	stream.indirect.scatter.add.f32 [tilespmem:s12], [sflag:$0xE], $0x20, s28, s31, $0xb8;
	[tilespmem:$0x1C000] =	vst v63  }
0x1c7: {  	v1 =	vld [tilespmem:s17+$0xCA80];
	_ =	sdelay $0x4  }
0x1c8: {  	v2 =	vld [tilespmem:s17+$0xA280];
	_ =	sdelay $0x2  }
0x1c9: {  	v1 =	vld.idx.msk [tilespmem:v1+s18+$0x0], $0xffff;
	_ =	sdelay $0x4  }
0x1ca: {  	[tilespmem:v2+s14+$0x0] =	vst.idx.add.f32.msk $0xffff, v1  }
0x1cb: {  	v1 =	vld [tilespmem:s17+$0xCA90];
	_ =	sdelay $0x4  }
0x1cc: {  	v2 =	vld [tilespmem:s17+$0xA290];
	_ =	sdelay $0x2  }
0x1cd: {  	v1 =	vld.idx.msk [tilespmem:v1+s18+$0x0], $0xffff;
	_ =	sdelay $0x4  }
0x1ce: {  	[tilespmem:v2+s14+$0x0] =	vst.idx.add.f32.msk $0xffff, v1  }
0x1cf: {  	v1 =	vld [tilespmem:s17+$0xCAA0];
	_ =	sdelay $0x4  }
0x1d0: {  	v2 =	vld [tilespmem:s17+$0xA2A0];
	_ =	sdelay $0x2  }
0x1d1: {  	v1 =	vld.idx.msk [tilespmem:v1+s18+$0x0], $0xffff;
	_ =	sdelay $0x4  }
0x1d2: {  	[tilespmem:v2+s14+$0x0] =	vst.idx.add.f32.msk $0xffff, v1  }
0x1d3: {  	v1 =	vld [tilespmem:s17+$0xCAB0];
	_ =	sdelay $0x4  }
0x1d4: {  	v2 =	vld [tilespmem:s17+$0xA2B0];
	_ =	sdelay $0x2  }
0x1d5: {  	v1 =	vld.idx.msk [tilespmem:v1+s18+$0x0], $0xffff;
	_ =	sdelay $0x4  }
0x1d6: {  	[tilespmem:v2+s14+$0x0] =	vst.idx.add.f32.msk $0xffff, v1  }
0x1d7: {  	v1 =	vld [tilespmem:s17+$0xCAC0];
	_ =	sdelay $0x4  }
0x1d8: {  	v2 =	vld [tilespmem:s17+$0xA2C0];
	_ =	sdelay $0x2  }
0x1d9: {  	v1 =	vld.idx.msk [tilespmem:v1+s18+$0x0], $0xffff;
	_ =	sdelay $0x4  }
0x1da: {  	[tilespmem:v2+s14+$0x0] =	vst.idx.add.f32.msk $0xffff, v1  }
0x1db: {  	v1 =	vld [tilespmem:s17+$0xCAD0];
	_ =	sdelay $0x4  }
0x1dc: {  	v2 =	vld [tilespmem:s17+$0xA2D0];
	_ =	sdelay $0x2  }
0x1dd: {  	v1 =	vld.idx.msk [tilespmem:v1+s18+$0x0], $0xffff;
	_ =	sdelay $0x4  }
0x1de: {  	[tilespmem:v2+s14+$0x0] =	vst.idx.add.f32.msk $0xffff, v1  }
0x1df: {  	v1 =	vld [tilespmem:s17+$0xCAE0];
	_ =	sdelay $0x4  }
0x1e0: {  	v2 =	vld [tilespmem:s17+$0xA2E0];
	_ =	sdelay $0x2  }
0x1e1: {  	v1 =	vld.idx.msk [tilespmem:v1+s18+$0x0], $0xffff;
	_ =	sdelay $0x4  }
0x1e2: {  	[tilespmem:v2+s14+$0x0] =	vst.idx.add.f32.msk $0xffff, v1  }
0x1e3: {  	v1 =	vld [tilespmem:s17+$0xCAF0];
	_ =	sdelay $0x4  }
0x1e4: {  	v2 =	vld [tilespmem:s17+$0xA2F0];
	_ =	sdelay $0x2  }
0x1e5: {  	v1 =	vld.idx.msk [tilespmem:v1+s18+$0x0], $0xffff;
	_ =	sdelay $0x4  }
0x1e6: {  	s16 =	simm.s32 @!p0 $0xE;
	[tilespmem:v2+s14+$0x0] =	vst.idx.add.f32.msk $0xffff, v1  }
0x1e7: {  	_ =	swait.ge @!p0 [sflag:s16], $0x1000  }
0x1e8: {  	[sflag:s16] =	ssyncset.done @!p0 $0x0  }
0x1e9: {  	s28 =	simm.s32 @!p0 $0x14000;
	[sflag:s16] =	ssyncadd.s32 @!p0 $0xFFFFF000;
	s16 =	sadd.s32 @!p0 $0xA680, s25  }
0x1ea: {  	[tilespmem:s28], [sflag:$0x6] =	stream.indirect.gather @!p0 [spmem:s2], $0x20, s16, s26, $0xb8;
	[tilespmem:$0x1C000] =	vst v63  }
0x1eb: {  	_ =	swait.ge [sflag:s11], $0x1000  }
0x1ec: {  	[sflag:s11] =	ssyncset.done $0x0  }
0x1ed: {  	s28 =	sadd.s32 $0xCB00, s17;
	[sflag:s11] =	ssyncadd.s32 $0xFFFFF000  }
0x1ee: {  	[spmem:s1] =	stream.indirect.scatter.add.f32 [tilespmem:s13], [sflag:$0xF], $0x20, s28, s31, $0xb8;
	[tilespmem:$0x1C000] =	vst v63  }
0x1ef: {  	v1 =	vld [tilespmem:s17+$0xCB00];
	_ =	sdelay $0x4  }
0x1f0: {  	v2 =	vld [tilespmem:s17+$0xA300];
	_ =	sdelay $0x2  }
0x1f1: {  	v1 =	vld.idx.msk [tilespmem:v1+s18+$0x0], $0xffff;
	_ =	sdelay $0x4  }
0x1f2: {  	[tilespmem:v2+s14+$0x0] =	vst.idx.add.f32.msk $0xffff, v1  }
0x1f3: {  	v1 =	vld [tilespmem:s17+$0xCB10];
	_ =	sdelay $0x4  }
0x1f4: {  	v2 =	vld [tilespmem:s17+$0xA310];
	_ =	sdelay $0x2  }
0x1f5: {  	v1 =	vld.idx.msk [tilespmem:v1+s18+$0x0], $0xffff;
	_ =	sdelay $0x4  }
0x1f6: {  	[tilespmem:v2+s14+$0x0] =	vst.idx.add.f32.msk $0xffff, v1  }
0x1f7: {  	v1 =	vld [tilespmem:s17+$0xCB20];
	_ =	sdelay $0x4  }
0x1f8: {  	v2 =	vld [tilespmem:s17+$0xA320];
	_ =	sdelay $0x2  }
0x1f9: {  	v1 =	vld.idx.msk [tilespmem:v1+s18+$0x0], $0xffff;
	_ =	sdelay $0x4  }
0x1fa: {  	[tilespmem:v2+s14+$0x0] =	vst.idx.add.f32.msk $0xffff, v1  }
0x1fb: {  	v1 =	vld [tilespmem:s17+$0xCB30];
	_ =	sdelay $0x4  }
0x1fc: {  	v2 =	vld [tilespmem:s17+$0xA330];
	_ =	sdelay $0x2  }
0x1fd: {  	v1 =	vld.idx.msk [tilespmem:v1+s18+$0x0], $0xffff;
	_ =	sdelay $0x4  }
0x1fe: {  	[tilespmem:v2+s14+$0x0] =	vst.idx.add.f32.msk $0xffff, v1  }
0x1ff: {  	v1 =	vld [tilespmem:s17+$0xCB40];
	_ =	sdelay $0x4  }
0x200: {  	v2 =	vld [tilespmem:s17+$0xA340];
	_ =	sdelay $0x2  }
0x201: {  	v1 =	vld.idx.msk [tilespmem:v1+s18+$0x0], $0xffff;
	_ =	sdelay $0x4  }
0x202: {  	[tilespmem:v2+s14+$0x0] =	vst.idx.add.f32.msk $0xffff, v1  }
0x203: {  	v1 =	vld [tilespmem:s17+$0xCB50];
	_ =	sdelay $0x4  }
0x204: {  	v2 =	vld [tilespmem:s17+$0xA350];
	_ =	sdelay $0x2  }
0x205: {  	v1 =	vld.idx.msk [tilespmem:v1+s18+$0x0], $0xffff;
	_ =	sdelay $0x4  }
0x206: {  	[tilespmem:v2+s14+$0x0] =	vst.idx.add.f32.msk $0xffff, v1  }
0x207: {  	v1 =	vld [tilespmem:s17+$0xCB60];
	_ =	sdelay $0x4  }
0x208: {  	v2 =	vld [tilespmem:s17+$0xA360];
	_ =	sdelay $0x2  }
0x209: {  	v1 =	vld.idx.msk [tilespmem:v1+s18+$0x0], $0xffff;
	_ =	sdelay $0x4  }
0x20a: {  	[tilespmem:v2+s14+$0x0] =	vst.idx.add.f32.msk $0xffff, v1  }
0x20b: {  	v1 =	vld [tilespmem:s17+$0xCB70];
	_ =	sdelay $0x4  }
0x20c: {  	v2 =	vld [tilespmem:s17+$0xA370];
	_ =	sdelay $0x2  }
0x20d: {  	v1 =	vld.idx.msk [tilespmem:v1+s18+$0x0], $0xffff;
	_ =	sdelay $0x4  }
0x20e: {  	s16 =	simm.s32 @!p0 $0xF;
	[tilespmem:v2+s14+$0x0] =	vst.idx.add.f32.msk $0xffff, v1  }
0x20f: {  	_ =	swait.ge @!p0 [sflag:s16], $0x1000  }
0x210: {  	[sflag:s16] =	ssyncset.done @!p0 $0x0  }
0x211: {  	[sflag:s16] =	ssyncadd.s32 @!p0 $0xFFFFF000;
	s16 =	sadd.s32 @!p0 $0xA700, s25;
	s25 =	simm.s32 @!p0 $0x15000  }
0x212: {  	[tilespmem:s25], [sflag:$0x7] =	stream.indirect.gather @!p0 [spmem:s2], $0x20, s16, s26, $0xb8;
	[tilespmem:$0x1C000] =	vst v63  }
0x213: {  	_ =	swait.ge [sflag:s20], $0x1000  }
0x214: {  	[sflag:s20] =	ssyncset.done $0x0  }
0x215: {  	s28 =	sadd.s32 $0xCB80, s17;
	[sflag:s20] =	ssyncadd.s32 $0xFFFFF000  }
0x216: {  	[spmem:s1] =	stream.indirect.scatter.add.f32 [tilespmem:s3], [sflag:$0x10], $0x20, s28, s31, $0xb8;
	[tilespmem:$0x1C000] =	vst v63  }
0x217: {  	v1 =	vld [tilespmem:s17+$0xCB80];
	_ =	sdelay $0x4  }
0x218: {  	v2 =	vld [tilespmem:s17+$0xA380];
	_ =	sdelay $0x2  }
0x219: {  	v1 =	vld.idx.msk [tilespmem:v1+s18+$0x0], $0xffff;
	_ =	sdelay $0x4  }
0x21a: {  	[tilespmem:v2+s14+$0x0] =	vst.idx.add.f32.msk $0xffff, v1  }
0x21b: {  	v1 =	vld [tilespmem:s17+$0xCB90];
	_ =	sdelay $0x4  }
0x21c: {  	v2 =	vld [tilespmem:s17+$0xA390];
	_ =	sdelay $0x2  }
0x21d: {  	v1 =	vld.idx.msk [tilespmem:v1+s18+$0x0], $0xffff;
	_ =	sdelay $0x4  }
0x21e: {  	[tilespmem:v2+s14+$0x0] =	vst.idx.add.f32.msk $0xffff, v1  }
0x21f: {  	v1 =	vld [tilespmem:s17+$0xCBA0];
	_ =	sdelay $0x4  }
0x220: {  	v2 =	vld [tilespmem:s17+$0xA3A0];
	_ =	sdelay $0x2  }
0x221: {  	v1 =	vld.idx.msk [tilespmem:v1+s18+$0x0], $0xffff;
	_ =	sdelay $0x4  }
0x222: {  	[tilespmem:v2+s14+$0x0] =	vst.idx.add.f32.msk $0xffff, v1  }
0x223: {  	v1 =	vld [tilespmem:s17+$0xCBB0];
	_ =	sdelay $0x4  }
0x224: {  	v2 =	vld [tilespmem:s17+$0xA3B0];
	_ =	sdelay $0x2  }
0x225: {  	v1 =	vld.idx.msk [tilespmem:v1+s18+$0x0], $0xffff;
	_ =	sdelay $0x4  }
0x226: {  	[tilespmem:v2+s14+$0x0] =	vst.idx.add.f32.msk $0xffff, v1  }
0x227: {  	v1 =	vld [tilespmem:s17+$0xCBC0];
	_ =	sdelay $0x4  }
0x228: {  	v2 =	vld [tilespmem:s17+$0xA3C0];
	_ =	sdelay $0x2  }
0x229: {  	v1 =	vld.idx.msk [tilespmem:v1+s18+$0x0], $0xffff;
	_ =	sdelay $0x4  }
0x22a: {  	[tilespmem:v2+s14+$0x0] =	vst.idx.add.f32.msk $0xffff, v1  }
0x22b: {  	v1 =	vld [tilespmem:s17+$0xCBD0];
	_ =	sdelay $0x4  }
0x22c: {  	v2 =	vld [tilespmem:s17+$0xA3D0];
	_ =	sdelay $0x2  }
0x22d: {  	v1 =	vld.idx.msk [tilespmem:v1+s18+$0x0], $0xffff;
	_ =	sdelay $0x4  }
0x22e: {  	[tilespmem:v2+s14+$0x0] =	vst.idx.add.f32.msk $0xffff, v1  }
0x22f: {  	v1 =	vld [tilespmem:s17+$0xCBE0];
	_ =	sdelay $0x4  }
0x230: {  	v2 =	vld [tilespmem:s17+$0xA3E0];
	_ =	sdelay $0x2  }
0x231: {  	v1 =	vld.idx.msk [tilespmem:v1+s18+$0x0], $0xffff;
	_ =	sdelay $0x4  }
0x232: {  	[tilespmem:v2+s14+$0x0] =	vst.idx.add.f32.msk $0xffff, v1  }
0x233: {  	v1 =	vld [tilespmem:s17+$0xCBF0];
	_ =	sdelay $0x4  }
0x234: {  	v2 =	vld [tilespmem:s17+$0xA3F0];
	_ =	sdelay $0x2  }
0x235: {  	v1 =	vld.idx.msk [tilespmem:v1+s18+$0x0], $0xffff  }
.Ltmp4:
0x236: {  	_ = 	snop;
	(pc) =	sbr.rel @p0 .LBB2_8-.Ltmp4, $2  }
0x237: {  	_ =	sdelay $0x2  }
0x238: {  	[tilespmem:v2+s14+$0x0] =	vst.idx.add.f32.msk $0xffff, v1  }
.Ltmp5:
0x239: {  	(pc) =	sbr.rel .LBB2_6-.Ltmp5, $4  }
0x23a: {  	_ =	swait.ge [sflag:s22], $0x1000  }
0x23b: {  	[sflag:s22] =	ssyncset.done $0x0  }
0x23c: {  	s16 =	sadd.s32 $0xA780, s17;
	s4 =	sadd.s32 $0x1000, s4;
	[sflag:s22] =	ssyncadd.s32 $0xFFFFF000  }
0x23d: {  	[tilespmem:s3], [sflag:$0x8] =	stream.indirect.gather [spmem:s2], $0x20, s16, s31, $0xb8;
	[tilespmem:$0x1C000] =	vst v63  }
.LBB2_9:
0x23e: {  	_ =	sfence.sel $0x180000  }
0x23f: {  	[bflag:$0x0] =	sbarrier.arrive $0xFFFF  }
0x240: {  	_ =	strace $0x9000004A  }
0x241: {  	s0 =	stileid.u32;
	[bflag:$0x2] =	sbarrier.arrive $0xFFFF  }
0x242: {  	p0 =	sne.s32 s0, $0x0;
	s0 =	rddreg [dreg:$0x3]  }
0x243: {  	s0 =	sadd.s32 @!p0 $0x100000, s0  }
0x244: {  	[sflag:s0] =	ssyncadd.tile.s32 @!p0 $0x1;
	_ =	shalt  }
.Lfunc_end2:
_tile_overlayer_lowered:
.L_overlay_start_2:
0x245: {  	(tag) =	ssettag $0x2  }
0x246: {  	s0 =	rddreg [dreg:$0x0];
	s2 =	stileid.u32  }
0x247: {  	s1 =	rddreg [dreg:$0x1];
	p0 =	sne.s32 s2, $0x0  }
0x248: {  	s3 =	rddreg [dreg:$0x2];
	[bflag:$0x3] =	sbarrier.arrive $0xFFFF;
	s2 =	simm.s32 @!p0 $0x1C11  }
0x249: {  	[timem:s3], [sflag:s2] =	dma.local @!p0 [hbm:s0], s1  }
0x24a: {  	s0 =	simm.s32 @!p0 $0x11  }
0x24b: {  	_ =	swait.ge @!p0 [sflag:s0], s1  }
0x24c: {  	s1 =	ssub.s32 @!p0 $0x0, s1;
	[sflag:s0] =	ssyncset.done @!p0 $0x0  }
0x24d: {  	[sflag:s0] =	ssyncadd.s32 @!p0 s1  }
0x24e: {  	[bflag:$0x3] =	sbarrier.arrive $0xFFFF  }
0x24f: {  	_ =	shalt  }

// kernel: kernel.15.cloned.1.call-start
scs
__scs_entry_jumppad:
0x0: {  	(pc) =	sbr.rel $0x88, $3  }
0x1: {  	(tag) =	ssettag $0x0;
	lr =	simm.s32 $0x1  }
0x2: {  	[smem:$0x3F97] =	sst lr;
	_ =	strace $0xD0000000  }
0x3: {  	_ = 	snop  }
0x4: {  	_ = 	snop  }
0x5: {  	_ = 	snop  }
0x6: {  	_ = 	snop  }
0x7: {  	_ = 	snop  }
__scs_overlays_trampoline_lowered:
0x8: {  	[smem:$0x3FA6] =	sst s0  }
0x9: {  	[smem:$0x3FA7] =	sst s1  }
0xa: {  	[smem:$0x3FA8] =	sst s2  }
0xb: {  	[smem:$0x3FA9] =	sst s3  }
0xc: {  	[smem:$0x3FAA] =	sst s4  }
0xd: {  	[smem:$0x3FAB] =	sst s5  }
0xe: {  	[smem:$0x3FAC] =	sst s6  }
0xf: {  	[smem:$0x3FAD] =	sst s7  }
0x10: {  	[smem:$0x3FAE] =	sst s8  }
0x11: {  	[smem:$0x3FAF] =	sst s9;
	s0 =	simm.s32 @!p0 $0x0  }
0x12: {  	s1 =	sld [smem:$0x3F95];
	s0 =	simm.s32 @p0 $0x1  }
0x13: {  	[smem:$0x3FB0] =	sst s0;
	s0 =	simm.s32 @!p1 $0x0  }
0x14: {  	s2 =	sld [smem:$0x3F94];
	s0 =	simm.s32 @p1 $0x1  }
0x15: {  	[smem:$0x3FB1] =	sst s0;
	s0 =	simm.s32 @!p2 $0x0  }
0x16: {  	s3 =	sld [smem:$0x3FDB];
	s0 =	simm.s32 @p2 $0x1  }
0x17: {  	s4 =	simm.s32 $0x1BF5;
	[smem:$0x3FB3] =	sst s0  }
0x18: {  	s0 =	sld [smem:$0x3F96];
	_ =	swait.ge [sflag:s4], $0x0  }
0x19: {  	s7 =	sld [smem:$0x3F97]  }
0x1a: {  	s8 =	sadd.s32 $0xFFFFE003, lr  }
0x1b: {  	s9 =	sadd.s32 $0xFFFFFEF7, lr;
	s5 =	simm.s32 $0xFFFFFFFF;
	p2 =	slt.u32 s8, $0xFFFFF086  }
0x1c: {  	p1 =	slt.u32 s9, $0xF7A;
	s5 =	simm.s32 @!p2 $0x0  }
0x1d: {  	s5 =	simm.s32 @p1 $0x1;
	p0 =	seq.s32 s7, s2  }
0x1e: {  	s7 =	smul.u32 @!p0 $0xF7A, s2;
	p2 =	seq.s32 @!p0 s5, $0x0  }
0x1f: {  	s9 =	smul.u32 $0xF7A, s1;
	s8 =	simm.s32 @!p0 $0x1BF5;
	p2 =	por !p2, p0  }
0x20: {  	[sflag:s8] =	ssyncset.s32 @!p0 $0xFFFFF086;
	s6 =	sadd.s32 @!p0 s3, s7;
	s7 =	simm.s32 @!p0 $0x108  }
0x21: {  	s3 =	sadd.s32 s3, s9;
	s6 =	sadd.s32 @!p0 $0x88, s6;
	s7 =	simm.s32 @p2 $0x1082  }
0x22: {  	[simem:s7], [sflag:s8] =	dma.local @!p0 [hbm:s6], $0xF7A  }
0x23: {  	s9 =	sor.u32 $0xD0000000, s2;
	s6 =	simm.s32 $0x108;
	_ =	swait.ge @!p0 [sflag:s8], $0x0  }
0x24: {  	s3 =	sadd.s32 $0x88, s3;
	s6 =	simm.s32 @!p1 $0x1082;
	[sflag:s4] =	ssyncset.s32 $0xFFFFF086  }
0x25: {  	[simem:s6], [sflag:s4] =	dma.local [hbm:s3], $0xF7A  }
0x26: {  	[smem:$0x3F97] =	sst s1;
	(tag) =	ssettag s2;
	_ =	strace s9  }
0x27: {  	s1 =	sld [smem:$0x3FA7]  }
0x28: {  	s2 =	sld [smem:$0x3FA8]  }
0x29: {  	s4 =	sld [smem:$0x3FAA]  }
0x2a: {  	p0 =	seq.s32 s5, $0x0;
	s5 =	sld [smem:$0x3FAB]  }
0x2b: {  	s6 =	sld [smem:$0x3FAC]  }
0x2c: {  	s7 =	sld [smem:$0x3FAD]  }
0x2d: {  	s3 =	simm.s32 $0x108;
	s8 =	sld [smem:$0x3FAE]  }
0x2e: {  	s3 =	simm.s32 @!p0 $0x1082;
	s9 =	sld [smem:$0x3FAF]  }
0x2f: {  	lr =	sadd.s32 s0, s3;
	s0 =	sld [smem:$0x3FA6]  }
0x30: {  	s3 =	sld [smem:$0x3FA9]  }
0x31: {  	[smem:$0x3FB2] =	sst s10  }
0x32: {  	s10 =	sld [smem:$0x3FB0];
	_ =	sdelay $0x3  }
0x33: {  	p0 =	seq.s32 s10, $0x1;
	s10 =	sld [smem:$0x3FB2];
	_ =	sdelay $0x3  }
0x34: {  	[smem:$0x3FB2] =	sst s10  }
0x35: {  	s10 =	sld [smem:$0x3FB1];
	_ =	sdelay $0x3  }
0x36: {  	p1 =	seq.s32 s10, $0x1;
	s10 =	sld [smem:$0x3FB2];
	_ =	sdelay $0x3  }
0x37: {  	[smem:$0x3FB2] =	sst s10  }
0x38: {  	s10 =	sld [smem:$0x3FB3]  }
0x39: {  	_ = 	snop;
	(pc) =	sbr.ind lr, $3  }
0x3a: {  	_ = 	snop  }
0x3b: {  	_ = 	snop  }
0x3c: {  	p2 =	seq.s32 s10, $0x1;
	s10 =	sld [smem:$0x3FB2]  }
0x3d: {  	_ =	shalt  }
0x3e: {  	_ =	shalt  }
0x3f: {  	_ =	shalt  }
0x40: {  	_ =	shalt  }
0x41: {  	_ =	shalt  }
0x42: {  	_ =	shalt  }
0x43: {  	_ =	shalt  }
0x44: {  	_ =	shalt  }
0x45: {  	_ =	shalt  }
0x46: {  	_ =	shalt  }
0x47: {  	_ =	shalt  }
0x48: {  	_ =	shalt  }
0x49: {  	_ =	shalt  }
0x4a: {  	_ =	shalt  }
0x4b: {  	_ =	shalt  }
0x4c: {  	_ =	shalt  }
0x4d: {  	_ =	shalt  }
0x4e: {  	_ =	shalt  }
0x4f: {  	_ =	shalt  }
0x50: {  	_ =	shalt  }
0x51: {  	_ =	shalt  }
0x52: {  	_ =	shalt  }
0x53: {  	_ =	shalt  }
0x54: {  	_ =	shalt  }
0x55: {  	_ =	shalt  }
0x56: {  	_ =	shalt  }
0x57: {  	_ =	shalt  }
0x58: {  	_ =	shalt  }
0x59: {  	_ =	shalt  }
0x5a: {  	_ =	shalt  }
0x5b: {  	_ =	shalt  }
0x5c: {  	_ =	shalt  }
0x5d: {  	_ =	shalt  }
0x5e: {  	_ =	shalt  }
0x5f: {  	_ =	shalt  }
0x60: {  	_ =	shalt  }
0x61: {  	_ =	shalt  }
0x62: {  	_ =	shalt  }
0x63: {  	_ =	shalt  }
0x64: {  	_ =	shalt  }
0x65: {  	_ =	shalt  }
0x66: {  	_ =	shalt  }
0x67: {  	_ =	shalt  }
0x68: {  	_ =	shalt  }
0x69: {  	_ =	shalt  }
0x6a: {  	_ =	shalt  }
0x6b: {  	_ =	shalt  }
0x6c: {  	_ =	shalt  }
0x6d: {  	_ =	shalt  }
0x6e: {  	_ =	shalt  }
0x6f: {  	_ =	shalt  }
0x70: {  	_ =	shalt  }
0x71: {  	_ =	shalt  }
0x72: {  	_ =	shalt  }
0x73: {  	_ =	shalt  }
0x74: {  	_ =	shalt  }
0x75: {  	_ =	shalt  }
0x76: {  	_ =	shalt  }
0x77: {  	_ =	shalt  }
0x78: {  	_ =	shalt  }
0x79: {  	_ =	shalt  }
0x7a: {  	_ =	shalt  }
0x7b: {  	_ =	shalt  }
0x7c: {  	_ =	shalt  }
0x7d: {  	_ =	shalt  }
0x7e: {  	_ =	shalt  }
0x7f: {  	_ =	shalt  }
0x80: {  	_ =	shalt  }
0x81: {  	_ =	shalt  }
0x82: {  	_ =	shalt  }
0x83: {  	_ =	shalt  }
0x84: {  	_ =	shalt  }
0x85: {  	_ =	shalt  }
0x86: {  	_ =	shalt  }
0x87: {  	_ =	shalt  }
.Lfunc_end0:
.L_simem_size_0:
called_computation.2_lowered:
.L_overlay_start_0:
0x88: {  	s2 =	sld [smem:$0x3FD9]  }
0x89: {  	s3 =	sld [smem:$0x3FFE];
	_ =	sdelay $0x1  }
0x8a: {  	s1 =	srdreg.scid  }
0x8b: {  	s0 =	sand.u32 $0x1, s1  }
0x8c: {  	s16 =	sshll.u32 s0, $0xA;
	s2 =	sadd.s32 s3, s2  }
0x8d: {  	s2 =	sadd.s32 s2, s16  }
0x8e: {  	[smem:$0x3FBE] =	sst s2  }
0x8f: {  	_ = 	snop  }
0x90: {  	(tm) =	ssettm $0x1  }
0x91: {  	s17 =	sld [smem:$0x3FFB];
	_ =	sdelay $0x3  }
0x92: {  	_ =	strace s17  }
0x93: {  	s2 =	sld [smem:$0x3FFC];
	_ =	sdelay $0x3  }
0x94: {  	_ =	strace s2  }
0x95: {  	s2 =	sld [smem:$0x3FFD];
	_ =	sdelay $0x3  }
0x96: {  	_ =	strace s2  }
0x97: {  	_ =	strace $0x8FFFFFFF  }
0x98: {  	s18 =	sld [smem:$0x3FDB];
	_ =	sdelay $0x1  }
0x99: {  	s19 =	simm.s32 $_scs_section_size  }
0x9a: {  	s4 =	simm.s32 $_size__tile_overlayer_lowered;
	s5 =	simm.s32 $_tile_overlayer_lowered  }
0x9b: {  	s22 =	simm.s32 $0x1BFF;
	s21 =	sshll.u32 s5, $0x1;
	s2 =	sadd.s32 s19, s18  }
0x9c: {  	s6 =	simm.s32 $0x0;
	s20 =	sshll.u32 s4, $0x1;
	s4 =	sadd.s32 s21, s2  }
0x9d: {  	[timem:s6], [sflag:s22] =	dma.local [hbm:s4], s20  }
0x9e: {  	_ =	swait.ge [sflag:s22], s20  }
0x9f: {  	s3 =	ssub.s32 $0x0, s20;
	[sflag:s22] =	ssyncset.done $0x0  }
0xa0: {  	[sflag:s22] =	ssyncadd.s32 s3;
	_ =	sdelay $0x1  }
0xa1: {  	s23 =	simm.s32 $0x1B8B  }
0xa2: {  	_ =	swait.ge [sflag:s23], $0x1  }
0xa3: {  	[sflag:s23] =	ssyncset.done $0x0  }
0xa4: {  	s25 =	simm.s32 $0x1B8E;
	s24 =	sld [smem:$0x3FFE];
	[sflag:s23] =	ssyncadd.s32 $0xFFFFFFFF  }
0xa5: {  	s26 =	simm.s32 $execute0_lowered;
	[smem:$0x3FD2] =	sst s25  }
0xa6: {  	s4 =	sshll.u32 s26, $0x1;
	_ =	strace $0x8000004C;
	[dreg:$0x1] =	wrdreg $0xFFFFFFFF  }
0xa7: {  	s28 =	simm.s32 $_size_execute0_lowered;
	s2 =	sadd.s32 s2, s4;
	[dreg:$0x0] =	wrdreg $0x0  }
0xa8: {  	s4 =	sshll.u32 s28, $0x1;
	[dreg:$0x2] =	wrdreg s2  }
0xa9: {  	[dreg:$0x3] =	wrdreg s4  }
0xaa: {  	[dreg:$0x4] =	wrdreg $0xC0  }
0xab: {  	_ =	task [dreg:s6], $0x5FFFF  }
0xac: {  	[dreg:$0x1] =	wrdreg $0xFFFFFFFF  }
0xad: {  	[dreg:$0x0] =	wrdreg $0x60  }
0xae: {  	[dreg:$0x2] =	wrdreg s24  }
0xaf: {  	[dreg:$0x3] =	wrdreg $0x0  }
0xb0: {  	[dreg:$0x4] =	wrdreg $0x50000  }
0xb1: {  	[dreg:$0x5] =	wrdreg $0x9  }
0xb2: {  	_ =	task.clear_ibuf [dreg:s6], $0x6FFFF;
	_ =	strace $0x9000004C  }
0xb3: {  	s29 =	simm.s32 $0x9;
	_ =	strace $0x8000004E  }
0xb4: {  	_ =	swait.ge [sflag:s29], $0x1  }
0xb5: {  	[sflag:s29] =	ssyncadd.s32 $0xFFFFFFFF  }
0xb6: {  	_ =	strace $0x9000004E  }
0xb7: {  	_ =	sfence  }
0xb8: {  	s30 =	sld [smem:$0x0];
	_ =	sdelay $0x2  }
0xb9: {  	s31 =	sshll.u32 s1, $0xD;
	s1 =	sshrl.u32 s1, $0x2  }
0xba: {  	s3 =	sand.u32 $0x4000, s31;
	s1 =	sadd.s32 s1, s30  }
0xbb: {  	s0 =	sor.u32 s3, s0;
	s1 =	sshll.u32 s1, $0x11  }
0xbc: {  	s0 =	sor.u32 s1, s0  }
0xbd: {  	s0 =	sadd.s32 $0x8F2B, s0  }
0xbe: {  	[sflag:s0] =	ssyncadd.remote.s32 $0x1  }
0xbf: {  	_ =	sfence.sel $0xFFFF  }
0xc0: {  	[dreg:$0x0] =	wrdreg $0xFFFFFFFF;
	(pc) =	sbr.abs _section_cstart, $3  }
0xc1: {  	[dreg:$0x1] =	wrdreg $0xFFFFFFFF  }
0xc2: {  	_ =	task.clear_ibuf [dreg:s6], $0x2FFFF;
	_ =	strace $0x9FFFFFFF  }
0xc3: {  	(tm) =	ssettm $0x7FFFFFFF  }
tec
execute0_lowered:
.L_overlay_start_1:
0x0: {  	(tag) =	ssettag $0x1  }
0x1: {  	s0 =	srdreg.scid;
	s1 =	rddreg [dreg:$0x0]  }
0x2: {  	s2 =	rddreg [dreg:$0x1];
	s6 =	stileid.u32  }
0x3: {  	s3 =	rddreg [dreg:$0x2];
	s5 =	simm.s32 $0x0;
	s30 =	simm.s32 $0xF000  }
0x4: {  	s31 =	simm.s32 $0x16000;
	s29 =	simm.s32 $0x8;
	s0 =	sand.u32 $0x1, s0  }
0x5: {  	[smem:$0x7FF] =	sst s5;
	s4 =	sshll.u32 s0, $0x4;
	s11 =	smul.u32 $0xA000, s0  }
0x6: {  	s0 =	ssub.s32 $0x2, s0;
	s4 =	sor.u32 s6, s4;
	s6 =	smul.u32 $0x5000, s6  }
0x7: {  	s7 =	sadd.s32 $0x17400, s1;
	_ =	strace $0x8000004D;
	s12 =	sshrl.u32 s0, $0x1  }
0x8: {  	s4 =	smul.u32 $0x500, s4;
	s0 =	ssub.s32 s0, s12;
	s13 =	sshrl.u32 s6, $0x3  }
0x9: {  	s8 =	sadd.s32 $0x1000, s6;
	s20 =	sadd.s32 s6, s3;
	[dreg:$0x4] =	wrdreg s13  }
0xa: {  	s23 =	sadd.s32 s6, s2;
	s0 =	smax.u32 s0, $0x1;
	[dreg:$0x12] =	wrdreg s20  }
0xb: {  	s15 =	sadd.s32 $0x2000, s6;
	s16 =	sadd.s32 $0x3000, s6;
	[dreg:$0x1a] =	wrdreg s0  }
0xc: {  	s10 =	sadd.s32 $0x4000, s6;
	s5 =	sadd.s32 s7, s13;
	[dreg:$0x7] =	wrdreg s23  }
0xd: {  	s4 =	sadd.s32 s4, s1;
	s9 =	sshrl.u32 s8, $0x3;
	[dreg:$0x6] =	wrdreg s5  }
0xe: {  	s1 =	sadd.s32 s11, s1;
	s11 =	sshrl.u32 s15, $0x3;
	[dreg:$0x5] =	wrdreg s9  }
0xf: {  	s25 =	sadd.s32 s8, s2;
	s12 =	sshrl.u32 s16, $0x3;
	[dreg:$0xa] =	wrdreg s11  }
0x10: {  	s18 =	sshrl.u32 s10, $0x3;
	s21 =	sadd.s32 s8, s3;
	[dreg:$0xb] =	wrdreg s12  }
0x11: {  	s6 =	sadd.s32 s15, s2;
	s22 =	sadd.s32 s15, s3;
	[dreg:$0xe] =	wrdreg s18  }
0x12: {  	s24 =	sadd.s32 s16, s3;
	s26 =	sadd.s32 s10, s3;
	[dreg:$0x13] =	wrdreg s21  }
0x13: {  	s0 =	simm.s32 $0x11000;
	s20 =	simm.s32 $0xA;
	[dreg:$0x15] =	wrdreg s22  }
0x14: {  	s15 =	simm.s32 $0x7;
	s13 =	simm.s32 $0xF;
	[dreg:$0x17] =	wrdreg s24  }
0x15: {  	s8 =	simm.s32 $0x10;
	s14 =	sadd.s32 s7, s9;
	[dreg:$0x19] =	wrdreg s26  }
0x16: {  	s11 =	sadd.s32 s7, s11;
	s17 =	sadd.s32 s7, s12;
	[dreg:$0x9] =	wrdreg s25  }
0x17: {  	s7 =	sadd.s32 s7, s18;
	s19 =	sadd.s32 $0xD400, s4;
	[dreg:$0x14] =	wrdreg s6  }
0x18: {  	s4 =	sadd.s32 $0x2A00, s4;
	s5 =	sadd.s32 s16, s2;
	[dreg:$0x8] =	wrdreg s14  }
0x19: {  	s28 =	sadd.s32 $0x21400, s1;
	s9 =	simm.s32 $0x13000;
	[dreg:$0xc] =	wrdreg s11  }
0x1a: {  	s16 =	simm.s32 $0x3;
	s18 =	simm.s32 $0x5;
	[dreg:$0xd] =	wrdreg s17  }
.Ltmp0:
0x1b: {  	s22 =	simm.s32 $0xC;
	[dreg:$0xf] =	wrdreg s7;
	(pc) =	sbr.rel .LBB2_1-.Ltmp0, $4  }
0x1c: {  	s12 =	simm.s32 $0xD;
	s24 =	simm.s32 $0x80;
	[dreg:$0x10] =	wrdreg s19  }
0x1d: {  	s26 =	simm.s32 $0x15000;
	[dreg:$0x11] =	wrdreg s4;
	s7 =	sadd.s32 s10, s2  }
0x1e: {  	s14 =	simm.s32 $0x1;
	s19 =	simm.s32 $0x9;
	[dreg:$0x16] =	wrdreg s5  }
0x1f: {  	v0 =	vimm.f32 $0.0e+00;
	s11 =	simm.s32 $0xB;
	s10 =	simm.s32 $0x0;
	[dreg:$0x18] =	wrdreg s7  }
.LBB2_6:
0x20: {  	_ =	swait.ge [sflag:s29], $0x1000  }
0x21: {  	[sflag:s29] =	ssyncset.done $0x0  }
0x22: {  	[sflag:s29] =	ssyncadd.s32 $0xFFFFF000  }
0x23: {  	[spmem:s2] =	stream.indirect.scatter.add.f32 [tilespmem:s31], [sflag:$0x10], $0x20, s1, s24, $0xb8;
	[tilespmem:$0x17000] =	vst v63  }
0x24: {  	_ =	swait.ge [sflag:s19], $0x1000  }
0x25: {  	[sflag:s19] =	ssyncset.done $0x0  }
0x26: {  	[sflag:s19] =	ssyncadd.s32 $0xFFFFF000  }
0x27: {  	_ =	swait.ge [sflag:s20], $0x1000  }
0x28: {  	[sflag:s20] =	ssyncset.done $0x0  }
0x29: {  	[sflag:s20] =	ssyncadd.s32 $0xFFFFF000  }
0x2a: {  	_ =	swait.ge [sflag:s11], $0x1000  }
0x2b: {  	[sflag:s11] =	ssyncset.done $0x0  }
0x2c: {  	[sflag:s11] =	ssyncadd.s32 $0xFFFFF000  }
0x2d: {  	_ =	swait.ge [sflag:s22], $0x1000  }
0x2e: {  	[sflag:s22] =	ssyncset.done $0x0  }
0x2f: {  	[sflag:s22] =	ssyncadd.s32 $0xFFFFF000  }
0x30: {  	_ =	swait.ge [sflag:s12], $0x1000  }
0x31: {  	[sflag:s12] =	ssyncset.done $0x0  }
0x32: {  	s25 =	simm.s32 $0xE;
	[sflag:s12] =	ssyncadd.s32 $0xFFFFF000  }
0x33: {  	_ =	swait.ge [sflag:s25], $0x1000  }
0x34: {  	[sflag:s25] =	ssyncset.done $0x0  }
0x35: {  	[sflag:s25] =	ssyncadd.s32 $0xFFFFF000  }
0x36: {  	_ =	swait.ge [sflag:s13], $0x1000  }
0x37: {  	[sflag:s13] =	ssyncset.done $0x0  }
0x38: {  	[sflag:s13] =	ssyncadd.s32 $0xFFFFF000  }
0x39: {  	_ =	swait.ge [sflag:s8], $0x1000  }
0x3a: {  	[sflag:s8] =	ssyncset.done $0x0  }
0x3b: {  	[sflag:s8] =	ssyncadd.s32 $0xFFFFF000  }
0x3c: {  	[bflag:$0x0] =	sbarrier.arrive $0xFFFF  }
0x3d: {  	s23 =	rddreg [dreg:$0x7]  }
0x3e: {  	[tilespmem:s30], [sflag:$0x1] =	stream.linear.gather [spmem:s23], $0x1000, $0x38;
	[tilespmem:$0x17000] =	vst v63  }
0x3f: {  	s21 =	simm.s32 $0x10000;
	s25 =	rddreg [dreg:$0x9]  }
0x40: {  	[tilespmem:s21], [sflag:$0x2] =	stream.linear.gather [spmem:s25], $0x1000, $0x38;
	[tilespmem:$0x17000] =	vst v63  }
0x41: {  	s6 =	rddreg [dreg:$0x14]  }
0x42: {  	[tilespmem:s0], [sflag:$0x3] =	stream.linear.gather [spmem:s6], $0x1000, $0x38;
	[tilespmem:$0x17000] =	vst v63  }
0x43: {  	s17 =	simm.s32 $0x12000;
	s5 =	rddreg [dreg:$0x16]  }
0x44: {  	[tilespmem:s17], [sflag:$0x4] =	stream.linear.gather [spmem:s5], $0x1000, $0x38;
	[tilespmem:$0x17000] =	vst v63  }
0x45: {  	s7 =	rddreg [dreg:$0x18]  }
0x46: {  	[tilespmem:s9], [sflag:$0x5] =	stream.linear.gather [spmem:s7], $0x1000, $0x38;
	[tilespmem:$0x17000] =	vst v63  }
0x47: {  	_ =	swait.ge [sflag:s14], $0x1000  }
0x48: {  	[sflag:s14] =	ssyncset.done $0x0;
	s4 =	rddreg [dreg:$0x4]  }
0x49: {  	[sflag:s14] =	ssyncadd.s32 $0xFFFFF000;
	s1 =	sadd.s32 s4, s28;
	s4 =	simm.s32 $0x0  }
0x4a: {  	[hbm4b:s1+s4] =	stream.linear.scatter [tilespmem:s30], [sflag:$0x9], $0x1000, $0x38;
	[tilespmem:$0x17000] =	vst v63  }
0x4b: {  	s1 =	simm.s32 $0x2  }
0x4c: {  	_ =	swait.ge [sflag:s1], $0x1000  }
0x4d: {  	[sflag:s1] =	ssyncset.done $0x0  }
0x4e: {  	[sflag:s1] =	ssyncadd.s32 $0xFFFFF000;
	s1 =	rddreg [dreg:$0x5]  }
0x4f: {  	s1 =	sadd.s32 s1, s28  }
0x50: {  	[hbm4b:s1+s4] =	stream.linear.scatter [tilespmem:s21], [sflag:$0xA], $0x1000, $0x38;
	[tilespmem:$0x17000] =	vst v63  }
0x51: {  	_ =	swait.ge [sflag:s16], $0x1000  }
0x52: {  	[sflag:s16] =	ssyncset.done $0x0;
	s21 =	rddreg [dreg:$0xa]  }
0x53: {  	[sflag:s16] =	ssyncadd.s32 $0xFFFFF000;
	s1 =	sadd.s32 s21, s28;
	s21 =	simm.s32 $0x4  }
0x54: {  	[hbm4b:s1+s4] =	stream.linear.scatter [tilespmem:s0], [sflag:$0xB], $0x1000, $0x38;
	[tilespmem:$0x17000] =	vst v63  }
0x55: {  	_ =	swait.ge [sflag:s21], $0x1000  }
0x56: {  	[sflag:s21] =	ssyncset.done $0x0  }
0x57: {  	[sflag:s21] =	ssyncadd.s32 $0xFFFFF000;
	s21 =	rddreg [dreg:$0xb]  }
0x58: {  	s1 =	sadd.s32 s21, s28  }
0x59: {  	[hbm4b:s1+s4] =	stream.linear.scatter [tilespmem:s17], [sflag:$0xC], $0x1000, $0x38;
	[tilespmem:$0x17000] =	vst v63  }
0x5a: {  	_ =	swait.ge [sflag:s18], $0x1000  }
0x5b: {  	[sflag:s18] =	ssyncset.done $0x0;
	s17 =	rddreg [dreg:$0xe]  }
0x5c: {  	[sflag:s18] =	ssyncadd.s32 $0xFFFFF000;
	s1 =	sadd.s32 s17, s28  }
0x5d: {  	[hbm4b:s1+s4] =	stream.linear.scatter [tilespmem:s9], [sflag:$0xD], $0x1000, $0x38;
	[tilespmem:$0x17000] =	vst v63  }
0x5e: {  	_ =	swait.ge [sflag:s19], $0x1000  }
0x5f: {  	[sflag:s19] =	ssyncset.done $0x0  }
0x60: {  	[sflag:s19] =	ssyncadd.s32 $0xFFFFF000  }
0x61: {  	_ =	swait.ge [sflag:s20], $0x1000  }
0x62: {  	[sflag:s20] =	ssyncset.done $0x0  }
0x63: {  	[sflag:s20] =	ssyncadd.s32 $0xFFFFF000  }
0x64: {  	_ =	swait.ge [sflag:s11], $0x1000  }
0x65: {  	[sflag:s11] =	ssyncset.done $0x0  }
0x66: {  	[sflag:s11] =	ssyncadd.s32 $0xFFFFF000  }
0x67: {  	_ =	swait.ge [sflag:s22], $0x1000  }
0x68: {  	[sflag:s22] =	ssyncset.done $0x0  }
0x69: {  	[sflag:s22] =	ssyncadd.s32 $0xFFFFF000  }
0x6a: {  	_ =	swait.ge [sflag:s12], $0x1000  }
0x6b: {  	s10 =	sadd.s32 $0x1, s10;
	s21 =	rddreg [dreg:$0x1a]  }
0x6c: {  	p0 =	sne.s32 s10, s21  }
.Ltmp1:
0x6d: {  	_ = 	snop;
	(pc) =	sbr.rel @!p0 .LBB2_7-.Ltmp1, $3  }
0x6e: {  	_ =	sdelay $0x1  }
0x6f: {  	[sflag:s12] =	ssyncset.done $0x0  }
0x70: {  	[sflag:s12] =	ssyncadd.s32 $0xFFFFF000  }
.LBB2_1:
0x71: {  	s1 =	simm.s32 $0x0;
	s4 =	simm.s32 $0x200  }
.LBB2_2:
0x72: {  	p0 =	sne.s32 s4, $0x3E00;
	[tilespmem:s1+$0x16070] =	vst v0  }
0x73: {  	[tilespmem:s1+$0x16000] =	vst v0  }
0x74: {  	[tilespmem:s1+$0x16010] =	vst v0  }
.Ltmp2:
0x75: {  	[tilespmem:s1+$0x16020] =	vst v0;
	(pc) =	sbr.rel @p0 .LBB2_2-.Ltmp2, $4  }
0x76: {  	[tilespmem:s1+$0x16030] =	vst v0  }
0x77: {  	[tilespmem:s1+$0x16040] =	vst v0  }
0x78: {  	[tilespmem:s1+$0x16050] =	vst v0  }
0x79: {  	[tilespmem:s1+$0x16060] =	vst v0;
	s1 =	sshra.s32 s4, $0x2;
	s4 =	sadd.s32 $0x200, s4  }
0x7a: {  	[tilespmem:s1+$0x16070] =	vst v0  }
0x7b: {  	[tilespmem:s1+$0x16000] =	vst v0  }
0x7c: {  	[tilespmem:s1+$0x16010] =	vst v0  }
0x7d: {  	[tilespmem:s1+$0x16020] =	vst v0  }
0x7e: {  	[tilespmem:s1+$0x16030] =	vst v0  }
0x7f: {  	[tilespmem:s1+$0x16040] =	vst v0  }
0x80: {  	[tilespmem:s1+$0x16050] =	vst v0  }
0x81: {  	[tilespmem:s1+$0x16060] =	vst v0;
	s21 =	simm.s32 $0x0;
	s4 =	rddreg [dreg:$0x6]  }
0x82: {  	[tilespmem:s30], [sflag:$0x1] =	stream.linear.gather [hbm4b:s4+s21], $0x1000, $0x38;
	[tilespmem:$0x17000] =	vst v63  }
0x83: {  	_ = 	snop  }
0x84: {  	[spmem:s23] =	stream.linear.scatter [tilespmem:s31], [sflag:$0x9], $0x1000, $0x38;
	[tilespmem:$0x17000] =	vst v63  }
0x85: {  	s17 =	rddreg [dreg:$0x8];
	s4 =	simm.s32 $0x10000  }
0x86: {  	[tilespmem:s4], [sflag:$0x2] =	stream.linear.gather [hbm4b:s17+s21], $0x1000, $0x38;
	[tilespmem:$0x17000] =	vst v63  }
0x87: {  	_ = 	snop  }
0x88: {  	[spmem:s25] =	stream.linear.scatter [tilespmem:s31], [sflag:$0xA], $0x1000, $0x38;
	[tilespmem:$0x17000] =	vst v63  }
0x89: {  	s23 =	rddreg [dreg:$0xc]  }
0x8a: {  	[tilespmem:s0], [sflag:$0x3] =	stream.linear.gather [hbm4b:s23+s21], $0x1000, $0x38;
	[tilespmem:$0x17000] =	vst v63  }
0x8b: {  	_ = 	snop  }
0x8c: {  	[spmem:s6] =	stream.linear.scatter [tilespmem:s31], [sflag:$0xB], $0x1000, $0x38;
	[tilespmem:$0x17000] =	vst v63  }
0x8d: {  	s25 =	rddreg [dreg:$0xd];
	s6 =	simm.s32 $0x12000  }
0x8e: {  	[tilespmem:s6], [sflag:$0x4] =	stream.linear.gather [hbm4b:s25+s21], $0x1000, $0x38;
	[tilespmem:$0x17000] =	vst v63  }
0x8f: {  	_ = 	snop  }
0x90: {  	[spmem:s5] =	stream.linear.scatter [tilespmem:s31], [sflag:$0xC], $0x1000, $0x38;
	[tilespmem:$0x17000] =	vst v63  }
0x91: {  	s5 =	rddreg [dreg:$0xf]  }
0x92: {  	[tilespmem:s9], [sflag:$0x5] =	stream.linear.gather [hbm4b:s5+s21], $0x1000, $0x38;
	[tilespmem:$0x17000] =	vst v63  }
0x93: {  	_ = 	snop  }
0x94: {  	[spmem:s7] =	stream.linear.scatter [tilespmem:s31], [sflag:$0xD], $0x1000, $0x38;
	[tilespmem:$0x17000] =	vst v63  }
0x95: {  	s17 =	rddreg [dreg:$0x10];
	s23 =	simm.s32 $0x11;
	s5 =	simm.s32 $0xA000  }
0x96: {  	[tilespmem:s5], [sflag:$0x11] =	stream.linear.gather [hbm4b:s17+s21], $0x2800, $0x38;
	[tilespmem:$0x17000] =	vst v63  }
0x97: {  	_ =	swait.ge [sflag:s23], $0x2800  }
0x98: {  	[sflag:s23] =	ssyncset.done $0x0  }
0x99: {  	s17 =	simm.s32 $0xC800;
	s25 =	rddreg [dreg:$0x11];
	[sflag:s23] =	ssyncadd.s32 $0xFFFFD800  }
0x9a: {  	[tilespmem:s17], [sflag:$0x11] =	stream.linear.gather [hbm4b:s25+s21], $0x2800, $0x38;
	[tilespmem:$0x17000] =	vst v63  }
0x9b: {  	_ =	swait.ge [sflag:s23], $0x2800  }
0x9c: {  	[sflag:s23] =	ssyncset.done $0x0  }
0x9d: {  	[sflag:s23] =	ssyncadd.s32 $0xFFFFD800  }
0x9e: {  	_ =	swait.ge [sflag:s14], $0x1000  }
0x9f: {  	[sflag:s14] =	ssyncset.done $0x0  }
0xa0: {  	s7 =	rddreg [dreg:$0x12];
	[sflag:s14] =	ssyncadd.s32 $0xFFFFF000  }
0xa1: {  	[spmem:s7] =	stream.linear.scatter [tilespmem:s30], [sflag:$0x1], $0x1000, $0x38;
	[tilespmem:$0x17000] =	vst v63  }
0xa2: {  	s7 =	simm.s32 $0x2  }
0xa3: {  	_ =	swait.ge [sflag:s7], $0x1000  }
0xa4: {  	[sflag:s7] =	ssyncset.done $0x0  }
0xa5: {  	s17 =	rddreg [dreg:$0x13];
	[sflag:s7] =	ssyncadd.s32 $0xFFFFF000  }
0xa6: {  	[spmem:s17] =	stream.linear.scatter [tilespmem:s4], [sflag:$0x2], $0x1000, $0x38;
	[tilespmem:$0x17000] =	vst v63  }
0xa7: {  	_ =	swait.ge [sflag:s16], $0x1000  }
0xa8: {  	[sflag:s16] =	ssyncset.done $0x0  }
0xa9: {  	s17 =	simm.s32 $0x4;
	s23 =	rddreg [dreg:$0x15];
	[sflag:s16] =	ssyncadd.s32 $0xFFFFF000  }
0xaa: {  	[spmem:s23] =	stream.linear.scatter [tilespmem:s0], [sflag:$0x3], $0x1000, $0x38;
	[tilespmem:$0x17000] =	vst v63  }
0xab: {  	_ =	swait.ge [sflag:s17], $0x1000  }
0xac: {  	[sflag:s17] =	ssyncset.done $0x0  }
0xad: {  	s25 =	rddreg [dreg:$0x17];
	[sflag:s17] =	ssyncadd.s32 $0xFFFFF000  }
0xae: {  	[spmem:s25] =	stream.linear.scatter [tilespmem:s6], [sflag:$0x4], $0x1000, $0x38;
	[tilespmem:$0x17000] =	vst v63  }
0xaf: {  	_ =	swait.ge [sflag:s18], $0x1000  }
0xb0: {  	[sflag:s18] =	ssyncset.done $0x0  }
0xb1: {  	s23 =	rddreg [dreg:$0x19];
	[sflag:s18] =	ssyncadd.s32 $0xFFFFF000  }
0xb2: {  	[spmem:s23] =	stream.linear.scatter [tilespmem:s9], [sflag:$0x5], $0x1000, $0x38;
	[tilespmem:$0x17000] =	vst v63  }
0xb3: {  	_ =	swait.ge [sflag:s14], $0x1000  }
0xb4: {  	[sflag:s14] =	ssyncset.done $0x0  }
0xb5: {  	[sflag:s14] =	ssyncadd.s32 $0xFFFFF000  }
0xb6: {  	_ =	swait.ge [sflag:s19], $0x1000  }
0xb7: {  	[sflag:s19] =	ssyncset.done $0x0  }
0xb8: {  	[sflag:s19] =	ssyncadd.s32 $0xFFFFF000  }
0xb9: {  	_ =	swait.ge [sflag:s7], $0x1000  }
0xba: {  	[sflag:s7] =	ssyncset.done $0x0  }
0xbb: {  	[sflag:s7] =	ssyncadd.s32 $0xFFFFF000  }
0xbc: {  	_ =	swait.ge [sflag:s20], $0x1000  }
0xbd: {  	[sflag:s20] =	ssyncset.done $0x0  }
0xbe: {  	[sflag:s20] =	ssyncadd.s32 $0xFFFFF000  }
0xbf: {  	_ =	swait.ge [sflag:s16], $0x1000  }
0xc0: {  	[sflag:s16] =	ssyncset.done $0x0  }
0xc1: {  	[sflag:s16] =	ssyncadd.s32 $0xFFFFF000  }
0xc2: {  	_ =	swait.ge [sflag:s11], $0x1000  }
0xc3: {  	[sflag:s11] =	ssyncset.done $0x0  }
0xc4: {  	[sflag:s11] =	ssyncadd.s32 $0xFFFFF000  }
0xc5: {  	_ =	swait.ge [sflag:s17], $0x1000  }
0xc6: {  	[sflag:s17] =	ssyncset.done $0x0  }
0xc7: {  	[sflag:s17] =	ssyncadd.s32 $0xFFFFF000  }
0xc8: {  	_ =	swait.ge [sflag:s22], $0x1000  }
0xc9: {  	[sflag:s22] =	ssyncset.done $0x0  }
0xca: {  	[sflag:s22] =	ssyncadd.s32 $0xFFFFF000  }
0xcb: {  	_ =	swait.ge [sflag:s18], $0x1000  }
0xcc: {  	[sflag:s18] =	ssyncset.done $0x0  }
0xcd: {  	[sflag:s18] =	ssyncadd.s32 $0xFFFFF000  }
0xce: {  	_ =	swait.ge [sflag:s12], $0x1000  }
0xcf: {  	[sflag:s12] =	ssyncset.done $0x0  }
0xd0: {  	[sflag:s12] =	ssyncadd.s32 $0xFFFFF000  }
0xd1: {  	[bflag:$0x0] =	sbarrier.arrive $0xFFFF  }
0xd2: {  	[tilespmem:s30], [sflag:$0x1] =	stream.indirect.gather [spmem:s3], $0x20, s5, s24, $0xb8;
	[tilespmem:$0x17000] =	vst v63  }
0xd3: {  	s25 =	simm.s32 $0xA080  }
0xd4: {  	[tilespmem:s4], [sflag:$0x2] =	stream.indirect.gather [spmem:s3], $0x20, s25, s24, $0xb8;
	[tilespmem:$0x17000] =	vst v63  }
0xd5: {  	s4 =	simm.s32 $0xA100  }
0xd6: {  	[tilespmem:s0], [sflag:$0x3] =	stream.indirect.gather [spmem:s3], $0x20, s4, s24, $0xb8;
	[tilespmem:$0x17000] =	vst v63  }
0xd7: {  	s5 =	simm.s32 $0xA180  }
0xd8: {  	[tilespmem:s6], [sflag:$0x4] =	stream.indirect.gather [spmem:s3], $0x20, s5, s24, $0xb8;
	[tilespmem:$0x17000] =	vst v63  }
0xd9: {  	s6 =	simm.s32 $0xA200  }
0xda: {  	[tilespmem:s9], [sflag:$0x5] =	stream.indirect.gather [spmem:s3], $0x20, s6, s24, $0xb8;
	[tilespmem:$0x17000] =	vst v63  }
0xdb: {  	s7 =	simm.s32 $0xA280;
	s17 =	simm.s32 $0x14000  }
0xdc: {  	[tilespmem:s17], [sflag:$0x6] =	stream.indirect.gather [spmem:s3], $0x20, s7, s24, $0xb8;
	[tilespmem:$0x17000] =	vst v63  }
0xdd: {  	s23 =	simm.s32 $0xA300  }
0xde: {  	[tilespmem:s26], [sflag:$0x7] =	stream.indirect.gather [spmem:s3], $0x20, s23, s24, $0xb8;
	[tilespmem:$0x17000] =	vst v63  }
0xdf: {  	s25 =	simm.s32 $0xA380  }
0xe0: {  	[tilespmem:s31], [sflag:$0x8] =	stream.indirect.gather [spmem:s3], $0x20, s25, s24, $0xb8;
	[tilespmem:$0x17000] =	vst v63  }
.LBB2_4:
0xe1: {  	_ =	swait.ge [sflag:s14], $0x1000  }
0xe2: {  	s23 =	sshra.s32 s21, $0x2;
	[sflag:s14] =	ssyncset.done $0x0  }
0xe3: {  	p0 =	seq.s32 s21, $0x9000;
	s1 =	sadd.s32 $0xC800, s23;
	[sflag:s14] =	ssyncadd.s32 $0xFFFFF000  }
0xe4: {  	[spmem:s2] =	stream.indirect.scatter.add.f32 [tilespmem:s30], [sflag:$0x9], $0x20, s1, s24, $0xb8;
	[tilespmem:$0x17000] =	vst v63  }
0xe5: {  	s1 =	simm.s32 @p0 $0x2  }
0xe6: {  	_ =	swait.ge @p0 [sflag:s1], $0x1000  }
0xe7: {  	[sflag:s1] =	ssyncset.done @p0 $0x0  }
0xe8: {  	[sflag:s1] =	ssyncadd.s32 @p0 $0xFFFFF000;
	s1 =	sshra.s32 @p0 s21, $0x2  }
0xe9: {  	s7 =	simm.s32 @p0 $0x80;
	s25 =	simm.s32 @p0 $0x10000;
	s4 =	sadd.s32 @p0 $0xC880, s1  }
0xea: {  	[spmem:s2] =	stream.indirect.scatter.add.f32 @p0 [tilespmem:s25], [sflag:$0xA], $0x20, s4, s7, $0xb8;
	[tilespmem:$0x17000] =	vst v63  }
0xeb: {  	s4 =	simm.s32 @!p0 $0x9  }
0xec: {  	_ =	swait.ge @!p0 [sflag:s4], $0x1000  }
0xed: {  	s6 =	simm.s32 @!p0 $0xF000;
	s25 =	sshra.s32 @!p0 s21, $0x2;
	[sflag:s4] =	ssyncset.done @!p0 $0x0  }
0xee: {  	s5 =	sadd.s32 @!p0 $0xA400, s25;
	[sflag:s4] =	ssyncadd.s32 @!p0 $0xFFFFF000;
	s4 =	simm.s32 @!p0 $0x80  }
0xef: {  	[tilespmem:s6], [sflag:$0x1] =	stream.indirect.gather @!p0 [spmem:s3], $0x20, s5, s4, $0xb8;
	[tilespmem:$0x17000] =	vst v63  }
0xf0: {  	s5 =	simm.s32 @!p0 $0x2  }
0xf1: {  	_ =	swait.ge @!p0 [sflag:s5], $0x1000  }
0xf2: {  	[sflag:s5] =	ssyncset.done @!p0 $0x0  }
0xf3: {  	s6 =	simm.s32 @!p0 $0x10000;
	[sflag:s5] =	ssyncadd.s32 @!p0 $0xFFFFF000;
	s5 =	sadd.s32 @!p0 $0xC880, s25  }
0xf4: {  	[spmem:s2] =	stream.indirect.scatter.add.f32 @!p0 [tilespmem:s6], [sflag:$0xA], $0x20, s5, s4, $0xb8;
	[tilespmem:$0x17000] =	vst v63  }
0xf5: {  	s5 =	simm.s32 @!p0 $0xA  }
0xf6: {  	_ =	swait.ge @!p0 [sflag:s5], $0x1000  }
0xf7: {  	[sflag:s5] =	ssyncset.done @!p0 $0x0  }
0xf8: {  	[sflag:s5] =	ssyncadd.s32 @!p0 $0xFFFFF000;
	s5 =	sadd.s32 @!p0 $0xA480, s25  }
0xf9: {  	[tilespmem:s6], [sflag:$0x2] =	stream.indirect.gather @!p0 [spmem:s3], $0x20, s5, s4, $0xb8;
	[tilespmem:$0x17000] =	vst v63  }
0xfa: {  	_ =	swait.ge [sflag:s16], $0x1000  }
0xfb: {  	[sflag:s16] =	ssyncset.done $0x0  }
0xfc: {  	s6 =	sadd.s32 $0xC900, s23;
	s5 =	simm.s32 @p0 $0x4;
	[sflag:s16] =	ssyncadd.s32 $0xFFFFF000  }
0xfd: {  	[spmem:s2] =	stream.indirect.scatter.add.f32 [tilespmem:s0], [sflag:$0xB], $0x20, s6, s24, $0xb8;
	[tilespmem:$0x17000] =	vst v63  }
0xfe: {  	_ =	swait.ge @p0 [sflag:s5], $0x1000  }
0xff: {  	[sflag:s5] =	ssyncset.done @p0 $0x0  }
0x100: {  	s6 =	simm.s32 @p0 $0x12000;
	[sflag:s5] =	ssyncadd.s32 @p0 $0xFFFFF000;
	s5 =	sadd.s32 @p0 $0xC980, s1  }
0x101: {  	[spmem:s2] =	stream.indirect.scatter.add.f32 @p0 [tilespmem:s6], [sflag:$0xC], $0x20, s5, s7, $0xb8;
	[tilespmem:$0x17000] =	vst v63  }
0x102: {  	s5 =	simm.s32 @!p0 $0xB  }
0x103: {  	_ =	swait.ge @!p0 [sflag:s5], $0x1000  }
0x104: {  	[sflag:s5] =	ssyncset.done @!p0 $0x0  }
0x105: {  	s6 =	simm.s32 @!p0 $0x11000;
	[sflag:s5] =	ssyncadd.s32 @!p0 $0xFFFFF000;
	s5 =	sadd.s32 @!p0 $0xA500, s25  }
0x106: {  	[tilespmem:s6], [sflag:$0x3] =	stream.indirect.gather @!p0 [spmem:s3], $0x20, s5, s4, $0xb8;
	[tilespmem:$0x17000] =	vst v63  }
0x107: {  	s5 =	simm.s32 @!p0 $0x4  }
0x108: {  	_ =	swait.ge @!p0 [sflag:s5], $0x1000  }
0x109: {  	[sflag:s5] =	ssyncset.done @!p0 $0x0  }
0x10a: {  	s6 =	simm.s32 @!p0 $0x12000;
	[sflag:s5] =	ssyncadd.s32 @!p0 $0xFFFFF000;
	s5 =	sadd.s32 @!p0 $0xC980, s25  }
0x10b: {  	[spmem:s2] =	stream.indirect.scatter.add.f32 @!p0 [tilespmem:s6], [sflag:$0xC], $0x20, s5, s4, $0xb8;
	[tilespmem:$0x17000] =	vst v63  }
0x10c: {  	s5 =	simm.s32 @!p0 $0xC  }
0x10d: {  	_ =	swait.ge @!p0 [sflag:s5], $0x1000  }
0x10e: {  	[sflag:s5] =	ssyncset.done @!p0 $0x0  }
0x10f: {  	[sflag:s5] =	ssyncadd.s32 @!p0 $0xFFFFF000;
	s5 =	sadd.s32 @!p0 $0xA580, s25  }
0x110: {  	[tilespmem:s6], [sflag:$0x4] =	stream.indirect.gather @!p0 [spmem:s3], $0x20, s5, s4, $0xb8;
	[tilespmem:$0x17000] =	vst v63  }
0x111: {  	_ =	swait.ge [sflag:s18], $0x1000  }
0x112: {  	[sflag:s18] =	ssyncset.done $0x0  }
0x113: {  	s17 =	sadd.s32 $0xCA00, s23;
	s5 =	simm.s32 @p0 $0x6;
	[sflag:s18] =	ssyncadd.s32 $0xFFFFF000  }
0x114: {  	[spmem:s2] =	stream.indirect.scatter.add.f32 [tilespmem:s9], [sflag:$0xD], $0x20, s17, s24, $0xb8;
	[tilespmem:$0x17000] =	vst v63  }
0x115: {  	_ =	swait.ge @p0 [sflag:s5], $0x1000  }
0x116: {  	[sflag:s5] =	ssyncset.done @p0 $0x0  }
0x117: {  	s1 =	sadd.s32 @p0 $0xCA80, s1;
	[sflag:s5] =	ssyncadd.s32 @p0 $0xFFFFF000;
	s5 =	simm.s32 @p0 $0x14000  }
0x118: {  	[spmem:s2] =	stream.indirect.scatter.add.f32 @p0 [tilespmem:s5], [sflag:$0xE], $0x20, s1, s7, $0xb8;
	[tilespmem:$0x17000] =	vst v63  }
0x119: {  	s1 =	simm.s32 @!p0 $0xD  }
0x11a: {  	_ =	swait.ge @!p0 [sflag:s1], $0x1000  }
0x11b: {  	[sflag:s1] =	ssyncset.done @!p0 $0x0  }
0x11c: {  	s5 =	simm.s32 @!p0 $0x13000;
	[sflag:s1] =	ssyncadd.s32 @!p0 $0xFFFFF000;
	s1 =	sadd.s32 @!p0 $0xA600, s25  }
0x11d: {  	[tilespmem:s5], [sflag:$0x5] =	stream.indirect.gather @!p0 [spmem:s3], $0x20, s1, s4, $0xb8;
	[tilespmem:$0x17000] =	vst v63  }
0x11e: {  	s1 =	simm.s32 @!p0 $0x6  }
0x11f: {  	_ =	swait.ge @!p0 [sflag:s1], $0x1000  }
0x120: {  	[sflag:s1] =	ssyncset.done @!p0 $0x0  }
0x121: {  	s5 =	simm.s32 @!p0 $0x14000;
	[sflag:s1] =	ssyncadd.s32 @!p0 $0xFFFFF000;
	s1 =	sadd.s32 @!p0 $0xCA80, s25  }
0x122: {  	[spmem:s2] =	stream.indirect.scatter.add.f32 @!p0 [tilespmem:s5], [sflag:$0xE], $0x20, s1, s4, $0xb8;
	[tilespmem:$0x17000] =	vst v63  }
0x123: {  	s1 =	simm.s32 @!p0 $0xE  }
0x124: {  	_ =	swait.ge @!p0 [sflag:s1], $0x1000  }
0x125: {  	[sflag:s1] =	ssyncset.done @!p0 $0x0  }
0x126: {  	[sflag:s1] =	ssyncadd.s32 @!p0 $0xFFFFF000;
	s1 =	sadd.s32 @!p0 $0xA680, s25  }
0x127: {  	[tilespmem:s5], [sflag:$0x6] =	stream.indirect.gather @!p0 [spmem:s3], $0x20, s1, s4, $0xb8;
	[tilespmem:$0x17000] =	vst v63  }
.Ltmp3:
0x128: {  	_ = 	snop;
	(pc) =	sbr.rel @p0 .LBB2_6-.Ltmp3, $4  }
0x129: {  	_ =	swait.ge [sflag:s15], $0x1000  }
0x12a: {  	[sflag:s15] =	ssyncset.done $0x0  }
0x12b: {  	s25 =	sadd.s32 $0xCB00, s23;
	s1 =	sadd.s32 $0xCB80, s23;
	[sflag:s15] =	ssyncadd.s32 $0xFFFFF000  }
0x12c: {  	[spmem:s2] =	stream.indirect.scatter.add.f32 [tilespmem:s26], [sflag:$0xF], $0x20, s25, s24, $0xb8;
	[tilespmem:$0x17000] =	vst v63  }
0x12d: {  	_ =	swait.ge [sflag:s13], $0x1000  }
0x12e: {  	[sflag:s13] =	ssyncset.done $0x0  }
0x12f: {  	s4 =	sadd.s32 $0xA700, s23;
	[sflag:s13] =	ssyncadd.s32 $0xFFFFF000  }
0x130: {  	[tilespmem:s26], [sflag:$0x7] =	stream.indirect.gather [spmem:s3], $0x20, s4, s24, $0xb8;
	[tilespmem:$0x17000] =	vst v63  }
0x131: {  	_ =	swait.ge [sflag:s29], $0x1000  }
0x132: {  	[sflag:s29] =	ssyncset.done $0x0  }
0x133: {  	[sflag:s29] =	ssyncadd.s32 $0xFFFFF000  }
0x134: {  	[spmem:s2] =	stream.indirect.scatter.add.f32 [tilespmem:s31], [sflag:$0x10], $0x20, s1, s24, $0xb8;
	[tilespmem:$0x17000] =	vst v63  }
.Ltmp4:
0x135: {  	_ = 	snop;
	(pc) =	sbr.rel .LBB2_4-.Ltmp4, $4  }
0x136: {  	_ =	swait.ge [sflag:s8], $0x1000  }
0x137: {  	[sflag:s8] =	ssyncset.done $0x0  }
0x138: {  	s25 =	sadd.s32 $0xA780, s23;
	s21 =	sadd.s32 $0x1000, s21;
	[sflag:s8] =	ssyncadd.s32 $0xFFFFF000  }
0x139: {  	[tilespmem:s31], [sflag:$0x8] =	stream.indirect.gather [spmem:s3], $0x20, s25, s24, $0xb8;
	[tilespmem:$0x17000] =	vst v63  }
.LBB2_7:
0x13a: {  	_ =	sfence.sel $0x180000  }
0x13b: {  	[bflag:$0x0] =	sbarrier.arrive $0xFFFF  }
0x13c: {  	_ =	strace $0x9000004D  }
0x13d: {  	s0 =	stileid.u32;
	[bflag:$0x2] =	sbarrier.arrive $0xFFFF  }
0x13e: {  	p0 =	sne.s32 s0, $0x0;
	s0 =	rddreg [dreg:$0x3]  }
0x13f: {  	s0 =	sadd.s32 @!p0 $0x100000, s0  }
0x140: {  	[sflag:s0] =	ssyncadd.tile.s32 @!p0 $0x1;
	_ =	shalt  }
.Lfunc_end2:
_tile_overlayer_lowered:
.L_overlay_start_2:
0x141: {  	(tag) =	ssettag $0x2  }
0x142: {  	s0 =	rddreg [dreg:$0x0];
	s2 =	stileid.u32  }
0x143: {  	s1 =	rddreg [dreg:$0x1];
	p0 =	sne.s32 s2, $0x0  }
0x144: {  	s3 =	rddreg [dreg:$0x2];
	[bflag:$0x3] =	sbarrier.arrive $0xFFFF;
	s2 =	simm.s32 @!p0 $0x1C11  }
0x145: {  	[timem:s3], [sflag:s2] =	dma.local @!p0 [hbm:s0], s1  }
0x146: {  	s0 =	simm.s32 @!p0 $0x11  }
0x147: {  	_ =	swait.ge @!p0 [sflag:s0], s1  }
0x148: {  	s1 =	ssub.s32 @!p0 $0x0, s1;
	[sflag:s0] =	ssyncset.done @!p0 $0x0  }
0x149: {  	[sflag:s0] =	ssyncadd.s32 @!p0 s1  }
0x14a: {  	[bflag:$0x3] =	sbarrier.arrive $0xFFFF  }
0x14b: {  	_ =	shalt  }

// kernel: kernel.9.cloned.1.call-start
scs
__scs_entry_jumppad:
0x0: {  	(pc) =	sbr.rel $0x88, $3  }
0x1: {  	(tag) =	ssettag $0x0;
	lr =	simm.s32 $0x1  }
0x2: {  	[smem:$0x3F97] =	sst lr;
	_ =	strace $0xD0000000  }
0x3: {  	_ = 	snop  }
0x4: {  	_ = 	snop  }
0x5: {  	_ = 	snop  }
0x6: {  	_ = 	snop  }
0x7: {  	_ = 	snop  }
__scs_overlays_trampoline_lowered:
0x8: {  	[smem:$0x3FA6] =	sst s0  }
0x9: {  	[smem:$0x3FA7] =	sst s1  }
0xa: {  	[smem:$0x3FA8] =	sst s2  }
0xb: {  	[smem:$0x3FA9] =	sst s3  }
0xc: {  	[smem:$0x3FAA] =	sst s4  }
0xd: {  	[smem:$0x3FAB] =	sst s5  }
0xe: {  	[smem:$0x3FAC] =	sst s6  }
0xf: {  	[smem:$0x3FAD] =	sst s7  }
0x10: {  	[smem:$0x3FAE] =	sst s8  }
0x11: {  	[smem:$0x3FAF] =	sst s9;
	s0 =	simm.s32 @!p0 $0x0  }
0x12: {  	s1 =	sld [smem:$0x3F95];
	s0 =	simm.s32 @p0 $0x1  }
0x13: {  	[smem:$0x3FB0] =	sst s0;
	s0 =	simm.s32 @!p1 $0x0  }
0x14: {  	s2 =	sld [smem:$0x3F94];
	s0 =	simm.s32 @p1 $0x1  }
0x15: {  	[smem:$0x3FB1] =	sst s0;
	s0 =	simm.s32 @!p2 $0x0  }
0x16: {  	s3 =	sld [smem:$0x3FDB];
	s0 =	simm.s32 @p2 $0x1  }
0x17: {  	s4 =	simm.s32 $0x1BF5;
	[smem:$0x3FB3] =	sst s0  }
0x18: {  	s0 =	sld [smem:$0x3F96];
	_ =	swait.ge [sflag:s4], $0x0  }
0x19: {  	s7 =	sld [smem:$0x3F97]  }
0x1a: {  	s8 =	sadd.s32 $0xFFFFE003, lr  }
0x1b: {  	s9 =	sadd.s32 $0xFFFFFEF7, lr;
	s5 =	simm.s32 $0xFFFFFFFF;
	p2 =	slt.u32 s8, $0xFFFFF086  }
0x1c: {  	p1 =	slt.u32 s9, $0xF7A;
	s5 =	simm.s32 @!p2 $0x0  }
0x1d: {  	s5 =	simm.s32 @p1 $0x1;
	p0 =	seq.s32 s7, s2  }
0x1e: {  	s7 =	smul.u32 @!p0 $0xF7A, s2;
	p2 =	seq.s32 @!p0 s5, $0x0  }
0x1f: {  	s9 =	smul.u32 $0xF7A, s1;
	s8 =	simm.s32 @!p0 $0x1BF5;
	p2 =	por !p2, p0  }
0x20: {  	[sflag:s8] =	ssyncset.s32 @!p0 $0xFFFFF086;
	s6 =	sadd.s32 @!p0 s3, s7;
	s7 =	simm.s32 @!p0 $0x108  }
0x21: {  	s3 =	sadd.s32 s3, s9;
	s6 =	sadd.s32 @!p0 $0x88, s6;
	s7 =	simm.s32 @p2 $0x1082  }
0x22: {  	[simem:s7], [sflag:s8] =	dma.local @!p0 [hbm:s6], $0xF7A  }
0x23: {  	s9 =	sor.u32 $0xD0000000, s2;
	s6 =	simm.s32 $0x108;
	_ =	swait.ge @!p0 [sflag:s8], $0x0  }
0x24: {  	s3 =	sadd.s32 $0x88, s3;
	s6 =	simm.s32 @!p1 $0x1082;
	[sflag:s4] =	ssyncset.s32 $0xFFFFF086  }
0x25: {  	[simem:s6], [sflag:s4] =	dma.local [hbm:s3], $0xF7A  }
0x26: {  	[smem:$0x3F97] =	sst s1;
	(tag) =	ssettag s2;
	_ =	strace s9  }
0x27: {  	s1 =	sld [smem:$0x3FA7]  }
0x28: {  	s2 =	sld [smem:$0x3FA8]  }
0x29: {  	s4 =	sld [smem:$0x3FAA]  }
0x2a: {  	p0 =	seq.s32 s5, $0x0;
	s5 =	sld [smem:$0x3FAB]  }
0x2b: {  	s6 =	sld [smem:$0x3FAC]  }
0x2c: {  	s7 =	sld [smem:$0x3FAD]  }
0x2d: {  	s3 =	simm.s32 $0x108;
	s8 =	sld [smem:$0x3FAE]  }
0x2e: {  	s3 =	simm.s32 @!p0 $0x1082;
	s9 =	sld [smem:$0x3FAF]  }
0x2f: {  	lr =	sadd.s32 s0, s3;
	s0 =	sld [smem:$0x3FA6]  }
0x30: {  	s3 =	sld [smem:$0x3FA9]  }
0x31: {  	[smem:$0x3FB2] =	sst s10  }
0x32: {  	s10 =	sld [smem:$0x3FB0];
	_ =	sdelay $0x3  }
0x33: {  	p0 =	seq.s32 s10, $0x1;
	s10 =	sld [smem:$0x3FB2];
	_ =	sdelay $0x3  }
0x34: {  	[smem:$0x3FB2] =	sst s10  }
0x35: {  	s10 =	sld [smem:$0x3FB1];
	_ =	sdelay $0x3  }
0x36: {  	p1 =	seq.s32 s10, $0x1;
	s10 =	sld [smem:$0x3FB2];
	_ =	sdelay $0x3  }
0x37: {  	[smem:$0x3FB2] =	sst s10  }
0x38: {  	s10 =	sld [smem:$0x3FB3]  }
0x39: {  	_ = 	snop;
	(pc) =	sbr.ind lr, $3  }
0x3a: {  	_ = 	snop  }
0x3b: {  	_ = 	snop  }
0x3c: {  	p2 =	seq.s32 s10, $0x1;
	s10 =	sld [smem:$0x3FB2]  }
0x3d: {  	_ =	shalt  }
0x3e: {  	_ =	shalt  }
0x3f: {  	_ =	shalt  }
0x40: {  	_ =	shalt  }
0x41: {  	_ =	shalt  }
0x42: {  	_ =	shalt  }
0x43: {  	_ =	shalt  }
0x44: {  	_ =	shalt  }
0x45: {  	_ =	shalt  }
0x46: {  	_ =	shalt  }
0x47: {  	_ =	shalt  }
0x48: {  	_ =	shalt  }
0x49: {  	_ =	shalt  }
0x4a: {  	_ =	shalt  }
0x4b: {  	_ =	shalt  }
0x4c: {  	_ =	shalt  }
0x4d: {  	_ =	shalt  }
0x4e: {  	_ =	shalt  }
0x4f: {  	_ =	shalt  }
0x50: {  	_ =	shalt  }
0x51: {  	_ =	shalt  }
0x52: {  	_ =	shalt  }
0x53: {  	_ =	shalt  }
0x54: {  	_ =	shalt  }
0x55: {  	_ =	shalt  }
0x56: {  	_ =	shalt  }
0x57: {  	_ =	shalt  }
0x58: {  	_ =	shalt  }
0x59: {  	_ =	shalt  }
0x5a: {  	_ =	shalt  }
0x5b: {  	_ =	shalt  }
0x5c: {  	_ =	shalt  }
0x5d: {  	_ =	shalt  }
0x5e: {  	_ =	shalt  }
0x5f: {  	_ =	shalt  }
0x60: {  	_ =	shalt  }
0x61: {  	_ =	shalt  }
0x62: {  	_ =	shalt  }
0x63: {  	_ =	shalt  }
0x64: {  	_ =	shalt  }
0x65: {  	_ =	shalt  }
0x66: {  	_ =	shalt  }
0x67: {  	_ =	shalt  }
0x68: {  	_ =	shalt  }
0x69: {  	_ =	shalt  }
0x6a: {  	_ =	shalt  }
0x6b: {  	_ =	shalt  }
0x6c: {  	_ =	shalt  }
0x6d: {  	_ =	shalt  }
0x6e: {  	_ =	shalt  }
0x6f: {  	_ =	shalt  }
0x70: {  	_ =	shalt  }
0x71: {  	_ =	shalt  }
0x72: {  	_ =	shalt  }
0x73: {  	_ =	shalt  }
0x74: {  	_ =	shalt  }
0x75: {  	_ =	shalt  }
0x76: {  	_ =	shalt  }
0x77: {  	_ =	shalt  }
0x78: {  	_ =	shalt  }
0x79: {  	_ =	shalt  }
0x7a: {  	_ =	shalt  }
0x7b: {  	_ =	shalt  }
0x7c: {  	_ =	shalt  }
0x7d: {  	_ =	shalt  }
0x7e: {  	_ =	shalt  }
0x7f: {  	_ =	shalt  }
0x80: {  	_ =	shalt  }
0x81: {  	_ =	shalt  }
0x82: {  	_ =	shalt  }
0x83: {  	_ =	shalt  }
0x84: {  	_ =	shalt  }
0x85: {  	_ =	shalt  }
0x86: {  	_ =	shalt  }
0x87: {  	_ =	shalt  }
.Lfunc_end0:
.L_simem_size_0:
called_computation_lowered:
.L_overlay_start_0:
0x88: {  	s2 =	sld [smem:$0x3FD9]  }
0x89: {  	s3 =	sld [smem:$0x3FFE];
	_ =	sdelay $0x1  }
0x8a: {  	s1 =	srdreg.scid  }
0x8b: {  	s0 =	sand.u32 $0x1, s1  }
0x8c: {  	s16 =	sshll.u32 s0, $0xA;
	s2 =	sadd.s32 s3, s2  }
0x8d: {  	s2 =	sadd.s32 s2, s16  }
0x8e: {  	[smem:$0x3FBE] =	sst s2  }
0x8f: {  	_ = 	snop  }
0x90: {  	(tm) =	ssettm $0x1  }
0x91: {  	s17 =	sld [smem:$0x3FFB];
	_ =	sdelay $0x3  }
0x92: {  	_ =	strace s17  }
0x93: {  	s2 =	sld [smem:$0x3FFC];
	_ =	sdelay $0x3  }
0x94: {  	_ =	strace s2  }
0x95: {  	s2 =	sld [smem:$0x3FFD];
	_ =	sdelay $0x3  }
0x96: {  	_ =	strace s2  }
0x97: {  	_ =	strace $0x8FFFFFFF  }
0x98: {  	s18 =	sld [smem:$0x3FDB];
	_ =	sdelay $0x1  }
0x99: {  	s19 =	simm.s32 $_scs_section_size  }
0x9a: {  	s4 =	simm.s32 $_size__tile_overlayer_lowered;
	s5 =	simm.s32 $_tile_overlayer_lowered  }
0x9b: {  	s22 =	simm.s32 $0x1BFF;
	s21 =	sshll.u32 s5, $0x1;
	s2 =	sadd.s32 s19, s18  }
0x9c: {  	s6 =	simm.s32 $0x0;
	s20 =	sshll.u32 s4, $0x1;
	s4 =	sadd.s32 s21, s2  }
0x9d: {  	[timem:s6], [sflag:s22] =	dma.local [hbm:s4], s20  }
0x9e: {  	_ =	swait.ge [sflag:s22], s20  }
0x9f: {  	s3 =	ssub.s32 $0x0, s20;
	[sflag:s22] =	ssyncset.done $0x0  }
0xa0: {  	[sflag:s22] =	ssyncadd.s32 s3;
	_ =	sdelay $0x1  }
0xa1: {  	s23 =	simm.s32 $0x1B8B  }
0xa2: {  	_ =	swait.ge [sflag:s23], $0x1  }
0xa3: {  	[sflag:s23] =	ssyncset.done $0x0  }
0xa4: {  	s25 =	simm.s32 $0x1B8E;
	s24 =	sld [smem:$0x3FFE];
	[sflag:s23] =	ssyncadd.s32 $0xFFFFFFFF  }
0xa5: {  	s26 =	simm.s32 $execute0_lowered;
	[smem:$0x3FD2] =	sst s25  }
0xa6: {  	s4 =	sshll.u32 s26, $0x1;
	_ =	strace $0x80000046;
	[dreg:$0x1] =	wrdreg $0xFFFFFFFF  }
0xa7: {  	s28 =	simm.s32 $_size_execute0_lowered;
	s2 =	sadd.s32 s2, s4;
	[dreg:$0x0] =	wrdreg $0x0  }
0xa8: {  	s4 =	sshll.u32 s28, $0x1;
	[dreg:$0x2] =	wrdreg s2  }
0xa9: {  	[dreg:$0x3] =	wrdreg s4  }
0xaa: {  	[dreg:$0x4] =	wrdreg $0xC0  }
0xab: {  	_ =	task [dreg:s6], $0x5FFFF  }
0xac: {  	[dreg:$0x1] =	wrdreg $0xFFFFFFFF  }
0xad: {  	[dreg:$0x0] =	wrdreg $0x60  }
0xae: {  	[dreg:$0x2] =	wrdreg s24  }
0xaf: {  	[dreg:$0x3] =	wrdreg $0x0  }
0xb0: {  	[dreg:$0x4] =	wrdreg $0x9  }
0xb1: {  	_ =	task.clear_ibuf [dreg:s6], $0x5FFFF;
	_ =	strace $0x90000046  }
0xb2: {  	s29 =	simm.s32 $0x9;
	_ =	strace $0x80000048  }
0xb3: {  	_ =	swait.ge [sflag:s29], $0x1  }
0xb4: {  	[sflag:s29] =	ssyncadd.s32 $0xFFFFFFFF  }
0xb5: {  	_ =	strace $0x90000048  }
0xb6: {  	_ =	sfence  }
0xb7: {  	s30 =	sld [smem:$0x0];
	_ =	sdelay $0x2  }
0xb8: {  	s31 =	sshll.u32 s1, $0xD;
	s1 =	sshrl.u32 s1, $0x2  }
0xb9: {  	s3 =	sand.u32 $0x4000, s31;
	s1 =	sadd.s32 s1, s30  }
0xba: {  	s0 =	sor.u32 s3, s0;
	s1 =	sshll.u32 s1, $0x11  }
0xbb: {  	s0 =	sor.u32 s1, s0  }
0xbc: {  	s0 =	sadd.s32 $0x8F2B, s0  }
0xbd: {  	[sflag:s0] =	ssyncadd.remote.s32 $0x1  }
0xbe: {  	_ =	sfence.sel $0xFFFF  }
0xbf: {  	[dreg:$0x0] =	wrdreg $0xFFFFFFFF;
	(pc) =	sbr.abs _section_cstart, $3  }
0xc0: {  	[dreg:$0x1] =	wrdreg $0xFFFFFFFF  }
0xc1: {  	_ =	task.clear_ibuf [dreg:s6], $0x2FFFF;
	_ =	strace $0x9FFFFFFF  }
0xc2: {  	(tm) =	ssettm $0x7FFFFFFF  }
0xc3: {  	_ =	shalt  }
tec
execute0_lowered:
.L_overlay_start_1:
0x0: {  	(tag) =	ssettag $0x1  }
0x1: {  	s5 =	rddreg [dreg:$0x0]  }
0x2: {  	s2 =	rddreg [dreg:$0x1]  }
0x3: {  	s0 =	srdreg.scid;
	s1 =	rddreg [dreg:$0x2]  }
0x4: {  	s3 =	simm.s32 $0x0;
	s4 =	sand.u32 $0x1, s0;
	s0 =	stileid.u32  }
0x5: {  	[smem:$0x7FF] =	sst s3;
	s6 =	sshll.u32 s4, $0x4;
	s8 =	smul.u32 $0x280, s0  }
0x6: {  	s4 =	ssub.s32 $0x2, s4;
	_ =	strace $0x80000047;
	s16 =	smul.u32 $0xA0, s0  }
0x7: {  	s7 =	sor.u32 s0, s6;
	s31 =	sshrl.u32 s4, $0x1;
	s10 =	sadd.s32 s6, s5  }
0x8: {  	s7 =	smul.u32 $0x500, s7;
	s11 =	ssub.s32 s4, s31;
	s12 =	sadd.s32 $0x80, s8  }
0x9: {  	s4 =	sadd.s32 s8, s2;
	s13 =	sadd.s32 $0x100, s8;
	s14 =	sadd.s32 $0x180, s8  }
0xa: {  	s15 =	sadd.s32 $0x200, s8;
	s20 =	sadd.s32 $0xCA00, s10;
	s6 =	sadd.s32 s13, s2  }
0xb: {  	s8 =	sadd.s32 s15, s2;
	s17 =	sshrl.u32 s12, $0x2;
	s18 =	sshrl.u32 s13, $0x2  }
0xc: {  	s19 =	sshrl.u32 s14, $0x2;
	s21 =	sshrl.u32 s15, $0x2;
	s10 =	smax.u32 s11, $0x1  }
0xd: {  	s11 =	simm.s32 $0x2B00;
	s13 =	simm.s32 $0x280;
	s15 =	simm.s32 $0x2A80  }
0xe: {  	s16 =	sadd.s32 s16, s20;
	s9 =	sadd.s32 s7, s5;
	s5 =	sadd.s32 s12, s2  }
0xf: {  	s7 =	sadd.s32 s14, s2;
	s12 =	simm.s32 $0x1;
	s14 =	simm.s32 $0x80  }
0x10: {  	s17 =	sadd.s32 s17, s20;
	s18 =	sadd.s32 s18, s20;
	s19 =	sadd.s32 s19, s20  }
0x11: {  	v0 =	vimm.f32 $1.000000000e+00;
	v1 =	vimm.f32 $0.0e+00;
	s20 =	sadd.s32 s21, s20;
	s21 =	simm.s32 $0x0;
	s9 =	sadd.s32 $0x2A00, s9  }
.LBB2_1:
0x12: {  	[tilespmem:$0x2A80] =	vst v0  }
0x13: {  	[tilespmem:$0x2A90] =	vst v0  }
0x14: {  	[tilespmem:$0x2AA0] =	vst v0  }
0x15: {  	[tilespmem:$0x2AB0] =	vst v0  }
0x16: {  	[tilespmem:$0x2AC0] =	vst v0  }
0x17: {  	[tilespmem:$0x2AD0] =	vst v0  }
0x18: {  	[tilespmem:$0x2AE0] =	vst v0  }
0x19: {  	[tilespmem:$0x2AF0] =	vst v0  }
0x1a: {  	[tilespmem:$0x2B00] =	vst v1  }
0x1b: {  	[tilespmem:$0x2B10] =	vst v1  }
0x1c: {  	[tilespmem:$0x2B20] =	vst v1  }
0x1d: {  	[tilespmem:$0x2B30] =	vst v1  }
0x1e: {  	[tilespmem:$0x2B40] =	vst v1  }
0x1f: {  	[tilespmem:$0x2B50] =	vst v1  }
0x20: {  	[tilespmem:$0x2B60] =	vst v1  }
0x21: {  	[tilespmem:$0x2B70] =	vst v1  }
0x22: {  	[spmem:s4] =	stream.linear.scatter [tilespmem:s11], [sflag:$0x1], $0x80, $0x38;
	[tilespmem:$0x2B80] =	vst v63  }
0x23: {  	_ =	swait.ge [sflag:s12], $0x80  }
0x24: {  	[sflag:s12] =	ssyncset.done $0x0  }
0x25: {  	[sflag:s12] =	ssyncadd.s32 $0xFFFFFF80  }
0x26: {  	[spmem:s5] =	stream.linear.scatter [tilespmem:s11], [sflag:$0x1], $0x80, $0x38;
	[tilespmem:$0x2B80] =	vst v63  }
0x27: {  	_ =	swait.ge [sflag:s12], $0x80  }
0x28: {  	[sflag:s12] =	ssyncset.done $0x0  }
0x29: {  	[sflag:s12] =	ssyncadd.s32 $0xFFFFFF80  }
0x2a: {  	[spmem:s6] =	stream.linear.scatter [tilespmem:s11], [sflag:$0x1], $0x80, $0x38;
	[tilespmem:$0x2B80] =	vst v63  }
0x2b: {  	_ =	swait.ge [sflag:s12], $0x80  }
0x2c: {  	[sflag:s12] =	ssyncset.done $0x0  }
0x2d: {  	[sflag:s12] =	ssyncadd.s32 $0xFFFFFF80  }
0x2e: {  	[spmem:s7] =	stream.linear.scatter [tilespmem:s11], [sflag:$0x1], $0x80, $0x38;
	[tilespmem:$0x2B80] =	vst v63  }
0x2f: {  	_ =	swait.ge [sflag:s12], $0x80  }
0x30: {  	[sflag:s12] =	ssyncset.done $0x0  }
0x31: {  	[sflag:s12] =	ssyncadd.s32 $0xFFFFFF80  }
0x32: {  	[spmem:s8] =	stream.linear.scatter [tilespmem:s11], [sflag:$0x1], $0x80, $0x38;
	[tilespmem:$0x2B80] =	vst v63  }
0x33: {  	_ =	swait.ge [sflag:s12], $0x80  }
0x34: {  	[sflag:s12] =	ssyncset.done $0x0  }
0x35: {  	[sflag:s12] =	ssyncadd.s32 $0xFFFFFF80  }
0x36: {  	[tilespmem:s13], [sflag:$0x1] =	stream.linear.gather [hbm4b:s9+s3], $0x2800, $0x38;
	[tilespmem:$0x2B80] =	vst v63  }
0x37: {  	_ =	swait.ge [sflag:s12], $0x2800  }
0x38: {  	[sflag:s12] =	ssyncset.done $0x0  }
0x39: {  	[sflag:s12] =	ssyncadd.s32 $0xFFFFD800  }
0x3a: {  	s22 =	simm.s32 $0x280;
	[bflag:$0x0] =	sbarrier.arrive $0xFFFF  }
0x3b: {  	[spmem:s2] =	stream.indirect.scatter.add.f32 [tilespmem:s15], [sflag:$0x1], $0x1, s22, s14, $0xb8;
	[tilespmem:$0x2B80] =	vst v63  }
0x3c: {  	s22 =	simm.s32 $0x200;
	_ =	swait.ge [sflag:s12], $0x80  }
.LBB2_2:
0x3d: {  	s23 =	sshra.s32 s22, $0x2;
	[sflag:s12] =	ssyncset.done $0x0;
	p0 =	sne.s32 s22, $0x9E00  }
.Ltmp0:
0x3e: {  	s23 =	sadd.s32 $0x280, s23;
	[sflag:s12] =	ssyncadd.s32 $0xFFFFFF80;
	(pc) =	sbr.rel @p0 .LBB2_2-.Ltmp0, $3  }
0x3f: {  	[spmem:s2] =	stream.indirect.scatter.add.f32 [tilespmem:s15], [sflag:$0x1], $0x1, s23, s14, $0xb8;
	[tilespmem:$0x2B80] =	vst v63  }
0x40: {  	s22 =	sadd.s32 $0x200, s22;
	_ =	sdelay $0x1  }
0x41: {  	_ =	swait.ge [sflag:s12], $0x80  }
0x42: {  	[sflag:s12] =	ssyncset.done $0x0  }
0x43: {  	[sflag:s12] =	ssyncadd.s32 $0xFFFFFF80  }
0x44: {  	[bflag:$0x0] =	sbarrier.arrive $0xFFFF  }
0x45: {  	[tilespmem:s11], [sflag:$0x1] =	stream.linear.gather [spmem:s4], $0x80, $0x38;
	[tilespmem:$0x2B80] =	vst v63  }
0x46: {  	_ =	swait.ge [sflag:s12], $0x80  }
0x47: {  	[sflag:s12] =	ssyncset.done $0x0  }
0x48: {  	[sflag:s12] =	ssyncadd.s32 $0xFFFFFF80  }
0x49: {  	[hbm4b:s16+s3] =	stream.linear.scatter [tilespmem:s11], [sflag:$0x1], $0x80, $0x38;
	[tilespmem:$0x2B80] =	vst v63  }
0x4a: {  	_ =	swait.ge [sflag:s12], $0x80  }
0x4b: {  	[sflag:s12] =	ssyncset.done $0x0  }
0x4c: {  	[sflag:s12] =	ssyncadd.s32 $0xFFFFFF80  }
0x4d: {  	[tilespmem:s11], [sflag:$0x1] =	stream.linear.gather [spmem:s5], $0x80, $0x38;
	[tilespmem:$0x2B80] =	vst v63  }
0x4e: {  	_ =	swait.ge [sflag:s12], $0x80  }
0x4f: {  	[sflag:s12] =	ssyncset.done $0x0  }
0x50: {  	[sflag:s12] =	ssyncadd.s32 $0xFFFFFF80  }
0x51: {  	[hbm4b:s17+s3] =	stream.linear.scatter [tilespmem:s11], [sflag:$0x1], $0x80, $0x38;
	[tilespmem:$0x2B80] =	vst v63  }
0x52: {  	_ =	swait.ge [sflag:s12], $0x80  }
0x53: {  	[sflag:s12] =	ssyncset.done $0x0  }
0x54: {  	[sflag:s12] =	ssyncadd.s32 $0xFFFFFF80  }
0x55: {  	[tilespmem:s11], [sflag:$0x1] =	stream.linear.gather [spmem:s6], $0x80, $0x38;
	[tilespmem:$0x2B80] =	vst v63  }
0x56: {  	_ =	swait.ge [sflag:s12], $0x80  }
0x57: {  	[sflag:s12] =	ssyncset.done $0x0  }
0x58: {  	[sflag:s12] =	ssyncadd.s32 $0xFFFFFF80  }
0x59: {  	[hbm4b:s18+s3] =	stream.linear.scatter [tilespmem:s11], [sflag:$0x1], $0x80, $0x38;
	[tilespmem:$0x2B80] =	vst v63  }
0x5a: {  	_ =	swait.ge [sflag:s12], $0x80  }
0x5b: {  	[sflag:s12] =	ssyncset.done $0x0  }
0x5c: {  	[sflag:s12] =	ssyncadd.s32 $0xFFFFFF80  }
0x5d: {  	[tilespmem:s11], [sflag:$0x1] =	stream.linear.gather [spmem:s7], $0x80, $0x38;
	[tilespmem:$0x2B80] =	vst v63  }
0x5e: {  	_ =	swait.ge [sflag:s12], $0x80  }
0x5f: {  	[sflag:s12] =	ssyncset.done $0x0  }
0x60: {  	[sflag:s12] =	ssyncadd.s32 $0xFFFFFF80  }
0x61: {  	[hbm4b:s19+s3] =	stream.linear.scatter [tilespmem:s11], [sflag:$0x1], $0x80, $0x38;
	[tilespmem:$0x2B80] =	vst v63  }
0x62: {  	_ =	swait.ge [sflag:s12], $0x80  }
0x63: {  	[sflag:s12] =	ssyncset.done $0x0  }
0x64: {  	[sflag:s12] =	ssyncadd.s32 $0xFFFFFF80  }
0x65: {  	[tilespmem:s11], [sflag:$0x1] =	stream.linear.gather [spmem:s8], $0x80, $0x38;
	[tilespmem:$0x2B80] =	vst v63  }
0x66: {  	s21 =	sadd.s32 $0x1, s21;
	_ =	swait.ge [sflag:s12], $0x80  }
0x67: {  	p0 =	sne.s32 s21, s10;
	[sflag:s12] =	ssyncset.done $0x0  }
.Ltmp1:
0x68: {  	[sflag:s12] =	ssyncadd.s32 $0xFFFFFF80;
	(pc) =	sbr.rel @p0 .LBB2_1-.Ltmp1, $4  }
0x69: {  	[hbm4b:s20+s3] =	stream.linear.scatter [tilespmem:s11], [sflag:$0x1], $0x80, $0x38;
	[tilespmem:$0x2B80] =	vst v63  }
0x6a: {  	_ =	swait.ge [sflag:s12], $0x80  }
0x6b: {  	[sflag:s12] =	ssyncset.done $0x0  }
0x6c: {  	[sflag:s12] =	ssyncadd.s32 $0xFFFFFF80  }
0x6d: {  	_ =	sfence.sel $0x180000  }
0x6e: {  	[bflag:$0x0] =	sbarrier.arrive $0xFFFF  }
0x6f: {  	p0 =	sne.s32 s0, $0x0;
	_ =	strace $0x90000047  }
0x70: {  	s0 =	sadd.s32 @!p0 $0x100000, s1;
	[bflag:$0x2] =	sbarrier.arrive $0xFFFF  }
0x71: {  	[sflag:s0] =	ssyncadd.tile.s32 @!p0 $0x1;
	_ =	shalt  }
.Lfunc_end2:
_tile_overlayer_lowered:
.L_overlay_start_2:
0x72: {  	(tag) =	ssettag $0x2  }
0x73: {  	s0 =	rddreg [dreg:$0x0];
	s2 =	stileid.u32  }
0x74: {  	s1 =	rddreg [dreg:$0x1];
	p0 =	sne.s32 s2, $0x0  }
0x75: {  	s3 =	rddreg [dreg:$0x2];
	[bflag:$0x3] =	sbarrier.arrive $0xFFFF;
	s2 =	simm.s32 @!p0 $0x1C01  }
0x76: {  	[timem:s3], [sflag:s2] =	dma.local @!p0 [hbm:s0], s1  }
0x77: {  	s0 =	simm.s32 @!p0 $0x1  }
0x78: {  	_ =	swait.ge @!p0 [sflag:s0], s1  }
0x79: {  	s1 =	ssub.s32 @!p0 $0x0, s1;
	[sflag:s0] =	ssyncset.done @!p0 $0x0  }
0x7a: {  	[sflag:s0] =	ssyncadd.s32 @!p0 s1  }
0x7b: {  	[bflag:$0x3] =	sbarrier.arrive $0xFFFF  }
0x7c: {  	_ =	shalt  }

</sc_bundles>
